<compile_context>
chip_gen: v7x
topology: tpu7x:2x2x1
jax: 0.10.2.dev20260603
libtpu: 0.0.44.dev20260713+nightly
codegen_flags: <defaults>
</compile_context>

<pallas_src>
import functools

import jax
import jax.numpy as jnp
from jax import lax
from jax.experimental import pallas as pl
from jax.experimental.pallas import tpu as pltpu
from jax.experimental.pallas import tpu_sc as plsc

B = 1024
CTX = 50
DIM = 16
VOCAB = 100000

NC = 2
NS = 16
NW = NC * NS
ROWS_W = B // NW
IDX_W = ROWS_W * CTX
CHUNK = 100
NCHUNK = IDX_W // CHUNK


def _sc_gather_sum(inp_flat, emb_table):
    mesh = plsc.VectorSubcoreMesh(
        core_axis_name="c", subcore_axis_name="s", num_cores=NC, num_subcores=NS
    )

    @functools.partial(
        pl.kernel,
        out_type=jax.ShapeDtypeStruct((B, DIM), jnp.float32),
        mesh=mesh,
        scratch_types=[
            pltpu.VMEM((NCHUNK, CHUNK), jnp.int32),
            pltpu.VMEM((IDX_W, DIM), jnp.float32),
            pltpu.VMEM((ROWS_W, DIM), jnp.float32),
            pltpu.SemaphoreType.DMA,
        ],
        compiler_params=pltpu.CompilerParams(use_tc_tiling_on_sc=False),
    )
    def sc_kernel(inp_hbm, table_hbm, out_hbm, idx_v, rows_v, x_v, sem):
        wid = lax.axis_index("s") * NC + lax.axis_index("c")
        pltpu.sync_copy(inp_hbm.at[wid], idx_v)
        copies = [
            pltpu.async_copy(
                table_hbm.at[idx_v.at[j]],
                rows_v.at[pl.ds(j * CHUNK, CHUNK)],
                sem,
            )
            for j in range(NCHUNK)
        ]
        for c in copies:
            c.wait()
        for r in range(ROWS_W):
            def ctx_body(c, acc):
                return acc + rows_v[r * CTX + c, :]
            acc = lax.fori_loop(0, CTX, ctx_body, jnp.zeros((DIM,), jnp.float32),
                                unroll=10)
            x_v[r, :] = acc
        pltpu.sync_copy(x_v, out_hbm.at[pl.ds(wid * ROWS_W, ROWS_W)])

    return sc_kernel(inp_flat, emb_table)


VBLK = 2048
NVBLK = pl.cdiv(VOCAB, VBLK)


def _tc_matmul_t(xt, wt, b2):

    def mm(xt_ref, w_ref, b_ref, o_ref):
        acc = lax.dot_general(
            w_ref[...].astype(jnp.bfloat16), xt_ref[...].astype(jnp.bfloat16),
            (((0,), (0,)), ((), ())),
            preferred_element_type=jnp.float32,
        )
        o_ref[...] = acc + jnp.transpose(b_ref[...])

    return pl.pallas_call(
        mm,
        grid=(NVBLK,),
        in_specs=[
            pl.BlockSpec((DIM, B), lambda i: (0, 0)),
            pl.BlockSpec((DIM, VBLK), lambda i: (0, i)),
            pl.BlockSpec((1, VBLK), lambda i: (0, i)),
        ],
        out_specs=pl.BlockSpec((VBLK, B), lambda i: (i, 0)),
        out_shape=jax.ShapeDtypeStruct((VOCAB, B), jnp.float32),
    )(xt, wt, b2)


def kernel(inp, emb_table, W, b):
    inp_flat = inp.reshape(NW, NCHUNK, CHUNK).astype(jnp.int32)
    x = _sc_gather_sum(inp_flat, emb_table)
    yt = _tc_matmul_t(x.T, W.T, b.reshape(1, VOCAB))
    return yt.T

# --- scband reference (transcript-rebuilt; emitter-appended) ---
"""Pipeline reference for scband-cbow-77214922048025 (READ-ONLY COPY).

The authoritative reference and input builder live on the scoring server;
editing this copy changes nothing except your own understanding.
"""

import jax, jax.numpy as jnp
import numpy as np

VOCAB = 100000
DIM = 16
BATCH = 1024
CTX = 50

def setup_inputs(seed: int = 0) -> dict:
    key = jax.random.key(seed)
    k1, k2, k3, k4 = jax.random.split(key, 4)
    inp = jax.random.randint(k1, (BATCH, CTX), 0, VOCAB, dtype=jnp.int64 if jax.config.jax_enable_x64 else jnp.int32)
    emb_table = jax.random.normal(k2, (VOCAB, DIM), dtype=jnp.float32) * 0.02
    W = jax.random.normal(k3, (VOCAB, DIM), dtype=jnp.float32) * (1.0 / np.sqrt(DIM))
    b = jax.random.normal(k4, (VOCAB,), dtype=jnp.float32) * 0.01
    return {"inp": inp, "emb_table": emb_table, "W": W, "b": b}

def reference(inp, emb_table, W, b):
    # nn.Embedding lookup: gather rows of the table
    out = jnp.take(emb_table, inp, axis=0)          # [B, CTX, DIM]
    out = jnp.sum(out, axis=1)                      # [B, DIM]
    # nn.Linear(embedding_dim, vocab_size): y = x @ W.T + b
    out = out @ W.T + b                             # [B, VOCAB]
    return out

if __name__ == "__main__":
    import jax
    _d = setup_inputs()
    print(jax.jit(kernel)(*tuple(_d.values())))

</pallas_src>

<mosaic_0001>
#map = affine_map<(d0, d1) -> (0, 0, 0)>
#map1 = affine_map<(d0, d1) -> (0, 0)>
module attributes {stable_mosaic.version = 14 : i64} {
  func.func @sc_kernel(%arg0: i32, %arg1: i32, %arg2: memref<32x16x100xi32, #tpu.memory_space<hbm>>, %arg3: memref<100000x16xf32, #tpu.memory_space<hbm>>, %arg4: memref<1024x16xf32, #tpu.memory_space<hbm>>, %arg5: memref<16x100xi32, #tpu.memory_space<vmem>>, %arg6: memref<1600x16xf32, #tpu.memory_space<vmem>>, %arg7: memref<32x16xf32, #tpu.memory_space<vmem>>, %arg8: memref<!tpu.dma_semaphore, #tpu.memory_space<semaphore_mem>>) attributes {dimension_semantics = [#tpu.dimension_semantics<core_parallel>, #tpu.dimension_semantics<subcore_parallel>], iteration_bounds = array<i64: 2, 16>, scalar_prefetch = 0 : i64, scratch_operands = 4 : i64, tpu.core_type = #tpu.core_type<sc_vector_subcore>, window_params = [{transform_indices = #map}, {transform_indices = #map1}, {transform_indices = #map1}]} {
    %mul3A = arith.constant 2 : i32
    %mul3A_0 = arith.muli %arg1, %mul3A : i32
    %add3A = arith.addi %mul3A_0, %arg0 : i32
    "tpu.region"() ({
      %run_scoped3A = tpu.sem_alloc : memref<!tpu.dma_semaphore, #tpu.memory_space<semaphore_mem>>
      %dma_start3A_766 = arith.constant 0 : i32
      %dma_start3A_767 = arith.constant 0 : i32
      %dma_start3A_768 = tpu.memref_slice %arg2[%add3A, %dma_start3A_766, %dma_start3A_767] : memref<32x16x100xi32, #tpu.memory_space<hbm>> -> memref<1x16x100xi32, #tpu.memory_space<hbm>>
      %dma_start3A_769 = tpu.memref_squeeze %dma_start3A_768 : memref<1x16x100xi32, #tpu.memory_space<hbm>> -> memref<16x100xi32, #tpu.memory_space<hbm>>
      %dma_start3A_770 = arith.constant 0 : i32
      %dma_start3A_771 = arith.constant 0 : i32
      %dma_start3A_772 = tpu.memref_slice %arg2[%add3A, %dma_start3A_770, %dma_start3A_771] : memref<32x16x100xi32, #tpu.memory_space<hbm>> -> memref<1x16x100xi32, #tpu.memory_space<hbm>>
      %dma_start3A_773 = tpu.memref_squeeze %dma_start3A_772 : memref<1x16x100xi32, #tpu.memory_space<hbm>> -> memref<16x100xi32, #tpu.memory_space<hbm>>
      tpu.enqueue_dma source(%dma_start3A_773 : memref<16x100xi32, #tpu.memory_space<hbm>>) target(%arg5 : memref<16x100xi32, #tpu.memory_space<vmem>>) target_semaphore(%run_scoped3A : memref<!tpu.dma_semaphore, #tpu.memory_space<semaphore_mem>>)
      %dma_wait3A_774 = arith.constant 0 : i32
      %dma_wait3A_775 = arith.constant 0 : i32
      %dma_wait3A_776 = tpu.memref_slice %arg2[%add3A, %dma_wait3A_774, %dma_wait3A_775] : memref<32x16x100xi32, #tpu.memory_space<hbm>> -> memref<1x16x100xi32, #tpu.memory_space<hbm>>
      %dma_wait3A_777 = tpu.memref_squeeze %dma_wait3A_776 : memref<1x16x100xi32, #tpu.memory_space<hbm>> -> memref<16x100xi32, #tpu.memory_space<hbm>>
      %dma_wait3A_778 = arith.constant 0 : i32
      %dma_wait3A_779 = arith.constant 0 : i32
      %dma_wait3A_780 = tpu.memref_slice %arg2[%add3A, %dma_wait3A_778, %dma_wait3A_779] : memref<32x16x100xi32, #tpu.memory_space<hbm>> -> memref<1x16x100xi32, #tpu.memory_space<hbm>>
      %dma_wait3A_781 = tpu.memref_squeeze %dma_wait3A_780 : memref<1x16x100xi32, #tpu.memory_space<hbm>> -> memref<16x100xi32, #tpu.memory_space<hbm>>
      tpu.wait_dma2 semaphore(%run_scoped3A : memref<!tpu.dma_semaphore, #tpu.memory_space<semaphore_mem>>) src(%dma_wait3A_781 : memref<16x100xi32, #tpu.memory_space<hbm>>) dst(%arg5 : memref<16x100xi32, #tpu.memory_space<vmem>>)
      tpu.yield
    }) : () -> ()
    %dma_start3A = arith.constant 0 : i32
    %dma_start3A_1 = arith.constant 0 : i32
    %dma_start3A_2 = arith.constant 0 : i32
    %dma_start3A_3 = tpu.memref_slice %arg6[%dma_start3A_1, %dma_start3A_2] : memref<1600x16xf32, #tpu.memory_space<vmem>> -> memref<100x16xf32, #tpu.memory_space<vmem>>
    %dma_start3A_4 = arith.constant 0 : i32
    %dma_start3A_5 = tpu.memref_slice %arg5[%dma_start3A, %dma_start3A_4] : memref<16x100xi32, #tpu.memory_space<vmem>> -> memref<1x100xi32, #tpu.memory_space<vmem>>
    %dma_start3A_6 = tpu.memref_squeeze %dma_start3A_5 : memref<1x100xi32, #tpu.memory_space<vmem>> -> memref<100xi32, #tpu.memory_space<vmem>>
    %dma_start3A_7 = arith.constant 0 : i32
    %dma_start3A_8 = arith.constant 0 : i32
    %dma_start3A_9 = tpu.memref_slice %arg3[%dma_start3A_7, %dma_start3A_8] : memref<100000x16xf32, #tpu.memory_space<hbm>> -> memref<100000x16xf32, #tpu.memory_space<hbm>>
    tpu.enqueue_indirect_dma source(%dma_start3A_9 : memref<100000x16xf32, #tpu.memory_space<hbm>>) target(%dma_start3A_3 : memref<100x16xf32, #tpu.memory_space<vmem>>) offsets(%dma_start3A_6 : memref<100xi32, #tpu.memory_space<vmem>>) semaphore(%arg8 : memref<!tpu.dma_semaphore, #tpu.memory_space<semaphore_mem>>)
    %dma_start3A_10 = arith.constant 1 : i32
    %dma_start3A_11 = arith.constant 100 : i32
    %dma_start3A_12 = arith.constant 0 : i32
    %dma_start3A_13 = tpu.memref_slice %arg6[%dma_start3A_11, %dma_start3A_12] : memref<1600x16xf32, #tpu.memory_space<vmem>> -> memref<100x16xf32, #tpu.memory_space<vmem>>
    %dma_start3A_14 = arith.constant 0 : i32
    %dma_start3A_15 = tpu.memref_slice %arg5[%dma_start3A_10, %dma_start3A_14] : memref<16x100xi32, #tpu.memory_space<vmem>> -> memref<1x100xi32, #tpu.memory_space<vmem>>
    %dma_start3A_16 = tpu.memref_squeeze %dma_start3A_15 : memref<1x100xi32, #tpu.memory_space<vmem>> -> memref<100xi32, #tpu.memory_space<vmem>>
    %dma_start3A_17 = arith.constant 0 : i32
    %dma_start3A_18 = arith.constant 0 : i32
    %dma_start3A_19 = tpu.memref_slice %arg3[%dma_start3A_17, %dma_start3A_18] : memref<100000x16xf32, #tpu.memory_space<hbm>> -> memref<100000x16xf32, #tpu.memory_space<hbm>>
    tpu.enqueue_indirect_dma source(%dma_start3A_19 : memref<100000x16xf32, #tpu.memory_space<hbm>>) target(%dma_start3A_13 : memref<100x16xf32, #tpu.memory_space<vmem>>) offsets(%dma_start3A_16 : memref<100xi32, #tpu.memory_space<vmem>>) semaphore(%arg8 : memref<!tpu.dma_semaphore, #tpu.memory_space<semaphore_mem>>)
    %dma_start3A_20 = arith.constant 2 : i32
    %dma_start3A_21 = arith.constant 200 : i32
    %dma_start3A_22 = arith.constant 0 : i32
    %dma_start3A_23 = tpu.memref_slice %arg6[%dma_start3A_21, %dma_start3A_22] : memref<1600x16xf32, #tpu.memory_space<vmem>> -> memref<100x16xf32, #tpu.memory_space<vmem>>
    %dma_start3A_24 = arith.constant 0 : i32
    %dma_start3A_25 = tpu.memref_slice %arg5[%dma_start3A_20, %dma_start3A_24] : memref<16x100xi32, #tpu.memory_space<vmem>> -> memref<1x100xi32, #tpu.memory_space<vmem>>
    %dma_start3A_26 = tpu.memref_squeeze %dma_start3A_25 : memref<1x100xi32, #tpu.memory_space<vmem>> -> memref<100xi32, #tpu.memory_space<vmem>>
    %dma_start3A_27 = arith.constant 0 : i32
    %dma_start3A_28 = arith.constant 0 : i32
    %dma_start3A_29 = tpu.memref_slice %arg3[%dma_start3A_27, %dma_start3A_28] : memref<100000x16xf32, #tpu.memory_space<hbm>> -> memref<100000x16xf32, #tpu.memory_space<hbm>>
    tpu.enqueue_indirect_dma source(%dma_start3A_29 : memref<100000x16xf32, #tpu.memory_space<hbm>>) target(%dma_start3A_23 : memref<100x16xf32, #tpu.memory_space<vmem>>) offsets(%dma_start3A_26 : memref<100xi32, #tpu.memory_space<vmem>>) semaphore(%arg8 : memref<!tpu.dma_semaphore, #tpu.memory_space<semaphore_mem>>)
    %dma_start3A_30 = arith.constant 3 : i32
    %dma_start3A_31 = arith.constant 300 : i32
    %dma_start3A_32 = arith.constant 0 : i32
    %dma_start3A_33 = tpu.memref_slice %arg6[%dma_start3A_31, %dma_start3A_32] : memref<1600x16xf32, #tpu.memory_space<vmem>> -> memref<100x16xf32, #tpu.memory_space<vmem>>
    %dma_start3A_34 = arith.constant 0 : i32
    %dma_start3A_35 = tpu.memref_slice %arg5[%dma_start3A_30, %dma_start3A_34] : memref<16x100xi32, #tpu.memory_space<vmem>> -> memref<1x100xi32, #tpu.memory_space<vmem>>
    %dma_start3A_36 = tpu.memref_squeeze %dma_start3A_35 : memref<1x100xi32, #tpu.memory_space<vmem>> -> memref<100xi32, #tpu.memory_space<vmem>>
    %dma_start3A_37 = arith.constant 0 : i32
    %dma_start3A_38 = arith.constant 0 : i32
    %dma_start3A_39 = tpu.memref_slice %arg3[%dma_start3A_37, %dma_start3A_38] : memref<100000x16xf32, #tpu.memory_space<hbm>> -> memref<100000x16xf32, #tpu.memory_space<hbm>>
    tpu.enqueue_indirect_dma source(%dma_start3A_39 : memref<100000x16xf32, #tpu.memory_space<hbm>>) target(%dma_start3A_33 : memref<100x16xf32, #tpu.memory_space<vmem>>) offsets(%dma_start3A_36 : memref<100xi32, #tpu.memory_space<vmem>>) semaphore(%arg8 : memref<!tpu.dma_semaphore, #tpu.memory_space<semaphore_mem>>)
    %dma_start3A_40 = arith.constant 4 : i32
    %dma_start3A_41 = arith.constant 400 : i32
    %dma_start3A_42 = arith.constant 0 : i32
    %dma_start3A_43 = tpu.memref_slice %arg6[%dma_start3A_41, %dma_start3A_42] : memref<1600x16xf32, #tpu.memory_space<vmem>> -> memref<100x16xf32, #tpu.memory_space<vmem>>
    %dma_start3A_44 = arith.constant 0 : i32
    %dma_start3A_45 = tpu.memref_slice %arg5[%dma_start3A_40, %dma_start3A_44] : memref<16x100xi32, #tpu.memory_space<vmem>> -> memref<1x100xi32, #tpu.memory_space<vmem>>
    %dma_start3A_46 = tpu.memref_squeeze %dma_start3A_45 : memref<1x100xi32, #tpu.memory_space<vmem>> -> memref<100xi32, #tpu.memory_space<vmem>>
    %dma_start3A_47 = arith.constant 0 : i32
    %dma_start3A_48 = arith.constant 0 : i32
    %dma_start3A_49 = tpu.memref_slice %arg3[%dma_start3A_47, %dma_start3A_48] : memref<100000x16xf32, #tpu.memory_space<hbm>> -> memref<100000x16xf32, #tpu.memory_space<hbm>>
    tpu.enqueue_indirect_dma source(%dma_start3A_49 : memref<100000x16xf32, #tpu.memory_space<hbm>>) target(%dma_start3A_43 : memref<100x16xf32, #tpu.memory_space<vmem>>) offsets(%dma_start3A_46 : memref<100xi32, #tpu.memory_space<vmem>>) semaphore(%arg8 : memref<!tpu.dma_semaphore, #tpu.memory_space<semaphore_mem>>)
    %dma_start3A_50 = arith.constant 5 : i32
    %dma_start3A_51 = arith.constant 500 : i32
    %dma_start3A_52 = arith.constant 0 : i32
    %dma_start3A_53 = tpu.memref_slice %arg6[%dma_start3A_51, %dma_start3A_52] : memref<1600x16xf32, #tpu.memory_space<vmem>> -> memref<100x16xf32, #tpu.memory_space<vmem>>
    %dma_start3A_54 = arith.constant 0 : i32
    %dma_start3A_55 = tpu.memref_slice %arg5[%dma_start3A_50, %dma_start3A_54] : memref<16x100xi32, #tpu.memory_space<vmem>> -> memref<1x100xi32, #tpu.memory_space<vmem>>
    %dma_start3A_56 = tpu.memref_squeeze %dma_start3A_55 : memref<1x100xi32, #tpu.memory_space<vmem>> -> memref<100xi32, #tpu.memory_space<vmem>>
    %dma_start3A_57 = arith.constant 0 : i32
    %dma_start3A_58 = arith.constant 0 : i32
    %dma_start3A_59 = tpu.memref_slice %arg3[%dma_start3A_57, %dma_start3A_58] : memref<100000x16xf32, #tpu.memory_space<hbm>> -> memref<100000x16xf32, #tpu.memory_space<hbm>>
    tpu.enqueue_indirect_dma source(%dma_start3A_59 : memref<100000x16xf32, #tpu.memory_space<hbm>>) target(%dma_start3A_53 : memref<100x16xf32, #tpu.memory_space<vmem>>) offsets(%dma_start3A_56 : memref<100xi32, #tpu.memory_space<vmem>>) semaphore(%arg8 : memref<!tpu.dma_semaphore, #tpu.memory_space<semaphore_mem>>)
    %dma_start3A_60 = arith.constant 6 : i32
    %dma_start3A_61 = arith.constant 600 : i32
    %dma_start3A_62 = arith.constant 0 : i32
    %dma_start3A_63 = tpu.memref_slice %arg6[%dma_start3A_61, %dma_start3A_62] : memref<1600x16xf32, #tpu.memory_space<vmem>> -> memref<100x16xf32, #tpu.memory_space<vmem>>
    %dma_start3A_64 = arith.constant 0 : i32
    %dma_start3A_65 = tpu.memref_slice %arg5[%dma_start3A_60, %dma_start3A_64] : memref<16x100xi32, #tpu.memory_space<vmem>> -> memref<1x100xi32, #tpu.memory_space<vmem>>
    %dma_start3A_66 = tpu.memref_squeeze %dma_start3A_65 : memref<1x100xi32, #tpu.memory_space<vmem>> -> memref<100xi32, #tpu.memory_space<vmem>>
    %dma_start3A_67 = arith.constant 0 : i32
    %dma_start3A_68 = arith.constant 0 : i32
    %dma_start3A_69 = tpu.memref_slice %arg3[%dma_start3A_67, %dma_start3A_68] : memref<100000x16xf32, #tpu.memory_space<hbm>> -> memref<100000x16xf32, #tpu.memory_space<hbm>>
    tpu.enqueue_indirect_dma source(%dma_start3A_69 : memref<100000x16xf32, #tpu.memory_space<hbm>>) target(%dma_start3A_63 : memref<100x16xf32, #tpu.memory_space<vmem>>) offsets(%dma_start3A_66 : memref<100xi32, #tpu.memory_space<vmem>>) semaphore(%arg8 : memref<!tpu.dma_semaphore, #tpu.memory_space<semaphore_mem>>)
    %dma_start3A_70 = arith.constant 7 : i32
    %dma_start3A_71 = arith.constant 700 : i32
    %dma_start3A_72 = arith.constant 0 : i32
    %dma_start3A_73 = tpu.memref_slice %arg6[%dma_start3A_71, %dma_start3A_72] : memref<1600x16xf32, #tpu.memory_space<vmem>> -> memref<100x16xf32, #tpu.memory_space<vmem>>
    %dma_start3A_74 = arith.constant 0 : i32
    %dma_start3A_75 = tpu.memref_slice %arg5[%dma_start3A_70, %dma_start3A_74] : memref<16x100xi32, #tpu.memory_space<vmem>> -> memref<1x100xi32, #tpu.memory_space<vmem>>
    %dma_start3A_76 = tpu.memref_squeeze %dma_start3A_75 : memref<1x100xi32, #tpu.memory_space<vmem>> -> memref<100xi32, #tpu.memory_space<vmem>>
    %dma_start3A_77 = arith.constant 0 : i32
    %dma_start3A_78 = arith.constant 0 : i32
    %dma_start3A_79 = tpu.memref_slice %arg3[%dma_start3A_77, %dma_start3A_78] : memref<100000x16xf32, #tpu.memory_space<hbm>> -> memref<100000x16xf32, #tpu.memory_space<hbm>>
    tpu.enqueue_indirect_dma source(%dma_start3A_79 : memref<100000x16xf32, #tpu.memory_space<hbm>>) target(%dma_start3A_73 : memref<100x16xf32, #tpu.memory_space<vmem>>) offsets(%dma_start3A_76 : memref<100xi32, #tpu.memory_space<vmem>>) semaphore(%arg8 : memref<!tpu.dma_semaphore, #tpu.memory_space<semaphore_mem>>)
    %dma_start3A_80 = arith.constant 8 : i32
    %dma_start3A_81 = arith.constant 800 : i32
    %dma_start3A_82 = arith.constant 0 : i32
    %dma_start3A_83 = tpu.memref_slice %arg6[%dma_start3A_81, %dma_start3A_82] : memref<1600x16xf32, #tpu.memory_space<vmem>> -> memref<100x16xf32, #tpu.memory_space<vmem>>
    %dma_start3A_84 = arith.constant 0 : i32
    %dma_start3A_85 = tpu.memref_slice %arg5[%dma_start3A_80, %dma_start3A_84] : memref<16x100xi32, #tpu.memory_space<vmem>> -> memref<1x100xi32, #tpu.memory_space<vmem>>
    %dma_start3A_86 = tpu.memref_squeeze %dma_start3A_85 : memref<1x100xi32, #tpu.memory_space<vmem>> -> memref<100xi32, #tpu.memory_space<vmem>>
    %dma_start3A_87 = arith.constant 0 : i32
    %dma_start3A_88 = arith.constant 0 : i32
    %dma_start3A_89 = tpu.memref_slice %arg3[%dma_start3A_87, %dma_start3A_88] : memref<100000x16xf32, #tpu.memory_space<hbm>> -> memref<100000x16xf32, #tpu.memory_space<hbm>>
    tpu.enqueue_indirect_dma source(%dma_start3A_89 : memref<100000x16xf32, #tpu.memory_space<hbm>>) target(%dma_start3A_83 : memref<100x16xf32, #tpu.memory_space<vmem>>) offsets(%dma_start3A_86 : memref<100xi32, #tpu.memory_space<vmem>>) semaphore(%arg8 : memref<!tpu.dma_semaphore, #tpu.memory_space<semaphore_mem>>)
    %dma_start3A_90 = arith.constant 9 : i32
    %dma_start3A_91 = arith.constant 900 : i32
    %dma_start3A_92 = arith.constant 0 : i32
    %dma_start3A_93 = tpu.memref_slice %arg6[%dma_start3A_91, %dma_start3A_92] : memref<1600x16xf32, #tpu.memory_space<vmem>> -> memref<100x16xf32, #tpu.memory_space<vmem>>
    %dma_start3A_94 = arith.constant 0 : i32
    %dma_start3A_95 = tpu.memref_slice %arg5[%dma_start3A_90, %dma_start3A_94] : memref<16x100xi32, #tpu.memory_space<vmem>> -> memref<1x100xi32, #tpu.memory_space<vmem>>
    %dma_start3A_96 = tpu.memref_squeeze %dma_start3A_95 : memref<1x100xi32, #tpu.memory_space<vmem>> -> memref<100xi32, #tpu.memory_space<vmem>>
    %dma_start3A_97 = arith.constant 0 : i32
    %dma_start3A_98 = arith.constant 0 : i32
    %dma_start3A_99 = tpu.memref_slice %arg3[%dma_start3A_97, %dma_start3A_98] : memref<100000x16xf32, #tpu.memory_space<hbm>> -> memref<100000x16xf32, #tpu.memory_space<hbm>>
    tpu.enqueue_indirect_dma source(%dma_start3A_99 : memref<100000x16xf32, #tpu.memory_space<hbm>>) target(%dma_start3A_93 : memref<100x16xf32, #tpu.memory_space<vmem>>) offsets(%dma_start3A_96 : memref<100xi32, #tpu.memory_space<vmem>>) semaphore(%arg8 : memref<!tpu.dma_semaphore, #tpu.memory_space<semaphore_mem>>)
    %dma_start3A_100 = arith.constant 10 : i32
    %dma_start3A_101 = arith.constant 1000 : i32
    %dma_start3A_102 = arith.constant 0 : i32
    %dma_start3A_103 = tpu.memref_slice %arg6[%dma_start3A_101, %dma_start3A_102] : memref<1600x16xf32, #tpu.memory_space<vmem>> -> memref<100x16xf32, #tpu.memory_space<vmem>>
    %dma_start3A_104 = arith.constant 0 : i32
    %dma_start3A_105 = tpu.memref_slice %arg5[%dma_start3A_100, %dma_start3A_104] : memref<16x100xi32, #tpu.memory_space<vmem>> -> memref<1x100xi32, #tpu.memory_space<vmem>>
    %dma_start3A_106 = tpu.memref_squeeze %dma_start3A_105 : memref<1x100xi32, #tpu.memory_space<vmem>> -> memref<100xi32, #tpu.memory_space<vmem>>
    %dma_start3A_107 = arith.constant 0 : i32
    %dma_start3A_108 = arith.constant 0 : i32
    %dma_start3A_109 = tpu.memref_slice %arg3[%dma_start3A_107, %dma_start3A_108] : memref<100000x16xf32, #tpu.memory_space<hbm>> -> memref<100000x16xf32, #tpu.memory_space<hbm>>
    tpu.enqueue_indirect_dma source(%dma_start3A_109 : memref<100000x16xf32, #tpu.memory_space<hbm>>) target(%dma_start3A_103 : memref<100x16xf32, #tpu.memory_space<vmem>>) offsets(%dma_start3A_106 : memref<100xi32, #tpu.memory_space<vmem>>) semaphore(%arg8 : memref<!tpu.dma_semaphore, #tpu.memory_space<semaphore_mem>>)
    %dma_start3A_110 = arith.constant 11 : i32
    %dma_start3A_111 = arith.constant 1100 : i32
    %dma_start3A_112 = arith.constant 0 : i32
    %dma_start3A_113 = tpu.memref_slice %arg6[%dma_start3A_111, %dma_start3A_112] : memref<1600x16xf32, #tpu.memory_space<vmem>> -> memref<100x16xf32, #tpu.memory_space<vmem>>
    %dma_start3A_114 = arith.constant 0 : i32
    %dma_start3A_115 = tpu.memref_slice %arg5[%dma_start3A_110, %dma_start3A_114] : memref<16x100xi32, #tpu.memory_space<vmem>> -> memref<1x100xi32, #tpu.memory_space<vmem>>
    %dma_start3A_116 = tpu.memref_squeeze %dma_start3A_115 : memref<1x100xi32, #tpu.memory_space<vmem>> -> memref<100xi32, #tpu.memory_space<vmem>>
    %dma_start3A_117 = arith.constant 0 : i32
    %dma_start3A_118 = arith.constant 0 : i32
    %dma_start3A_119 = tpu.memref_slice %arg3[%dma_start3A_117, %dma_start3A_118] : memref<100000x16xf32, #tpu.memory_space<hbm>> -> memref<100000x16xf32, #tpu.memory_space<hbm>>
    tpu.enqueue_indirect_dma source(%dma_start3A_119 : memref<100000x16xf32, #tpu.memory_space<hbm>>) target(%dma_start3A_113 : memref<100x16xf32, #tpu.memory_space<vmem>>) offsets(%dma_start3A_116 : memref<100xi32, #tpu.memory_space<vmem>>) semaphore(%arg8 : memref<!tpu.dma_semaphore, #tpu.memory_space<semaphore_mem>>)
    %dma_start3A_120 = arith.constant 12 : i32
    %dma_start3A_121 = arith.constant 1200 : i32
    %dma_start3A_122 = arith.constant 0 : i32
    %dma_start3A_123 = tpu.memref_slice %arg6[%dma_start3A_121, %dma_start3A_122] : memref<1600x16xf32, #tpu.memory_space<vmem>> -> memref<100x16xf32, #tpu.memory_space<vmem>>
    %dma_start3A_124 = arith.constant 0 : i32
    %dma_start3A_125 = tpu.memref_slice %arg5[%dma_start3A_120, %dma_start3A_124] : memref<16x100xi32, #tpu.memory_space<vmem>> -> memref<1x100xi32, #tpu.memory_space<vmem>>
    %dma_start3A_126 = tpu.memref_squeeze %dma_start3A_125 : memref<1x100xi32, #tpu.memory_space<vmem>> -> memref<100xi32, #tpu.memory_space<vmem>>
    %dma_start3A_127 = arith.constant 0 : i32
    %dma_start3A_128 = arith.constant 0 : i32
    %dma_start3A_129 = tpu.memref_slice %arg3[%dma_start3A_127, %dma_start3A_128] : memref<100000x16xf32, #tpu.memory_space<hbm>> -> memref<100000x16xf32, #tpu.memory_space<hbm>>
    tpu.enqueue_indirect_dma source(%dma_start3A_129 : memref<100000x16xf32, #tpu.memory_space<hbm>>) target(%dma_start3A_123 : memref<100x16xf32, #tpu.memory_space<vmem>>) offsets(%dma_start3A_126 : memref<100xi32, #tpu.memory_space<vmem>>) semaphore(%arg8 : memref<!tpu.dma_semaphore, #tpu.memory_space<semaphore_mem>>)
    %dma_start3A_130 = arith.constant 13 : i32
    %dma_start3A_131 = arith.constant 1300 : i32
    %dma_start3A_132 = arith.constant 0 : i32
    %dma_start3A_133 = tpu.memref_slice %arg6[%dma_start3A_131, %dma_start3A_132] : memref<1600x16xf32, #tpu.memory_space<vmem>> -> memref<100x16xf32, #tpu.memory_space<vmem>>
    %dma_start3A_134 = arith.constant 0 : i32
    %dma_start3A_135 = tpu.memref_slice %arg5[%dma_start3A_130, %dma_start3A_134] : memref<16x100xi32, #tpu.memory_space<vmem>> -> memref<1x100xi32, #tpu.memory_space<vmem>>
    %dma_start3A_136 = tpu.memref_squeeze %dma_start3A_135 : memref<1x100xi32, #tpu.memory_space<vmem>> -> memref<100xi32, #tpu.memory_space<vmem>>
    %dma_start3A_137 = arith.constant 0 : i32
    %dma_start3A_138 = arith.constant 0 : i32
    %dma_start3A_139 = tpu.memref_slice %arg3[%dma_start3A_137, %dma_start3A_138] : memref<100000x16xf32, #tpu.memory_space<hbm>> -> memref<100000x16xf32, #tpu.memory_space<hbm>>
    tpu.enqueue_indirect_dma source(%dma_start3A_139 : memref<100000x16xf32, #tpu.memory_space<hbm>>) target(%dma_start3A_133 : memref<100x16xf32, #tpu.memory_space<vmem>>) offsets(%dma_start3A_136 : memref<100xi32, #tpu.memory_space<vmem>>) semaphore(%arg8 : memref<!tpu.dma_semaphore, #tpu.memory_space<semaphore_mem>>)
    %dma_start3A_140 = arith.constant 14 : i32
    %dma_start3A_141 = arith.constant 1400 : i32
    %dma_start3A_142 = arith.constant 0 : i32
    %dma_start3A_143 = tpu.memref_slice %arg6[%dma_start3A_141, %dma_start3A_142] : memref<1600x16xf32, #tpu.memory_space<vmem>> -> memref<100x16xf32, #tpu.memory_space<vmem>>
    %dma_start3A_144 = arith.constant 0 : i32
    %dma_start3A_145 = tpu.memref_slice %arg5[%dma_start3A_140, %dma_start3A_144] : memref<16x100xi32, #tpu.memory_space<vmem>> -> memref<1x100xi32, #tpu.memory_space<vmem>>
    %dma_start3A_146 = tpu.memref_squeeze %dma_start3A_145 : memref<1x100xi32, #tpu.memory_space<vmem>> -> memref<100xi32, #tpu.memory_space<vmem>>
    %dma_start3A_147 = arith.constant 0 : i32
    %dma_start3A_148 = arith.constant 0 : i32
    %dma_start3A_149 = tpu.memref_slice %arg3[%dma_start3A_147, %dma_start3A_148] : memref<100000x16xf32, #tpu.memory_space<hbm>> -> memref<100000x16xf32, #tpu.memory_space<hbm>>
    tpu.enqueue_indirect_dma source(%dma_start3A_149 : memref<100000x16xf32, #tpu.memory_space<hbm>>) target(%dma_start3A_143 : memref<100x16xf32, #tpu.memory_space<vmem>>) offsets(%dma_start3A_146 : memref<100xi32, #tpu.memory_space<vmem>>) semaphore(%arg8 : memref<!tpu.dma_semaphore, #tpu.memory_space<semaphore_mem>>)
    %dma_start3A_150 = arith.constant 15 : i32
    %dma_start3A_151 = arith.constant 1500 : i32
    %dma_start3A_152 = arith.constant 0 : i32
    %dma_start3A_153 = tpu.memref_slice %arg6[%dma_start3A_151, %dma_start3A_152] : memref<1600x16xf32, #tpu.memory_space<vmem>> -> memref<100x16xf32, #tpu.memory_space<vmem>>
    %dma_start3A_154 = arith.constant 0 : i32
    %dma_start3A_155 = tpu.memref_slice %arg5[%dma_start3A_150, %dma_start3A_154] : memref<16x100xi32, #tpu.memory_space<vmem>> -> memref<1x100xi32, #tpu.memory_space<vmem>>
    %dma_start3A_156 = tpu.memref_squeeze %dma_start3A_155 : memref<1x100xi32, #tpu.memory_space<vmem>> -> memref<100xi32, #tpu.memory_space<vmem>>
    %dma_start3A_157 = arith.constant 0 : i32
    %dma_start3A_158 = arith.constant 0 : i32
    %dma_start3A_159 = tpu.memref_slice %arg3[%dma_start3A_157, %dma_start3A_158] : memref<100000x16xf32, #tpu.memory_space<hbm>> -> memref<100000x16xf32, #tpu.memory_space<hbm>>
    tpu.enqueue_indirect_dma source(%dma_start3A_159 : memref<100000x16xf32, #tpu.memory_space<hbm>>) target(%dma_start3A_153 : memref<100x16xf32, #tpu.memory_space<vmem>>) offsets(%dma_start3A_156 : memref<100xi32, #tpu.memory_space<vmem>>) semaphore(%arg8 : memref<!tpu.dma_semaphore, #tpu.memory_space<semaphore_mem>>)
    %dma_wait3A = arith.constant 0 : i32
    %dma_wait3A_160 = arith.constant 0 : i32
    %dma_wait3A_161 = arith.constant 0 : i32
    %dma_wait3A_162 = tpu.memref_slice %arg6[%dma_wait3A_160, %dma_wait3A_161] : memref<1600x16xf32, #tpu.memory_space<vmem>> -> memref<100x16xf32, #tpu.memory_space<vmem>>
    %dma_wait3A_163 = arith.constant 0 : i32
    %dma_wait3A_164 = tpu.memref_slice %arg5[%dma_wait3A, %dma_wait3A_163] : memref<16x100xi32, #tpu.memory_space<vmem>> -> memref<1x100xi32, #tpu.memory_space<vmem>>
    %dma_wait3A_165 = tpu.memref_squeeze %dma_wait3A_164 : memref<1x100xi32, #tpu.memory_space<vmem>> -> memref<100xi32, #tpu.memory_space<vmem>>
    %dma_wait3A_166 = arith.constant 0 : i32
    %dma_wait3A_167 = arith.constant 0 : i32
    %dma_wait3A_168 = tpu.memref_slice %arg3[%dma_wait3A_166, %dma_wait3A_167] : memref<100000x16xf32, #tpu.memory_space<hbm>> -> memref<100000x16xf32, #tpu.memory_space<hbm>>
    tpu.wait_indirect_dma semaphore(%arg8 : memref<!tpu.dma_semaphore, #tpu.memory_space<semaphore_mem>>) src(%dma_wait3A_168 : memref<100000x16xf32, #tpu.memory_space<hbm>>) dst(%dma_wait3A_162 : memref<100x16xf32, #tpu.memory_space<vmem>>)
    %dma_wait3A_169 = arith.constant 1 : i32
    %dma_wait3A_170 = arith.constant 100 : i32
    %dma_wait3A_171 = arith.constant 0 : i32
    %dma_wait3A_172 = tpu.memref_slice %arg6[%dma_wait3A_170, %dma_wait3A_171] : memref<1600x16xf32, #tpu.memory_space<vmem>> -> memref<100x16xf32, #tpu.memory_space<vmem>>
    %dma_wait3A_173 = arith.constant 0 : i32
    %dma_wait3A_174 = tpu.memref_slice %arg5[%dma_wait3A_169, %dma_wait3A_173] : memref<16x100xi32, #tpu.memory_space<vmem>> -> memref<1x100xi32, #tpu.memory_space<vmem>>
    %dma_wait3A_175 = tpu.memref_squeeze %dma_wait3A_174 : memref<1x100xi32, #tpu.memory_space<vmem>> -> memref<100xi32, #tpu.memory_space<vmem>>
    %dma_wait3A_176 = arith.constant 0 : i32
    %dma_wait3A_177 = arith.constant 0 : i32
    %dma_wait3A_178 = tpu.memref_slice %arg3[%dma_wait3A_176, %dma_wait3A_177] : memref<100000x16xf32, #tpu.memory_space<hbm>> -> memref<100000x16xf32, #tpu.memory_space<hbm>>
    tpu.wait_indirect_dma semaphore(%arg8 : memref<!tpu.dma_semaphore, #tpu.memory_space<semaphore_mem>>) src(%dma_wait3A_178 : memref<100000x16xf32, #tpu.memory_space<hbm>>) dst(%dma_wait3A_172 : memref<100x16xf32, #tpu.memory_space<vmem>>)
    %dma_wait3A_179 = arith.constant 2 : i32
    %dma_wait3A_180 = arith.constant 200 : i32
    %dma_wait3A_181 = arith.constant 0 : i32
    %dma_wait3A_182 = tpu.memref_slice %arg6[%dma_wait3A_180, %dma_wait3A_181] : memref<1600x16xf32, #tpu.memory_space<vmem>> -> memref<100x16xf32, #tpu.memory_space<vmem>>
    %dma_wait3A_183 = arith.constant 0 : i32
    %dma_wait3A_184 = tpu.memref_slice %arg5[%dma_wait3A_179, %dma_wait3A_183] : memref<16x100xi32, #tpu.memory_space<vmem>> -> memref<1x100xi32, #tpu.memory_space<vmem>>
    %dma_wait3A_185 = tpu.memref_squeeze %dma_wait3A_184 : memref<1x100xi32, #tpu.memory_space<vmem>> -> memref<100xi32, #tpu.memory_space<vmem>>
    %dma_wait3A_186 = arith.constant 0 : i32
    %dma_wait3A_187 = arith.constant 0 : i32
    %dma_wait3A_188 = tpu.memref_slice %arg3[%dma_wait3A_186, %dma_wait3A_187] : memref<100000x16xf32, #tpu.memory_space<hbm>> -> memref<100000x16xf32, #tpu.memory_space<hbm>>
    tpu.wait_indirect_dma semaphore(%arg8 : memref<!tpu.dma_semaphore, #tpu.memory_space<semaphore_mem>>) src(%dma_wait3A_188 : memref<100000x16xf32, #tpu.memory_space<hbm>>) dst(%dma_wait3A_182 : memref<100x16xf32, #tpu.memory_space<vmem>>)
    %dma_wait3A_189 = arith.constant 3 : i32
    %dma_wait3A_190 = arith.constant 300 : i32
    %dma_wait3A_191 = arith.constant 0 : i32
    %dma_wait3A_192 = tpu.memref_slice %arg6[%dma_wait3A_190, %dma_wait3A_191] : memref<1600x16xf32, #tpu.memory_space<vmem>> -> memref<100x16xf32, #tpu.memory_space<vmem>>
    %dma_wait3A_193 = arith.constant 0 : i32
    %dma_wait3A_194 = tpu.memref_slice %arg5[%dma_wait3A_189, %dma_wait3A_193] : memref<16x100xi32, #tpu.memory_space<vmem>> -> memref<1x100xi32, #tpu.memory_space<vmem>>
    %dma_wait3A_195 = tpu.memref_squeeze %dma_wait3A_194 : memref<1x100xi32, #tpu.memory_space<vmem>> -> memref<100xi32, #tpu.memory_space<vmem>>
    %dma_wait3A_196 = arith.constant 0 : i32
    %dma_wait3A_197 = arith.constant 0 : i32
    %dma_wait3A_198 = tpu.memref_slice %arg3[%dma_wait3A_196, %dma_wait3A_197] : memref<100000x16xf32, #tpu.memory_space<hbm>> -> memref<100000x16xf32, #tpu.memory_space<hbm>>
    tpu.wait_indirect_dma semaphore(%arg8 : memref<!tpu.dma_semaphore, #tpu.memory_space<semaphore_mem>>) src(%dma_wait3A_198 : memref<100000x16xf32, #tpu.memory_space<hbm>>) dst(%dma_wait3A_192 : memref<100x16xf32, #tpu.memory_space<vmem>>)
    %dma_wait3A_199 = arith.constant 4 : i32
    %dma_wait3A_200 = arith.constant 400 : i32
    %dma_wait3A_201 = arith.constant 0 : i32
    %dma_wait3A_202 = tpu.memref_slice %arg6[%dma_wait3A_200, %dma_wait3A_201] : memref<1600x16xf32, #tpu.memory_space<vmem>> -> memref<100x16xf32, #tpu.memory_space<vmem>>
    %dma_wait3A_203 = arith.constant 0 : i32
    %dma_wait3A_204 = tpu.memref_slice %arg5[%dma_wait3A_199, %dma_wait3A_203] : memref<16x100xi32, #tpu.memory_space<vmem>> -> memref<1x100xi32, #tpu.memory_space<vmem>>
    %dma_wait3A_205 = tpu.memref_squeeze %dma_wait3A_204 : memref<1x100xi32, #tpu.memory_space<vmem>> -> memref<100xi32, #tpu.memory_space<vmem>>
    %dma_wait3A_206 = arith.constant 0 : i32
    %dma_wait3A_207 = arith.constant 0 : i32
    %dma_wait3A_208 = tpu.memref_slice %arg3[%dma_wait3A_206, %dma_wait3A_207] : memref<100000x16xf32, #tpu.memory_space<hbm>> -> memref<100000x16xf32, #tpu.memory_space<hbm>>
    tpu.wait_indirect_dma semaphore(%arg8 : memref<!tpu.dma_semaphore, #tpu.memory_space<semaphore_mem>>) src(%dma_wait3A_208 : memref<100000x16xf32, #tpu.memory_space<hbm>>) dst(%dma_wait3A_202 : memref<100x16xf32, #tpu.memory_space<vmem>>)
    %dma_wait3A_209 = arith.constant 5 : i32
    %dma_wait3A_210 = arith.constant 500 : i32
    %dma_wait3A_211 = arith.constant 0 : i32
    %dma_wait3A_212 = tpu.memref_slice %arg6[%dma_wait3A_210, %dma_wait3A_211] : memref<1600x16xf32, #tpu.memory_space<vmem>> -> memref<100x16xf32, #tpu.memory_space<vmem>>
    %dma_wait3A_213 = arith.constant 0 : i32
    %dma_wait3A_214 = tpu.memref_slice %arg5[%dma_wait3A_209, %dma_wait3A_213] : memref<16x100xi32, #tpu.memory_space<vmem>> -> memref<1x100xi32, #tpu.memory_space<vmem>>
    %dma_wait3A_215 = tpu.memref_squeeze %dma_wait3A_214 : memref<1x100xi32, #tpu.memory_space<vmem>> -> memref<100xi32, #tpu.memory_space<vmem>>
    %dma_wait3A_216 = arith.constant 0 : i32
    %dma_wait3A_217 = arith.constant 0 : i32
    %dma_wait3A_218 = tpu.memref_slice %arg3[%dma_wait3A_216, %dma_wait3A_217] : memref<100000x16xf32, #tpu.memory_space<hbm>> -> memref<100000x16xf32, #tpu.memory_space<hbm>>
    tpu.wait_indirect_dma semaphore(%arg8 : memref<!tpu.dma_semaphore, #tpu.memory_space<semaphore_mem>>) src(%dma_wait3A_218 : memref<100000x16xf32, #tpu.memory_space<hbm>>) dst(%dma_wait3A_212 : memref<100x16xf32, #tpu.memory_space<vmem>>)
    %dma_wait3A_219 = arith.constant 6 : i32
    %dma_wait3A_220 = arith.constant 600 : i32
    %dma_wait3A_221 = arith.constant 0 : i32
    %dma_wait3A_222 = tpu.memref_slice %arg6[%dma_wait3A_220, %dma_wait3A_221] : memref<1600x16xf32, #tpu.memory_space<vmem>> -> memref<100x16xf32, #tpu.memory_space<vmem>>
    %dma_wait3A_223 = arith.constant 0 : i32
    %dma_wait3A_224 = tpu.memref_slice %arg5[%dma_wait3A_219, %dma_wait3A_223] : memref<16x100xi32, #tpu.memory_space<vmem>> -> memref<1x100xi32, #tpu.memory_space<vmem>>
    %dma_wait3A_225 = tpu.memref_squeeze %dma_wait3A_224 : memref<1x100xi32, #tpu.memory_space<vmem>> -> memref<100xi32, #tpu.memory_space<vmem>>
    %dma_wait3A_226 = arith.constant 0 : i32
    %dma_wait3A_227 = arith.constant 0 : i32
    %dma_wait3A_228 = tpu.memref_slice %arg3[%dma_wait3A_226, %dma_wait3A_227] : memref<100000x16xf32, #tpu.memory_space<hbm>> -> memref<100000x16xf32, #tpu.memory_space<hbm>>
    tpu.wait_indirect_dma semaphore(%arg8 : memref<!tpu.dma_semaphore, #tpu.memory_space<semaphore_mem>>) src(%dma_wait3A_228 : memref<100000x16xf32, #tpu.memory_space<hbm>>) dst(%dma_wait3A_222 : memref<100x16xf32, #tpu.memory_space<vmem>>)
    %dma_wait3A_229 = arith.constant 7 : i32
    %dma_wait3A_230 = arith.constant 700 : i32
    %dma_wait3A_231 = arith.constant 0 : i32
    %dma_wait3A_232 = tpu.memref_slice %arg6[%dma_wait3A_230, %dma_wait3A_231] : memref<1600x16xf32, #tpu.memory_space<vmem>> -> memref<100x16xf32, #tpu.memory_space<vmem>>
    %dma_wait3A_233 = arith.constant 0 : i32
    %dma_wait3A_234 = tpu.memref_slice %arg5[%dma_wait3A_229, %dma_wait3A_233] : memref<16x100xi32, #tpu.memory_space<vmem>> -> memref<1x100xi32, #tpu.memory_space<vmem>>
    %dma_wait3A_235 = tpu.memref_squeeze %dma_wait3A_234 : memref<1x100xi32, #tpu.memory_space<vmem>> -> memref<100xi32, #tpu.memory_space<vmem>>
    %dma_wait3A_236 = arith.constant 0 : i32
    %dma_wait3A_237 = arith.constant 0 : i32
    %dma_wait3A_238 = tpu.memref_slice %arg3[%dma_wait3A_236, %dma_wait3A_237] : memref<100000x16xf32, #tpu.memory_space<hbm>> -> memref<100000x16xf32, #tpu.memory_space<hbm>>
    tpu.wait_indirect_dma semaphore(%arg8 : memref<!tpu.dma_semaphore, #tpu.memory_space<semaphore_mem>>) src(%dma_wait3A_238 : memref<100000x16xf32, #tpu.memory_space<hbm>>) dst(%dma_wait3A_232 : memref<100x16xf32, #tpu.memory_space<vmem>>)
    %dma_wait3A_239 = arith.constant 8 : i32
    %dma_wait3A_240 = arith.constant 800 : i32
    %dma_wait3A_241 = arith.constant 0 : i32
    %dma_wait3A_242 = tpu.memref_slice %arg6[%dma_wait3A_240, %dma_wait3A_241] : memref<1600x16xf32, #tpu.memory_space<vmem>> -> memref<100x16xf32, #tpu.memory_space<vmem>>
    %dma_wait3A_243 = arith.constant 0 : i32
    %dma_wait3A_244 = tpu.memref_slice %arg5[%dma_wait3A_239, %dma_wait3A_243] : memref<16x100xi32, #tpu.memory_space<vmem>> -> memref<1x100xi32, #tpu.memory_space<vmem>>
    %dma_wait3A_245 = tpu.memref_squeeze %dma_wait3A_244 : memref<1x100xi32, #tpu.memory_space<vmem>> -> memref<100xi32, #tpu.memory_space<vmem>>
    %dma_wait3A_246 = arith.constant 0 : i32
    %dma_wait3A_247 = arith.constant 0 : i32
    %dma_wait3A_248 = tpu.memref_slice %arg3[%dma_wait3A_246, %dma_wait3A_247] : memref<100000x16xf32, #tpu.memory_space<hbm>> -> memref<100000x16xf32, #tpu.memory_space<hbm>>
    tpu.wait_indirect_dma semaphore(%arg8 : memref<!tpu.dma_semaphore, #tpu.memory_space<semaphore_mem>>) src(%dma_wait3A_248 : memref<100000x16xf32, #tpu.memory_space<hbm>>) dst(%dma_wait3A_242 : memref<100x16xf32, #tpu.memory_space<vmem>>)
    %dma_wait3A_249 = arith.constant 9 : i32
    %dma_wait3A_250 = arith.constant 900 : i32
    %dma_wait3A_251 = arith.constant 0 : i32
    %dma_wait3A_252 = tpu.memref_slice %arg6[%dma_wait3A_250, %dma_wait3A_251] : memref<1600x16xf32, #tpu.memory_space<vmem>> -> memref<100x16xf32, #tpu.memory_space<vmem>>
    %dma_wait3A_253 = arith.constant 0 : i32
    %dma_wait3A_254 = tpu.memref_slice %arg5[%dma_wait3A_249, %dma_wait3A_253] : memref<16x100xi32, #tpu.memory_space<vmem>> -> memref<1x100xi32, #tpu.memory_space<vmem>>
    %dma_wait3A_255 = tpu.memref_squeeze %dma_wait3A_254 : memref<1x100xi32, #tpu.memory_space<vmem>> -> memref<100xi32, #tpu.memory_space<vmem>>
    %dma_wait3A_256 = arith.constant 0 : i32
    %dma_wait3A_257 = arith.constant 0 : i32
    %dma_wait3A_258 = tpu.memref_slice %arg3[%dma_wait3A_256, %dma_wait3A_257] : memref<100000x16xf32, #tpu.memory_space<hbm>> -> memref<100000x16xf32, #tpu.memory_space<hbm>>
    tpu.wait_indirect_dma semaphore(%arg8 : memref<!tpu.dma_semaphore, #tpu.memory_space<semaphore_mem>>) src(%dma_wait3A_258 : memref<100000x16xf32, #tpu.memory_space<hbm>>) dst(%dma_wait3A_252 : memref<100x16xf32, #tpu.memory_space<vmem>>)
    %dma_wait3A_259 = arith.constant 10 : i32
    %dma_wait3A_260 = arith.constant 1000 : i32
    %dma_wait3A_261 = arith.constant 0 : i32
    %dma_wait3A_262 = tpu.memref_slice %arg6[%dma_wait3A_260, %dma_wait3A_261] : memref<1600x16xf32, #tpu.memory_space<vmem>> -> memref<100x16xf32, #tpu.memory_space<vmem>>
    %dma_wait3A_263 = arith.constant 0 : i32
    %dma_wait3A_264 = tpu.memref_slice %arg5[%dma_wait3A_259, %dma_wait3A_263] : memref<16x100xi32, #tpu.memory_space<vmem>> -> memref<1x100xi32, #tpu.memory_space<vmem>>
    %dma_wait3A_265 = tpu.memref_squeeze %dma_wait3A_264 : memref<1x100xi32, #tpu.memory_space<vmem>> -> memref<100xi32, #tpu.memory_space<vmem>>
    %dma_wait3A_266 = arith.constant 0 : i32
    %dma_wait3A_267 = arith.constant 0 : i32
    %dma_wait3A_268 = tpu.memref_slice %arg3[%dma_wait3A_266, %dma_wait3A_267] : memref<100000x16xf32, #tpu.memory_space<hbm>> -> memref<100000x16xf32, #tpu.memory_space<hbm>>
    tpu.wait_indirect_dma semaphore(%arg8 : memref<!tpu.dma_semaphore, #tpu.memory_space<semaphore_mem>>) src(%dma_wait3A_268 : memref<100000x16xf32, #tpu.memory_space<hbm>>) dst(%dma_wait3A_262 : memref<100x16xf32, #tpu.memory_space<vmem>>)
    %dma_wait3A_269 = arith.constant 11 : i32
    %dma_wait3A_270 = arith.constant 1100 : i32
    %dma_wait3A_271 = arith.constant 0 : i32
    %dma_wait3A_272 = tpu.memref_slice %arg6[%dma_wait3A_270, %dma_wait3A_271] : memref<1600x16xf32, #tpu.memory_space<vmem>> -> memref<100x16xf32, #tpu.memory_space<vmem>>
    %dma_wait3A_273 = arith.constant 0 : i32
    %dma_wait3A_274 = tpu.memref_slice %arg5[%dma_wait3A_269, %dma_wait3A_273] : memref<16x100xi32, #tpu.memory_space<vmem>> -> memref<1x100xi32, #tpu.memory_space<vmem>>
    %dma_wait3A_275 = tpu.memref_squeeze %dma_wait3A_274 : memref<1x100xi32, #tpu.memory_space<vmem>> -> memref<100xi32, #tpu.memory_space<vmem>>
    %dma_wait3A_276 = arith.constant 0 : i32
    %dma_wait3A_277 = arith.constant 0 : i32
    %dma_wait3A_278 = tpu.memref_slice %arg3[%dma_wait3A_276, %dma_wait3A_277] : memref<100000x16xf32, #tpu.memory_space<hbm>> -> memref<100000x16xf32, #tpu.memory_space<hbm>>
    tpu.wait_indirect_dma semaphore(%arg8 : memref<!tpu.dma_semaphore, #tpu.memory_space<semaphore_mem>>) src(%dma_wait3A_278 : memref<100000x16xf32, #tpu.memory_space<hbm>>) dst(%dma_wait3A_272 : memref<100x16xf32, #tpu.memory_space<vmem>>)
    %dma_wait3A_279 = arith.constant 12 : i32
    %dma_wait3A_280 = arith.constant 1200 : i32
    %dma_wait3A_281 = arith.constant 0 : i32
    %dma_wait3A_282 = tpu.memref_slice %arg6[%dma_wait3A_280, %dma_wait3A_281] : memref<1600x16xf32, #tpu.memory_space<vmem>> -> memref<100x16xf32, #tpu.memory_space<vmem>>
    %dma_wait3A_283 = arith.constant 0 : i32
    %dma_wait3A_284 = tpu.memref_slice %arg5[%dma_wait3A_279, %dma_wait3A_283] : memref<16x100xi32, #tpu.memory_space<vmem>> -> memref<1x100xi32, #tpu.memory_space<vmem>>
    %dma_wait3A_285 = tpu.memref_squeeze %dma_wait3A_284 : memref<1x100xi32, #tpu.memory_space<vmem>> -> memref<100xi32, #tpu.memory_space<vmem>>
    %dma_wait3A_286 = arith.constant 0 : i32
    %dma_wait3A_287 = arith.constant 0 : i32
    %dma_wait3A_288 = tpu.memref_slice %arg3[%dma_wait3A_286, %dma_wait3A_287] : memref<100000x16xf32, #tpu.memory_space<hbm>> -> memref<100000x16xf32, #tpu.memory_space<hbm>>
    tpu.wait_indirect_dma semaphore(%arg8 : memref<!tpu.dma_semaphore, #tpu.memory_space<semaphore_mem>>) src(%dma_wait3A_288 : memref<100000x16xf32, #tpu.memory_space<hbm>>) dst(%dma_wait3A_282 : memref<100x16xf32, #tpu.memory_space<vmem>>)
    %dma_wait3A_289 = arith.constant 13 : i32
    %dma_wait3A_290 = arith.constant 1300 : i32
    %dma_wait3A_291 = arith.constant 0 : i32
    %dma_wait3A_292 = tpu.memref_slice %arg6[%dma_wait3A_290, %dma_wait3A_291] : memref<1600x16xf32, #tpu.memory_space<vmem>> -> memref<100x16xf32, #tpu.memory_space<vmem>>
    %dma_wait3A_293 = arith.constant 0 : i32
    %dma_wait3A_294 = tpu.memref_slice %arg5[%dma_wait3A_289, %dma_wait3A_293] : memref<16x100xi32, #tpu.memory_space<vmem>> -> memref<1x100xi32, #tpu.memory_space<vmem>>
    %dma_wait3A_295 = tpu.memref_squeeze %dma_wait3A_294 : memref<1x100xi32, #tpu.memory_space<vmem>> -> memref<100xi32, #tpu.memory_space<vmem>>
    %dma_wait3A_296 = arith.constant 0 : i32
    %dma_wait3A_297 = arith.constant 0 : i32
    %dma_wait3A_298 = tpu.memref_slice %arg3[%dma_wait3A_296, %dma_wait3A_297] : memref<100000x16xf32, #tpu.memory_space<hbm>> -> memref<100000x16xf32, #tpu.memory_space<hbm>>
    tpu.wait_indirect_dma semaphore(%arg8 : memref<!tpu.dma_semaphore, #tpu.memory_space<semaphore_mem>>) src(%dma_wait3A_298 : memref<100000x16xf32, #tpu.memory_space<hbm>>) dst(%dma_wait3A_292 : memref<100x16xf32, #tpu.memory_space<vmem>>)
    %dma_wait3A_299 = arith.constant 14 : i32
    %dma_wait3A_300 = arith.constant 1400 : i32
    %dma_wait3A_301 = arith.constant 0 : i32
    %dma_wait3A_302 = tpu.memref_slice %arg6[%dma_wait3A_300, %dma_wait3A_301] : memref<1600x16xf32, #tpu.memory_space<vmem>> -> memref<100x16xf32, #tpu.memory_space<vmem>>
    %dma_wait3A_303 = arith.constant 0 : i32
    %dma_wait3A_304 = tpu.memref_slice %arg5[%dma_wait3A_299, %dma_wait3A_303] : memref<16x100xi32, #tpu.memory_space<vmem>> -> memref<1x100xi32, #tpu.memory_space<vmem>>
    %dma_wait3A_305 = tpu.memref_squeeze %dma_wait3A_304 : memref<1x100xi32, #tpu.memory_space<vmem>> -> memref<100xi32, #tpu.memory_space<vmem>>
    %dma_wait3A_306 = arith.constant 0 : i32
    %dma_wait3A_307 = arith.constant 0 : i32
    %dma_wait3A_308 = tpu.memref_slice %arg3[%dma_wait3A_306, %dma_wait3A_307] : memref<100000x16xf32, #tpu.memory_space<hbm>> -> memref<100000x16xf32, #tpu.memory_space<hbm>>
    tpu.wait_indirect_dma semaphore(%arg8 : memref<!tpu.dma_semaphore, #tpu.memory_space<semaphore_mem>>) src(%dma_wait3A_308 : memref<100000x16xf32, #tpu.memory_space<hbm>>) dst(%dma_wait3A_302 : memref<100x16xf32, #tpu.memory_space<vmem>>)
    %dma_wait3A_309 = arith.constant 15 : i32
    %dma_wait3A_310 = arith.constant 1500 : i32
    %dma_wait3A_311 = arith.constant 0 : i32
    %dma_wait3A_312 = tpu.memref_slice %arg6[%dma_wait3A_310, %dma_wait3A_311] : memref<1600x16xf32, #tpu.memory_space<vmem>> -> memref<100x16xf32, #tpu.memory_space<vmem>>
    %dma_wait3A_313 = arith.constant 0 : i32
    %dma_wait3A_314 = tpu.memref_slice %arg5[%dma_wait3A_309, %dma_wait3A_313] : memref<16x100xi32, #tpu.memory_space<vmem>> -> memref<1x100xi32, #tpu.memory_space<vmem>>
    %dma_wait3A_315 = tpu.memref_squeeze %dma_wait3A_314 : memref<1x100xi32, #tpu.memory_space<vmem>> -> memref<100xi32, #tpu.memory_space<vmem>>
    %dma_wait3A_316 = arith.constant 0 : i32
    %dma_wait3A_317 = arith.constant 0 : i32
    %dma_wait3A_318 = tpu.memref_slice %arg3[%dma_wait3A_316, %dma_wait3A_317] : memref<100000x16xf32, #tpu.memory_space<hbm>> -> memref<100000x16xf32, #tpu.memory_space<hbm>>
    tpu.wait_indirect_dma semaphore(%arg8 : memref<!tpu.dma_semaphore, #tpu.memory_space<semaphore_mem>>) src(%dma_wait3A_318 : memref<100000x16xf32, #tpu.memory_space<hbm>>) dst(%dma_wait3A_312 : memref<100x16xf32, #tpu.memory_space<vmem>>)
    %broadcast_in_dim3A = arith.constant 0.000000e+00 : f32
    %broadcast_in_dim3A_319 = vector.broadcast %broadcast_in_dim3A : f32 to vector<16xf32>
    %scan3A = arith.constant 0 : i32
    %scan3A_320 = arith.constant 50 : i32
    %scan3A_321 = arith.addi %scan3A, %scan3A_320 : i32
    %scan3A_322 = arith.constant 10 : i32
    %scan3A_323 = scf.for %scan3A_766 = %scan3A to %scan3A_321 step %scan3A_322 iter_args(%scan3A_767 = %broadcast_in_dim3A_319) -> (vector<16xf32>)  : i32 {
      %add3A_768 = arith.constant 0 : i32
      %add3A_769 = arith.addi %add3A_768, %scan3A_766 : i32
      %get3A = arith.index_cast %add3A_769 : i32 to index
      %get3A_770 = arith.constant 0 : index
      %get3A_771 = tpu.vector_load %arg6[%get3A, %get3A_770] {strides = array<i32>} : memref<1600x16xf32, #tpu.memory_space<vmem>>, vector<1x16xf32>,
      %get3A_772 = vector.shape_cast %get3A_771 : vector<1x16xf32> to vector<16xf32>
      %add3A_773 = arith.addf %scan3A_767, %get3A_772 : vector<16xf32>
      %scan3A_774 = arith.constant 1 : i32
      %scan3A_775 = arith.addi %scan3A_766, %scan3A_774 : i32
      %add3A_776 = arith.constant 0 : i32
      %add3A_777 = arith.addi %add3A_776, %scan3A_775 : i32
      %get3A_778 = arith.index_cast %add3A_777 : i32 to index
      %get3A_779 = arith.constant 0 : index
      %get3A_780 = tpu.vector_load %arg6[%get3A_778, %get3A_779] {strides = array<i32>} : memref<1600x16xf32, #tpu.memory_space<vmem>>, vector<1x16xf32>,
      %get3A_781 = vector.shape_cast %get3A_780 : vector<1x16xf32> to vector<16xf32>
      %add3A_782 = arith.addf %add3A_773, %get3A_781 : vector<16xf32>
      %scan3A_783 = arith.constant 2 : i32
      %scan3A_784 = arith.addi %scan3A_766, %scan3A_783 : i32
      %add3A_785 = arith.constant 0 : i32
      %add3A_786 = arith.addi %add3A_785, %scan3A_784 : i32
      %get3A_787 = arith.index_cast %add3A_786 : i32 to index
      %get3A_788 = arith.constant 0 : index
      %get3A_789 = tpu.vector_load %arg6[%get3A_787, %get3A_788] {strides = array<i32>} : memref<1600x16xf32, #tpu.memory_space<vmem>>, vector<1x16xf32>,
      %get3A_790 = vector.shape_cast %get3A_789 : vector<1x16xf32> to vector<16xf32>
      %add3A_791 = arith.addf %add3A_782, %get3A_790 : vector<16xf32>
      %scan3A_792 = arith.constant 3 : i32
      %scan3A_793 = arith.addi %scan3A_766, %scan3A_792 : i32
      %add3A_794 = arith.constant 0 : i32
      %add3A_795 = arith.addi %add3A_794, %scan3A_793 : i32
      %get3A_796 = arith.index_cast %add3A_795 : i32 to index
      %get3A_797 = arith.constant 0 : index
      %get3A_798 = tpu.vector_load %arg6[%get3A_796, %get3A_797] {strides = array<i32>} : memref<1600x16xf32, #tpu.memory_space<vmem>>, vector<1x16xf32>,
      %get3A_799 = vector.shape_cast %get3A_798 : vector<1x16xf32> to vector<16xf32>
      %add3A_800 = arith.addf %add3A_791, %get3A_799 : vector<16xf32>
      %scan3A_801 = arith.constant 4 : i32
      %scan3A_802 = arith.addi %scan3A_766, %scan3A_801 : i32
      %add3A_803 = arith.constant 0 : i32
      %add3A_804 = arith.addi %add3A_803, %scan3A_802 : i32
      %get3A_805 = arith.index_cast %add3A_804 : i32 to index
      %get3A_806 = arith.constant 0 : index
      %get3A_807 = tpu.vector_load %arg6[%get3A_805, %get3A_806] {strides = array<i32>} : memref<1600x16xf32, #tpu.memory_space<vmem>>, vector<1x16xf32>,
      %get3A_808 = vector.shape_cast %get3A_807 : vector<1x16xf32> to vector<16xf32>
      %add3A_809 = arith.addf %add3A_800, %get3A_808 : vector<16xf32>
      %scan3A_810 = arith.constant 5 : i32
      %scan3A_811 = arith.addi %scan3A_766, %scan3A_810 : i32
      %add3A_812 = arith.constant 0 : i32
      %add3A_813 = arith.addi %add3A_812, %scan3A_811 : i32
      %get3A_814 = arith.index_cast %add3A_813 : i32 to index
      %get3A_815 = arith.constant 0 : index
      %get3A_816 = tpu.vector_load %arg6[%get3A_814, %get3A_815] {strides = array<i32>} : memref<1600x16xf32, #tpu.memory_space<vmem>>, vector<1x16xf32>,
      %get3A_817 = vector.shape_cast %get3A_816 : vector<1x16xf32> to vector<16xf32>
      %add3A_818 = arith.addf %add3A_809, %get3A_817 : vector<16xf32>
      %scan3A_819 = arith.constant 6 : i32
      %scan3A_820 = arith.addi %scan3A_766, %scan3A_819 : i32
      %add3A_821 = arith.constant 0 : i32
      %add3A_822 = arith.addi %add3A_821, %scan3A_820 : i32
      %get3A_823 = arith.index_cast %add3A_822 : i32 to index
      %get3A_824 = arith.constant 0 : index
      %get3A_825 = tpu.vector_load %arg6[%get3A_823, %get3A_824] {strides = array<i32>} : memref<1600x16xf32, #tpu.memory_space<vmem>>, vector<1x16xf32>,
      %get3A_826 = vector.shape_cast %get3A_825 : vector<1x16xf32> to vector<16xf32>
      %add3A_827 = arith.addf %add3A_818, %get3A_826 : vector<16xf32>
      %scan3A_828 = arith.constant 7 : i32
      %scan3A_829 = arith.addi %scan3A_766, %scan3A_828 : i32
      %add3A_830 = arith.constant 0 : i32
      %add3A_831 = arith.addi %add3A_830, %scan3A_829 : i32
      %get3A_832 = arith.index_cast %add3A_831 : i32 to index
      %get3A_833 = arith.constant 0 : index
      %get3A_834 = tpu.vector_load %arg6[%get3A_832, %get3A_833] {strides = array<i32>} : memref<1600x16xf32, #tpu.memory_space<vmem>>, vector<1x16xf32>,
      %get3A_835 = vector.shape_cast %get3A_834 : vector<1x16xf32> to vector<16xf32>
      %add3A_836 = arith.addf %add3A_827, %get3A_835 : vector<16xf32>
      %scan3A_837 = arith.constant 8 : i32
      %scan3A_838 = arith.addi %scan3A_766, %scan3A_837 : i32
      %add3A_839 = arith.constant 0 : i32
      %add3A_840 = arith.addi %add3A_839, %scan3A_838 : i32
      %get3A_841 = arith.index_cast %add3A_840 : i32 to index
      %get3A_842 = arith.constant 0 : index
      %get3A_843 = tpu.vector_load %arg6[%get3A_841, %get3A_842] {strides = array<i32>} : memref<1600x16xf32, #tpu.memory_space<vmem>>, vector<1x16xf32>,
      %get3A_844 = vector.shape_cast %get3A_843 : vector<1x16xf32> to vector<16xf32>
      %add3A_845 = arith.addf %add3A_836, %get3A_844 : vector<16xf32>
      %scan3A_846 = arith.constant 9 : i32
      %scan3A_847 = arith.addi %scan3A_766, %scan3A_846 : i32
      %add3A_848 = arith.constant 0 : i32
      %add3A_849 = arith.addi %add3A_848, %scan3A_847 : i32
      %get3A_850 = arith.index_cast %add3A_849 : i32 to index
      %get3A_851 = arith.constant 0 : index
      %get3A_852 = tpu.vector_load %arg6[%get3A_850, %get3A_851] {strides = array<i32>} : memref<1600x16xf32, #tpu.memory_space<vmem>>, vector<1x16xf32>,
      %get3A_853 = vector.shape_cast %get3A_852 : vector<1x16xf32> to vector<16xf32>
      %add3A_854 = arith.addf %add3A_845, %get3A_853 : vector<16xf32>
      scf.yield %add3A_854 : vector<16xf32>
    }
    %scan3A_324 = arith.constant 50 : i32
    %swap3A = arith.constant 0 : i32
    %swap3A_325 = arith.index_cast %swap3A : i32 to index
    %swap3A_326 = arith.constant 0 : index
    %swap3A_327 = tpu.vector_load %arg7[%swap3A_325, %swap3A_326] {strides = array<i32>} : memref<32x16xf32, #tpu.memory_space<vmem>>, vector<1x16xf32>,
    %swap3A_328 = vector.shape_cast %swap3A_327 : vector<1x16xf32> to vector<16xf32>
    %swap3A_329 = vector.shape_cast %scan3A_323 : vector<16xf32> to vector<1x16xf32>
    tpu.vector_store %arg7[%swap3A_325, %swap3A_326], %swap3A_329 {strides = array<i32>} : memref<32x16xf32, #tpu.memory_space<vmem>>, vector<1x16xf32>,
    %broadcast_in_dim3A_330 = arith.constant 0.000000e+00 : f32
    %broadcast_in_dim3A_331 = vector.broadcast %broadcast_in_dim3A_330 : f32 to vector<16xf32>
    %scan3A_332 = arith.constant 0 : i32
    %scan3A_333 = arith.constant 50 : i32
    %scan3A_334 = arith.addi %scan3A_332, %scan3A_333 : i32
    %scan3A_335 = arith.constant 10 : i32
    %scan3A_336 = scf.for %scan3A_766 = %scan3A_332 to %scan3A_334 step %scan3A_335 iter_args(%scan3A_767 = %broadcast_in_dim3A_331) -> (vector<16xf32>)  : i32 {
      %add3A_768 = arith.constant 50 : i32
      %add3A_769 = arith.addi %add3A_768, %scan3A_766 : i32
      %get3A = arith.index_cast %add3A_769 : i32 to index
      %get3A_770 = arith.constant 0 : index
      %get3A_771 = tpu.vector_load %arg6[%get3A, %get3A_770] {strides = array<i32>} : memref<1600x16xf32, #tpu.memory_space<vmem>>, vector<1x16xf32>,
      %get3A_772 = vector.shape_cast %get3A_771 : vector<1x16xf32> to vector<16xf32>
      %add3A_773 = arith.addf %scan3A_767, %get3A_772 : vector<16xf32>
      %scan3A_774 = arith.constant 1 : i32
      %scan3A_775 = arith.addi %scan3A_766, %scan3A_774 : i32
      %add3A_776 = arith.constant 50 : i32
      %add3A_777 = arith.addi %add3A_776, %scan3A_775 : i32
      %get3A_778 = arith.index_cast %add3A_777 : i32 to index
      %get3A_779 = arith.constant 0 : index
      %get3A_780 = tpu.vector_load %arg6[%get3A_778, %get3A_779] {strides = array<i32>} : memref<1600x16xf32, #tpu.memory_space<vmem>>, vector<1x16xf32>,
      %get3A_781 = vector.shape_cast %get3A_780 : vector<1x16xf32> to vector<16xf32>
      %add3A_782 = arith.addf %add3A_773, %get3A_781 : vector<16xf32>
      %scan3A_783 = arith.constant 2 : i32
      %scan3A_784 = arith.addi %scan3A_766, %scan3A_783 : i32
      %add3A_785 = arith.constant 50 : i32
      %add3A_786 = arith.addi %add3A_785, %scan3A_784 : i32
      %get3A_787 = arith.index_cast %add3A_786 : i32 to index
      %get3A_788 = arith.constant 0 : index
      %get3A_789 = tpu.vector_load %arg6[%get3A_787, %get3A_788] {strides = array<i32>} : memref<1600x16xf32, #tpu.memory_space<vmem>>, vector<1x16xf32>,
      %get3A_790 = vector.shape_cast %get3A_789 : vector<1x16xf32> to vector<16xf32>
      %add3A_791 = arith.addf %add3A_782, %get3A_790 : vector<16xf32>
      %scan3A_792 = arith.constant 3 : i32
      %scan3A_793 = arith.addi %scan3A_766, %scan3A_792 : i32
      %add3A_794 = arith.constant 50 : i32
      %add3A_795 = arith.addi %add3A_794, %scan3A_793 : i32
      %get3A_796 = arith.index_cast %add3A_795 : i32 to index
      %get3A_797 = arith.constant 0 : index
      %get3A_798 = tpu.vector_load %arg6[%get3A_796, %get3A_797] {strides = array<i32>} : memref<1600x16xf32, #tpu.memory_space<vmem>>, vector<1x16xf32>,
      %get3A_799 = vector.shape_cast %get3A_798 : vector<1x16xf32> to vector<16xf32>
      %add3A_800 = arith.addf %add3A_791, %get3A_799 : vector<16xf32>
      %scan3A_801 = arith.constant 4 : i32
      %scan3A_802 = arith.addi %scan3A_766, %scan3A_801 : i32
      %add3A_803 = arith.constant 50 : i32
      %add3A_804 = arith.addi %add3A_803, %scan3A_802 : i32
      %get3A_805 = arith.index_cast %add3A_804 : i32 to index
      %get3A_806 = arith.constant 0 : index
      %get3A_807 = tpu.vector_load %arg6[%get3A_805, %get3A_806] {strides = array<i32>} : memref<1600x16xf32, #tpu.memory_space<vmem>>, vector<1x16xf32>,
      %get3A_808 = vector.shape_cast %get3A_807 : vector<1x16xf32> to vector<16xf32>
      %add3A_809 = arith.addf %add3A_800, %get3A_808 : vector<16xf32>
      %scan3A_810 = arith.constant 5 : i32
      %scan3A_811 = arith.addi %scan3A_766, %scan3A_810 : i32
      %add3A_812 = arith.constant 50 : i32
      %add3A_813 = arith.addi %add3A_812, %scan3A_811 : i32
      %get3A_814 = arith.index_cast %add3A_813 : i32 to index
      %get3A_815 = arith.constant 0 : index
      %get3A_816 = tpu.vector_load %arg6[%get3A_814, %get3A_815] {strides = array<i32>} : memref<1600x16xf32, #tpu.memory_space<vmem>>, vector<1x16xf32>,
      %get3A_817 = vector.shape_cast %get3A_816 : vector<1x16xf32> to vector<16xf32>
      %add3A_818 = arith.addf %add3A_809, %get3A_817 : vector<16xf32>
      %scan3A_819 = arith.constant 6 : i32
      %scan3A_820 = arith.addi %scan3A_766, %scan3A_819 : i32
      %add3A_821 = arith.constant 50 : i32
      %add3A_822 = arith.addi %add3A_821, %scan3A_820 : i32
      %get3A_823 = arith.index_cast %add3A_822 : i32 to index
      %get3A_824 = arith.constant 0 : index
      %get3A_825 = tpu.vector_load %arg6[%get3A_823, %get3A_824] {strides = array<i32>} : memref<1600x16xf32, #tpu.memory_space<vmem>>, vector<1x16xf32>,
      %get3A_826 = vector.shape_cast %get3A_825 : vector<1x16xf32> to vector<16xf32>
      %add3A_827 = arith.addf %add3A_818, %get3A_826 : vector<16xf32>
      %scan3A_828 = arith.constant 7 : i32
      %scan3A_829 = arith.addi %scan3A_766, %scan3A_828 : i32
      %add3A_830 = arith.constant 50 : i32
      %add3A_831 = arith.addi %add3A_830, %scan3A_829 : i32
      %get3A_832 = arith.index_cast %add3A_831 : i32 to index
      %get3A_833 = arith.constant 0 : index
      %get3A_834 = tpu.vector_load %arg6[%get3A_832, %get3A_833] {strides = array<i32>} : memref<1600x16xf32, #tpu.memory_space<vmem>>, vector<1x16xf32>,
      %get3A_835 = vector.shape_cast %get3A_834 : vector<1x16xf32> to vector<16xf32>
      %add3A_836 = arith.addf %add3A_827, %get3A_835 : vector<16xf32>
      %scan3A_837 = arith.constant 8 : i32
      %scan3A_838 = arith.addi %scan3A_766, %scan3A_837 : i32
      %add3A_839 = arith.constant 50 : i32
      %add3A_840 = arith.addi %add3A_839, %scan3A_838 : i32
      %get3A_841 = arith.index_cast %add3A_840 : i32 to index
      %get3A_842 = arith.constant 0 : index
      %get3A_843 = tpu.vector_load %arg6[%get3A_841, %get3A_842] {strides = array<i32>} : memref<1600x16xf32, #tpu.memory_space<vmem>>, vector<1x16xf32>,
      %get3A_844 = vector.shape_cast %get3A_843 : vector<1x16xf32> to vector<16xf32>
      %add3A_845 = arith.addf %add3A_836, %get3A_844 : vector<16xf32>
      %scan3A_846 = arith.constant 9 : i32
      %scan3A_847 = arith.addi %scan3A_766, %scan3A_846 : i32
      %add3A_848 = arith.constant 50 : i32
      %add3A_849 = arith.addi %add3A_848, %scan3A_847 : i32
      %get3A_850 = arith.index_cast %add3A_849 : i32 to index
      %get3A_851 = arith.constant 0 : index
      %get3A_852 = tpu.vector_load %arg6[%get3A_850, %get3A_851] {strides = array<i32>} : memref<1600x16xf32, #tpu.memory_space<vmem>>, vector<1x16xf32>,
      %get3A_853 = vector.shape_cast %get3A_852 : vector<1x16xf32> to vector<16xf32>
      %add3A_854 = arith.addf %add3A_845, %get3A_853 : vector<16xf32>
      scf.yield %add3A_854 : vector<16xf32>
    }
    %scan3A_337 = arith.constant 50 : i32
    %swap3A_338 = arith.constant 1 : i32
    %swap3A_339 = arith.index_cast %swap3A_338 : i32 to index
    %swap3A_340 = arith.constant 0 : index
    %swap3A_341 = tpu.vector_load %arg7[%swap3A_339, %swap3A_340] {strides = array<i32>} : memref<32x16xf32, #tpu.memory_space<vmem>>, vector<1x16xf32>,
    %swap3A_342 = vector.shape_cast %swap3A_341 : vector<1x16xf32> to vector<16xf32>
    %swap3A_343 = vector.shape_cast %scan3A_336 : vector<16xf32> to vector<1x16xf32>
    tpu.vector_store %arg7[%swap3A_339, %swap3A_340], %swap3A_343 {strides = array<i32>} : memref<32x16xf32, #tpu.memory_space<vmem>>, vector<1x16xf32>,
    %broadcast_in_dim3A_344 = arith.constant 0.000000e+00 : f32
    %broadcast_in_dim3A_345 = vector.broadcast %broadcast_in_dim3A_344 : f32 to vector<16xf32>
    %scan3A_346 = arith.constant 0 : i32
    %scan3A_347 = arith.constant 50 : i32
    %scan3A_348 = arith.addi %scan3A_346, %scan3A_347 : i32
    %scan3A_349 = arith.constant 10 : i32
    %scan3A_350 = scf.for %scan3A_766 = %scan3A_346 to %scan3A_348 step %scan3A_349 iter_args(%scan3A_767 = %broadcast_in_dim3A_345) -> (vector<16xf32>)  : i32 {
      %add3A_768 = arith.constant 100 : i32
      %add3A_769 = arith.addi %add3A_768, %scan3A_766 : i32
      %get3A = arith.index_cast %add3A_769 : i32 to index
      %get3A_770 = arith.constant 0 : index
      %get3A_771 = tpu.vector_load %arg6[%get3A, %get3A_770] {strides = array<i32>} : memref<1600x16xf32, #tpu.memory_space<vmem>>, vector<1x16xf32>,
      %get3A_772 = vector.shape_cast %get3A_771 : vector<1x16xf32> to vector<16xf32>
      %add3A_773 = arith.addf %scan3A_767, %get3A_772 : vector<16xf32>
      %scan3A_774 = arith.constant 1 : i32
      %scan3A_775 = arith.addi %scan3A_766, %scan3A_774 : i32
      %add3A_776 = arith.constant 100 : i32
      %add3A_777 = arith.addi %add3A_776, %scan3A_775 : i32
      %get3A_778 = arith.index_cast %add3A_777 : i32 to index
      %get3A_779 = arith.constant 0 : index
      %get3A_780 = tpu.vector_load %arg6[%get3A_778, %get3A_779] {strides = array<i32>} : memref<1600x16xf32, #tpu.memory_space<vmem>>, vector<1x16xf32>,
      %get3A_781 = vector.shape_cast %get3A_780 : vector<1x16xf32> to vector<16xf32>
      %add3A_782 = arith.addf %add3A_773, %get3A_781 : vector<16xf32>
      %scan3A_783 = arith.constant 2 : i32
      %scan3A_784 = arith.addi %scan3A_766, %scan3A_783 : i32
      %add3A_785 = arith.constant 100 : i32
      %add3A_786 = arith.addi %add3A_785, %scan3A_784 : i32
      %get3A_787 = arith.index_cast %add3A_786 : i32 to index
      %get3A_788 = arith.constant 0 : index
      %get3A_789 = tpu.vector_load %arg6[%get3A_787, %get3A_788] {strides = array<i32>} : memref<1600x16xf32, #tpu.memory_space<vmem>>, vector<1x16xf32>,
      %get3A_790 = vector.shape_cast %get3A_789 : vector<1x16xf32> to vector<16xf32>
      %add3A_791 = arith.addf %add3A_782, %get3A_790 : vector<16xf32>
      %scan3A_792 = arith.constant 3 : i32
      %scan3A_793 = arith.addi %scan3A_766, %scan3A_792 : i32
      %add3A_794 = arith.constant 100 : i32
      %add3A_795 = arith.addi %add3A_794, %scan3A_793 : i32
      %get3A_796 = arith.index_cast %add3A_795 : i32 to index
      %get3A_797 = arith.constant 0 : index
      %get3A_798 = tpu.vector_load %arg6[%get3A_796, %get3A_797] {strides = array<i32>} : memref<1600x16xf32, #tpu.memory_space<vmem>>, vector<1x16xf32>,
      %get3A_799 = vector.shape_cast %get3A_798 : vector<1x16xf32> to vector<16xf32>
      %add3A_800 = arith.addf %add3A_791, %get3A_799 : vector<16xf32>
      %scan3A_801 = arith.constant 4 : i32
      %scan3A_802 = arith.addi %scan3A_766, %scan3A_801 : i32
      %add3A_803 = arith.constant 100 : i32
      %add3A_804 = arith.addi %add3A_803, %scan3A_802 : i32
      %get3A_805 = arith.index_cast %add3A_804 : i32 to index
      %get3A_806 = arith.constant 0 : index
      %get3A_807 = tpu.vector_load %arg6[%get3A_805, %get3A_806] {strides = array<i32>} : memref<1600x16xf32, #tpu.memory_space<vmem>>, vector<1x16xf32>,
      %get3A_808 = vector.shape_cast %get3A_807 : vector<1x16xf32> to vector<16xf32>
      %add3A_809 = arith.addf %add3A_800, %get3A_808 : vector<16xf32>
      %scan3A_810 = arith.constant 5 : i32
      %scan3A_811 = arith.addi %scan3A_766, %scan3A_810 : i32
      %add3A_812 = arith.constant 100 : i32
      %add3A_813 = arith.addi %add3A_812, %scan3A_811 : i32
      %get3A_814 = arith.index_cast %add3A_813 : i32 to index
      %get3A_815 = arith.constant 0 : index
      %get3A_816 = tpu.vector_load %arg6[%get3A_814, %get3A_815] {strides = array<i32>} : memref<1600x16xf32, #tpu.memory_space<vmem>>, vector<1x16xf32>,
      %get3A_817 = vector.shape_cast %get3A_816 : vector<1x16xf32> to vector<16xf32>
      %add3A_818 = arith.addf %add3A_809, %get3A_817 : vector<16xf32>
      %scan3A_819 = arith.constant 6 : i32
      %scan3A_820 = arith.addi %scan3A_766, %scan3A_819 : i32
      %add3A_821 = arith.constant 100 : i32
      %add3A_822 = arith.addi %add3A_821, %scan3A_820 : i32
      %get3A_823 = arith.index_cast %add3A_822 : i32 to index
      %get3A_824 = arith.constant 0 : index
      %get3A_825 = tpu.vector_load %arg6[%get3A_823, %get3A_824] {strides = array<i32>} : memref<1600x16xf32, #tpu.memory_space<vmem>>, vector<1x16xf32>,
      %get3A_826 = vector.shape_cast %get3A_825 : vector<1x16xf32> to vector<16xf32>
      %add3A_827 = arith.addf %add3A_818, %get3A_826 : vector<16xf32>
      %scan3A_828 = arith.constant 7 : i32
      %scan3A_829 = arith.addi %scan3A_766, %scan3A_828 : i32
      %add3A_830 = arith.constant 100 : i32
      %add3A_831 = arith.addi %add3A_830, %scan3A_829 : i32
      %get3A_832 = arith.index_cast %add3A_831 : i32 to index
      %get3A_833 = arith.constant 0 : index
      %get3A_834 = tpu.vector_load %arg6[%get3A_832, %get3A_833] {strides = array<i32>} : memref<1600x16xf32, #tpu.memory_space<vmem>>, vector<1x16xf32>,
      %get3A_835 = vector.shape_cast %get3A_834 : vector<1x16xf32> to vector<16xf32>
      %add3A_836 = arith.addf %add3A_827, %get3A_835 : vector<16xf32>
      %scan3A_837 = arith.constant 8 : i32
      %scan3A_838 = arith.addi %scan3A_766, %scan3A_837 : i32
      %add3A_839 = arith.constant 100 : i32
      %add3A_840 = arith.addi %add3A_839, %scan3A_838 : i32
      %get3A_841 = arith.index_cast %add3A_840 : i32 to index
      %get3A_842 = arith.constant 0 : index
      %get3A_843 = tpu.vector_load %arg6[%get3A_841, %get3A_842] {strides = array<i32>} : memref<1600x16xf32, #tpu.memory_space<vmem>>, vector<1x16xf32>,
      %get3A_844 = vector.shape_cast %get3A_843 : vector<1x16xf32> to vector<16xf32>
      %add3A_845 = arith.addf %add3A_836, %get3A_844 : vector<16xf32>
      %scan3A_846 = arith.constant 9 : i32
      %scan3A_847 = arith.addi %scan3A_766, %scan3A_846 : i32
      %add3A_848 = arith.constant 100 : i32
      %add3A_849 = arith.addi %add3A_848, %scan3A_847 : i32
      %get3A_850 = arith.index_cast %add3A_849 : i32 to index
      %get3A_851 = arith.constant 0 : index
      %get3A_852 = tpu.vector_load %arg6[%get3A_850, %get3A_851] {strides = array<i32>} : memref<1600x16xf32, #tpu.memory_space<vmem>>, vector<1x16xf32>,
      %get3A_853 = vector.shape_cast %get3A_852 : vector<1x16xf32> to vector<16xf32>
      %add3A_854 = arith.addf %add3A_845, %get3A_853 : vector<16xf32>
      scf.yield %add3A_854 : vector<16xf32>
    }
    %scan3A_351 = arith.constant 50 : i32
    %swap3A_352 = arith.constant 2 : i32
    %swap3A_353 = arith.index_cast %swap3A_352 : i32 to index
    %swap3A_354 = arith.constant 0 : index
    %swap3A_355 = tpu.vector_load %arg7[%swap3A_353, %swap3A_354] {strides = array<i32>} : memref<32x16xf32, #tpu.memory_space<vmem>>, vector<1x16xf32>,
    %swap3A_356 = vector.shape_cast %swap3A_355 : vector<1x16xf32> to vector<16xf32>
    %swap3A_357 = vector.shape_cast %scan3A_350 : vector<16xf32> to vector<1x16xf32>
    tpu.vector_store %arg7[%swap3A_353, %swap3A_354], %swap3A_357 {strides = array<i32>} : memref<32x16xf32, #tpu.memory_space<vmem>>, vector<1x16xf32>,
    %broadcast_in_dim3A_358 = arith.constant 0.000000e+00 : f32
    %broadcast_in_dim3A_359 = vector.broadcast %broadcast_in_dim3A_358 : f32 to vector<16xf32>
    %scan3A_360 = arith.constant 0 : i32
    %scan3A_361 = arith.constant 50 : i32
    %scan3A_362 = arith.addi %scan3A_360, %scan3A_361 : i32
    %scan3A_363 = arith.constant 10 : i32
    %scan3A_364 = scf.for %scan3A_766 = %scan3A_360 to %scan3A_362 step %scan3A_363 iter_args(%scan3A_767 = %broadcast_in_dim3A_359) -> (vector<16xf32>)  : i32 {
      %add3A_768 = arith.constant 150 : i32
      %add3A_769 = arith.addi %add3A_768, %scan3A_766 : i32
      %get3A = arith.index_cast %add3A_769 : i32 to index
      %get3A_770 = arith.constant 0 : index
      %get3A_771 = tpu.vector_load %arg6[%get3A, %get3A_770] {strides = array<i32>} : memref<1600x16xf32, #tpu.memory_space<vmem>>, vector<1x16xf32>,
      %get3A_772 = vector.shape_cast %get3A_771 : vector<1x16xf32> to vector<16xf32>
      %add3A_773 = arith.addf %scan3A_767, %get3A_772 : vector<16xf32>
      %scan3A_774 = arith.constant 1 : i32
      %scan3A_775 = arith.addi %scan3A_766, %scan3A_774 : i32
      %add3A_776 = arith.constant 150 : i32
      %add3A_777 = arith.addi %add3A_776, %scan3A_775 : i32
      %get3A_778 = arith.index_cast %add3A_777 : i32 to index
      %get3A_779 = arith.constant 0 : index
      %get3A_780 = tpu.vector_load %arg6[%get3A_778, %get3A_779] {strides = array<i32>} : memref<1600x16xf32, #tpu.memory_space<vmem>>, vector<1x16xf32>,
      %get3A_781 = vector.shape_cast %get3A_780 : vector<1x16xf32> to vector<16xf32>
      %add3A_782 = arith.addf %add3A_773, %get3A_781 : vector<16xf32>
      %scan3A_783 = arith.constant 2 : i32
      %scan3A_784 = arith.addi %scan3A_766, %scan3A_783 : i32
      %add3A_785 = arith.constant 150 : i32
      %add3A_786 = arith.addi %add3A_785, %scan3A_784 : i32
      %get3A_787 = arith.index_cast %add3A_786 : i32 to index
      %get3A_788 = arith.constant 0 : index
      %get3A_789 = tpu.vector_load %arg6[%get3A_787, %get3A_788] {strides = array<i32>} : memref<1600x16xf32, #tpu.memory_space<vmem>>, vector<1x16xf32>,
      %get3A_790 = vector.shape_cast %get3A_789 : vector<1x16xf32> to vector<16xf32>
      %add3A_791 = arith.addf %add3A_782, %get3A_790 : vector<16xf32>
      %scan3A_792 = arith.constant 3 : i32
      %scan3A_793 = arith.addi %scan3A_766, %scan3A_792 : i32
      %add3A_794 = arith.constant 150 : i32
      %add3A_795 = arith.addi %add3A_794, %scan3A_793 : i32
      %get3A_796 = arith.index_cast %add3A_795 : i32 to index
      %get3A_797 = arith.constant 0 : index
      %get3A_798 = tpu.vector_load %arg6[%get3A_796, %get3A_797] {strides = array<i32>} : memref<1600x16xf32, #tpu.memory_space<vmem>>, vector<1x16xf32>,
      %get3A_799 = vector.shape_cast %get3A_798 : vector<1x16xf32> to vector<16xf32>
      %add3A_800 = arith.addf %add3A_791, %get3A_799 : vector<16xf32>
      %scan3A_801 = arith.constant 4 : i32
      %scan3A_802 = arith.addi %scan3A_766, %scan3A_801 : i32
      %add3A_803 = arith.constant 150 : i32
      %add3A_804 = arith.addi %add3A_803, %scan3A_802 : i32
      %get3A_805 = arith.index_cast %add3A_804 : i32 to index
      %get3A_806 = arith.constant 0 : index
      %get3A_807 = tpu.vector_load %arg6[%get3A_805, %get3A_806] {strides = array<i32>} : memref<1600x16xf32, #tpu.memory_space<vmem>>, vector<1x16xf32>,
      %get3A_808 = vector.shape_cast %get3A_807 : vector<1x16xf32> to vector<16xf32>
      %add3A_809 = arith.addf %add3A_800, %get3A_808 : vector<16xf32>
      %scan3A_810 = arith.constant 5 : i32
      %scan3A_811 = arith.addi %scan3A_766, %scan3A_810 : i32
      %add3A_812 = arith.constant 150 : i32
      %add3A_813 = arith.addi %add3A_812, %scan3A_811 : i32
      %get3A_814 = arith.index_cast %add3A_813 : i32 to index
      %get3A_815 = arith.constant 0 : index
      %get3A_816 = tpu.vector_load %arg6[%get3A_814, %get3A_815] {strides = array<i32>} : memref<1600x16xf32, #tpu.memory_space<vmem>>, vector<1x16xf32>,
      %get3A_817 = vector.shape_cast %get3A_816 : vector<1x16xf32> to vector<16xf32>
      %add3A_818 = arith.addf %add3A_809, %get3A_817 : vector<16xf32>
      %scan3A_819 = arith.constant 6 : i32
      %scan3A_820 = arith.addi %scan3A_766, %scan3A_819 : i32
      %add3A_821 = arith.constant 150 : i32
      %add3A_822 = arith.addi %add3A_821, %scan3A_820 : i32
      %get3A_823 = arith.index_cast %add3A_822 : i32 to index
      %get3A_824 = arith.constant 0 : index
      %get3A_825 = tpu.vector_load %arg6[%get3A_823, %get3A_824] {strides = array<i32>} : memref<1600x16xf32, #tpu.memory_space<vmem>>, vector<1x16xf32>,
      %get3A_826 = vector.shape_cast %get3A_825 : vector<1x16xf32> to vector<16xf32>
      %add3A_827 = arith.addf %add3A_818, %get3A_826 : vector<16xf32>
      %scan3A_828 = arith.constant 7 : i32
      %scan3A_829 = arith.addi %scan3A_766, %scan3A_828 : i32
      %add3A_830 = arith.constant 150 : i32
      %add3A_831 = arith.addi %add3A_830, %scan3A_829 : i32
      %get3A_832 = arith.index_cast %add3A_831 : i32 to index
      %get3A_833 = arith.constant 0 : index
      %get3A_834 = tpu.vector_load %arg6[%get3A_832, %get3A_833] {strides = array<i32>} : memref<1600x16xf32, #tpu.memory_space<vmem>>, vector<1x16xf32>,
      %get3A_835 = vector.shape_cast %get3A_834 : vector<1x16xf32> to vector<16xf32>
      %add3A_836 = arith.addf %add3A_827, %get3A_835 : vector<16xf32>
      %scan3A_837 = arith.constant 8 : i32
      %scan3A_838 = arith.addi %scan3A_766, %scan3A_837 : i32
      %add3A_839 = arith.constant 150 : i32
      %add3A_840 = arith.addi %add3A_839, %scan3A_838 : i32
      %get3A_841 = arith.index_cast %add3A_840 : i32 to index
      %get3A_842 = arith.constant 0 : index
      %get3A_843 = tpu.vector_load %arg6[%get3A_841, %get3A_842] {strides = array<i32>} : memref<1600x16xf32, #tpu.memory_space<vmem>>, vector<1x16xf32>,
      %get3A_844 = vector.shape_cast %get3A_843 : vector<1x16xf32> to vector<16xf32>
      %add3A_845 = arith.addf %add3A_836, %get3A_844 : vector<16xf32>
      %scan3A_846 = arith.constant 9 : i32
      %scan3A_847 = arith.addi %scan3A_766, %scan3A_846 : i32
      %add3A_848 = arith.constant 150 : i32
      %add3A_849 = arith.addi %add3A_848, %scan3A_847 : i32
      %get3A_850 = arith.index_cast %add3A_849 : i32 to index
      %get3A_851 = arith.constant 0 : index
      %get3A_852 = tpu.vector_load %arg6[%get3A_850, %get3A_851] {strides = array<i32>} : memref<1600x16xf32, #tpu.memory_space<vmem>>, vector<1x16xf32>,
      %get3A_853 = vector.shape_cast %get3A_852 : vector<1x16xf32> to vector<16xf32>
      %add3A_854 = arith.addf %add3A_845, %get3A_853 : vector<16xf32>
      scf.yield %add3A_854 : vector<16xf32>
    }
    %scan3A_365 = arith.constant 50 : i32
    %swap3A_366 = arith.constant 3 : i32
    %swap3A_367 = arith.index_cast %swap3A_366 : i32 to index
    %swap3A_368 = arith.constant 0 : index
    %swap3A_369 = tpu.vector_load %arg7[%swap3A_367, %swap3A_368] {strides = array<i32>} : memref<32x16xf32, #tpu.memory_space<vmem>>, vector<1x16xf32>,
    %swap3A_370 = vector.shape_cast %swap3A_369 : vector<1x16xf32> to vector<16xf32>
    %swap3A_371 = vector.shape_cast %scan3A_364 : vector<16xf32> to vector<1x16xf32>
    tpu.vector_store %arg7[%swap3A_367, %swap3A_368], %swap3A_371 {strides = array<i32>} : memref<32x16xf32, #tpu.memory_space<vmem>>, vector<1x16xf32>,
    %broadcast_in_dim3A_372 = arith.constant 0.000000e+00 : f32
    %broadcast_in_dim3A_373 = vector.broadcast %broadcast_in_dim3A_372 : f32 to vector<16xf32>
    %scan3A_374 = arith.constant 0 : i32
    %scan3A_375 = arith.constant 50 : i32
    %scan3A_376 = arith.addi %scan3A_374, %scan3A_375 : i32
    %scan3A_377 = arith.constant 10 : i32
    %scan3A_378 = scf.for %scan3A_766 = %scan3A_374 to %scan3A_376 step %scan3A_377 iter_args(%scan3A_767 = %broadcast_in_dim3A_373) -> (vector<16xf32>)  : i32 {
      %add3A_768 = arith.constant 200 : i32
      %add3A_769 = arith.addi %add3A_768, %scan3A_766 : i32
      %get3A = arith.index_cast %add3A_769 : i32 to index
      %get3A_770 = arith.constant 0 : index
      %get3A_771 = tpu.vector_load %arg6[%get3A, %get3A_770] {strides = array<i32>} : memref<1600x16xf32, #tpu.memory_space<vmem>>, vector<1x16xf32>,
      %get3A_772 = vector.shape_cast %get3A_771 : vector<1x16xf32> to vector<16xf32>
      %add3A_773 = arith.addf %scan3A_767, %get3A_772 : vector<16xf32>
      %scan3A_774 = arith.constant 1 : i32
      %scan3A_775 = arith.addi %scan3A_766, %scan3A_774 : i32
      %add3A_776 = arith.constant 200 : i32
      %add3A_777 = arith.addi %add3A_776, %scan3A_775 : i32
      %get3A_778 = arith.index_cast %add3A_777 : i32 to index
      %get3A_779 = arith.constant 0 : index
      %get3A_780 = tpu.vector_load %arg6[%get3A_778, %get3A_779] {strides = array<i32>} : memref<1600x16xf32, #tpu.memory_space<vmem>>, vector<1x16xf32>,
      %get3A_781 = vector.shape_cast %get3A_780 : vector<1x16xf32> to vector<16xf32>
      %add3A_782 = arith.addf %add3A_773, %get3A_781 : vector<16xf32>
      %scan3A_783 = arith.constant 2 : i32
      %scan3A_784 = arith.addi %scan3A_766, %scan3A_783 : i32
      %add3A_785 = arith.constant 200 : i32
      %add3A_786 = arith.addi %add3A_785, %scan3A_784 : i32
      %get3A_787 = arith.index_cast %add3A_786 : i32 to index
      %get3A_788 = arith.constant 0 : index
      %get3A_789 = tpu.vector_load %arg6[%get3A_787, %get3A_788] {strides = array<i32>} : memref<1600x16xf32, #tpu.memory_space<vmem>>, vector<1x16xf32>,
      %get3A_790 = vector.shape_cast %get3A_789 : vector<1x16xf32> to vector<16xf32>
      %add3A_791 = arith.addf %add3A_782, %get3A_790 : vector<16xf32>
      %scan3A_792 = arith.constant 3 : i32
      %scan3A_793 = arith.addi %scan3A_766, %scan3A_792 : i32
      %add3A_794 = arith.constant 200 : i32
      %add3A_795 = arith.addi %add3A_794, %scan3A_793 : i32
      %get3A_796 = arith.index_cast %add3A_795 : i32 to index
      %get3A_797 = arith.constant 0 : index
      %get3A_798 = tpu.vector_load %arg6[%get3A_796, %get3A_797] {strides = array<i32>} : memref<1600x16xf32, #tpu.memory_space<vmem>>, vector<1x16xf32>,
      %get3A_799 = vector.shape_cast %get3A_798 : vector<1x16xf32> to vector<16xf32>
      %add3A_800 = arith.addf %add3A_791, %get3A_799 : vector<16xf32>
      %scan3A_801 = arith.constant 4 : i32
      %scan3A_802 = arith.addi %scan3A_766, %scan3A_801 : i32
      %add3A_803 = arith.constant 200 : i32
      %add3A_804 = arith.addi %add3A_803, %scan3A_802 : i32
      %get3A_805 = arith.index_cast %add3A_804 : i32 to index
      %get3A_806 = arith.constant 0 : index
      %get3A_807 = tpu.vector_load %arg6[%get3A_805, %get3A_806] {strides = array<i32>} : memref<1600x16xf32, #tpu.memory_space<vmem>>, vector<1x16xf32>,
      %get3A_808 = vector.shape_cast %get3A_807 : vector<1x16xf32> to vector<16xf32>
      %add3A_809 = arith.addf %add3A_800, %get3A_808 : vector<16xf32>
      %scan3A_810 = arith.constant 5 : i32
      %scan3A_811 = arith.addi %scan3A_766, %scan3A_810 : i32
      %add3A_812 = arith.constant 200 : i32
      %add3A_813 = arith.addi %add3A_812, %scan3A_811 : i32
      %get3A_814 = arith.index_cast %add3A_813 : i32 to index
      %get3A_815 = arith.constant 0 : index
      %get3A_816 = tpu.vector_load %arg6[%get3A_814, %get3A_815] {strides = array<i32>} : memref<1600x16xf32, #tpu.memory_space<vmem>>, vector<1x16xf32>,
      %get3A_817 = vector.shape_cast %get3A_816 : vector<1x16xf32> to vector<16xf32>
      %add3A_818 = arith.addf %add3A_809, %get3A_817 : vector<16xf32>
      %scan3A_819 = arith.constant 6 : i32
      %scan3A_820 = arith.addi %scan3A_766, %scan3A_819 : i32
      %add3A_821 = arith.constant 200 : i32
      %add3A_822 = arith.addi %add3A_821, %scan3A_820 : i32
      %get3A_823 = arith.index_cast %add3A_822 : i32 to index
      %get3A_824 = arith.constant 0 : index
      %get3A_825 = tpu.vector_load %arg6[%get3A_823, %get3A_824] {strides = array<i32>} : memref<1600x16xf32, #tpu.memory_space<vmem>>, vector<1x16xf32>,
      %get3A_826 = vector.shape_cast %get3A_825 : vector<1x16xf32> to vector<16xf32>
      %add3A_827 = arith.addf %add3A_818, %get3A_826 : vector<16xf32>
      %scan3A_828 = arith.constant 7 : i32
      %scan3A_829 = arith.addi %scan3A_766, %scan3A_828 : i32
      %add3A_830 = arith.constant 200 : i32
      %add3A_831 = arith.addi %add3A_830, %scan3A_829 : i32
      %get3A_832 = arith.index_cast %add3A_831 : i32 to index
      %get3A_833 = arith.constant 0 : index
      %get3A_834 = tpu.vector_load %arg6[%get3A_832, %get3A_833] {strides = array<i32>} : memref<1600x16xf32, #tpu.memory_space<vmem>>, vector<1x16xf32>,
      %get3A_835 = vector.shape_cast %get3A_834 : vector<1x16xf32> to vector<16xf32>
      %add3A_836 = arith.addf %add3A_827, %get3A_835 : vector<16xf32>
      %scan3A_837 = arith.constant 8 : i32
      %scan3A_838 = arith.addi %scan3A_766, %scan3A_837 : i32
      %add3A_839 = arith.constant 200 : i32
      %add3A_840 = arith.addi %add3A_839, %scan3A_838 : i32
      %get3A_841 = arith.index_cast %add3A_840 : i32 to index
      %get3A_842 = arith.constant 0 : index
      %get3A_843 = tpu.vector_load %arg6[%get3A_841, %get3A_842] {strides = array<i32>} : memref<1600x16xf32, #tpu.memory_space<vmem>>, vector<1x16xf32>,
      %get3A_844 = vector.shape_cast %get3A_843 : vector<1x16xf32> to vector<16xf32>
      %add3A_845 = arith.addf %add3A_836, %get3A_844 : vector<16xf32>
      %scan3A_846 = arith.constant 9 : i32
      %scan3A_847 = arith.addi %scan3A_766, %scan3A_846 : i32
      %add3A_848 = arith.constant 200 : i32
      %add3A_849 = arith.addi %add3A_848, %scan3A_847 : i32
      %get3A_850 = arith.index_cast %add3A_849 : i32 to index
      %get3A_851 = arith.constant 0 : index
      %get3A_852 = tpu.vector_load %arg6[%get3A_850, %get3A_851] {strides = array<i32>} : memref<1600x16xf32, #tpu.memory_space<vmem>>, vector<1x16xf32>,
      %get3A_853 = vector.shape_cast %get3A_852 : vector<1x16xf32> to vector<16xf32>
      %add3A_854 = arith.addf %add3A_845, %get3A_853 : vector<16xf32>
      scf.yield %add3A_854 : vector<16xf32>
    }
    %scan3A_379 = arith.constant 50 : i32
    %swap3A_380 = arith.constant 4 : i32
    %swap3A_381 = arith.index_cast %swap3A_380 : i32 to index
    %swap3A_382 = arith.constant 0 : index
    %swap3A_383 = tpu.vector_load %arg7[%swap3A_381, %swap3A_382] {strides = array<i32>} : memref<32x16xf32, #tpu.memory_space<vmem>>, vector<1x16xf32>,
    %swap3A_384 = vector.shape_cast %swap3A_383 : vector<1x16xf32> to vector<16xf32>
    %swap3A_385 = vector.shape_cast %scan3A_378 : vector<16xf32> to vector<1x16xf32>
    tpu.vector_store %arg7[%swap3A_381, %swap3A_382], %swap3A_385 {strides = array<i32>} : memref<32x16xf32, #tpu.memory_space<vmem>>, vector<1x16xf32>,
    %broadcast_in_dim3A_386 = arith.constant 0.000000e+00 : f32
    %broadcast_in_dim3A_387 = vector.broadcast %broadcast_in_dim3A_386 : f32 to vector<16xf32>
    %scan3A_388 = arith.constant 0 : i32
    %scan3A_389 = arith.constant 50 : i32
    %scan3A_390 = arith.addi %scan3A_388, %scan3A_389 : i32
    %scan3A_391 = arith.constant 10 : i32
    %scan3A_392 = scf.for %scan3A_766 = %scan3A_388 to %scan3A_390 step %scan3A_391 iter_args(%scan3A_767 = %broadcast_in_dim3A_387) -> (vector<16xf32>)  : i32 {
      %add3A_768 = arith.constant 250 : i32
      %add3A_769 = arith.addi %add3A_768, %scan3A_766 : i32
      %get3A = arith.index_cast %add3A_769 : i32 to index
      %get3A_770 = arith.constant 0 : index
      %get3A_771 = tpu.vector_load %arg6[%get3A, %get3A_770] {strides = array<i32>} : memref<1600x16xf32, #tpu.memory_space<vmem>>, vector<1x16xf32>,
      %get3A_772 = vector.shape_cast %get3A_771 : vector<1x16xf32> to vector<16xf32>
      %add3A_773 = arith.addf %scan3A_767, %get3A_772 : vector<16xf32>
      %scan3A_774 = arith.constant 1 : i32
      %scan3A_775 = arith.addi %scan3A_766, %scan3A_774 : i32
      %add3A_776 = arith.constant 250 : i32
      %add3A_777 = arith.addi %add3A_776, %scan3A_775 : i32
      %get3A_778 = arith.index_cast %add3A_777 : i32 to index
      %get3A_779 = arith.constant 0 : index
      %get3A_780 = tpu.vector_load %arg6[%get3A_778, %get3A_779] {strides = array<i32>} : memref<1600x16xf32, #tpu.memory_space<vmem>>, vector<1x16xf32>,
      %get3A_781 = vector.shape_cast %get3A_780 : vector<1x16xf32> to vector<16xf32>
      %add3A_782 = arith.addf %add3A_773, %get3A_781 : vector<16xf32>
      %scan3A_783 = arith.constant 2 : i32
      %scan3A_784 = arith.addi %scan3A_766, %scan3A_783 : i32
      %add3A_785 = arith.constant 250 : i32
      %add3A_786 = arith.addi %add3A_785, %scan3A_784 : i32
      %get3A_787 = arith.index_cast %add3A_786 : i32 to index
      %get3A_788 = arith.constant 0 : index
      %get3A_789 = tpu.vector_load %arg6[%get3A_787, %get3A_788] {strides = array<i32>} : memref<1600x16xf32, #tpu.memory_space<vmem>>, vector<1x16xf32>,
      %get3A_790 = vector.shape_cast %get3A_789 : vector<1x16xf32> to vector<16xf32>
      %add3A_791 = arith.addf %add3A_782, %get3A_790 : vector<16xf32>
      %scan3A_792 = arith.constant 3 : i32
      %scan3A_793 = arith.addi %scan3A_766, %scan3A_792 : i32
      %add3A_794 = arith.constant 250 : i32
      %add3A_795 = arith.addi %add3A_794, %scan3A_793 : i32
      %get3A_796 = arith.index_cast %add3A_795 : i32 to index
      %get3A_797 = arith.constant 0 : index
      %get3A_798 = tpu.vector_load %arg6[%get3A_796, %get3A_797] {strides = array<i32>} : memref<1600x16xf32, #tpu.memory_space<vmem>>, vector<1x16xf32>,
      %get3A_799 = vector.shape_cast %get3A_798 : vector<1x16xf32> to vector<16xf32>
      %add3A_800 = arith.addf %add3A_791, %get3A_799 : vector<16xf32>
      %scan3A_801 = arith.constant 4 : i32
      %scan3A_802 = arith.addi %scan3A_766, %scan3A_801 : i32
      %add3A_803 = arith.constant 250 : i32
      %add3A_804 = arith.addi %add3A_803, %scan3A_802 : i32
      %get3A_805 = arith.index_cast %add3A_804 : i32 to index
      %get3A_806 = arith.constant 0 : index
      %get3A_807 = tpu.vector_load %arg6[%get3A_805, %get3A_806] {strides = array<i32>} : memref<1600x16xf32, #tpu.memory_space<vmem>>, vector<1x16xf32>,
      %get3A_808 = vector.shape_cast %get3A_807 : vector<1x16xf32> to vector<16xf32>
      %add3A_809 = arith.addf %add3A_800, %get3A_808 : vector<16xf32>
      %scan3A_810 = arith.constant 5 : i32
      %scan3A_811 = arith.addi %scan3A_766, %scan3A_810 : i32
      %add3A_812 = arith.constant 250 : i32
      %add3A_813 = arith.addi %add3A_812, %scan3A_811 : i32
      %get3A_814 = arith.index_cast %add3A_813 : i32 to index
      %get3A_815 = arith.constant 0 : index
      %get3A_816 = tpu.vector_load %arg6[%get3A_814, %get3A_815] {strides = array<i32>} : memref<1600x16xf32, #tpu.memory_space<vmem>>, vector<1x16xf32>,
      %get3A_817 = vector.shape_cast %get3A_816 : vector<1x16xf32> to vector<16xf32>
      %add3A_818 = arith.addf %add3A_809, %get3A_817 : vector<16xf32>
      %scan3A_819 = arith.constant 6 : i32
      %scan3A_820 = arith.addi %scan3A_766, %scan3A_819 : i32
      %add3A_821 = arith.constant 250 : i32
      %add3A_822 = arith.addi %add3A_821, %scan3A_820 : i32
      %get3A_823 = arith.index_cast %add3A_822 : i32 to index
      %get3A_824 = arith.constant 0 : index
      %get3A_825 = tpu.vector_load %arg6[%get3A_823, %get3A_824] {strides = array<i32>} : memref<1600x16xf32, #tpu.memory_space<vmem>>, vector<1x16xf32>,
      %get3A_826 = vector.shape_cast %get3A_825 : vector<1x16xf32> to vector<16xf32>
      %add3A_827 = arith.addf %add3A_818, %get3A_826 : vector<16xf32>
      %scan3A_828 = arith.constant 7 : i32
      %scan3A_829 = arith.addi %scan3A_766, %scan3A_828 : i32
      %add3A_830 = arith.constant 250 : i32
      %add3A_831 = arith.addi %add3A_830, %scan3A_829 : i32
      %get3A_832 = arith.index_cast %add3A_831 : i32 to index
      %get3A_833 = arith.constant 0 : index
      %get3A_834 = tpu.vector_load %arg6[%get3A_832, %get3A_833] {strides = array<i32>} : memref<1600x16xf32, #tpu.memory_space<vmem>>, vector<1x16xf32>,
      %get3A_835 = vector.shape_cast %get3A_834 : vector<1x16xf32> to vector<16xf32>
      %add3A_836 = arith.addf %add3A_827, %get3A_835 : vector<16xf32>
      %scan3A_837 = arith.constant 8 : i32
      %scan3A_838 = arith.addi %scan3A_766, %scan3A_837 : i32
      %add3A_839 = arith.constant 250 : i32
      %add3A_840 = arith.addi %add3A_839, %scan3A_838 : i32
      %get3A_841 = arith.index_cast %add3A_840 : i32 to index
      %get3A_842 = arith.constant 0 : index
      %get3A_843 = tpu.vector_load %arg6[%get3A_841, %get3A_842] {strides = array<i32>} : memref<1600x16xf32, #tpu.memory_space<vmem>>, vector<1x16xf32>,
      %get3A_844 = vector.shape_cast %get3A_843 : vector<1x16xf32> to vector<16xf32>
      %add3A_845 = arith.addf %add3A_836, %get3A_844 : vector<16xf32>
      %scan3A_846 = arith.constant 9 : i32
      %scan3A_847 = arith.addi %scan3A_766, %scan3A_846 : i32
      %add3A_848 = arith.constant 250 : i32
      %add3A_849 = arith.addi %add3A_848, %scan3A_847 : i32
      %get3A_850 = arith.index_cast %add3A_849 : i32 to index
      %get3A_851 = arith.constant 0 : index
      %get3A_852 = tpu.vector_load %arg6[%get3A_850, %get3A_851] {strides = array<i32>} : memref<1600x16xf32, #tpu.memory_space<vmem>>, vector<1x16xf32>,
      %get3A_853 = vector.shape_cast %get3A_852 : vector<1x16xf32> to vector<16xf32>
      %add3A_854 = arith.addf %add3A_845, %get3A_853 : vector<16xf32>
      scf.yield %add3A_854 : vector<16xf32>
    }
    %scan3A_393 = arith.constant 50 : i32
    %swap3A_394 = arith.constant 5 : i32
    %swap3A_395 = arith.index_cast %swap3A_394 : i32 to index
    %swap3A_396 = arith.constant 0 : index
    %swap3A_397 = tpu.vector_load %arg7[%swap3A_395, %swap3A_396] {strides = array<i32>} : memref<32x16xf32, #tpu.memory_space<vmem>>, vector<1x16xf32>,
    %swap3A_398 = vector.shape_cast %swap3A_397 : vector<1x16xf32> to vector<16xf32>
    %swap3A_399 = vector.shape_cast %scan3A_392 : vector<16xf32> to vector<1x16xf32>
    tpu.vector_store %arg7[%swap3A_395, %swap3A_396], %swap3A_399 {strides = array<i32>} : memref<32x16xf32, #tpu.memory_space<vmem>>, vector<1x16xf32>,
    %broadcast_in_dim3A_400 = arith.constant 0.000000e+00 : f32
    %broadcast_in_dim3A_401 = vector.broadcast %broadcast_in_dim3A_400 : f32 to vector<16xf32>
    %scan3A_402 = arith.constant 0 : i32
    %scan3A_403 = arith.constant 50 : i32
    %scan3A_404 = arith.addi %scan3A_402, %scan3A_403 : i32
    %scan3A_405 = arith.constant 10 : i32
    %scan3A_406 = scf.for %scan3A_766 = %scan3A_402 to %scan3A_404 step %scan3A_405 iter_args(%scan3A_767 = %broadcast_in_dim3A_401) -> (vector<16xf32>)  : i32 {
      %add3A_768 = arith.constant 300 : i32
      %add3A_769 = arith.addi %add3A_768, %scan3A_766 : i32
      %get3A = arith.index_cast %add3A_769 : i32 to index
      %get3A_770 = arith.constant 0 : index
      %get3A_771 = tpu.vector_load %arg6[%get3A, %get3A_770] {strides = array<i32>} : memref<1600x16xf32, #tpu.memory_space<vmem>>, vector<1x16xf32>,
      %get3A_772 = vector.shape_cast %get3A_771 : vector<1x16xf32> to vector<16xf32>
      %add3A_773 = arith.addf %scan3A_767, %get3A_772 : vector<16xf32>
      %scan3A_774 = arith.constant 1 : i32
      %scan3A_775 = arith.addi %scan3A_766, %scan3A_774 : i32
      %add3A_776 = arith.constant 300 : i32
      %add3A_777 = arith.addi %add3A_776, %scan3A_775 : i32
      %get3A_778 = arith.index_cast %add3A_777 : i32 to index
      %get3A_779 = arith.constant 0 : index
      %get3A_780 = tpu.vector_load %arg6[%get3A_778, %get3A_779] {strides = array<i32>} : memref<1600x16xf32, #tpu.memory_space<vmem>>, vector<1x16xf32>,
      %get3A_781 = vector.shape_cast %get3A_780 : vector<1x16xf32> to vector<16xf32>
      %add3A_782 = arith.addf %add3A_773, %get3A_781 : vector<16xf32>
      %scan3A_783 = arith.constant 2 : i32
      %scan3A_784 = arith.addi %scan3A_766, %scan3A_783 : i32
      %add3A_785 = arith.constant 300 : i32
      %add3A_786 = arith.addi %add3A_785, %scan3A_784 : i32
      %get3A_787 = arith.index_cast %add3A_786 : i32 to index
      %get3A_788 = arith.constant 0 : index
      %get3A_789 = tpu.vector_load %arg6[%get3A_787, %get3A_788] {strides = array<i32>} : memref<1600x16xf32, #tpu.memory_space<vmem>>, vector<1x16xf32>,
      %get3A_790 = vector.shape_cast %get3A_789 : vector<1x16xf32> to vector<16xf32>
      %add3A_791 = arith.addf %add3A_782, %get3A_790 : vector<16xf32>
      %scan3A_792 = arith.constant 3 : i32
      %scan3A_793 = arith.addi %scan3A_766, %scan3A_792 : i32
      %add3A_794 = arith.constant 300 : i32
      %add3A_795 = arith.addi %add3A_794, %scan3A_793 : i32
      %get3A_796 = arith.index_cast %add3A_795 : i32 to index
      %get3A_797 = arith.constant 0 : index
      %get3A_798 = tpu.vector_load %arg6[%get3A_796, %get3A_797] {strides = array<i32>} : memref<1600x16xf32, #tpu.memory_space<vmem>>, vector<1x16xf32>,
      %get3A_799 = vector.shape_cast %get3A_798 : vector<1x16xf32> to vector<16xf32>
      %add3A_800 = arith.addf %add3A_791, %get3A_799 : vector<16xf32>
      %scan3A_801 = arith.constant 4 : i32
      %scan3A_802 = arith.addi %scan3A_766, %scan3A_801 : i32
      %add3A_803 = arith.constant 300 : i32
      %add3A_804 = arith.addi %add3A_803, %scan3A_802 : i32
      %get3A_805 = arith.index_cast %add3A_804 : i32 to index
      %get3A_806 = arith.constant 0 : index
      %get3A_807 = tpu.vector_load %arg6[%get3A_805, %get3A_806] {strides = array<i32>} : memref<1600x16xf32, #tpu.memory_space<vmem>>, vector<1x16xf32>,
      %get3A_808 = vector.shape_cast %get3A_807 : vector<1x16xf32> to vector<16xf32>
      %add3A_809 = arith.addf %add3A_800, %get3A_808 : vector<16xf32>
      %scan3A_810 = arith.constant 5 : i32
      %scan3A_811 = arith.addi %scan3A_766, %scan3A_810 : i32
      %add3A_812 = arith.constant 300 : i32
      %add3A_813 = arith.addi %add3A_812, %scan3A_811 : i32
      %get3A_814 = arith.index_cast %add3A_813 : i32 to index
      %get3A_815 = arith.constant 0 : index
      %get3A_816 = tpu.vector_load %arg6[%get3A_814, %get3A_815] {strides = array<i32>} : memref<1600x16xf32, #tpu.memory_space<vmem>>, vector<1x16xf32>,
      %get3A_817 = vector.shape_cast %get3A_816 : vector<1x16xf32> to vector<16xf32>
      %add3A_818 = arith.addf %add3A_809, %get3A_817 : vector<16xf32>
      %scan3A_819 = arith.constant 6 : i32
      %scan3A_820 = arith.addi %scan3A_766, %scan3A_819 : i32
      %add3A_821 = arith.constant 300 : i32
      %add3A_822 = arith.addi %add3A_821, %scan3A_820 : i32
      %get3A_823 = arith.index_cast %add3A_822 : i32 to index
      %get3A_824 = arith.constant 0 : index
      %get3A_825 = tpu.vector_load %arg6[%get3A_823, %get3A_824] {strides = array<i32>} : memref<1600x16xf32, #tpu.memory_space<vmem>>, vector<1x16xf32>,
      %get3A_826 = vector.shape_cast %get3A_825 : vector<1x16xf32> to vector<16xf32>
      %add3A_827 = arith.addf %add3A_818, %get3A_826 : vector<16xf32>
      %scan3A_828 = arith.constant 7 : i32
      %scan3A_829 = arith.addi %scan3A_766, %scan3A_828 : i32
      %add3A_830 = arith.constant 300 : i32
      %add3A_831 = arith.addi %add3A_830, %scan3A_829 : i32
      %get3A_832 = arith.index_cast %add3A_831 : i32 to index
      %get3A_833 = arith.constant 0 : index
      %get3A_834 = tpu.vector_load %arg6[%get3A_832, %get3A_833] {strides = array<i32>} : memref<1600x16xf32, #tpu.memory_space<vmem>>, vector<1x16xf32>,
      %get3A_835 = vector.shape_cast %get3A_834 : vector<1x16xf32> to vector<16xf32>
      %add3A_836 = arith.addf %add3A_827, %get3A_835 : vector<16xf32>
      %scan3A_837 = arith.constant 8 : i32
      %scan3A_838 = arith.addi %scan3A_766, %scan3A_837 : i32
      %add3A_839 = arith.constant 300 : i32
      %add3A_840 = arith.addi %add3A_839, %scan3A_838 : i32
      %get3A_841 = arith.index_cast %add3A_840 : i32 to index
      %get3A_842 = arith.constant 0 : index
      %get3A_843 = tpu.vector_load %arg6[%get3A_841, %get3A_842] {strides = array<i32>} : memref<1600x16xf32, #tpu.memory_space<vmem>>, vector<1x16xf32>,
      %get3A_844 = vector.shape_cast %get3A_843 : vector<1x16xf32> to vector<16xf32>
      %add3A_845 = arith.addf %add3A_836, %get3A_844 : vector<16xf32>
      %scan3A_846 = arith.constant 9 : i32
      %scan3A_847 = arith.addi %scan3A_766, %scan3A_846 : i32
      %add3A_848 = arith.constant 300 : i32
      %add3A_849 = arith.addi %add3A_848, %scan3A_847 : i32
      %get3A_850 = arith.index_cast %add3A_849 : i32 to index
      %get3A_851 = arith.constant 0 : index
      %get3A_852 = tpu.vector_load %arg6[%get3A_850, %get3A_851] {strides = array<i32>} : memref<1600x16xf32, #tpu.memory_space<vmem>>, vector<1x16xf32>,
      %get3A_853 = vector.shape_cast %get3A_852 : vector<1x16xf32> to vector<16xf32>
      %add3A_854 = arith.addf %add3A_845, %get3A_853 : vector<16xf32>
      scf.yield %add3A_854 : vector<16xf32>
    }
    %scan3A_407 = arith.constant 50 : i32
    %swap3A_408 = arith.constant 6 : i32
    %swap3A_409 = arith.index_cast %swap3A_408 : i32 to index
    %swap3A_410 = arith.constant 0 : index
    %swap3A_411 = tpu.vector_load %arg7[%swap3A_409, %swap3A_410] {strides = array<i32>} : memref<32x16xf32, #tpu.memory_space<vmem>>, vector<1x16xf32>,
    %swap3A_412 = vector.shape_cast %swap3A_411 : vector<1x16xf32> to vector<16xf32>
    %swap3A_413 = vector.shape_cast %scan3A_406 : vector<16xf32> to vector<1x16xf32>
    tpu.vector_store %arg7[%swap3A_409, %swap3A_410], %swap3A_413 {strides = array<i32>} : memref<32x16xf32, #tpu.memory_space<vmem>>, vector<1x16xf32>,
    %broadcast_in_dim3A_414 = arith.constant 0.000000e+00 : f32
    %broadcast_in_dim3A_415 = vector.broadcast %broadcast_in_dim3A_414 : f32 to vector<16xf32>
    %scan3A_416 = arith.constant 0 : i32
    %scan3A_417 = arith.constant 50 : i32
    %scan3A_418 = arith.addi %scan3A_416, %scan3A_417 : i32
    %scan3A_419 = arith.constant 10 : i32
    %scan3A_420 = scf.for %scan3A_766 = %scan3A_416 to %scan3A_418 step %scan3A_419 iter_args(%scan3A_767 = %broadcast_in_dim3A_415) -> (vector<16xf32>)  : i32 {
      %add3A_768 = arith.constant 350 : i32
      %add3A_769 = arith.addi %add3A_768, %scan3A_766 : i32
      %get3A = arith.index_cast %add3A_769 : i32 to index
      %get3A_770 = arith.constant 0 : index
      %get3A_771 = tpu.vector_load %arg6[%get3A, %get3A_770] {strides = array<i32>} : memref<1600x16xf32, #tpu.memory_space<vmem>>, vector<1x16xf32>,
      %get3A_772 = vector.shape_cast %get3A_771 : vector<1x16xf32> to vector<16xf32>
      %add3A_773 = arith.addf %scan3A_767, %get3A_772 : vector<16xf32>
      %scan3A_774 = arith.constant 1 : i32
      %scan3A_775 = arith.addi %scan3A_766, %scan3A_774 : i32
      %add3A_776 = arith.constant 350 : i32
      %add3A_777 = arith.addi %add3A_776, %scan3A_775 : i32
      %get3A_778 = arith.index_cast %add3A_777 : i32 to index
      %get3A_779 = arith.constant 0 : index
      %get3A_780 = tpu.vector_load %arg6[%get3A_778, %get3A_779] {strides = array<i32>} : memref<1600x16xf32, #tpu.memory_space<vmem>>, vector<1x16xf32>,
      %get3A_781 = vector.shape_cast %get3A_780 : vector<1x16xf32> to vector<16xf32>
      %add3A_782 = arith.addf %add3A_773, %get3A_781 : vector<16xf32>
      %scan3A_783 = arith.constant 2 : i32
      %scan3A_784 = arith.addi %scan3A_766, %scan3A_783 : i32
      %add3A_785 = arith.constant 350 : i32
      %add3A_786 = arith.addi %add3A_785, %scan3A_784 : i32
      %get3A_787 = arith.index_cast %add3A_786 : i32 to index
      %get3A_788 = arith.constant 0 : index
      %get3A_789 = tpu.vector_load %arg6[%get3A_787, %get3A_788] {strides = array<i32>} : memref<1600x16xf32, #tpu.memory_space<vmem>>, vector<1x16xf32>,
      %get3A_790 = vector.shape_cast %get3A_789 : vector<1x16xf32> to vector<16xf32>
      %add3A_791 = arith.addf %add3A_782, %get3A_790 : vector<16xf32>
      %scan3A_792 = arith.constant 3 : i32
      %scan3A_793 = arith.addi %scan3A_766, %scan3A_792 : i32
      %add3A_794 = arith.constant 350 : i32
      %add3A_795 = arith.addi %add3A_794, %scan3A_793 : i32
      %get3A_796 = arith.index_cast %add3A_795 : i32 to index
      %get3A_797 = arith.constant 0 : index
      %get3A_798 = tpu.vector_load %arg6[%get3A_796, %get3A_797] {strides = array<i32>} : memref<1600x16xf32, #tpu.memory_space<vmem>>, vector<1x16xf32>,
      %get3A_799 = vector.shape_cast %get3A_798 : vector<1x16xf32> to vector<16xf32>
      %add3A_800 = arith.addf %add3A_791, %get3A_799 : vector<16xf32>
      %scan3A_801 = arith.constant 4 : i32
      %scan3A_802 = arith.addi %scan3A_766, %scan3A_801 : i32
      %add3A_803 = arith.constant 350 : i32
      %add3A_804 = arith.addi %add3A_803, %scan3A_802 : i32
      %get3A_805 = arith.index_cast %add3A_804 : i32 to index
      %get3A_806 = arith.constant 0 : index
      %get3A_807 = tpu.vector_load %arg6[%get3A_805, %get3A_806] {strides = array<i32>} : memref<1600x16xf32, #tpu.memory_space<vmem>>, vector<1x16xf32>,
      %get3A_808 = vector.shape_cast %get3A_807 : vector<1x16xf32> to vector<16xf32>
      %add3A_809 = arith.addf %add3A_800, %get3A_808 : vector<16xf32>
      %scan3A_810 = arith.constant 5 : i32
      %scan3A_811 = arith.addi %scan3A_766, %scan3A_810 : i32
      %add3A_812 = arith.constant 350 : i32
      %add3A_813 = arith.addi %add3A_812, %scan3A_811 : i32
      %get3A_814 = arith.index_cast %add3A_813 : i32 to index
      %get3A_815 = arith.constant 0 : index
      %get3A_816 = tpu.vector_load %arg6[%get3A_814, %get3A_815] {strides = array<i32>} : memref<1600x16xf32, #tpu.memory_space<vmem>>, vector<1x16xf32>,
      %get3A_817 = vector.shape_cast %get3A_816 : vector<1x16xf32> to vector<16xf32>
      %add3A_818 = arith.addf %add3A_809, %get3A_817 : vector<16xf32>
      %scan3A_819 = arith.constant 6 : i32
      %scan3A_820 = arith.addi %scan3A_766, %scan3A_819 : i32
      %add3A_821 = arith.constant 350 : i32
      %add3A_822 = arith.addi %add3A_821, %scan3A_820 : i32
      %get3A_823 = arith.index_cast %add3A_822 : i32 to index
      %get3A_824 = arith.constant 0 : index
      %get3A_825 = tpu.vector_load %arg6[%get3A_823, %get3A_824] {strides = array<i32>} : memref<1600x16xf32, #tpu.memory_space<vmem>>, vector<1x16xf32>,
      %get3A_826 = vector.shape_cast %get3A_825 : vector<1x16xf32> to vector<16xf32>
      %add3A_827 = arith.addf %add3A_818, %get3A_826 : vector<16xf32>
      %scan3A_828 = arith.constant 7 : i32
      %scan3A_829 = arith.addi %scan3A_766, %scan3A_828 : i32
      %add3A_830 = arith.constant 350 : i32
      %add3A_831 = arith.addi %add3A_830, %scan3A_829 : i32
      %get3A_832 = arith.index_cast %add3A_831 : i32 to index
      %get3A_833 = arith.constant 0 : index
      %get3A_834 = tpu.vector_load %arg6[%get3A_832, %get3A_833] {strides = array<i32>} : memref<1600x16xf32, #tpu.memory_space<vmem>>, vector<1x16xf32>,
      %get3A_835 = vector.shape_cast %get3A_834 : vector<1x16xf32> to vector<16xf32>
      %add3A_836 = arith.addf %add3A_827, %get3A_835 : vector<16xf32>
      %scan3A_837 = arith.constant 8 : i32
      %scan3A_838 = arith.addi %scan3A_766, %scan3A_837 : i32
      %add3A_839 = arith.constant 350 : i32
      %add3A_840 = arith.addi %add3A_839, %scan3A_838 : i32
      %get3A_841 = arith.index_cast %add3A_840 : i32 to index
      %get3A_842 = arith.constant 0 : index
      %get3A_843 = tpu.vector_load %arg6[%get3A_841, %get3A_842] {strides = array<i32>} : memref<1600x16xf32, #tpu.memory_space<vmem>>, vector<1x16xf32>,
      %get3A_844 = vector.shape_cast %get3A_843 : vector<1x16xf32> to vector<16xf32>
      %add3A_845 = arith.addf %add3A_836, %get3A_844 : vector<16xf32>
      %scan3A_846 = arith.constant 9 : i32
      %scan3A_847 = arith.addi %scan3A_766, %scan3A_846 : i32
      %add3A_848 = arith.constant 350 : i32
      %add3A_849 = arith.addi %add3A_848, %scan3A_847 : i32
      %get3A_850 = arith.index_cast %add3A_849 : i32 to index
      %get3A_851 = arith.constant 0 : index
      %get3A_852 = tpu.vector_load %arg6[%get3A_850, %get3A_851] {strides = array<i32>} : memref<1600x16xf32, #tpu.memory_space<vmem>>, vector<1x16xf32>,
      %get3A_853 = vector.shape_cast %get3A_852 : vector<1x16xf32> to vector<16xf32>
      %add3A_854 = arith.addf %add3A_845, %get3A_853 : vector<16xf32>
      scf.yield %add3A_854 : vector<16xf32>
    }
    %scan3A_421 = arith.constant 50 : i32
    %swap3A_422 = arith.constant 7 : i32
    %swap3A_423 = arith.index_cast %swap3A_422 : i32 to index
    %swap3A_424 = arith.constant 0 : index
    %swap3A_425 = tpu.vector_load %arg7[%swap3A_423, %swap3A_424] {strides = array<i32>} : memref<32x16xf32, #tpu.memory_space<vmem>>, vector<1x16xf32>,
    %swap3A_426 = vector.shape_cast %swap3A_425 : vector<1x16xf32> to vector<16xf32>
    %swap3A_427 = vector.shape_cast %scan3A_420 : vector<16xf32> to vector<1x16xf32>
    tpu.vector_store %arg7[%swap3A_423, %swap3A_424], %swap3A_427 {strides = array<i32>} : memref<32x16xf32, #tpu.memory_space<vmem>>, vector<1x16xf32>,
    %broadcast_in_dim3A_428 = arith.constant 0.000000e+00 : f32
    %broadcast_in_dim3A_429 = vector.broadcast %broadcast_in_dim3A_428 : f32 to vector<16xf32>
    %scan3A_430 = arith.constant 0 : i32
    %scan3A_431 = arith.constant 50 : i32
    %scan3A_432 = arith.addi %scan3A_430, %scan3A_431 : i32
    %scan3A_433 = arith.constant 10 : i32
    %scan3A_434 = scf.for %scan3A_766 = %scan3A_430 to %scan3A_432 step %scan3A_433 iter_args(%scan3A_767 = %broadcast_in_dim3A_429) -> (vector<16xf32>)  : i32 {
      %add3A_768 = arith.constant 400 : i32
      %add3A_769 = arith.addi %add3A_768, %scan3A_766 : i32
      %get3A = arith.index_cast %add3A_769 : i32 to index
      %get3A_770 = arith.constant 0 : index
      %get3A_771 = tpu.vector_load %arg6[%get3A, %get3A_770] {strides = array<i32>} : memref<1600x16xf32, #tpu.memory_space<vmem>>, vector<1x16xf32>,
      %get3A_772 = vector.shape_cast %get3A_771 : vector<1x16xf32> to vector<16xf32>
      %add3A_773 = arith.addf %scan3A_767, %get3A_772 : vector<16xf32>
      %scan3A_774 = arith.constant 1 : i32
      %scan3A_775 = arith.addi %scan3A_766, %scan3A_774 : i32
      %add3A_776 = arith.constant 400 : i32
      %add3A_777 = arith.addi %add3A_776, %scan3A_775 : i32
      %get3A_778 = arith.index_cast %add3A_777 : i32 to index
      %get3A_779 = arith.constant 0 : index
      %get3A_780 = tpu.vector_load %arg6[%get3A_778, %get3A_779] {strides = array<i32>} : memref<1600x16xf32, #tpu.memory_space<vmem>>, vector<1x16xf32>,
      %get3A_781 = vector.shape_cast %get3A_780 : vector<1x16xf32> to vector<16xf32>
      %add3A_782 = arith.addf %add3A_773, %get3A_781 : vector<16xf32>
      %scan3A_783 = arith.constant 2 : i32
      %scan3A_784 = arith.addi %scan3A_766, %scan3A_783 : i32
      %add3A_785 = arith.constant 400 : i32
      %add3A_786 = arith.addi %add3A_785, %scan3A_784 : i32
      %get3A_787 = arith.index_cast %add3A_786 : i32 to index
      %get3A_788 = arith.constant 0 : index
      %get3A_789 = tpu.vector_load %arg6[%get3A_787, %get3A_788] {strides = array<i32>} : memref<1600x16xf32, #tpu.memory_space<vmem>>, vector<1x16xf32>,
      %get3A_790 = vector.shape_cast %get3A_789 : vector<1x16xf32> to vector<16xf32>
      %add3A_791 = arith.addf %add3A_782, %get3A_790 : vector<16xf32>
      %scan3A_792 = arith.constant 3 : i32
      %scan3A_793 = arith.addi %scan3A_766, %scan3A_792 : i32
      %add3A_794 = arith.constant 400 : i32
      %add3A_795 = arith.addi %add3A_794, %scan3A_793 : i32
      %get3A_796 = arith.index_cast %add3A_795 : i32 to index
      %get3A_797 = arith.constant 0 : index
      %get3A_798 = tpu.vector_load %arg6[%get3A_796, %get3A_797] {strides = array<i32>} : memref<1600x16xf32, #tpu.memory_space<vmem>>, vector<1x16xf32>,
      %get3A_799 = vector.shape_cast %get3A_798 : vector<1x16xf32> to vector<16xf32>
      %add3A_800 = arith.addf %add3A_791, %get3A_799 : vector<16xf32>
      %scan3A_801 = arith.constant 4 : i32
      %scan3A_802 = arith.addi %scan3A_766, %scan3A_801 : i32
      %add3A_803 = arith.constant 400 : i32
      %add3A_804 = arith.addi %add3A_803, %scan3A_802 : i32
      %get3A_805 = arith.index_cast %add3A_804 : i32 to index
      %get3A_806 = arith.constant 0 : index
      %get3A_807 = tpu.vector_load %arg6[%get3A_805, %get3A_806] {strides = array<i32>} : memref<1600x16xf32, #tpu.memory_space<vmem>>, vector<1x16xf32>,
      %get3A_808 = vector.shape_cast %get3A_807 : vector<1x16xf32> to vector<16xf32>
      %add3A_809 = arith.addf %add3A_800, %get3A_808 : vector<16xf32>
      %scan3A_810 = arith.constant 5 : i32
      %scan3A_811 = arith.addi %scan3A_766, %scan3A_810 : i32
      %add3A_812 = arith.constant 400 : i32
      %add3A_813 = arith.addi %add3A_812, %scan3A_811 : i32
      %get3A_814 = arith.index_cast %add3A_813 : i32 to index
      %get3A_815 = arith.constant 0 : index
      %get3A_816 = tpu.vector_load %arg6[%get3A_814, %get3A_815] {strides = array<i32>} : memref<1600x16xf32, #tpu.memory_space<vmem>>, vector<1x16xf32>,
      %get3A_817 = vector.shape_cast %get3A_816 : vector<1x16xf32> to vector<16xf32>
      %add3A_818 = arith.addf %add3A_809, %get3A_817 : vector<16xf32>
      %scan3A_819 = arith.constant 6 : i32
      %scan3A_820 = arith.addi %scan3A_766, %scan3A_819 : i32
      %add3A_821 = arith.constant 400 : i32
      %add3A_822 = arith.addi %add3A_821, %scan3A_820 : i32
      %get3A_823 = arith.index_cast %add3A_822 : i32 to index
      %get3A_824 = arith.constant 0 : index
      %get3A_825 = tpu.vector_load %arg6[%get3A_823, %get3A_824] {strides = array<i32>} : memref<1600x16xf32, #tpu.memory_space<vmem>>, vector<1x16xf32>,
      %get3A_826 = vector.shape_cast %get3A_825 : vector<1x16xf32> to vector<16xf32>
      %add3A_827 = arith.addf %add3A_818, %get3A_826 : vector<16xf32>
      %scan3A_828 = arith.constant 7 : i32
      %scan3A_829 = arith.addi %scan3A_766, %scan3A_828 : i32
      %add3A_830 = arith.constant 400 : i32
      %add3A_831 = arith.addi %add3A_830, %scan3A_829 : i32
      %get3A_832 = arith.index_cast %add3A_831 : i32 to index
      %get3A_833 = arith.constant 0 : index
      %get3A_834 = tpu.vector_load %arg6[%get3A_832, %get3A_833] {strides = array<i32>} : memref<1600x16xf32, #tpu.memory_space<vmem>>, vector<1x16xf32>,
      %get3A_835 = vector.shape_cast %get3A_834 : vector<1x16xf32> to vector<16xf32>
      %add3A_836 = arith.addf %add3A_827, %get3A_835 : vector<16xf32>
      %scan3A_837 = arith.constant 8 : i32
      %scan3A_838 = arith.addi %scan3A_766, %scan3A_837 : i32
      %add3A_839 = arith.constant 400 : i32
      %add3A_840 = arith.addi %add3A_839, %scan3A_838 : i32
      %get3A_841 = arith.index_cast %add3A_840 : i32 to index
      %get3A_842 = arith.constant 0 : index
      %get3A_843 = tpu.vector_load %arg6[%get3A_841, %get3A_842] {strides = array<i32>} : memref<1600x16xf32, #tpu.memory_space<vmem>>, vector<1x16xf32>,
      %get3A_844 = vector.shape_cast %get3A_843 : vector<1x16xf32> to vector<16xf32>
      %add3A_845 = arith.addf %add3A_836, %get3A_844 : vector<16xf32>
      %scan3A_846 = arith.constant 9 : i32
      %scan3A_847 = arith.addi %scan3A_766, %scan3A_846 : i32
      %add3A_848 = arith.constant 400 : i32
      %add3A_849 = arith.addi %add3A_848, %scan3A_847 : i32
      %get3A_850 = arith.index_cast %add3A_849 : i32 to index
      %get3A_851 = arith.constant 0 : index
      %get3A_852 = tpu.vector_load %arg6[%get3A_850, %get3A_851] {strides = array<i32>} : memref<1600x16xf32, #tpu.memory_space<vmem>>, vector<1x16xf32>,
      %get3A_853 = vector.shape_cast %get3A_852 : vector<1x16xf32> to vector<16xf32>
      %add3A_854 = arith.addf %add3A_845, %get3A_853 : vector<16xf32>
      scf.yield %add3A_854 : vector<16xf32>
    }
    %scan3A_435 = arith.constant 50 : i32
    %swap3A_436 = arith.constant 8 : i32
    %swap3A_437 = arith.index_cast %swap3A_436 : i32 to index
    %swap3A_438 = arith.constant 0 : index
    %swap3A_439 = tpu.vector_load %arg7[%swap3A_437, %swap3A_438] {strides = array<i32>} : memref<32x16xf32, #tpu.memory_space<vmem>>, vector<1x16xf32>,
    %swap3A_440 = vector.shape_cast %swap3A_439 : vector<1x16xf32> to vector<16xf32>
    %swap3A_441 = vector.shape_cast %scan3A_434 : vector<16xf32> to vector<1x16xf32>
    tpu.vector_store %arg7[%swap3A_437, %swap3A_438], %swap3A_441 {strides = array<i32>} : memref<32x16xf32, #tpu.memory_space<vmem>>, vector<1x16xf32>,
    %broadcast_in_dim3A_442 = arith.constant 0.000000e+00 : f32
    %broadcast_in_dim3A_443 = vector.broadcast %broadcast_in_dim3A_442 : f32 to vector<16xf32>
    %scan3A_444 = arith.constant 0 : i32
    %scan3A_445 = arith.constant 50 : i32
    %scan3A_446 = arith.addi %scan3A_444, %scan3A_445 : i32
    %scan3A_447 = arith.constant 10 : i32
    %scan3A_448 = scf.for %scan3A_766 = %scan3A_444 to %scan3A_446 step %scan3A_447 iter_args(%scan3A_767 = %broadcast_in_dim3A_443) -> (vector<16xf32>)  : i32 {
      %add3A_768 = arith.constant 450 : i32
      %add3A_769 = arith.addi %add3A_768, %scan3A_766 : i32
      %get3A = arith.index_cast %add3A_769 : i32 to index
      %get3A_770 = arith.constant 0 : index
      %get3A_771 = tpu.vector_load %arg6[%get3A, %get3A_770] {strides = array<i32>} : memref<1600x16xf32, #tpu.memory_space<vmem>>, vector<1x16xf32>,
      %get3A_772 = vector.shape_cast %get3A_771 : vector<1x16xf32> to vector<16xf32>
      %add3A_773 = arith.addf %scan3A_767, %get3A_772 : vector<16xf32>
      %scan3A_774 = arith.constant 1 : i32
      %scan3A_775 = arith.addi %scan3A_766, %scan3A_774 : i32
      %add3A_776 = arith.constant 450 : i32
      %add3A_777 = arith.addi %add3A_776, %scan3A_775 : i32
      %get3A_778 = arith.index_cast %add3A_777 : i32 to index
      %get3A_779 = arith.constant 0 : index
      %get3A_780 = tpu.vector_load %arg6[%get3A_778, %get3A_779] {strides = array<i32>} : memref<1600x16xf32, #tpu.memory_space<vmem>>, vector<1x16xf32>,
      %get3A_781 = vector.shape_cast %get3A_780 : vector<1x16xf32> to vector<16xf32>
      %add3A_782 = arith.addf %add3A_773, %get3A_781 : vector<16xf32>
      %scan3A_783 = arith.constant 2 : i32
      %scan3A_784 = arith.addi %scan3A_766, %scan3A_783 : i32
      %add3A_785 = arith.constant 450 : i32
      %add3A_786 = arith.addi %add3A_785, %scan3A_784 : i32
      %get3A_787 = arith.index_cast %add3A_786 : i32 to index
      %get3A_788 = arith.constant 0 : index
      %get3A_789 = tpu.vector_load %arg6[%get3A_787, %get3A_788] {strides = array<i32>} : memref<1600x16xf32, #tpu.memory_space<vmem>>, vector<1x16xf32>,
      %get3A_790 = vector.shape_cast %get3A_789 : vector<1x16xf32> to vector<16xf32>
      %add3A_791 = arith.addf %add3A_782, %get3A_790 : vector<16xf32>
      %scan3A_792 = arith.constant 3 : i32
      %scan3A_793 = arith.addi %scan3A_766, %scan3A_792 : i32
      %add3A_794 = arith.constant 450 : i32
      %add3A_795 = arith.addi %add3A_794, %scan3A_793 : i32
      %get3A_796 = arith.index_cast %add3A_795 : i32 to index
      %get3A_797 = arith.constant 0 : index
      %get3A_798 = tpu.vector_load %arg6[%get3A_796, %get3A_797] {strides = array<i32>} : memref<1600x16xf32, #tpu.memory_space<vmem>>, vector<1x16xf32>,
      %get3A_799 = vector.shape_cast %get3A_798 : vector<1x16xf32> to vector<16xf32>
      %add3A_800 = arith.addf %add3A_791, %get3A_799 : vector<16xf32>
      %scan3A_801 = arith.constant 4 : i32
      %scan3A_802 = arith.addi %scan3A_766, %scan3A_801 : i32
      %add3A_803 = arith.constant 450 : i32
      %add3A_804 = arith.addi %add3A_803, %scan3A_802 : i32
      %get3A_805 = arith.index_cast %add3A_804 : i32 to index
      %get3A_806 = arith.constant 0 : index
      %get3A_807 = tpu.vector_load %arg6[%get3A_805, %get3A_806] {strides = array<i32>} : memref<1600x16xf32, #tpu.memory_space<vmem>>, vector<1x16xf32>,
      %get3A_808 = vector.shape_cast %get3A_807 : vector<1x16xf32> to vector<16xf32>
      %add3A_809 = arith.addf %add3A_800, %get3A_808 : vector<16xf32>
      %scan3A_810 = arith.constant 5 : i32
      %scan3A_811 = arith.addi %scan3A_766, %scan3A_810 : i32
      %add3A_812 = arith.constant 450 : i32
      %add3A_813 = arith.addi %add3A_812, %scan3A_811 : i32
      %get3A_814 = arith.index_cast %add3A_813 : i32 to index
      %get3A_815 = arith.constant 0 : index
      %get3A_816 = tpu.vector_load %arg6[%get3A_814, %get3A_815] {strides = array<i32>} : memref<1600x16xf32, #tpu.memory_space<vmem>>, vector<1x16xf32>,
      %get3A_817 = vector.shape_cast %get3A_816 : vector<1x16xf32> to vector<16xf32>
      %add3A_818 = arith.addf %add3A_809, %get3A_817 : vector<16xf32>
      %scan3A_819 = arith.constant 6 : i32
      %scan3A_820 = arith.addi %scan3A_766, %scan3A_819 : i32
      %add3A_821 = arith.constant 450 : i32
      %add3A_822 = arith.addi %add3A_821, %scan3A_820 : i32
      %get3A_823 = arith.index_cast %add3A_822 : i32 to index
      %get3A_824 = arith.constant 0 : index
      %get3A_825 = tpu.vector_load %arg6[%get3A_823, %get3A_824] {strides = array<i32>} : memref<1600x16xf32, #tpu.memory_space<vmem>>, vector<1x16xf32>,
      %get3A_826 = vector.shape_cast %get3A_825 : vector<1x16xf32> to vector<16xf32>
      %add3A_827 = arith.addf %add3A_818, %get3A_826 : vector<16xf32>
      %scan3A_828 = arith.constant 7 : i32
      %scan3A_829 = arith.addi %scan3A_766, %scan3A_828 : i32
      %add3A_830 = arith.constant 450 : i32
      %add3A_831 = arith.addi %add3A_830, %scan3A_829 : i32
      %get3A_832 = arith.index_cast %add3A_831 : i32 to index
      %get3A_833 = arith.constant 0 : index
      %get3A_834 = tpu.vector_load %arg6[%get3A_832, %get3A_833] {strides = array<i32>} : memref<1600x16xf32, #tpu.memory_space<vmem>>, vector<1x16xf32>,
      %get3A_835 = vector.shape_cast %get3A_834 : vector<1x16xf32> to vector<16xf32>
      %add3A_836 = arith.addf %add3A_827, %get3A_835 : vector<16xf32>
      %scan3A_837 = arith.constant 8 : i32
      %scan3A_838 = arith.addi %scan3A_766, %scan3A_837 : i32
      %add3A_839 = arith.constant 450 : i32
      %add3A_840 = arith.addi %add3A_839, %scan3A_838 : i32
      %get3A_841 = arith.index_cast %add3A_840 : i32 to index
      %get3A_842 = arith.constant 0 : index
      %get3A_843 = tpu.vector_load %arg6[%get3A_841, %get3A_842] {strides = array<i32>} : memref<1600x16xf32, #tpu.memory_space<vmem>>, vector<1x16xf32>,
      %get3A_844 = vector.shape_cast %get3A_843 : vector<1x16xf32> to vector<16xf32>
      %add3A_845 = arith.addf %add3A_836, %get3A_844 : vector<16xf32>
      %scan3A_846 = arith.constant 9 : i32
      %scan3A_847 = arith.addi %scan3A_766, %scan3A_846 : i32
      %add3A_848 = arith.constant 450 : i32
      %add3A_849 = arith.addi %add3A_848, %scan3A_847 : i32
      %get3A_850 = arith.index_cast %add3A_849 : i32 to index
      %get3A_851 = arith.constant 0 : index
      %get3A_852 = tpu.vector_load %arg6[%get3A_850, %get3A_851] {strides = array<i32>} : memref<1600x16xf32, #tpu.memory_space<vmem>>, vector<1x16xf32>,
      %get3A_853 = vector.shape_cast %get3A_852 : vector<1x16xf32> to vector<16xf32>
      %add3A_854 = arith.addf %add3A_845, %get3A_853 : vector<16xf32>
      scf.yield %add3A_854 : vector<16xf32>
    }
    %scan3A_449 = arith.constant 50 : i32
    %swap3A_450 = arith.constant 9 : i32
    %swap3A_451 = arith.index_cast %swap3A_450 : i32 to index
    %swap3A_452 = arith.constant 0 : index
    %swap3A_453 = tpu.vector_load %arg7[%swap3A_451, %swap3A_452] {strides = array<i32>} : memref<32x16xf32, #tpu.memory_space<vmem>>, vector<1x16xf32>,
    %swap3A_454 = vector.shape_cast %swap3A_453 : vector<1x16xf32> to vector<16xf32>
    %swap3A_455 = vector.shape_cast %scan3A_448 : vector<16xf32> to vector<1x16xf32>
    tpu.vector_store %arg7[%swap3A_451, %swap3A_452], %swap3A_455 {strides = array<i32>} : memref<32x16xf32, #tpu.memory_space<vmem>>, vector<1x16xf32>,
    %broadcast_in_dim3A_456 = arith.constant 0.000000e+00 : f32
    %broadcast_in_dim3A_457 = vector.broadcast %broadcast_in_dim3A_456 : f32 to vector<16xf32>
    %scan3A_458 = arith.constant 0 : i32
    %scan3A_459 = arith.constant 50 : i32
    %scan3A_460 = arith.addi %scan3A_458, %scan3A_459 : i32
    %scan3A_461 = arith.constant 10 : i32
    %scan3A_462 = scf.for %scan3A_766 = %scan3A_458 to %scan3A_460 step %scan3A_461 iter_args(%scan3A_767 = %broadcast_in_dim3A_457) -> (vector<16xf32>)  : i32 {
      %add3A_768 = arith.constant 500 : i32
      %add3A_769 = arith.addi %add3A_768, %scan3A_766 : i32
      %get3A = arith.index_cast %add3A_769 : i32 to index
      %get3A_770 = arith.constant 0 : index
      %get3A_771 = tpu.vector_load %arg6[%get3A, %get3A_770] {strides = array<i32>} : memref<1600x16xf32, #tpu.memory_space<vmem>>, vector<1x16xf32>,
      %get3A_772 = vector.shape_cast %get3A_771 : vector<1x16xf32> to vector<16xf32>
      %add3A_773 = arith.addf %scan3A_767, %get3A_772 : vector<16xf32>
      %scan3A_774 = arith.constant 1 : i32
      %scan3A_775 = arith.addi %scan3A_766, %scan3A_774 : i32
      %add3A_776 = arith.constant 500 : i32
      %add3A_777 = arith.addi %add3A_776, %scan3A_775 : i32
      %get3A_778 = arith.index_cast %add3A_777 : i32 to index
      %get3A_779 = arith.constant 0 : index
      %get3A_780 = tpu.vector_load %arg6[%get3A_778, %get3A_779] {strides = array<i32>} : memref<1600x16xf32, #tpu.memory_space<vmem>>, vector<1x16xf32>,
      %get3A_781 = vector.shape_cast %get3A_780 : vector<1x16xf32> to vector<16xf32>
      %add3A_782 = arith.addf %add3A_773, %get3A_781 : vector<16xf32>
      %scan3A_783 = arith.constant 2 : i32
      %scan3A_784 = arith.addi %scan3A_766, %scan3A_783 : i32
      %add3A_785 = arith.constant 500 : i32
      %add3A_786 = arith.addi %add3A_785, %scan3A_784 : i32
      %get3A_787 = arith.index_cast %add3A_786 : i32 to index
      %get3A_788 = arith.constant 0 : index
      %get3A_789 = tpu.vector_load %arg6[%get3A_787, %get3A_788] {strides = array<i32>} : memref<1600x16xf32, #tpu.memory_space<vmem>>, vector<1x16xf32>,
      %get3A_790 = vector.shape_cast %get3A_789 : vector<1x16xf32> to vector<16xf32>
      %add3A_791 = arith.addf %add3A_782, %get3A_790 : vector<16xf32>
      %scan3A_792 = arith.constant 3 : i32
      %scan3A_793 = arith.addi %scan3A_766, %scan3A_792 : i32
      %add3A_794 = arith.constant 500 : i32
      %add3A_795 = arith.addi %add3A_794, %scan3A_793 : i32
      %get3A_796 = arith.index_cast %add3A_795 : i32 to index
      %get3A_797 = arith.constant 0 : index
      %get3A_798 = tpu.vector_load %arg6[%get3A_796, %get3A_797] {strides = array<i32>} : memref<1600x16xf32, #tpu.memory_space<vmem>>, vector<1x16xf32>,
      %get3A_799 = vector.shape_cast %get3A_798 : vector<1x16xf32> to vector<16xf32>
      %add3A_800 = arith.addf %add3A_791, %get3A_799 : vector<16xf32>
      %scan3A_801 = arith.constant 4 : i32
      %scan3A_802 = arith.addi %scan3A_766, %scan3A_801 : i32
      %add3A_803 = arith.constant 500 : i32
      %add3A_804 = arith.addi %add3A_803, %scan3A_802 : i32
      %get3A_805 = arith.index_cast %add3A_804 : i32 to index
      %get3A_806 = arith.constant 0 : index
      %get3A_807 = tpu.vector_load %arg6[%get3A_805, %get3A_806] {strides = array<i32>} : memref<1600x16xf32, #tpu.memory_space<vmem>>, vector<1x16xf32>,
      %get3A_808 = vector.shape_cast %get3A_807 : vector<1x16xf32> to vector<16xf32>
      %add3A_809 = arith.addf %add3A_800, %get3A_808 : vector<16xf32>
      %scan3A_810 = arith.constant 5 : i32
      %scan3A_811 = arith.addi %scan3A_766, %scan3A_810 : i32
      %add3A_812 = arith.constant 500 : i32
      %add3A_813 = arith.addi %add3A_812, %scan3A_811 : i32
      %get3A_814 = arith.index_cast %add3A_813 : i32 to index
      %get3A_815 = arith.constant 0 : index
      %get3A_816 = tpu.vector_load %arg6[%get3A_814, %get3A_815] {strides = array<i32>} : memref<1600x16xf32, #tpu.memory_space<vmem>>, vector<1x16xf32>,
      %get3A_817 = vector.shape_cast %get3A_816 : vector<1x16xf32> to vector<16xf32>
      %add3A_818 = arith.addf %add3A_809, %get3A_817 : vector<16xf32>
      %scan3A_819 = arith.constant 6 : i32
      %scan3A_820 = arith.addi %scan3A_766, %scan3A_819 : i32
      %add3A_821 = arith.constant 500 : i32
      %add3A_822 = arith.addi %add3A_821, %scan3A_820 : i32
      %get3A_823 = arith.index_cast %add3A_822 : i32 to index
      %get3A_824 = arith.constant 0 : index
      %get3A_825 = tpu.vector_load %arg6[%get3A_823, %get3A_824] {strides = array<i32>} : memref<1600x16xf32, #tpu.memory_space<vmem>>, vector<1x16xf32>,
      %get3A_826 = vector.shape_cast %get3A_825 : vector<1x16xf32> to vector<16xf32>
      %add3A_827 = arith.addf %add3A_818, %get3A_826 : vector<16xf32>
      %scan3A_828 = arith.constant 7 : i32
      %scan3A_829 = arith.addi %scan3A_766, %scan3A_828 : i32
      %add3A_830 = arith.constant 500 : i32
      %add3A_831 = arith.addi %add3A_830, %scan3A_829 : i32
      %get3A_832 = arith.index_cast %add3A_831 : i32 to index
      %get3A_833 = arith.constant 0 : index
      %get3A_834 = tpu.vector_load %arg6[%get3A_832, %get3A_833] {strides = array<i32>} : memref<1600x16xf32, #tpu.memory_space<vmem>>, vector<1x16xf32>,
      %get3A_835 = vector.shape_cast %get3A_834 : vector<1x16xf32> to vector<16xf32>
      %add3A_836 = arith.addf %add3A_827, %get3A_835 : vector<16xf32>
      %scan3A_837 = arith.constant 8 : i32
      %scan3A_838 = arith.addi %scan3A_766, %scan3A_837 : i32
      %add3A_839 = arith.constant 500 : i32
      %add3A_840 = arith.addi %add3A_839, %scan3A_838 : i32
      %get3A_841 = arith.index_cast %add3A_840 : i32 to index
      %get3A_842 = arith.constant 0 : index
      %get3A_843 = tpu.vector_load %arg6[%get3A_841, %get3A_842] {strides = array<i32>} : memref<1600x16xf32, #tpu.memory_space<vmem>>, vector<1x16xf32>,
      %get3A_844 = vector.shape_cast %get3A_843 : vector<1x16xf32> to vector<16xf32>
      %add3A_845 = arith.addf %add3A_836, %get3A_844 : vector<16xf32>
      %scan3A_846 = arith.constant 9 : i32
      %scan3A_847 = arith.addi %scan3A_766, %scan3A_846 : i32
      %add3A_848 = arith.constant 500 : i32
      %add3A_849 = arith.addi %add3A_848, %scan3A_847 : i32
      %get3A_850 = arith.index_cast %add3A_849 : i32 to index
      %get3A_851 = arith.constant 0 : index
      %get3A_852 = tpu.vector_load %arg6[%get3A_850, %get3A_851] {strides = array<i32>} : memref<1600x16xf32, #tpu.memory_space<vmem>>, vector<1x16xf32>,
      %get3A_853 = vector.shape_cast %get3A_852 : vector<1x16xf32> to vector<16xf32>
      %add3A_854 = arith.addf %add3A_845, %get3A_853 : vector<16xf32>
      scf.yield %add3A_854 : vector<16xf32>
    }
    %scan3A_463 = arith.constant 50 : i32
    %swap3A_464 = arith.constant 10 : i32
    %swap3A_465 = arith.index_cast %swap3A_464 : i32 to index
    %swap3A_466 = arith.constant 0 : index
    %swap3A_467 = tpu.vector_load %arg7[%swap3A_465, %swap3A_466] {strides = array<i32>} : memref<32x16xf32, #tpu.memory_space<vmem>>, vector<1x16xf32>,
    %swap3A_468 = vector.shape_cast %swap3A_467 : vector<1x16xf32> to vector<16xf32>
    %swap3A_469 = vector.shape_cast %scan3A_462 : vector<16xf32> to vector<1x16xf32>
    tpu.vector_store %arg7[%swap3A_465, %swap3A_466], %swap3A_469 {strides = array<i32>} : memref<32x16xf32, #tpu.memory_space<vmem>>, vector<1x16xf32>,
    %broadcast_in_dim3A_470 = arith.constant 0.000000e+00 : f32
    %broadcast_in_dim3A_471 = vector.broadcast %broadcast_in_dim3A_470 : f32 to vector<16xf32>
    %scan3A_472 = arith.constant 0 : i32
    %scan3A_473 = arith.constant 50 : i32
    %scan3A_474 = arith.addi %scan3A_472, %scan3A_473 : i32
    %scan3A_475 = arith.constant 10 : i32
    %scan3A_476 = scf.for %scan3A_766 = %scan3A_472 to %scan3A_474 step %scan3A_475 iter_args(%scan3A_767 = %broadcast_in_dim3A_471) -> (vector<16xf32>)  : i32 {
      %add3A_768 = arith.constant 550 : i32
      %add3A_769 = arith.addi %add3A_768, %scan3A_766 : i32
      %get3A = arith.index_cast %add3A_769 : i32 to index
      %get3A_770 = arith.constant 0 : index
      %get3A_771 = tpu.vector_load %arg6[%get3A, %get3A_770] {strides = array<i32>} : memref<1600x16xf32, #tpu.memory_space<vmem>>, vector<1x16xf32>,
      %get3A_772 = vector.shape_cast %get3A_771 : vector<1x16xf32> to vector<16xf32>
      %add3A_773 = arith.addf %scan3A_767, %get3A_772 : vector<16xf32>
      %scan3A_774 = arith.constant 1 : i32
      %scan3A_775 = arith.addi %scan3A_766, %scan3A_774 : i32
      %add3A_776 = arith.constant 550 : i32
      %add3A_777 = arith.addi %add3A_776, %scan3A_775 : i32
      %get3A_778 = arith.index_cast %add3A_777 : i32 to index
      %get3A_779 = arith.constant 0 : index
      %get3A_780 = tpu.vector_load %arg6[%get3A_778, %get3A_779] {strides = array<i32>} : memref<1600x16xf32, #tpu.memory_space<vmem>>, vector<1x16xf32>,
      %get3A_781 = vector.shape_cast %get3A_780 : vector<1x16xf32> to vector<16xf32>
      %add3A_782 = arith.addf %add3A_773, %get3A_781 : vector<16xf32>
      %scan3A_783 = arith.constant 2 : i32
      %scan3A_784 = arith.addi %scan3A_766, %scan3A_783 : i32
      %add3A_785 = arith.constant 550 : i32
      %add3A_786 = arith.addi %add3A_785, %scan3A_784 : i32
      %get3A_787 = arith.index_cast %add3A_786 : i32 to index
      %get3A_788 = arith.constant 0 : index
      %get3A_789 = tpu.vector_load %arg6[%get3A_787, %get3A_788] {strides = array<i32>} : memref<1600x16xf32, #tpu.memory_space<vmem>>, vector<1x16xf32>,
      %get3A_790 = vector.shape_cast %get3A_789 : vector<1x16xf32> to vector<16xf32>
      %add3A_791 = arith.addf %add3A_782, %get3A_790 : vector<16xf32>
      %scan3A_792 = arith.constant 3 : i32
      %scan3A_793 = arith.addi %scan3A_766, %scan3A_792 : i32
      %add3A_794 = arith.constant 550 : i32
      %add3A_795 = arith.addi %add3A_794, %scan3A_793 : i32
      %get3A_796 = arith.index_cast %add3A_795 : i32 to index
      %get3A_797 = arith.constant 0 : index
      %get3A_798 = tpu.vector_load %arg6[%get3A_796, %get3A_797] {strides = array<i32>} : memref<1600x16xf32, #tpu.memory_space<vmem>>, vector<1x16xf32>,
      %get3A_799 = vector.shape_cast %get3A_798 : vector<1x16xf32> to vector<16xf32>
      %add3A_800 = arith.addf %add3A_791, %get3A_799 : vector<16xf32>
      %scan3A_801 = arith.constant 4 : i32
      %scan3A_802 = arith.addi %scan3A_766, %scan3A_801 : i32
      %add3A_803 = arith.constant 550 : i32
      %add3A_804 = arith.addi %add3A_803, %scan3A_802 : i32
      %get3A_805 = arith.index_cast %add3A_804 : i32 to index
      %get3A_806 = arith.constant 0 : index
      %get3A_807 = tpu.vector_load %arg6[%get3A_805, %get3A_806] {strides = array<i32>} : memref<1600x16xf32, #tpu.memory_space<vmem>>, vector<1x16xf32>,
      %get3A_808 = vector.shape_cast %get3A_807 : vector<1x16xf32> to vector<16xf32>
      %add3A_809 = arith.addf %add3A_800, %get3A_808 : vector<16xf32>
      %scan3A_810 = arith.constant 5 : i32
      %scan3A_811 = arith.addi %scan3A_766, %scan3A_810 : i32
      %add3A_812 = arith.constant 550 : i32
      %add3A_813 = arith.addi %add3A_812, %scan3A_811 : i32
      %get3A_814 = arith.index_cast %add3A_813 : i32 to index
      %get3A_815 = arith.constant 0 : index
      %get3A_816 = tpu.vector_load %arg6[%get3A_814, %get3A_815] {strides = array<i32>} : memref<1600x16xf32, #tpu.memory_space<vmem>>, vector<1x16xf32>,
      %get3A_817 = vector.shape_cast %get3A_816 : vector<1x16xf32> to vector<16xf32>
      %add3A_818 = arith.addf %add3A_809, %get3A_817 : vector<16xf32>
      %scan3A_819 = arith.constant 6 : i32
      %scan3A_820 = arith.addi %scan3A_766, %scan3A_819 : i32
      %add3A_821 = arith.constant 550 : i32
      %add3A_822 = arith.addi %add3A_821, %scan3A_820 : i32
      %get3A_823 = arith.index_cast %add3A_822 : i32 to index
      %get3A_824 = arith.constant 0 : index
      %get3A_825 = tpu.vector_load %arg6[%get3A_823, %get3A_824] {strides = array<i32>} : memref<1600x16xf32, #tpu.memory_space<vmem>>, vector<1x16xf32>,
      %get3A_826 = vector.shape_cast %get3A_825 : vector<1x16xf32> to vector<16xf32>
      %add3A_827 = arith.addf %add3A_818, %get3A_826 : vector<16xf32>
      %scan3A_828 = arith.constant 7 : i32
      %scan3A_829 = arith.addi %scan3A_766, %scan3A_828 : i32
      %add3A_830 = arith.constant 550 : i32
      %add3A_831 = arith.addi %add3A_830, %scan3A_829 : i32
      %get3A_832 = arith.index_cast %add3A_831 : i32 to index
      %get3A_833 = arith.constant 0 : index
      %get3A_834 = tpu.vector_load %arg6[%get3A_832, %get3A_833] {strides = array<i32>} : memref<1600x16xf32, #tpu.memory_space<vmem>>, vector<1x16xf32>,
      %get3A_835 = vector.shape_cast %get3A_834 : vector<1x16xf32> to vector<16xf32>
      %add3A_836 = arith.addf %add3A_827, %get3A_835 : vector<16xf32>
      %scan3A_837 = arith.constant 8 : i32
      %scan3A_838 = arith.addi %scan3A_766, %scan3A_837 : i32
      %add3A_839 = arith.constant 550 : i32
      %add3A_840 = arith.addi %add3A_839, %scan3A_838 : i32
      %get3A_841 = arith.index_cast %add3A_840 : i32 to index
      %get3A_842 = arith.constant 0 : index
      %get3A_843 = tpu.vector_load %arg6[%get3A_841, %get3A_842] {strides = array<i32>} : memref<1600x16xf32, #tpu.memory_space<vmem>>, vector<1x16xf32>,
      %get3A_844 = vector.shape_cast %get3A_843 : vector<1x16xf32> to vector<16xf32>
      %add3A_845 = arith.addf %add3A_836, %get3A_844 : vector<16xf32>
      %scan3A_846 = arith.constant 9 : i32
      %scan3A_847 = arith.addi %scan3A_766, %scan3A_846 : i32
      %add3A_848 = arith.constant 550 : i32
      %add3A_849 = arith.addi %add3A_848, %scan3A_847 : i32
      %get3A_850 = arith.index_cast %add3A_849 : i32 to index
      %get3A_851 = arith.constant 0 : index
      %get3A_852 = tpu.vector_load %arg6[%get3A_850, %get3A_851] {strides = array<i32>} : memref<1600x16xf32, #tpu.memory_space<vmem>>, vector<1x16xf32>,
      %get3A_853 = vector.shape_cast %get3A_852 : vector<1x16xf32> to vector<16xf32>
      %add3A_854 = arith.addf %add3A_845, %get3A_853 : vector<16xf32>
      scf.yield %add3A_854 : vector<16xf32>
    }
    %scan3A_477 = arith.constant 50 : i32
    %swap3A_478 = arith.constant 11 : i32
    %swap3A_479 = arith.index_cast %swap3A_478 : i32 to index
    %swap3A_480 = arith.constant 0 : index
    %swap3A_481 = tpu.vector_load %arg7[%swap3A_479, %swap3A_480] {strides = array<i32>} : memref<32x16xf32, #tpu.memory_space<vmem>>, vector<1x16xf32>,
    %swap3A_482 = vector.shape_cast %swap3A_481 : vector<1x16xf32> to vector<16xf32>
    %swap3A_483 = vector.shape_cast %scan3A_476 : vector<16xf32> to vector<1x16xf32>
    tpu.vector_store %arg7[%swap3A_479, %swap3A_480], %swap3A_483 {strides = array<i32>} : memref<32x16xf32, #tpu.memory_space<vmem>>, vector<1x16xf32>,
    %broadcast_in_dim3A_484 = arith.constant 0.000000e+00 : f32
    %broadcast_in_dim3A_485 = vector.broadcast %broadcast_in_dim3A_484 : f32 to vector<16xf32>
    %scan3A_486 = arith.constant 0 : i32
    %scan3A_487 = arith.constant 50 : i32
    %scan3A_488 = arith.addi %scan3A_486, %scan3A_487 : i32
    %scan3A_489 = arith.constant 10 : i32
    %scan3A_490 = scf.for %scan3A_766 = %scan3A_486 to %scan3A_488 step %scan3A_489 iter_args(%scan3A_767 = %broadcast_in_dim3A_485) -> (vector<16xf32>)  : i32 {
      %add3A_768 = arith.constant 600 : i32
      %add3A_769 = arith.addi %add3A_768, %scan3A_766 : i32
      %get3A = arith.index_cast %add3A_769 : i32 to index
      %get3A_770 = arith.constant 0 : index
      %get3A_771 = tpu.vector_load %arg6[%get3A, %get3A_770] {strides = array<i32>} : memref<1600x16xf32, #tpu.memory_space<vmem>>, vector<1x16xf32>,
      %get3A_772 = vector.shape_cast %get3A_771 : vector<1x16xf32> to vector<16xf32>
      %add3A_773 = arith.addf %scan3A_767, %get3A_772 : vector<16xf32>
      %scan3A_774 = arith.constant 1 : i32
      %scan3A_775 = arith.addi %scan3A_766, %scan3A_774 : i32
      %add3A_776 = arith.constant 600 : i32
      %add3A_777 = arith.addi %add3A_776, %scan3A_775 : i32
      %get3A_778 = arith.index_cast %add3A_777 : i32 to index
      %get3A_779 = arith.constant 0 : index
      %get3A_780 = tpu.vector_load %arg6[%get3A_778, %get3A_779] {strides = array<i32>} : memref<1600x16xf32, #tpu.memory_space<vmem>>, vector<1x16xf32>,
      %get3A_781 = vector.shape_cast %get3A_780 : vector<1x16xf32> to vector<16xf32>
      %add3A_782 = arith.addf %add3A_773, %get3A_781 : vector<16xf32>
      %scan3A_783 = arith.constant 2 : i32
      %scan3A_784 = arith.addi %scan3A_766, %scan3A_783 : i32
      %add3A_785 = arith.constant 600 : i32
      %add3A_786 = arith.addi %add3A_785, %scan3A_784 : i32
      %get3A_787 = arith.index_cast %add3A_786 : i32 to index
      %get3A_788 = arith.constant 0 : index
      %get3A_789 = tpu.vector_load %arg6[%get3A_787, %get3A_788] {strides = array<i32>} : memref<1600x16xf32, #tpu.memory_space<vmem>>, vector<1x16xf32>,
      %get3A_790 = vector.shape_cast %get3A_789 : vector<1x16xf32> to vector<16xf32>
      %add3A_791 = arith.addf %add3A_782, %get3A_790 : vector<16xf32>
      %scan3A_792 = arith.constant 3 : i32
      %scan3A_793 = arith.addi %scan3A_766, %scan3A_792 : i32
      %add3A_794 = arith.constant 600 : i32
      %add3A_795 = arith.addi %add3A_794, %scan3A_793 : i32
      %get3A_796 = arith.index_cast %add3A_795 : i32 to index
      %get3A_797 = arith.constant 0 : index
      %get3A_798 = tpu.vector_load %arg6[%get3A_796, %get3A_797] {strides = array<i32>} : memref<1600x16xf32, #tpu.memory_space<vmem>>, vector<1x16xf32>,
      %get3A_799 = vector.shape_cast %get3A_798 : vector<1x16xf32> to vector<16xf32>
      %add3A_800 = arith.addf %add3A_791, %get3A_799 : vector<16xf32>
      %scan3A_801 = arith.constant 4 : i32
      %scan3A_802 = arith.addi %scan3A_766, %scan3A_801 : i32
      %add3A_803 = arith.constant 600 : i32
      %add3A_804 = arith.addi %add3A_803, %scan3A_802 : i32
      %get3A_805 = arith.index_cast %add3A_804 : i32 to index
      %get3A_806 = arith.constant 0 : index
      %get3A_807 = tpu.vector_load %arg6[%get3A_805, %get3A_806] {strides = array<i32>} : memref<1600x16xf32, #tpu.memory_space<vmem>>, vector<1x16xf32>,
      %get3A_808 = vector.shape_cast %get3A_807 : vector<1x16xf32> to vector<16xf32>
      %add3A_809 = arith.addf %add3A_800, %get3A_808 : vector<16xf32>
      %scan3A_810 = arith.constant 5 : i32
      %scan3A_811 = arith.addi %scan3A_766, %scan3A_810 : i32
      %add3A_812 = arith.constant 600 : i32
      %add3A_813 = arith.addi %add3A_812, %scan3A_811 : i32
      %get3A_814 = arith.index_cast %add3A_813 : i32 to index
      %get3A_815 = arith.constant 0 : index
      %get3A_816 = tpu.vector_load %arg6[%get3A_814, %get3A_815] {strides = array<i32>} : memref<1600x16xf32, #tpu.memory_space<vmem>>, vector<1x16xf32>,
      %get3A_817 = vector.shape_cast %get3A_816 : vector<1x16xf32> to vector<16xf32>
      %add3A_818 = arith.addf %add3A_809, %get3A_817 : vector<16xf32>
      %scan3A_819 = arith.constant 6 : i32
      %scan3A_820 = arith.addi %scan3A_766, %scan3A_819 : i32
      %add3A_821 = arith.constant 600 : i32
      %add3A_822 = arith.addi %add3A_821, %scan3A_820 : i32
      %get3A_823 = arith.index_cast %add3A_822 : i32 to index
      %get3A_824 = arith.constant 0 : index
      %get3A_825 = tpu.vector_load %arg6[%get3A_823, %get3A_824] {strides = array<i32>} : memref<1600x16xf32, #tpu.memory_space<vmem>>, vector<1x16xf32>,
      %get3A_826 = vector.shape_cast %get3A_825 : vector<1x16xf32> to vector<16xf32>
      %add3A_827 = arith.addf %add3A_818, %get3A_826 : vector<16xf32>
      %scan3A_828 = arith.constant 7 : i32
      %scan3A_829 = arith.addi %scan3A_766, %scan3A_828 : i32
      %add3A_830 = arith.constant 600 : i32
      %add3A_831 = arith.addi %add3A_830, %scan3A_829 : i32
      %get3A_832 = arith.index_cast %add3A_831 : i32 to index
      %get3A_833 = arith.constant 0 : index
      %get3A_834 = tpu.vector_load %arg6[%get3A_832, %get3A_833] {strides = array<i32>} : memref<1600x16xf32, #tpu.memory_space<vmem>>, vector<1x16xf32>,
      %get3A_835 = vector.shape_cast %get3A_834 : vector<1x16xf32> to vector<16xf32>
      %add3A_836 = arith.addf %add3A_827, %get3A_835 : vector<16xf32>
      %scan3A_837 = arith.constant 8 : i32
      %scan3A_838 = arith.addi %scan3A_766, %scan3A_837 : i32
      %add3A_839 = arith.constant 600 : i32
      %add3A_840 = arith.addi %add3A_839, %scan3A_838 : i32
      %get3A_841 = arith.index_cast %add3A_840 : i32 to index
      %get3A_842 = arith.constant 0 : index
      %get3A_843 = tpu.vector_load %arg6[%get3A_841, %get3A_842] {strides = array<i32>} : memref<1600x16xf32, #tpu.memory_space<vmem>>, vector<1x16xf32>,
      %get3A_844 = vector.shape_cast %get3A_843 : vector<1x16xf32> to vector<16xf32>
      %add3A_845 = arith.addf %add3A_836, %get3A_844 : vector<16xf32>
      %scan3A_846 = arith.constant 9 : i32
      %scan3A_847 = arith.addi %scan3A_766, %scan3A_846 : i32
      %add3A_848 = arith.constant 600 : i32
      %add3A_849 = arith.addi %add3A_848, %scan3A_847 : i32
      %get3A_850 = arith.index_cast %add3A_849 : i32 to index
      %get3A_851 = arith.constant 0 : index
      %get3A_852 = tpu.vector_load %arg6[%get3A_850, %get3A_851] {strides = array<i32>} : memref<1600x16xf32, #tpu.memory_space<vmem>>, vector<1x16xf32>,
      %get3A_853 = vector.shape_cast %get3A_852 : vector<1x16xf32> to vector<16xf32>
      %add3A_854 = arith.addf %add3A_845, %get3A_853 : vector<16xf32>
      scf.yield %add3A_854 : vector<16xf32>
    }
    %scan3A_491 = arith.constant 50 : i32
    %swap3A_492 = arith.constant 12 : i32
    %swap3A_493 = arith.index_cast %swap3A_492 : i32 to index
    %swap3A_494 = arith.constant 0 : index
    %swap3A_495 = tpu.vector_load %arg7[%swap3A_493, %swap3A_494] {strides = array<i32>} : memref<32x16xf32, #tpu.memory_space<vmem>>, vector<1x16xf32>,
    %swap3A_496 = vector.shape_cast %swap3A_495 : vector<1x16xf32> to vector<16xf32>
    %swap3A_497 = vector.shape_cast %scan3A_490 : vector<16xf32> to vector<1x16xf32>
    tpu.vector_store %arg7[%swap3A_493, %swap3A_494], %swap3A_497 {strides = array<i32>} : memref<32x16xf32, #tpu.memory_space<vmem>>, vector<1x16xf32>,
    %broadcast_in_dim3A_498 = arith.constant 0.000000e+00 : f32
    %broadcast_in_dim3A_499 = vector.broadcast %broadcast_in_dim3A_498 : f32 to vector<16xf32>
    %scan3A_500 = arith.constant 0 : i32
    %scan3A_501 = arith.constant 50 : i32
    %scan3A_502 = arith.addi %scan3A_500, %scan3A_501 : i32
    %scan3A_503 = arith.constant 10 : i32
    %scan3A_504 = scf.for %scan3A_766 = %scan3A_500 to %scan3A_502 step %scan3A_503 iter_args(%scan3A_767 = %broadcast_in_dim3A_499) -> (vector<16xf32>)  : i32 {
      %add3A_768 = arith.constant 650 : i32
      %add3A_769 = arith.addi %add3A_768, %scan3A_766 : i32
      %get3A = arith.index_cast %add3A_769 : i32 to index
      %get3A_770 = arith.constant 0 : index
      %get3A_771 = tpu.vector_load %arg6[%get3A, %get3A_770] {strides = array<i32>} : memref<1600x16xf32, #tpu.memory_space<vmem>>, vector<1x16xf32>,
      %get3A_772 = vector.shape_cast %get3A_771 : vector<1x16xf32> to vector<16xf32>
      %add3A_773 = arith.addf %scan3A_767, %get3A_772 : vector<16xf32>
      %scan3A_774 = arith.constant 1 : i32
      %scan3A_775 = arith.addi %scan3A_766, %scan3A_774 : i32
      %add3A_776 = arith.constant 650 : i32
      %add3A_777 = arith.addi %add3A_776, %scan3A_775 : i32
      %get3A_778 = arith.index_cast %add3A_777 : i32 to index
      %get3A_779 = arith.constant 0 : index
      %get3A_780 = tpu.vector_load %arg6[%get3A_778, %get3A_779] {strides = array<i32>} : memref<1600x16xf32, #tpu.memory_space<vmem>>, vector<1x16xf32>,
      %get3A_781 = vector.shape_cast %get3A_780 : vector<1x16xf32> to vector<16xf32>
      %add3A_782 = arith.addf %add3A_773, %get3A_781 : vector<16xf32>
      %scan3A_783 = arith.constant 2 : i32
      %scan3A_784 = arith.addi %scan3A_766, %scan3A_783 : i32
      %add3A_785 = arith.constant 650 : i32
      %add3A_786 = arith.addi %add3A_785, %scan3A_784 : i32
      %get3A_787 = arith.index_cast %add3A_786 : i32 to index
      %get3A_788 = arith.constant 0 : index
      %get3A_789 = tpu.vector_load %arg6[%get3A_787, %get3A_788] {strides = array<i32>} : memref<1600x16xf32, #tpu.memory_space<vmem>>, vector<1x16xf32>,
      %get3A_790 = vector.shape_cast %get3A_789 : vector<1x16xf32> to vector<16xf32>
      %add3A_791 = arith.addf %add3A_782, %get3A_790 : vector<16xf32>
      %scan3A_792 = arith.constant 3 : i32
      %scan3A_793 = arith.addi %scan3A_766, %scan3A_792 : i32
      %add3A_794 = arith.constant 650 : i32
      %add3A_795 = arith.addi %add3A_794, %scan3A_793 : i32
      %get3A_796 = arith.index_cast %add3A_795 : i32 to index
      %get3A_797 = arith.constant 0 : index
      %get3A_798 = tpu.vector_load %arg6[%get3A_796, %get3A_797] {strides = array<i32>} : memref<1600x16xf32, #tpu.memory_space<vmem>>, vector<1x16xf32>,
      %get3A_799 = vector.shape_cast %get3A_798 : vector<1x16xf32> to vector<16xf32>
      %add3A_800 = arith.addf %add3A_791, %get3A_799 : vector<16xf32>
      %scan3A_801 = arith.constant 4 : i32
      %scan3A_802 = arith.addi %scan3A_766, %scan3A_801 : i32
      %add3A_803 = arith.constant 650 : i32
      %add3A_804 = arith.addi %add3A_803, %scan3A_802 : i32
      %get3A_805 = arith.index_cast %add3A_804 : i32 to index
      %get3A_806 = arith.constant 0 : index
      %get3A_807 = tpu.vector_load %arg6[%get3A_805, %get3A_806] {strides = array<i32>} : memref<1600x16xf32, #tpu.memory_space<vmem>>, vector<1x16xf32>,
      %get3A_808 = vector.shape_cast %get3A_807 : vector<1x16xf32> to vector<16xf32>
      %add3A_809 = arith.addf %add3A_800, %get3A_808 : vector<16xf32>
      %scan3A_810 = arith.constant 5 : i32
      %scan3A_811 = arith.addi %scan3A_766, %scan3A_810 : i32
      %add3A_812 = arith.constant 650 : i32
      %add3A_813 = arith.addi %add3A_812, %scan3A_811 : i32
      %get3A_814 = arith.index_cast %add3A_813 : i32 to index
      %get3A_815 = arith.constant 0 : index
      %get3A_816 = tpu.vector_load %arg6[%get3A_814, %get3A_815] {strides = array<i32>} : memref<1600x16xf32, #tpu.memory_space<vmem>>, vector<1x16xf32>,
      %get3A_817 = vector.shape_cast %get3A_816 : vector<1x16xf32> to vector<16xf32>
      %add3A_818 = arith.addf %add3A_809, %get3A_817 : vector<16xf32>
      %scan3A_819 = arith.constant 6 : i32
      %scan3A_820 = arith.addi %scan3A_766, %scan3A_819 : i32
      %add3A_821 = arith.constant 650 : i32
      %add3A_822 = arith.addi %add3A_821, %scan3A_820 : i32
      %get3A_823 = arith.index_cast %add3A_822 : i32 to index
      %get3A_824 = arith.constant 0 : index
      %get3A_825 = tpu.vector_load %arg6[%get3A_823, %get3A_824] {strides = array<i32>} : memref<1600x16xf32, #tpu.memory_space<vmem>>, vector<1x16xf32>,
      %get3A_826 = vector.shape_cast %get3A_825 : vector<1x16xf32> to vector<16xf32>
      %add3A_827 = arith.addf %add3A_818, %get3A_826 : vector<16xf32>
      %scan3A_828 = arith.constant 7 : i32
      %scan3A_829 = arith.addi %scan3A_766, %scan3A_828 : i32
      %add3A_830 = arith.constant 650 : i32
      %add3A_831 = arith.addi %add3A_830, %scan3A_829 : i32
      %get3A_832 = arith.index_cast %add3A_831 : i32 to index
      %get3A_833 = arith.constant 0 : index
      %get3A_834 = tpu.vector_load %arg6[%get3A_832, %get3A_833] {strides = array<i32>} : memref<1600x16xf32, #tpu.memory_space<vmem>>, vector<1x16xf32>,
      %get3A_835 = vector.shape_cast %get3A_834 : vector<1x16xf32> to vector<16xf32>
      %add3A_836 = arith.addf %add3A_827, %get3A_835 : vector<16xf32>
      %scan3A_837 = arith.constant 8 : i32
      %scan3A_838 = arith.addi %scan3A_766, %scan3A_837 : i32
      %add3A_839 = arith.constant 650 : i32
      %add3A_840 = arith.addi %add3A_839, %scan3A_838 : i32
      %get3A_841 = arith.index_cast %add3A_840 : i32 to index
      %get3A_842 = arith.constant 0 : index
      %get3A_843 = tpu.vector_load %arg6[%get3A_841, %get3A_842] {strides = array<i32>} : memref<1600x16xf32, #tpu.memory_space<vmem>>, vector<1x16xf32>,
      %get3A_844 = vector.shape_cast %get3A_843 : vector<1x16xf32> to vector<16xf32>
      %add3A_845 = arith.addf %add3A_836, %get3A_844 : vector<16xf32>
      %scan3A_846 = arith.constant 9 : i32
      %scan3A_847 = arith.addi %scan3A_766, %scan3A_846 : i32
      %add3A_848 = arith.constant 650 : i32
      %add3A_849 = arith.addi %add3A_848, %scan3A_847 : i32
      %get3A_850 = arith.index_cast %add3A_849 : i32 to index
      %get3A_851 = arith.constant 0 : index
      %get3A_852 = tpu.vector_load %arg6[%get3A_850, %get3A_851] {strides = array<i32>} : memref<1600x16xf32, #tpu.memory_space<vmem>>, vector<1x16xf32>,
      %get3A_853 = vector.shape_cast %get3A_852 : vector<1x16xf32> to vector<16xf32>
      %add3A_854 = arith.addf %add3A_845, %get3A_853 : vector<16xf32>
      scf.yield %add3A_854 : vector<16xf32>
    }
    %scan3A_505 = arith.constant 50 : i32
    %swap3A_506 = arith.constant 13 : i32
    %swap3A_507 = arith.index_cast %swap3A_506 : i32 to index
    %swap3A_508 = arith.constant 0 : index
    %swap3A_509 = tpu.vector_load %arg7[%swap3A_507, %swap3A_508] {strides = array<i32>} : memref<32x16xf32, #tpu.memory_space<vmem>>, vector<1x16xf32>,
    %swap3A_510 = vector.shape_cast %swap3A_509 : vector<1x16xf32> to vector<16xf32>
    %swap3A_511 = vector.shape_cast %scan3A_504 : vector<16xf32> to vector<1x16xf32>
    tpu.vector_store %arg7[%swap3A_507, %swap3A_508], %swap3A_511 {strides = array<i32>} : memref<32x16xf32, #tpu.memory_space<vmem>>, vector<1x16xf32>,
    %broadcast_in_dim3A_512 = arith.constant 0.000000e+00 : f32
    %broadcast_in_dim3A_513 = vector.broadcast %broadcast_in_dim3A_512 : f32 to vector<16xf32>
    %scan3A_514 = arith.constant 0 : i32
    %scan3A_515 = arith.constant 50 : i32
    %scan3A_516 = arith.addi %scan3A_514, %scan3A_515 : i32
    %scan3A_517 = arith.constant 10 : i32
    %scan3A_518 = scf.for %scan3A_766 = %scan3A_514 to %scan3A_516 step %scan3A_517 iter_args(%scan3A_767 = %broadcast_in_dim3A_513) -> (vector<16xf32>)  : i32 {
      %add3A_768 = arith.constant 700 : i32
      %add3A_769 = arith.addi %add3A_768, %scan3A_766 : i32
      %get3A = arith.index_cast %add3A_769 : i32 to index
      %get3A_770 = arith.constant 0 : index
      %get3A_771 = tpu.vector_load %arg6[%get3A, %get3A_770] {strides = array<i32>} : memref<1600x16xf32, #tpu.memory_space<vmem>>, vector<1x16xf32>,
      %get3A_772 = vector.shape_cast %get3A_771 : vector<1x16xf32> to vector<16xf32>
      %add3A_773 = arith.addf %scan3A_767, %get3A_772 : vector<16xf32>
      %scan3A_774 = arith.constant 1 : i32
      %scan3A_775 = arith.addi %scan3A_766, %scan3A_774 : i32
      %add3A_776 = arith.constant 700 : i32
      %add3A_777 = arith.addi %add3A_776, %scan3A_775 : i32
      %get3A_778 = arith.index_cast %add3A_777 : i32 to index
      %get3A_779 = arith.constant 0 : index
      %get3A_780 = tpu.vector_load %arg6[%get3A_778, %get3A_779] {strides = array<i32>} : memref<1600x16xf32, #tpu.memory_space<vmem>>, vector<1x16xf32>,
      %get3A_781 = vector.shape_cast %get3A_780 : vector<1x16xf32> to vector<16xf32>
      %add3A_782 = arith.addf %add3A_773, %get3A_781 : vector<16xf32>
      %scan3A_783 = arith.constant 2 : i32
      %scan3A_784 = arith.addi %scan3A_766, %scan3A_783 : i32
      %add3A_785 = arith.constant 700 : i32
      %add3A_786 = arith.addi %add3A_785, %scan3A_784 : i32
      %get3A_787 = arith.index_cast %add3A_786 : i32 to index
      %get3A_788 = arith.constant 0 : index
      %get3A_789 = tpu.vector_load %arg6[%get3A_787, %get3A_788] {strides = array<i32>} : memref<1600x16xf32, #tpu.memory_space<vmem>>, vector<1x16xf32>,
      %get3A_790 = vector.shape_cast %get3A_789 : vector<1x16xf32> to vector<16xf32>
      %add3A_791 = arith.addf %add3A_782, %get3A_790 : vector<16xf32>
      %scan3A_792 = arith.constant 3 : i32
      %scan3A_793 = arith.addi %scan3A_766, %scan3A_792 : i32
      %add3A_794 = arith.constant 700 : i32
      %add3A_795 = arith.addi %add3A_794, %scan3A_793 : i32
      %get3A_796 = arith.index_cast %add3A_795 : i32 to index
      %get3A_797 = arith.constant 0 : index
      %get3A_798 = tpu.vector_load %arg6[%get3A_796, %get3A_797] {strides = array<i32>} : memref<1600x16xf32, #tpu.memory_space<vmem>>, vector<1x16xf32>,
      %get3A_799 = vector.shape_cast %get3A_798 : vector<1x16xf32> to vector<16xf32>
      %add3A_800 = arith.addf %add3A_791, %get3A_799 : vector<16xf32>
      %scan3A_801 = arith.constant 4 : i32
      %scan3A_802 = arith.addi %scan3A_766, %scan3A_801 : i32
      %add3A_803 = arith.constant 700 : i32
      %add3A_804 = arith.addi %add3A_803, %scan3A_802 : i32
      %get3A_805 = arith.index_cast %add3A_804 : i32 to index
      %get3A_806 = arith.constant 0 : index
      %get3A_807 = tpu.vector_load %arg6[%get3A_805, %get3A_806] {strides = array<i32>} : memref<1600x16xf32, #tpu.memory_space<vmem>>, vector<1x16xf32>,
      %get3A_808 = vector.shape_cast %get3A_807 : vector<1x16xf32> to vector<16xf32>
      %add3A_809 = arith.addf %add3A_800, %get3A_808 : vector<16xf32>
      %scan3A_810 = arith.constant 5 : i32
      %scan3A_811 = arith.addi %scan3A_766, %scan3A_810 : i32
      %add3A_812 = arith.constant 700 : i32
      %add3A_813 = arith.addi %add3A_812, %scan3A_811 : i32
      %get3A_814 = arith.index_cast %add3A_813 : i32 to index
      %get3A_815 = arith.constant 0 : index
      %get3A_816 = tpu.vector_load %arg6[%get3A_814, %get3A_815] {strides = array<i32>} : memref<1600x16xf32, #tpu.memory_space<vmem>>, vector<1x16xf32>,
      %get3A_817 = vector.shape_cast %get3A_816 : vector<1x16xf32> to vector<16xf32>
      %add3A_818 = arith.addf %add3A_809, %get3A_817 : vector<16xf32>
      %scan3A_819 = arith.constant 6 : i32
      %scan3A_820 = arith.addi %scan3A_766, %scan3A_819 : i32
      %add3A_821 = arith.constant 700 : i32
      %add3A_822 = arith.addi %add3A_821, %scan3A_820 : i32
      %get3A_823 = arith.index_cast %add3A_822 : i32 to index
      %get3A_824 = arith.constant 0 : index
      %get3A_825 = tpu.vector_load %arg6[%get3A_823, %get3A_824] {strides = array<i32>} : memref<1600x16xf32, #tpu.memory_space<vmem>>, vector<1x16xf32>,
      %get3A_826 = vector.shape_cast %get3A_825 : vector<1x16xf32> to vector<16xf32>
      %add3A_827 = arith.addf %add3A_818, %get3A_826 : vector<16xf32>
      %scan3A_828 = arith.constant 7 : i32
      %scan3A_829 = arith.addi %scan3A_766, %scan3A_828 : i32
      %add3A_830 = arith.constant 700 : i32
      %add3A_831 = arith.addi %add3A_830, %scan3A_829 : i32
      %get3A_832 = arith.index_cast %add3A_831 : i32 to index
      %get3A_833 = arith.constant 0 : index
      %get3A_834 = tpu.vector_load %arg6[%get3A_832, %get3A_833] {strides = array<i32>} : memref<1600x16xf32, #tpu.memory_space<vmem>>, vector<1x16xf32>,
      %get3A_835 = vector.shape_cast %get3A_834 : vector<1x16xf32> to vector<16xf32>
      %add3A_836 = arith.addf %add3A_827, %get3A_835 : vector<16xf32>
      %scan3A_837 = arith.constant 8 : i32
      %scan3A_838 = arith.addi %scan3A_766, %scan3A_837 : i32
      %add3A_839 = arith.constant 700 : i32
      %add3A_840 = arith.addi %add3A_839, %scan3A_838 : i32
      %get3A_841 = arith.index_cast %add3A_840 : i32 to index
      %get3A_842 = arith.constant 0 : index
      %get3A_843 = tpu.vector_load %arg6[%get3A_841, %get3A_842] {strides = array<i32>} : memref<1600x16xf32, #tpu.memory_space<vmem>>, vector<1x16xf32>,
      %get3A_844 = vector.shape_cast %get3A_843 : vector<1x16xf32> to vector<16xf32>
      %add3A_845 = arith.addf %add3A_836, %get3A_844 : vector<16xf32>
      %scan3A_846 = arith.constant 9 : i32
      %scan3A_847 = arith.addi %scan3A_766, %scan3A_846 : i32
      %add3A_848 = arith.constant 700 : i32
      %add3A_849 = arith.addi %add3A_848, %scan3A_847 : i32
      %get3A_850 = arith.index_cast %add3A_849 : i32 to index
      %get3A_851 = arith.constant 0 : index
      %get3A_852 = tpu.vector_load %arg6[%get3A_850, %get3A_851] {strides = array<i32>} : memref<1600x16xf32, #tpu.memory_space<vmem>>, vector<1x16xf32>,
      %get3A_853 = vector.shape_cast %get3A_852 : vector<1x16xf32> to vector<16xf32>
      %add3A_854 = arith.addf %add3A_845, %get3A_853 : vector<16xf32>
      scf.yield %add3A_854 : vector<16xf32>
    }
    %scan3A_519 = arith.constant 50 : i32
    %swap3A_520 = arith.constant 14 : i32
    %swap3A_521 = arith.index_cast %swap3A_520 : i32 to index
    %swap3A_522 = arith.constant 0 : index
    %swap3A_523 = tpu.vector_load %arg7[%swap3A_521, %swap3A_522] {strides = array<i32>} : memref<32x16xf32, #tpu.memory_space<vmem>>, vector<1x16xf32>,
    %swap3A_524 = vector.shape_cast %swap3A_523 : vector<1x16xf32> to vector<16xf32>
    %swap3A_525 = vector.shape_cast %scan3A_518 : vector<16xf32> to vector<1x16xf32>
    tpu.vector_store %arg7[%swap3A_521, %swap3A_522], %swap3A_525 {strides = array<i32>} : memref<32x16xf32, #tpu.memory_space<vmem>>, vector<1x16xf32>,
    %broadcast_in_dim3A_526 = arith.constant 0.000000e+00 : f32
    %broadcast_in_dim3A_527 = vector.broadcast %broadcast_in_dim3A_526 : f32 to vector<16xf32>
    %scan3A_528 = arith.constant 0 : i32
    %scan3A_529 = arith.constant 50 : i32
    %scan3A_530 = arith.addi %scan3A_528, %scan3A_529 : i32
    %scan3A_531 = arith.constant 10 : i32
    %scan3A_532 = scf.for %scan3A_766 = %scan3A_528 to %scan3A_530 step %scan3A_531 iter_args(%scan3A_767 = %broadcast_in_dim3A_527) -> (vector<16xf32>)  : i32 {
      %add3A_768 = arith.constant 750 : i32
      %add3A_769 = arith.addi %add3A_768, %scan3A_766 : i32
      %get3A = arith.index_cast %add3A_769 : i32 to index
      %get3A_770 = arith.constant 0 : index
      %get3A_771 = tpu.vector_load %arg6[%get3A, %get3A_770] {strides = array<i32>} : memref<1600x16xf32, #tpu.memory_space<vmem>>, vector<1x16xf32>,
      %get3A_772 = vector.shape_cast %get3A_771 : vector<1x16xf32> to vector<16xf32>
      %add3A_773 = arith.addf %scan3A_767, %get3A_772 : vector<16xf32>
      %scan3A_774 = arith.constant 1 : i32
      %scan3A_775 = arith.addi %scan3A_766, %scan3A_774 : i32
      %add3A_776 = arith.constant 750 : i32
      %add3A_777 = arith.addi %add3A_776, %scan3A_775 : i32
      %get3A_778 = arith.index_cast %add3A_777 : i32 to index
      %get3A_779 = arith.constant 0 : index
      %get3A_780 = tpu.vector_load %arg6[%get3A_778, %get3A_779] {strides = array<i32>} : memref<1600x16xf32, #tpu.memory_space<vmem>>, vector<1x16xf32>,
      %get3A_781 = vector.shape_cast %get3A_780 : vector<1x16xf32> to vector<16xf32>
      %add3A_782 = arith.addf %add3A_773, %get3A_781 : vector<16xf32>
      %scan3A_783 = arith.constant 2 : i32
      %scan3A_784 = arith.addi %scan3A_766, %scan3A_783 : i32
      %add3A_785 = arith.constant 750 : i32
      %add3A_786 = arith.addi %add3A_785, %scan3A_784 : i32
      %get3A_787 = arith.index_cast %add3A_786 : i32 to index
      %get3A_788 = arith.constant 0 : index
      %get3A_789 = tpu.vector_load %arg6[%get3A_787, %get3A_788] {strides = array<i32>} : memref<1600x16xf32, #tpu.memory_space<vmem>>, vector<1x16xf32>,
      %get3A_790 = vector.shape_cast %get3A_789 : vector<1x16xf32> to vector<16xf32>
      %add3A_791 = arith.addf %add3A_782, %get3A_790 : vector<16xf32>
      %scan3A_792 = arith.constant 3 : i32
      %scan3A_793 = arith.addi %scan3A_766, %scan3A_792 : i32
      %add3A_794 = arith.constant 750 : i32
      %add3A_795 = arith.addi %add3A_794, %scan3A_793 : i32
      %get3A_796 = arith.index_cast %add3A_795 : i32 to index
      %get3A_797 = arith.constant 0 : index
      %get3A_798 = tpu.vector_load %arg6[%get3A_796, %get3A_797] {strides = array<i32>} : memref<1600x16xf32, #tpu.memory_space<vmem>>, vector<1x16xf32>,
      %get3A_799 = vector.shape_cast %get3A_798 : vector<1x16xf32> to vector<16xf32>
      %add3A_800 = arith.addf %add3A_791, %get3A_799 : vector<16xf32>
      %scan3A_801 = arith.constant 4 : i32
      %scan3A_802 = arith.addi %scan3A_766, %scan3A_801 : i32
      %add3A_803 = arith.constant 750 : i32
      %add3A_804 = arith.addi %add3A_803, %scan3A_802 : i32
      %get3A_805 = arith.index_cast %add3A_804 : i32 to index
      %get3A_806 = arith.constant 0 : index
      %get3A_807 = tpu.vector_load %arg6[%get3A_805, %get3A_806] {strides = array<i32>} : memref<1600x16xf32, #tpu.memory_space<vmem>>, vector<1x16xf32>,
      %get3A_808 = vector.shape_cast %get3A_807 : vector<1x16xf32> to vector<16xf32>
      %add3A_809 = arith.addf %add3A_800, %get3A_808 : vector<16xf32>
      %scan3A_810 = arith.constant 5 : i32
      %scan3A_811 = arith.addi %scan3A_766, %scan3A_810 : i32
      %add3A_812 = arith.constant 750 : i32
      %add3A_813 = arith.addi %add3A_812, %scan3A_811 : i32
      %get3A_814 = arith.index_cast %add3A_813 : i32 to index
      %get3A_815 = arith.constant 0 : index
      %get3A_816 = tpu.vector_load %arg6[%get3A_814, %get3A_815] {strides = array<i32>} : memref<1600x16xf32, #tpu.memory_space<vmem>>, vector<1x16xf32>,
      %get3A_817 = vector.shape_cast %get3A_816 : vector<1x16xf32> to vector<16xf32>
      %add3A_818 = arith.addf %add3A_809, %get3A_817 : vector<16xf32>
      %scan3A_819 = arith.constant 6 : i32
      %scan3A_820 = arith.addi %scan3A_766, %scan3A_819 : i32
      %add3A_821 = arith.constant 750 : i32
      %add3A_822 = arith.addi %add3A_821, %scan3A_820 : i32
      %get3A_823 = arith.index_cast %add3A_822 : i32 to index
      %get3A_824 = arith.constant 0 : index
      %get3A_825 = tpu.vector_load %arg6[%get3A_823, %get3A_824] {strides = array<i32>} : memref<1600x16xf32, #tpu.memory_space<vmem>>, vector<1x16xf32>,
      %get3A_826 = vector.shape_cast %get3A_825 : vector<1x16xf32> to vector<16xf32>
      %add3A_827 = arith.addf %add3A_818, %get3A_826 : vector<16xf32>
      %scan3A_828 = arith.constant 7 : i32
      %scan3A_829 = arith.addi %scan3A_766, %scan3A_828 : i32
      %add3A_830 = arith.constant 750 : i32
      %add3A_831 = arith.addi %add3A_830, %scan3A_829 : i32
      %get3A_832 = arith.index_cast %add3A_831 : i32 to index
      %get3A_833 = arith.constant 0 : index
      %get3A_834 = tpu.vector_load %arg6[%get3A_832, %get3A_833] {strides = array<i32>} : memref<1600x16xf32, #tpu.memory_space<vmem>>, vector<1x16xf32>,
      %get3A_835 = vector.shape_cast %get3A_834 : vector<1x16xf32> to vector<16xf32>
      %add3A_836 = arith.addf %add3A_827, %get3A_835 : vector<16xf32>
      %scan3A_837 = arith.constant 8 : i32
      %scan3A_838 = arith.addi %scan3A_766, %scan3A_837 : i32
      %add3A_839 = arith.constant 750 : i32
      %add3A_840 = arith.addi %add3A_839, %scan3A_838 : i32
      %get3A_841 = arith.index_cast %add3A_840 : i32 to index
      %get3A_842 = arith.constant 0 : index
      %get3A_843 = tpu.vector_load %arg6[%get3A_841, %get3A_842] {strides = array<i32>} : memref<1600x16xf32, #tpu.memory_space<vmem>>, vector<1x16xf32>,
      %get3A_844 = vector.shape_cast %get3A_843 : vector<1x16xf32> to vector<16xf32>
      %add3A_845 = arith.addf %add3A_836, %get3A_844 : vector<16xf32>
      %scan3A_846 = arith.constant 9 : i32
      %scan3A_847 = arith.addi %scan3A_766, %scan3A_846 : i32
      %add3A_848 = arith.constant 750 : i32
      %add3A_849 = arith.addi %add3A_848, %scan3A_847 : i32
      %get3A_850 = arith.index_cast %add3A_849 : i32 to index
      %get3A_851 = arith.constant 0 : index
      %get3A_852 = tpu.vector_load %arg6[%get3A_850, %get3A_851] {strides = array<i32>} : memref<1600x16xf32, #tpu.memory_space<vmem>>, vector<1x16xf32>,
      %get3A_853 = vector.shape_cast %get3A_852 : vector<1x16xf32> to vector<16xf32>
      %add3A_854 = arith.addf %add3A_845, %get3A_853 : vector<16xf32>
      scf.yield %add3A_854 : vector<16xf32>
    }
    %scan3A_533 = arith.constant 50 : i32
    %swap3A_534 = arith.constant 15 : i32
    %swap3A_535 = arith.index_cast %swap3A_534 : i32 to index
    %swap3A_536 = arith.constant 0 : index
    %swap3A_537 = tpu.vector_load %arg7[%swap3A_535, %swap3A_536] {strides = array<i32>} : memref<32x16xf32, #tpu.memory_space<vmem>>, vector<1x16xf32>,
    %swap3A_538 = vector.shape_cast %swap3A_537 : vector<1x16xf32> to vector<16xf32>
    %swap3A_539 = vector.shape_cast %scan3A_532 : vector<16xf32> to vector<1x16xf32>
    tpu.vector_store %arg7[%swap3A_535, %swap3A_536], %swap3A_539 {strides = array<i32>} : memref<32x16xf32, #tpu.memory_space<vmem>>, vector<1x16xf32>,
    %broadcast_in_dim3A_540 = arith.constant 0.000000e+00 : f32
    %broadcast_in_dim3A_541 = vector.broadcast %broadcast_in_dim3A_540 : f32 to vector<16xf32>
    %scan3A_542 = arith.constant 0 : i32
    %scan3A_543 = arith.constant 50 : i32
    %scan3A_544 = arith.addi %scan3A_542, %scan3A_543 : i32
    %scan3A_545 = arith.constant 10 : i32
    %scan3A_546 = scf.for %scan3A_766 = %scan3A_542 to %scan3A_544 step %scan3A_545 iter_args(%scan3A_767 = %broadcast_in_dim3A_541) -> (vector<16xf32>)  : i32 {
      %add3A_768 = arith.constant 800 : i32
      %add3A_769 = arith.addi %add3A_768, %scan3A_766 : i32
      %get3A = arith.index_cast %add3A_769 : i32 to index
      %get3A_770 = arith.constant 0 : index
      %get3A_771 = tpu.vector_load %arg6[%get3A, %get3A_770] {strides = array<i32>} : memref<1600x16xf32, #tpu.memory_space<vmem>>, vector<1x16xf32>,
      %get3A_772 = vector.shape_cast %get3A_771 : vector<1x16xf32> to vector<16xf32>
      %add3A_773 = arith.addf %scan3A_767, %get3A_772 : vector<16xf32>
      %scan3A_774 = arith.constant 1 : i32
      %scan3A_775 = arith.addi %scan3A_766, %scan3A_774 : i32
      %add3A_776 = arith.constant 800 : i32
      %add3A_777 = arith.addi %add3A_776, %scan3A_775 : i32
      %get3A_778 = arith.index_cast %add3A_777 : i32 to index
      %get3A_779 = arith.constant 0 : index
      %get3A_780 = tpu.vector_load %arg6[%get3A_778, %get3A_779] {strides = array<i32>} : memref<1600x16xf32, #tpu.memory_space<vmem>>, vector<1x16xf32>,
      %get3A_781 = vector.shape_cast %get3A_780 : vector<1x16xf32> to vector<16xf32>
      %add3A_782 = arith.addf %add3A_773, %get3A_781 : vector<16xf32>
      %scan3A_783 = arith.constant 2 : i32
      %scan3A_784 = arith.addi %scan3A_766, %scan3A_783 : i32
      %add3A_785 = arith.constant 800 : i32
      %add3A_786 = arith.addi %add3A_785, %scan3A_784 : i32
      %get3A_787 = arith.index_cast %add3A_786 : i32 to index
      %get3A_788 = arith.constant 0 : index
      %get3A_789 = tpu.vector_load %arg6[%get3A_787, %get3A_788] {strides = array<i32>} : memref<1600x16xf32, #tpu.memory_space<vmem>>, vector<1x16xf32>,
      %get3A_790 = vector.shape_cast %get3A_789 : vector<1x16xf32> to vector<16xf32>
      %add3A_791 = arith.addf %add3A_782, %get3A_790 : vector<16xf32>
      %scan3A_792 = arith.constant 3 : i32
      %scan3A_793 = arith.addi %scan3A_766, %scan3A_792 : i32
      %add3A_794 = arith.constant 800 : i32
      %add3A_795 = arith.addi %add3A_794, %scan3A_793 : i32
      %get3A_796 = arith.index_cast %add3A_795 : i32 to index
      %get3A_797 = arith.constant 0 : index
      %get3A_798 = tpu.vector_load %arg6[%get3A_796, %get3A_797] {strides = array<i32>} : memref<1600x16xf32, #tpu.memory_space<vmem>>, vector<1x16xf32>,
      %get3A_799 = vector.shape_cast %get3A_798 : vector<1x16xf32> to vector<16xf32>
      %add3A_800 = arith.addf %add3A_791, %get3A_799 : vector<16xf32>
      %scan3A_801 = arith.constant 4 : i32
      %scan3A_802 = arith.addi %scan3A_766, %scan3A_801 : i32
      %add3A_803 = arith.constant 800 : i32
      %add3A_804 = arith.addi %add3A_803, %scan3A_802 : i32
      %get3A_805 = arith.index_cast %add3A_804 : i32 to index
      %get3A_806 = arith.constant 0 : index
      %get3A_807 = tpu.vector_load %arg6[%get3A_805, %get3A_806] {strides = array<i32>} : memref<1600x16xf32, #tpu.memory_space<vmem>>, vector<1x16xf32>,
      %get3A_808 = vector.shape_cast %get3A_807 : vector<1x16xf32> to vector<16xf32>
      %add3A_809 = arith.addf %add3A_800, %get3A_808 : vector<16xf32>
      %scan3A_810 = arith.constant 5 : i32
      %scan3A_811 = arith.addi %scan3A_766, %scan3A_810 : i32
      %add3A_812 = arith.constant 800 : i32
      %add3A_813 = arith.addi %add3A_812, %scan3A_811 : i32
      %get3A_814 = arith.index_cast %add3A_813 : i32 to index
      %get3A_815 = arith.constant 0 : index
      %get3A_816 = tpu.vector_load %arg6[%get3A_814, %get3A_815] {strides = array<i32>} : memref<1600x16xf32, #tpu.memory_space<vmem>>, vector<1x16xf32>,
      %get3A_817 = vector.shape_cast %get3A_816 : vector<1x16xf32> to vector<16xf32>
      %add3A_818 = arith.addf %add3A_809, %get3A_817 : vector<16xf32>
      %scan3A_819 = arith.constant 6 : i32
      %scan3A_820 = arith.addi %scan3A_766, %scan3A_819 : i32
      %add3A_821 = arith.constant 800 : i32
      %add3A_822 = arith.addi %add3A_821, %scan3A_820 : i32
      %get3A_823 = arith.index_cast %add3A_822 : i32 to index
      %get3A_824 = arith.constant 0 : index
      %get3A_825 = tpu.vector_load %arg6[%get3A_823, %get3A_824] {strides = array<i32>} : memref<1600x16xf32, #tpu.memory_space<vmem>>, vector<1x16xf32>,
      %get3A_826 = vector.shape_cast %get3A_825 : vector<1x16xf32> to vector<16xf32>
      %add3A_827 = arith.addf %add3A_818, %get3A_826 : vector<16xf32>
      %scan3A_828 = arith.constant 7 : i32
      %scan3A_829 = arith.addi %scan3A_766, %scan3A_828 : i32
      %add3A_830 = arith.constant 800 : i32
      %add3A_831 = arith.addi %add3A_830, %scan3A_829 : i32
      %get3A_832 = arith.index_cast %add3A_831 : i32 to index
      %get3A_833 = arith.constant 0 : index
      %get3A_834 = tpu.vector_load %arg6[%get3A_832, %get3A_833] {strides = array<i32>} : memref<1600x16xf32, #tpu.memory_space<vmem>>, vector<1x16xf32>,
      %get3A_835 = vector.shape_cast %get3A_834 : vector<1x16xf32> to vector<16xf32>
      %add3A_836 = arith.addf %add3A_827, %get3A_835 : vector<16xf32>
      %scan3A_837 = arith.constant 8 : i32
      %scan3A_838 = arith.addi %scan3A_766, %scan3A_837 : i32
      %add3A_839 = arith.constant 800 : i32
      %add3A_840 = arith.addi %add3A_839, %scan3A_838 : i32
      %get3A_841 = arith.index_cast %add3A_840 : i32 to index
      %get3A_842 = arith.constant 0 : index
      %get3A_843 = tpu.vector_load %arg6[%get3A_841, %get3A_842] {strides = array<i32>} : memref<1600x16xf32, #tpu.memory_space<vmem>>, vector<1x16xf32>,
      %get3A_844 = vector.shape_cast %get3A_843 : vector<1x16xf32> to vector<16xf32>
      %add3A_845 = arith.addf %add3A_836, %get3A_844 : vector<16xf32>
      %scan3A_846 = arith.constant 9 : i32
      %scan3A_847 = arith.addi %scan3A_766, %scan3A_846 : i32
      %add3A_848 = arith.constant 800 : i32
      %add3A_849 = arith.addi %add3A_848, %scan3A_847 : i32
      %get3A_850 = arith.index_cast %add3A_849 : i32 to index
      %get3A_851 = arith.constant 0 : index
      %get3A_852 = tpu.vector_load %arg6[%get3A_850, %get3A_851] {strides = array<i32>} : memref<1600x16xf32, #tpu.memory_space<vmem>>, vector<1x16xf32>,
      %get3A_853 = vector.shape_cast %get3A_852 : vector<1x16xf32> to vector<16xf32>
      %add3A_854 = arith.addf %add3A_845, %get3A_853 : vector<16xf32>
      scf.yield %add3A_854 : vector<16xf32>
    }
    %scan3A_547 = arith.constant 50 : i32
    %swap3A_548 = arith.constant 16 : i32
    %swap3A_549 = arith.index_cast %swap3A_548 : i32 to index
    %swap3A_550 = arith.constant 0 : index
    %swap3A_551 = tpu.vector_load %arg7[%swap3A_549, %swap3A_550] {strides = array<i32>} : memref<32x16xf32, #tpu.memory_space<vmem>>, vector<1x16xf32>,
    %swap3A_552 = vector.shape_cast %swap3A_551 : vector<1x16xf32> to vector<16xf32>
    %swap3A_553 = vector.shape_cast %scan3A_546 : vector<16xf32> to vector<1x16xf32>
    tpu.vector_store %arg7[%swap3A_549, %swap3A_550], %swap3A_553 {strides = array<i32>} : memref<32x16xf32, #tpu.memory_space<vmem>>, vector<1x16xf32>,
    %broadcast_in_dim3A_554 = arith.constant 0.000000e+00 : f32
    %broadcast_in_dim3A_555 = vector.broadcast %broadcast_in_dim3A_554 : f32 to vector<16xf32>
    %scan3A_556 = arith.constant 0 : i32
    %scan3A_557 = arith.constant 50 : i32
    %scan3A_558 = arith.addi %scan3A_556, %scan3A_557 : i32
    %scan3A_559 = arith.constant 10 : i32
    %scan3A_560 = scf.for %scan3A_766 = %scan3A_556 to %scan3A_558 step %scan3A_559 iter_args(%scan3A_767 = %broadcast_in_dim3A_555) -> (vector<16xf32>)  : i32 {
      %add3A_768 = arith.constant 850 : i32
      %add3A_769 = arith.addi %add3A_768, %scan3A_766 : i32
      %get3A = arith.index_cast %add3A_769 : i32 to index
      %get3A_770 = arith.constant 0 : index
      %get3A_771 = tpu.vector_load %arg6[%get3A, %get3A_770] {strides = array<i32>} : memref<1600x16xf32, #tpu.memory_space<vmem>>, vector<1x16xf32>,
      %get3A_772 = vector.shape_cast %get3A_771 : vector<1x16xf32> to vector<16xf32>
      %add3A_773 = arith.addf %scan3A_767, %get3A_772 : vector<16xf32>
      %scan3A_774 = arith.constant 1 : i32
      %scan3A_775 = arith.addi %scan3A_766, %scan3A_774 : i32
      %add3A_776 = arith.constant 850 : i32
      %add3A_777 = arith.addi %add3A_776, %scan3A_775 : i32
      %get3A_778 = arith.index_cast %add3A_777 : i32 to index
      %get3A_779 = arith.constant 0 : index
      %get3A_780 = tpu.vector_load %arg6[%get3A_778, %get3A_779] {strides = array<i32>} : memref<1600x16xf32, #tpu.memory_space<vmem>>, vector<1x16xf32>,
      %get3A_781 = vector.shape_cast %get3A_780 : vector<1x16xf32> to vector<16xf32>
      %add3A_782 = arith.addf %add3A_773, %get3A_781 : vector<16xf32>
      %scan3A_783 = arith.constant 2 : i32
      %scan3A_784 = arith.addi %scan3A_766, %scan3A_783 : i32
      %add3A_785 = arith.constant 850 : i32
      %add3A_786 = arith.addi %add3A_785, %scan3A_784 : i32
      %get3A_787 = arith.index_cast %add3A_786 : i32 to index
      %get3A_788 = arith.constant 0 : index
      %get3A_789 = tpu.vector_load %arg6[%get3A_787, %get3A_788] {strides = array<i32>} : memref<1600x16xf32, #tpu.memory_space<vmem>>, vector<1x16xf32>,
      %get3A_790 = vector.shape_cast %get3A_789 : vector<1x16xf32> to vector<16xf32>
      %add3A_791 = arith.addf %add3A_782, %get3A_790 : vector<16xf32>
      %scan3A_792 = arith.constant 3 : i32
      %scan3A_793 = arith.addi %scan3A_766, %scan3A_792 : i32
      %add3A_794 = arith.constant 850 : i32
      %add3A_795 = arith.addi %add3A_794, %scan3A_793 : i32
      %get3A_796 = arith.index_cast %add3A_795 : i32 to index
      %get3A_797 = arith.constant 0 : index
      %get3A_798 = tpu.vector_load %arg6[%get3A_796, %get3A_797] {strides = array<i32>} : memref<1600x16xf32, #tpu.memory_space<vmem>>, vector<1x16xf32>,
      %get3A_799 = vector.shape_cast %get3A_798 : vector<1x16xf32> to vector<16xf32>
      %add3A_800 = arith.addf %add3A_791, %get3A_799 : vector<16xf32>
      %scan3A_801 = arith.constant 4 : i32
      %scan3A_802 = arith.addi %scan3A_766, %scan3A_801 : i32
      %add3A_803 = arith.constant 850 : i32
      %add3A_804 = arith.addi %add3A_803, %scan3A_802 : i32
      %get3A_805 = arith.index_cast %add3A_804 : i32 to index
      %get3A_806 = arith.constant 0 : index
      %get3A_807 = tpu.vector_load %arg6[%get3A_805, %get3A_806] {strides = array<i32>} : memref<1600x16xf32, #tpu.memory_space<vmem>>, vector<1x16xf32>,
      %get3A_808 = vector.shape_cast %get3A_807 : vector<1x16xf32> to vector<16xf32>
      %add3A_809 = arith.addf %add3A_800, %get3A_808 : vector<16xf32>
      %scan3A_810 = arith.constant 5 : i32
      %scan3A_811 = arith.addi %scan3A_766, %scan3A_810 : i32
      %add3A_812 = arith.constant 850 : i32
      %add3A_813 = arith.addi %add3A_812, %scan3A_811 : i32
      %get3A_814 = arith.index_cast %add3A_813 : i32 to index
      %get3A_815 = arith.constant 0 : index
      %get3A_816 = tpu.vector_load %arg6[%get3A_814, %get3A_815] {strides = array<i32>} : memref<1600x16xf32, #tpu.memory_space<vmem>>, vector<1x16xf32>,
      %get3A_817 = vector.shape_cast %get3A_816 : vector<1x16xf32> to vector<16xf32>
      %add3A_818 = arith.addf %add3A_809, %get3A_817 : vector<16xf32>
      %scan3A_819 = arith.constant 6 : i32
      %scan3A_820 = arith.addi %scan3A_766, %scan3A_819 : i32
      %add3A_821 = arith.constant 850 : i32
      %add3A_822 = arith.addi %add3A_821, %scan3A_820 : i32
      %get3A_823 = arith.index_cast %add3A_822 : i32 to index
      %get3A_824 = arith.constant 0 : index
      %get3A_825 = tpu.vector_load %arg6[%get3A_823, %get3A_824] {strides = array<i32>} : memref<1600x16xf32, #tpu.memory_space<vmem>>, vector<1x16xf32>,
      %get3A_826 = vector.shape_cast %get3A_825 : vector<1x16xf32> to vector<16xf32>
      %add3A_827 = arith.addf %add3A_818, %get3A_826 : vector<16xf32>
      %scan3A_828 = arith.constant 7 : i32
      %scan3A_829 = arith.addi %scan3A_766, %scan3A_828 : i32
      %add3A_830 = arith.constant 850 : i32
      %add3A_831 = arith.addi %add3A_830, %scan3A_829 : i32
      %get3A_832 = arith.index_cast %add3A_831 : i32 to index
      %get3A_833 = arith.constant 0 : index
      %get3A_834 = tpu.vector_load %arg6[%get3A_832, %get3A_833] {strides = array<i32>} : memref<1600x16xf32, #tpu.memory_space<vmem>>, vector<1x16xf32>,
      %get3A_835 = vector.shape_cast %get3A_834 : vector<1x16xf32> to vector<16xf32>
      %add3A_836 = arith.addf %add3A_827, %get3A_835 : vector<16xf32>
      %scan3A_837 = arith.constant 8 : i32
      %scan3A_838 = arith.addi %scan3A_766, %scan3A_837 : i32
      %add3A_839 = arith.constant 850 : i32
      %add3A_840 = arith.addi %add3A_839, %scan3A_838 : i32
      %get3A_841 = arith.index_cast %add3A_840 : i32 to index
      %get3A_842 = arith.constant 0 : index
      %get3A_843 = tpu.vector_load %arg6[%get3A_841, %get3A_842] {strides = array<i32>} : memref<1600x16xf32, #tpu.memory_space<vmem>>, vector<1x16xf32>,
      %get3A_844 = vector.shape_cast %get3A_843 : vector<1x16xf32> to vector<16xf32>
      %add3A_845 = arith.addf %add3A_836, %get3A_844 : vector<16xf32>
      %scan3A_846 = arith.constant 9 : i32
      %scan3A_847 = arith.addi %scan3A_766, %scan3A_846 : i32
      %add3A_848 = arith.constant 850 : i32
      %add3A_849 = arith.addi %add3A_848, %scan3A_847 : i32
      %get3A_850 = arith.index_cast %add3A_849 : i32 to index
      %get3A_851 = arith.constant 0 : index
      %get3A_852 = tpu.vector_load %arg6[%get3A_850, %get3A_851] {strides = array<i32>} : memref<1600x16xf32, #tpu.memory_space<vmem>>, vector<1x16xf32>,
      %get3A_853 = vector.shape_cast %get3A_852 : vector<1x16xf32> to vector<16xf32>
      %add3A_854 = arith.addf %add3A_845, %get3A_853 : vector<16xf32>
      scf.yield %add3A_854 : vector<16xf32>
    }
    %scan3A_561 = arith.constant 50 : i32
    %swap3A_562 = arith.constant 17 : i32
    %swap3A_563 = arith.index_cast %swap3A_562 : i32 to index
    %swap3A_564 = arith.constant 0 : index
    %swap3A_565 = tpu.vector_load %arg7[%swap3A_563, %swap3A_564] {strides = array<i32>} : memref<32x16xf32, #tpu.memory_space<vmem>>, vector<1x16xf32>,
    %swap3A_566 = vector.shape_cast %swap3A_565 : vector<1x16xf32> to vector<16xf32>
    %swap3A_567 = vector.shape_cast %scan3A_560 : vector<16xf32> to vector<1x16xf32>
    tpu.vector_store %arg7[%swap3A_563, %swap3A_564], %swap3A_567 {strides = array<i32>} : memref<32x16xf32, #tpu.memory_space<vmem>>, vector<1x16xf32>,
    %broadcast_in_dim3A_568 = arith.constant 0.000000e+00 : f32
    %broadcast_in_dim3A_569 = vector.broadcast %broadcast_in_dim3A_568 : f32 to vector<16xf32>
    %scan3A_570 = arith.constant 0 : i32
    %scan3A_571 = arith.constant 50 : i32
    %scan3A_572 = arith.addi %scan3A_570, %scan3A_571 : i32
    %scan3A_573 = arith.constant 10 : i32
    %scan3A_574 = scf.for %scan3A_766 = %scan3A_570 to %scan3A_572 step %scan3A_573 iter_args(%scan3A_767 = %broadcast_in_dim3A_569) -> (vector<16xf32>)  : i32 {
      %add3A_768 = arith.constant 900 : i32
      %add3A_769 = arith.addi %add3A_768, %scan3A_766 : i32
      %get3A = arith.index_cast %add3A_769 : i32 to index
      %get3A_770 = arith.constant 0 : index
      %get3A_771 = tpu.vector_load %arg6[%get3A, %get3A_770] {strides = array<i32>} : memref<1600x16xf32, #tpu.memory_space<vmem>>, vector<1x16xf32>,
      %get3A_772 = vector.shape_cast %get3A_771 : vector<1x16xf32> to vector<16xf32>
      %add3A_773 = arith.addf %scan3A_767, %get3A_772 : vector<16xf32>
      %scan3A_774 = arith.constant 1 : i32
      %scan3A_775 = arith.addi %scan3A_766, %scan3A_774 : i32
      %add3A_776 = arith.constant 900 : i32
      %add3A_777 = arith.addi %add3A_776, %scan3A_775 : i32
      %get3A_778 = arith.index_cast %add3A_777 : i32 to index
      %get3A_779 = arith.constant 0 : index
      %get3A_780 = tpu.vector_load %arg6[%get3A_778, %get3A_779] {strides = array<i32>} : memref<1600x16xf32, #tpu.memory_space<vmem>>, vector<1x16xf32>,
      %get3A_781 = vector.shape_cast %get3A_780 : vector<1x16xf32> to vector<16xf32>
      %add3A_782 = arith.addf %add3A_773, %get3A_781 : vector<16xf32>
      %scan3A_783 = arith.constant 2 : i32
      %scan3A_784 = arith.addi %scan3A_766, %scan3A_783 : i32
      %add3A_785 = arith.constant 900 : i32
      %add3A_786 = arith.addi %add3A_785, %scan3A_784 : i32
      %get3A_787 = arith.index_cast %add3A_786 : i32 to index
      %get3A_788 = arith.constant 0 : index
      %get3A_789 = tpu.vector_load %arg6[%get3A_787, %get3A_788] {strides = array<i32>} : memref<1600x16xf32, #tpu.memory_space<vmem>>, vector<1x16xf32>,
      %get3A_790 = vector.shape_cast %get3A_789 : vector<1x16xf32> to vector<16xf32>
      %add3A_791 = arith.addf %add3A_782, %get3A_790 : vector<16xf32>
      %scan3A_792 = arith.constant 3 : i32
      %scan3A_793 = arith.addi %scan3A_766, %scan3A_792 : i32
      %add3A_794 = arith.constant 900 : i32
      %add3A_795 = arith.addi %add3A_794, %scan3A_793 : i32
      %get3A_796 = arith.index_cast %add3A_795 : i32 to index
      %get3A_797 = arith.constant 0 : index
      %get3A_798 = tpu.vector_load %arg6[%get3A_796, %get3A_797] {strides = array<i32>} : memref<1600x16xf32, #tpu.memory_space<vmem>>, vector<1x16xf32>,
      %get3A_799 = vector.shape_cast %get3A_798 : vector<1x16xf32> to vector<16xf32>
      %add3A_800 = arith.addf %add3A_791, %get3A_799 : vector<16xf32>
      %scan3A_801 = arith.constant 4 : i32
      %scan3A_802 = arith.addi %scan3A_766, %scan3A_801 : i32
      %add3A_803 = arith.constant 900 : i32
      %add3A_804 = arith.addi %add3A_803, %scan3A_802 : i32
      %get3A_805 = arith.index_cast %add3A_804 : i32 to index
      %get3A_806 = arith.constant 0 : index
      %get3A_807 = tpu.vector_load %arg6[%get3A_805, %get3A_806] {strides = array<i32>} : memref<1600x16xf32, #tpu.memory_space<vmem>>, vector<1x16xf32>,
      %get3A_808 = vector.shape_cast %get3A_807 : vector<1x16xf32> to vector<16xf32>
      %add3A_809 = arith.addf %add3A_800, %get3A_808 : vector<16xf32>
      %scan3A_810 = arith.constant 5 : i32
      %scan3A_811 = arith.addi %scan3A_766, %scan3A_810 : i32
      %add3A_812 = arith.constant 900 : i32
      %add3A_813 = arith.addi %add3A_812, %scan3A_811 : i32
      %get3A_814 = arith.index_cast %add3A_813 : i32 to index
      %get3A_815 = arith.constant 0 : index
      %get3A_816 = tpu.vector_load %arg6[%get3A_814, %get3A_815] {strides = array<i32>} : memref<1600x16xf32, #tpu.memory_space<vmem>>, vector<1x16xf32>,
      %get3A_817 = vector.shape_cast %get3A_816 : vector<1x16xf32> to vector<16xf32>
      %add3A_818 = arith.addf %add3A_809, %get3A_817 : vector<16xf32>
      %scan3A_819 = arith.constant 6 : i32
      %scan3A_820 = arith.addi %scan3A_766, %scan3A_819 : i32
      %add3A_821 = arith.constant 900 : i32
      %add3A_822 = arith.addi %add3A_821, %scan3A_820 : i32
      %get3A_823 = arith.index_cast %add3A_822 : i32 to index
      %get3A_824 = arith.constant 0 : index
      %get3A_825 = tpu.vector_load %arg6[%get3A_823, %get3A_824] {strides = array<i32>} : memref<1600x16xf32, #tpu.memory_space<vmem>>, vector<1x16xf32>,
      %get3A_826 = vector.shape_cast %get3A_825 : vector<1x16xf32> to vector<16xf32>
      %add3A_827 = arith.addf %add3A_818, %get3A_826 : vector<16xf32>
      %scan3A_828 = arith.constant 7 : i32
      %scan3A_829 = arith.addi %scan3A_766, %scan3A_828 : i32
      %add3A_830 = arith.constant 900 : i32
      %add3A_831 = arith.addi %add3A_830, %scan3A_829 : i32
      %get3A_832 = arith.index_cast %add3A_831 : i32 to index
      %get3A_833 = arith.constant 0 : index
      %get3A_834 = tpu.vector_load %arg6[%get3A_832, %get3A_833] {strides = array<i32>} : memref<1600x16xf32, #tpu.memory_space<vmem>>, vector<1x16xf32>,
      %get3A_835 = vector.shape_cast %get3A_834 : vector<1x16xf32> to vector<16xf32>
      %add3A_836 = arith.addf %add3A_827, %get3A_835 : vector<16xf32>
      %scan3A_837 = arith.constant 8 : i32
      %scan3A_838 = arith.addi %scan3A_766, %scan3A_837 : i32
      %add3A_839 = arith.constant 900 : i32
      %add3A_840 = arith.addi %add3A_839, %scan3A_838 : i32
      %get3A_841 = arith.index_cast %add3A_840 : i32 to index
      %get3A_842 = arith.constant 0 : index
      %get3A_843 = tpu.vector_load %arg6[%get3A_841, %get3A_842] {strides = array<i32>} : memref<1600x16xf32, #tpu.memory_space<vmem>>, vector<1x16xf32>,
      %get3A_844 = vector.shape_cast %get3A_843 : vector<1x16xf32> to vector<16xf32>
      %add3A_845 = arith.addf %add3A_836, %get3A_844 : vector<16xf32>
      %scan3A_846 = arith.constant 9 : i32
      %scan3A_847 = arith.addi %scan3A_766, %scan3A_846 : i32
      %add3A_848 = arith.constant 900 : i32
      %add3A_849 = arith.addi %add3A_848, %scan3A_847 : i32
      %get3A_850 = arith.index_cast %add3A_849 : i32 to index
      %get3A_851 = arith.constant 0 : index
      %get3A_852 = tpu.vector_load %arg6[%get3A_850, %get3A_851] {strides = array<i32>} : memref<1600x16xf32, #tpu.memory_space<vmem>>, vector<1x16xf32>,
      %get3A_853 = vector.shape_cast %get3A_852 : vector<1x16xf32> to vector<16xf32>
      %add3A_854 = arith.addf %add3A_845, %get3A_853 : vector<16xf32>
      scf.yield %add3A_854 : vector<16xf32>
    }
    %scan3A_575 = arith.constant 50 : i32
    %swap3A_576 = arith.constant 18 : i32
    %swap3A_577 = arith.index_cast %swap3A_576 : i32 to index
    %swap3A_578 = arith.constant 0 : index
    %swap3A_579 = tpu.vector_load %arg7[%swap3A_577, %swap3A_578] {strides = array<i32>} : memref<32x16xf32, #tpu.memory_space<vmem>>, vector<1x16xf32>,
    %swap3A_580 = vector.shape_cast %swap3A_579 : vector<1x16xf32> to vector<16xf32>
    %swap3A_581 = vector.shape_cast %scan3A_574 : vector<16xf32> to vector<1x16xf32>
    tpu.vector_store %arg7[%swap3A_577, %swap3A_578], %swap3A_581 {strides = array<i32>} : memref<32x16xf32, #tpu.memory_space<vmem>>, vector<1x16xf32>,
    %broadcast_in_dim3A_582 = arith.constant 0.000000e+00 : f32
    %broadcast_in_dim3A_583 = vector.broadcast %broadcast_in_dim3A_582 : f32 to vector<16xf32>
    %scan3A_584 = arith.constant 0 : i32
    %scan3A_585 = arith.constant 50 : i32
    %scan3A_586 = arith.addi %scan3A_584, %scan3A_585 : i32
    %scan3A_587 = arith.constant 10 : i32
    %scan3A_588 = scf.for %scan3A_766 = %scan3A_584 to %scan3A_586 step %scan3A_587 iter_args(%scan3A_767 = %broadcast_in_dim3A_583) -> (vector<16xf32>)  : i32 {
      %add3A_768 = arith.constant 950 : i32
      %add3A_769 = arith.addi %add3A_768, %scan3A_766 : i32
      %get3A = arith.index_cast %add3A_769 : i32 to index
      %get3A_770 = arith.constant 0 : index
      %get3A_771 = tpu.vector_load %arg6[%get3A, %get3A_770] {strides = array<i32>} : memref<1600x16xf32, #tpu.memory_space<vmem>>, vector<1x16xf32>,
      %get3A_772 = vector.shape_cast %get3A_771 : vector<1x16xf32> to vector<16xf32>
      %add3A_773 = arith.addf %scan3A_767, %get3A_772 : vector<16xf32>
      %scan3A_774 = arith.constant 1 : i32
      %scan3A_775 = arith.addi %scan3A_766, %scan3A_774 : i32
      %add3A_776 = arith.constant 950 : i32
      %add3A_777 = arith.addi %add3A_776, %scan3A_775 : i32
      %get3A_778 = arith.index_cast %add3A_777 : i32 to index
      %get3A_779 = arith.constant 0 : index
      %get3A_780 = tpu.vector_load %arg6[%get3A_778, %get3A_779] {strides = array<i32>} : memref<1600x16xf32, #tpu.memory_space<vmem>>, vector<1x16xf32>,
      %get3A_781 = vector.shape_cast %get3A_780 : vector<1x16xf32> to vector<16xf32>
      %add3A_782 = arith.addf %add3A_773, %get3A_781 : vector<16xf32>
      %scan3A_783 = arith.constant 2 : i32
      %scan3A_784 = arith.addi %scan3A_766, %scan3A_783 : i32
      %add3A_785 = arith.constant 950 : i32
      %add3A_786 = arith.addi %add3A_785, %scan3A_784 : i32
      %get3A_787 = arith.index_cast %add3A_786 : i32 to index
      %get3A_788 = arith.constant 0 : index
      %get3A_789 = tpu.vector_load %arg6[%get3A_787, %get3A_788] {strides = array<i32>} : memref<1600x16xf32, #tpu.memory_space<vmem>>, vector<1x16xf32>,
      %get3A_790 = vector.shape_cast %get3A_789 : vector<1x16xf32> to vector<16xf32>
      %add3A_791 = arith.addf %add3A_782, %get3A_790 : vector<16xf32>
      %scan3A_792 = arith.constant 3 : i32
      %scan3A_793 = arith.addi %scan3A_766, %scan3A_792 : i32
      %add3A_794 = arith.constant 950 : i32
      %add3A_795 = arith.addi %add3A_794, %scan3A_793 : i32
      %get3A_796 = arith.index_cast %add3A_795 : i32 to index
      %get3A_797 = arith.constant 0 : index
      %get3A_798 = tpu.vector_load %arg6[%get3A_796, %get3A_797] {strides = array<i32>} : memref<1600x16xf32, #tpu.memory_space<vmem>>, vector<1x16xf32>,
      %get3A_799 = vector.shape_cast %get3A_798 : vector<1x16xf32> to vector<16xf32>
      %add3A_800 = arith.addf %add3A_791, %get3A_799 : vector<16xf32>
      %scan3A_801 = arith.constant 4 : i32
      %scan3A_802 = arith.addi %scan3A_766, %scan3A_801 : i32
      %add3A_803 = arith.constant 950 : i32
      %add3A_804 = arith.addi %add3A_803, %scan3A_802 : i32
      %get3A_805 = arith.index_cast %add3A_804 : i32 to index
      %get3A_806 = arith.constant 0 : index
      %get3A_807 = tpu.vector_load %arg6[%get3A_805, %get3A_806] {strides = array<i32>} : memref<1600x16xf32, #tpu.memory_space<vmem>>, vector<1x16xf32>,
      %get3A_808 = vector.shape_cast %get3A_807 : vector<1x16xf32> to vector<16xf32>
      %add3A_809 = arith.addf %add3A_800, %get3A_808 : vector<16xf32>
      %scan3A_810 = arith.constant 5 : i32
      %scan3A_811 = arith.addi %scan3A_766, %scan3A_810 : i32
      %add3A_812 = arith.constant 950 : i32
      %add3A_813 = arith.addi %add3A_812, %scan3A_811 : i32
      %get3A_814 = arith.index_cast %add3A_813 : i32 to index
      %get3A_815 = arith.constant 0 : index
      %get3A_816 = tpu.vector_load %arg6[%get3A_814, %get3A_815] {strides = array<i32>} : memref<1600x16xf32, #tpu.memory_space<vmem>>, vector<1x16xf32>,
      %get3A_817 = vector.shape_cast %get3A_816 : vector<1x16xf32> to vector<16xf32>
      %add3A_818 = arith.addf %add3A_809, %get3A_817 : vector<16xf32>
      %scan3A_819 = arith.constant 6 : i32
      %scan3A_820 = arith.addi %scan3A_766, %scan3A_819 : i32
      %add3A_821 = arith.constant 950 : i32
      %add3A_822 = arith.addi %add3A_821, %scan3A_820 : i32
      %get3A_823 = arith.index_cast %add3A_822 : i32 to index
      %get3A_824 = arith.constant 0 : index
      %get3A_825 = tpu.vector_load %arg6[%get3A_823, %get3A_824] {strides = array<i32>} : memref<1600x16xf32, #tpu.memory_space<vmem>>, vector<1x16xf32>,
      %get3A_826 = vector.shape_cast %get3A_825 : vector<1x16xf32> to vector<16xf32>
      %add3A_827 = arith.addf %add3A_818, %get3A_826 : vector<16xf32>
      %scan3A_828 = arith.constant 7 : i32
      %scan3A_829 = arith.addi %scan3A_766, %scan3A_828 : i32
      %add3A_830 = arith.constant 950 : i32
      %add3A_831 = arith.addi %add3A_830, %scan3A_829 : i32
      %get3A_832 = arith.index_cast %add3A_831 : i32 to index
      %get3A_833 = arith.constant 0 : index
      %get3A_834 = tpu.vector_load %arg6[%get3A_832, %get3A_833] {strides = array<i32>} : memref<1600x16xf32, #tpu.memory_space<vmem>>, vector<1x16xf32>,
      %get3A_835 = vector.shape_cast %get3A_834 : vector<1x16xf32> to vector<16xf32>
      %add3A_836 = arith.addf %add3A_827, %get3A_835 : vector<16xf32>
      %scan3A_837 = arith.constant 8 : i32
      %scan3A_838 = arith.addi %scan3A_766, %scan3A_837 : i32
      %add3A_839 = arith.constant 950 : i32
      %add3A_840 = arith.addi %add3A_839, %scan3A_838 : i32
      %get3A_841 = arith.index_cast %add3A_840 : i32 to index
      %get3A_842 = arith.constant 0 : index
      %get3A_843 = tpu.vector_load %arg6[%get3A_841, %get3A_842] {strides = array<i32>} : memref<1600x16xf32, #tpu.memory_space<vmem>>, vector<1x16xf32>,
      %get3A_844 = vector.shape_cast %get3A_843 : vector<1x16xf32> to vector<16xf32>
      %add3A_845 = arith.addf %add3A_836, %get3A_844 : vector<16xf32>
      %scan3A_846 = arith.constant 9 : i32
      %scan3A_847 = arith.addi %scan3A_766, %scan3A_846 : i32
      %add3A_848 = arith.constant 950 : i32
      %add3A_849 = arith.addi %add3A_848, %scan3A_847 : i32
      %get3A_850 = arith.index_cast %add3A_849 : i32 to index
      %get3A_851 = arith.constant 0 : index
      %get3A_852 = tpu.vector_load %arg6[%get3A_850, %get3A_851] {strides = array<i32>} : memref<1600x16xf32, #tpu.memory_space<vmem>>, vector<1x16xf32>,
      %get3A_853 = vector.shape_cast %get3A_852 : vector<1x16xf32> to vector<16xf32>
      %add3A_854 = arith.addf %add3A_845, %get3A_853 : vector<16xf32>
      scf.yield %add3A_854 : vector<16xf32>
    }
    %scan3A_589 = arith.constant 50 : i32
    %swap3A_590 = arith.constant 19 : i32
    %swap3A_591 = arith.index_cast %swap3A_590 : i32 to index
    %swap3A_592 = arith.constant 0 : index
    %swap3A_593 = tpu.vector_load %arg7[%swap3A_591, %swap3A_592] {strides = array<i32>} : memref<32x16xf32, #tpu.memory_space<vmem>>, vector<1x16xf32>,
    %swap3A_594 = vector.shape_cast %swap3A_593 : vector<1x16xf32> to vector<16xf32>
    %swap3A_595 = vector.shape_cast %scan3A_588 : vector<16xf32> to vector<1x16xf32>
    tpu.vector_store %arg7[%swap3A_591, %swap3A_592], %swap3A_595 {strides = array<i32>} : memref<32x16xf32, #tpu.memory_space<vmem>>, vector<1x16xf32>,
    %broadcast_in_dim3A_596 = arith.constant 0.000000e+00 : f32
    %broadcast_in_dim3A_597 = vector.broadcast %broadcast_in_dim3A_596 : f32 to vector<16xf32>
    %scan3A_598 = arith.constant 0 : i32
    %scan3A_599 = arith.constant 50 : i32
    %scan3A_600 = arith.addi %scan3A_598, %scan3A_599 : i32
    %scan3A_601 = arith.constant 10 : i32
    %scan3A_602 = scf.for %scan3A_766 = %scan3A_598 to %scan3A_600 step %scan3A_601 iter_args(%scan3A_767 = %broadcast_in_dim3A_597) -> (vector<16xf32>)  : i32 {
      %add3A_768 = arith.constant 1000 : i32
      %add3A_769 = arith.addi %add3A_768, %scan3A_766 : i32
      %get3A = arith.index_cast %add3A_769 : i32 to index
      %get3A_770 = arith.constant 0 : index
      %get3A_771 = tpu.vector_load %arg6[%get3A, %get3A_770] {strides = array<i32>} : memref<1600x16xf32, #tpu.memory_space<vmem>>, vector<1x16xf32>,
      %get3A_772 = vector.shape_cast %get3A_771 : vector<1x16xf32> to vector<16xf32>
      %add3A_773 = arith.addf %scan3A_767, %get3A_772 : vector<16xf32>
      %scan3A_774 = arith.constant 1 : i32
      %scan3A_775 = arith.addi %scan3A_766, %scan3A_774 : i32
      %add3A_776 = arith.constant 1000 : i32
      %add3A_777 = arith.addi %add3A_776, %scan3A_775 : i32
      %get3A_778 = arith.index_cast %add3A_777 : i32 to index
      %get3A_779 = arith.constant 0 : index
      %get3A_780 = tpu.vector_load %arg6[%get3A_778, %get3A_779] {strides = array<i32>} : memref<1600x16xf32, #tpu.memory_space<vmem>>, vector<1x16xf32>,
      %get3A_781 = vector.shape_cast %get3A_780 : vector<1x16xf32> to vector<16xf32>
      %add3A_782 = arith.addf %add3A_773, %get3A_781 : vector<16xf32>
      %scan3A_783 = arith.constant 2 : i32
      %scan3A_784 = arith.addi %scan3A_766, %scan3A_783 : i32
      %add3A_785 = arith.constant 1000 : i32
      %add3A_786 = arith.addi %add3A_785, %scan3A_784 : i32
      %get3A_787 = arith.index_cast %add3A_786 : i32 to index
      %get3A_788 = arith.constant 0 : index
      %get3A_789 = tpu.vector_load %arg6[%get3A_787, %get3A_788] {strides = array<i32>} : memref<1600x16xf32, #tpu.memory_space<vmem>>, vector<1x16xf32>,
      %get3A_790 = vector.shape_cast %get3A_789 : vector<1x16xf32> to vector<16xf32>
      %add3A_791 = arith.addf %add3A_782, %get3A_790 : vector<16xf32>
      %scan3A_792 = arith.constant 3 : i32
      %scan3A_793 = arith.addi %scan3A_766, %scan3A_792 : i32
      %add3A_794 = arith.constant 1000 : i32
      %add3A_795 = arith.addi %add3A_794, %scan3A_793 : i32
      %get3A_796 = arith.index_cast %add3A_795 : i32 to index
      %get3A_797 = arith.constant 0 : index
      %get3A_798 = tpu.vector_load %arg6[%get3A_796, %get3A_797] {strides = array<i32>} : memref<1600x16xf32, #tpu.memory_space<vmem>>, vector<1x16xf32>,
      %get3A_799 = vector.shape_cast %get3A_798 : vector<1x16xf32> to vector<16xf32>
      %add3A_800 = arith.addf %add3A_791, %get3A_799 : vector<16xf32>
      %scan3A_801 = arith.constant 4 : i32
      %scan3A_802 = arith.addi %scan3A_766, %scan3A_801 : i32
      %add3A_803 = arith.constant 1000 : i32
      %add3A_804 = arith.addi %add3A_803, %scan3A_802 : i32
      %get3A_805 = arith.index_cast %add3A_804 : i32 to index
      %get3A_806 = arith.constant 0 : index
      %get3A_807 = tpu.vector_load %arg6[%get3A_805, %get3A_806] {strides = array<i32>} : memref<1600x16xf32, #tpu.memory_space<vmem>>, vector<1x16xf32>,
      %get3A_808 = vector.shape_cast %get3A_807 : vector<1x16xf32> to vector<16xf32>
      %add3A_809 = arith.addf %add3A_800, %get3A_808 : vector<16xf32>
      %scan3A_810 = arith.constant 5 : i32
      %scan3A_811 = arith.addi %scan3A_766, %scan3A_810 : i32
      %add3A_812 = arith.constant 1000 : i32
      %add3A_813 = arith.addi %add3A_812, %scan3A_811 : i32
      %get3A_814 = arith.index_cast %add3A_813 : i32 to index
      %get3A_815 = arith.constant 0 : index
      %get3A_816 = tpu.vector_load %arg6[%get3A_814, %get3A_815] {strides = array<i32>} : memref<1600x16xf32, #tpu.memory_space<vmem>>, vector<1x16xf32>,
      %get3A_817 = vector.shape_cast %get3A_816 : vector<1x16xf32> to vector<16xf32>
      %add3A_818 = arith.addf %add3A_809, %get3A_817 : vector<16xf32>
      %scan3A_819 = arith.constant 6 : i32
      %scan3A_820 = arith.addi %scan3A_766, %scan3A_819 : i32
      %add3A_821 = arith.constant 1000 : i32
      %add3A_822 = arith.addi %add3A_821, %scan3A_820 : i32
      %get3A_823 = arith.index_cast %add3A_822 : i32 to index
      %get3A_824 = arith.constant 0 : index
      %get3A_825 = tpu.vector_load %arg6[%get3A_823, %get3A_824] {strides = array<i32>} : memref<1600x16xf32, #tpu.memory_space<vmem>>, vector<1x16xf32>,
      %get3A_826 = vector.shape_cast %get3A_825 : vector<1x16xf32> to vector<16xf32>
      %add3A_827 = arith.addf %add3A_818, %get3A_826 : vector<16xf32>
      %scan3A_828 = arith.constant 7 : i32
      %scan3A_829 = arith.addi %scan3A_766, %scan3A_828 : i32
      %add3A_830 = arith.constant 1000 : i32
      %add3A_831 = arith.addi %add3A_830, %scan3A_829 : i32
      %get3A_832 = arith.index_cast %add3A_831 : i32 to index
      %get3A_833 = arith.constant 0 : index
      %get3A_834 = tpu.vector_load %arg6[%get3A_832, %get3A_833] {strides = array<i32>} : memref<1600x16xf32, #tpu.memory_space<vmem>>, vector<1x16xf32>,
      %get3A_835 = vector.shape_cast %get3A_834 : vector<1x16xf32> to vector<16xf32>
      %add3A_836 = arith.addf %add3A_827, %get3A_835 : vector<16xf32>
      %scan3A_837 = arith.constant 8 : i32
      %scan3A_838 = arith.addi %scan3A_766, %scan3A_837 : i32
      %add3A_839 = arith.constant 1000 : i32
      %add3A_840 = arith.addi %add3A_839, %scan3A_838 : i32
      %get3A_841 = arith.index_cast %add3A_840 : i32 to index
      %get3A_842 = arith.constant 0 : index
      %get3A_843 = tpu.vector_load %arg6[%get3A_841, %get3A_842] {strides = array<i32>} : memref<1600x16xf32, #tpu.memory_space<vmem>>, vector<1x16xf32>,
      %get3A_844 = vector.shape_cast %get3A_843 : vector<1x16xf32> to vector<16xf32>
      %add3A_845 = arith.addf %add3A_836, %get3A_844 : vector<16xf32>
      %scan3A_846 = arith.constant 9 : i32
      %scan3A_847 = arith.addi %scan3A_766, %scan3A_846 : i32
      %add3A_848 = arith.constant 1000 : i32
      %add3A_849 = arith.addi %add3A_848, %scan3A_847 : i32
      %get3A_850 = arith.index_cast %add3A_849 : i32 to index
      %get3A_851 = arith.constant 0 : index
      %get3A_852 = tpu.vector_load %arg6[%get3A_850, %get3A_851] {strides = array<i32>} : memref<1600x16xf32, #tpu.memory_space<vmem>>, vector<1x16xf32>,
      %get3A_853 = vector.shape_cast %get3A_852 : vector<1x16xf32> to vector<16xf32>
      %add3A_854 = arith.addf %add3A_845, %get3A_853 : vector<16xf32>
      scf.yield %add3A_854 : vector<16xf32>
    }
    %scan3A_603 = arith.constant 50 : i32
    %swap3A_604 = arith.constant 20 : i32
    %swap3A_605 = arith.index_cast %swap3A_604 : i32 to index
    %swap3A_606 = arith.constant 0 : index
    %swap3A_607 = tpu.vector_load %arg7[%swap3A_605, %swap3A_606] {strides = array<i32>} : memref<32x16xf32, #tpu.memory_space<vmem>>, vector<1x16xf32>,
    %swap3A_608 = vector.shape_cast %swap3A_607 : vector<1x16xf32> to vector<16xf32>
    %swap3A_609 = vector.shape_cast %scan3A_602 : vector<16xf32> to vector<1x16xf32>
    tpu.vector_store %arg7[%swap3A_605, %swap3A_606], %swap3A_609 {strides = array<i32>} : memref<32x16xf32, #tpu.memory_space<vmem>>, vector<1x16xf32>,
    %broadcast_in_dim3A_610 = arith.constant 0.000000e+00 : f32
    %broadcast_in_dim3A_611 = vector.broadcast %broadcast_in_dim3A_610 : f32 to vector<16xf32>
    %scan3A_612 = arith.constant 0 : i32
    %scan3A_613 = arith.constant 50 : i32
    %scan3A_614 = arith.addi %scan3A_612, %scan3A_613 : i32
    %scan3A_615 = arith.constant 10 : i32
    %scan3A_616 = scf.for %scan3A_766 = %scan3A_612 to %scan3A_614 step %scan3A_615 iter_args(%scan3A_767 = %broadcast_in_dim3A_611) -> (vector<16xf32>)  : i32 {
      %add3A_768 = arith.constant 1050 : i32
      %add3A_769 = arith.addi %add3A_768, %scan3A_766 : i32
      %get3A = arith.index_cast %add3A_769 : i32 to index
      %get3A_770 = arith.constant 0 : index
      %get3A_771 = tpu.vector_load %arg6[%get3A, %get3A_770] {strides = array<i32>} : memref<1600x16xf32, #tpu.memory_space<vmem>>, vector<1x16xf32>,
      %get3A_772 = vector.shape_cast %get3A_771 : vector<1x16xf32> to vector<16xf32>
      %add3A_773 = arith.addf %scan3A_767, %get3A_772 : vector<16xf32>
      %scan3A_774 = arith.constant 1 : i32
      %scan3A_775 = arith.addi %scan3A_766, %scan3A_774 : i32
      %add3A_776 = arith.constant 1050 : i32
      %add3A_777 = arith.addi %add3A_776, %scan3A_775 : i32
      %get3A_778 = arith.index_cast %add3A_777 : i32 to index
      %get3A_779 = arith.constant 0 : index
      %get3A_780 = tpu.vector_load %arg6[%get3A_778, %get3A_779] {strides = array<i32>} : memref<1600x16xf32, #tpu.memory_space<vmem>>, vector<1x16xf32>,
      %get3A_781 = vector.shape_cast %get3A_780 : vector<1x16xf32> to vector<16xf32>
      %add3A_782 = arith.addf %add3A_773, %get3A_781 : vector<16xf32>
      %scan3A_783 = arith.constant 2 : i32
      %scan3A_784 = arith.addi %scan3A_766, %scan3A_783 : i32
      %add3A_785 = arith.constant 1050 : i32
      %add3A_786 = arith.addi %add3A_785, %scan3A_784 : i32
      %get3A_787 = arith.index_cast %add3A_786 : i32 to index
      %get3A_788 = arith.constant 0 : index
      %get3A_789 = tpu.vector_load %arg6[%get3A_787, %get3A_788] {strides = array<i32>} : memref<1600x16xf32, #tpu.memory_space<vmem>>, vector<1x16xf32>,
      %get3A_790 = vector.shape_cast %get3A_789 : vector<1x16xf32> to vector<16xf32>
      %add3A_791 = arith.addf %add3A_782, %get3A_790 : vector<16xf32>
      %scan3A_792 = arith.constant 3 : i32
      %scan3A_793 = arith.addi %scan3A_766, %scan3A_792 : i32
      %add3A_794 = arith.constant 1050 : i32
      %add3A_795 = arith.addi %add3A_794, %scan3A_793 : i32
      %get3A_796 = arith.index_cast %add3A_795 : i32 to index
      %get3A_797 = arith.constant 0 : index
      %get3A_798 = tpu.vector_load %arg6[%get3A_796, %get3A_797] {strides = array<i32>} : memref<1600x16xf32, #tpu.memory_space<vmem>>, vector<1x16xf32>,
      %get3A_799 = vector.shape_cast %get3A_798 : vector<1x16xf32> to vector<16xf32>
      %add3A_800 = arith.addf %add3A_791, %get3A_799 : vector<16xf32>
      %scan3A_801 = arith.constant 4 : i32
      %scan3A_802 = arith.addi %scan3A_766, %scan3A_801 : i32
      %add3A_803 = arith.constant 1050 : i32
      %add3A_804 = arith.addi %add3A_803, %scan3A_802 : i32
      %get3A_805 = arith.index_cast %add3A_804 : i32 to index
      %get3A_806 = arith.constant 0 : index
      %get3A_807 = tpu.vector_load %arg6[%get3A_805, %get3A_806] {strides = array<i32>} : memref<1600x16xf32, #tpu.memory_space<vmem>>, vector<1x16xf32>,
      %get3A_808 = vector.shape_cast %get3A_807 : vector<1x16xf32> to vector<16xf32>
      %add3A_809 = arith.addf %add3A_800, %get3A_808 : vector<16xf32>
      %scan3A_810 = arith.constant 5 : i32
      %scan3A_811 = arith.addi %scan3A_766, %scan3A_810 : i32
      %add3A_812 = arith.constant 1050 : i32
      %add3A_813 = arith.addi %add3A_812, %scan3A_811 : i32
      %get3A_814 = arith.index_cast %add3A_813 : i32 to index
      %get3A_815 = arith.constant 0 : index
      %get3A_816 = tpu.vector_load %arg6[%get3A_814, %get3A_815] {strides = array<i32>} : memref<1600x16xf32, #tpu.memory_space<vmem>>, vector<1x16xf32>,
      %get3A_817 = vector.shape_cast %get3A_816 : vector<1x16xf32> to vector<16xf32>
      %add3A_818 = arith.addf %add3A_809, %get3A_817 : vector<16xf32>
      %scan3A_819 = arith.constant 6 : i32
      %scan3A_820 = arith.addi %scan3A_766, %scan3A_819 : i32
      %add3A_821 = arith.constant 1050 : i32
      %add3A_822 = arith.addi %add3A_821, %scan3A_820 : i32
      %get3A_823 = arith.index_cast %add3A_822 : i32 to index
      %get3A_824 = arith.constant 0 : index
      %get3A_825 = tpu.vector_load %arg6[%get3A_823, %get3A_824] {strides = array<i32>} : memref<1600x16xf32, #tpu.memory_space<vmem>>, vector<1x16xf32>,
      %get3A_826 = vector.shape_cast %get3A_825 : vector<1x16xf32> to vector<16xf32>
      %add3A_827 = arith.addf %add3A_818, %get3A_826 : vector<16xf32>
      %scan3A_828 = arith.constant 7 : i32
      %scan3A_829 = arith.addi %scan3A_766, %scan3A_828 : i32
      %add3A_830 = arith.constant 1050 : i32
      %add3A_831 = arith.addi %add3A_830, %scan3A_829 : i32
      %get3A_832 = arith.index_cast %add3A_831 : i32 to index
      %get3A_833 = arith.constant 0 : index
      %get3A_834 = tpu.vector_load %arg6[%get3A_832, %get3A_833] {strides = array<i32>} : memref<1600x16xf32, #tpu.memory_space<vmem>>, vector<1x16xf32>,
      %get3A_835 = vector.shape_cast %get3A_834 : vector<1x16xf32> to vector<16xf32>
      %add3A_836 = arith.addf %add3A_827, %get3A_835 : vector<16xf32>
      %scan3A_837 = arith.constant 8 : i32
      %scan3A_838 = arith.addi %scan3A_766, %scan3A_837 : i32
      %add3A_839 = arith.constant 1050 : i32
      %add3A_840 = arith.addi %add3A_839, %scan3A_838 : i32
      %get3A_841 = arith.index_cast %add3A_840 : i32 to index
      %get3A_842 = arith.constant 0 : index
      %get3A_843 = tpu.vector_load %arg6[%get3A_841, %get3A_842] {strides = array<i32>} : memref<1600x16xf32, #tpu.memory_space<vmem>>, vector<1x16xf32>,
      %get3A_844 = vector.shape_cast %get3A_843 : vector<1x16xf32> to vector<16xf32>
      %add3A_845 = arith.addf %add3A_836, %get3A_844 : vector<16xf32>
      %scan3A_846 = arith.constant 9 : i32
      %scan3A_847 = arith.addi %scan3A_766, %scan3A_846 : i32
      %add3A_848 = arith.constant 1050 : i32
      %add3A_849 = arith.addi %add3A_848, %scan3A_847 : i32
      %get3A_850 = arith.index_cast %add3A_849 : i32 to index
      %get3A_851 = arith.constant 0 : index
      %get3A_852 = tpu.vector_load %arg6[%get3A_850, %get3A_851] {strides = array<i32>} : memref<1600x16xf32, #tpu.memory_space<vmem>>, vector<1x16xf32>,
      %get3A_853 = vector.shape_cast %get3A_852 : vector<1x16xf32> to vector<16xf32>
      %add3A_854 = arith.addf %add3A_845, %get3A_853 : vector<16xf32>
      scf.yield %add3A_854 : vector<16xf32>
    }
    %scan3A_617 = arith.constant 50 : i32
    %swap3A_618 = arith.constant 21 : i32
    %swap3A_619 = arith.index_cast %swap3A_618 : i32 to index
    %swap3A_620 = arith.constant 0 : index
    %swap3A_621 = tpu.vector_load %arg7[%swap3A_619, %swap3A_620] {strides = array<i32>} : memref<32x16xf32, #tpu.memory_space<vmem>>, vector<1x16xf32>,
    %swap3A_622 = vector.shape_cast %swap3A_621 : vector<1x16xf32> to vector<16xf32>
    %swap3A_623 = vector.shape_cast %scan3A_616 : vector<16xf32> to vector<1x16xf32>
    tpu.vector_store %arg7[%swap3A_619, %swap3A_620], %swap3A_623 {strides = array<i32>} : memref<32x16xf32, #tpu.memory_space<vmem>>, vector<1x16xf32>,
    %broadcast_in_dim3A_624 = arith.constant 0.000000e+00 : f32
    %broadcast_in_dim3A_625 = vector.broadcast %broadcast_in_dim3A_624 : f32 to vector<16xf32>
    %scan3A_626 = arith.constant 0 : i32
    %scan3A_627 = arith.constant 50 : i32
    %scan3A_628 = arith.addi %scan3A_626, %scan3A_627 : i32
    %scan3A_629 = arith.constant 10 : i32
    %scan3A_630 = scf.for %scan3A_766 = %scan3A_626 to %scan3A_628 step %scan3A_629 iter_args(%scan3A_767 = %broadcast_in_dim3A_625) -> (vector<16xf32>)  : i32 {
      %add3A_768 = arith.constant 1100 : i32
      %add3A_769 = arith.addi %add3A_768, %scan3A_766 : i32
      %get3A = arith.index_cast %add3A_769 : i32 to index
      %get3A_770 = arith.constant 0 : index
      %get3A_771 = tpu.vector_load %arg6[%get3A, %get3A_770] {strides = array<i32>} : memref<1600x16xf32, #tpu.memory_space<vmem>>, vector<1x16xf32>,
      %get3A_772 = vector.shape_cast %get3A_771 : vector<1x16xf32> to vector<16xf32>
      %add3A_773 = arith.addf %scan3A_767, %get3A_772 : vector<16xf32>
      %scan3A_774 = arith.constant 1 : i32
      %scan3A_775 = arith.addi %scan3A_766, %scan3A_774 : i32
      %add3A_776 = arith.constant 1100 : i32
      %add3A_777 = arith.addi %add3A_776, %scan3A_775 : i32
      %get3A_778 = arith.index_cast %add3A_777 : i32 to index
      %get3A_779 = arith.constant 0 : index
      %get3A_780 = tpu.vector_load %arg6[%get3A_778, %get3A_779] {strides = array<i32>} : memref<1600x16xf32, #tpu.memory_space<vmem>>, vector<1x16xf32>,
      %get3A_781 = vector.shape_cast %get3A_780 : vector<1x16xf32> to vector<16xf32>
      %add3A_782 = arith.addf %add3A_773, %get3A_781 : vector<16xf32>
      %scan3A_783 = arith.constant 2 : i32
      %scan3A_784 = arith.addi %scan3A_766, %scan3A_783 : i32
      %add3A_785 = arith.constant 1100 : i32
      %add3A_786 = arith.addi %add3A_785, %scan3A_784 : i32
      %get3A_787 = arith.index_cast %add3A_786 : i32 to index
      %get3A_788 = arith.constant 0 : index
      %get3A_789 = tpu.vector_load %arg6[%get3A_787, %get3A_788] {strides = array<i32>} : memref<1600x16xf32, #tpu.memory_space<vmem>>, vector<1x16xf32>,
      %get3A_790 = vector.shape_cast %get3A_789 : vector<1x16xf32> to vector<16xf32>
      %add3A_791 = arith.addf %add3A_782, %get3A_790 : vector<16xf32>
      %scan3A_792 = arith.constant 3 : i32
      %scan3A_793 = arith.addi %scan3A_766, %scan3A_792 : i32
      %add3A_794 = arith.constant 1100 : i32
      %add3A_795 = arith.addi %add3A_794, %scan3A_793 : i32
      %get3A_796 = arith.index_cast %add3A_795 : i32 to index
      %get3A_797 = arith.constant 0 : index
      %get3A_798 = tpu.vector_load %arg6[%get3A_796, %get3A_797] {strides = array<i32>} : memref<1600x16xf32, #tpu.memory_space<vmem>>, vector<1x16xf32>,
      %get3A_799 = vector.shape_cast %get3A_798 : vector<1x16xf32> to vector<16xf32>
      %add3A_800 = arith.addf %add3A_791, %get3A_799 : vector<16xf32>
      %scan3A_801 = arith.constant 4 : i32
      %scan3A_802 = arith.addi %scan3A_766, %scan3A_801 : i32
      %add3A_803 = arith.constant 1100 : i32
      %add3A_804 = arith.addi %add3A_803, %scan3A_802 : i32
      %get3A_805 = arith.index_cast %add3A_804 : i32 to index
      %get3A_806 = arith.constant 0 : index
      %get3A_807 = tpu.vector_load %arg6[%get3A_805, %get3A_806] {strides = array<i32>} : memref<1600x16xf32, #tpu.memory_space<vmem>>, vector<1x16xf32>,
      %get3A_808 = vector.shape_cast %get3A_807 : vector<1x16xf32> to vector<16xf32>
      %add3A_809 = arith.addf %add3A_800, %get3A_808 : vector<16xf32>
      %scan3A_810 = arith.constant 5 : i32
      %scan3A_811 = arith.addi %scan3A_766, %scan3A_810 : i32
      %add3A_812 = arith.constant 1100 : i32
      %add3A_813 = arith.addi %add3A_812, %scan3A_811 : i32
      %get3A_814 = arith.index_cast %add3A_813 : i32 to index
      %get3A_815 = arith.constant 0 : index
      %get3A_816 = tpu.vector_load %arg6[%get3A_814, %get3A_815] {strides = array<i32>} : memref<1600x16xf32, #tpu.memory_space<vmem>>, vector<1x16xf32>,
      %get3A_817 = vector.shape_cast %get3A_816 : vector<1x16xf32> to vector<16xf32>
      %add3A_818 = arith.addf %add3A_809, %get3A_817 : vector<16xf32>
      %scan3A_819 = arith.constant 6 : i32
      %scan3A_820 = arith.addi %scan3A_766, %scan3A_819 : i32
      %add3A_821 = arith.constant 1100 : i32
      %add3A_822 = arith.addi %add3A_821, %scan3A_820 : i32
      %get3A_823 = arith.index_cast %add3A_822 : i32 to index
      %get3A_824 = arith.constant 0 : index
      %get3A_825 = tpu.vector_load %arg6[%get3A_823, %get3A_824] {strides = array<i32>} : memref<1600x16xf32, #tpu.memory_space<vmem>>, vector<1x16xf32>,
      %get3A_826 = vector.shape_cast %get3A_825 : vector<1x16xf32> to vector<16xf32>
      %add3A_827 = arith.addf %add3A_818, %get3A_826 : vector<16xf32>
      %scan3A_828 = arith.constant 7 : i32
      %scan3A_829 = arith.addi %scan3A_766, %scan3A_828 : i32
      %add3A_830 = arith.constant 1100 : i32
      %add3A_831 = arith.addi %add3A_830, %scan3A_829 : i32
      %get3A_832 = arith.index_cast %add3A_831 : i32 to index
      %get3A_833 = arith.constant 0 : index
      %get3A_834 = tpu.vector_load %arg6[%get3A_832, %get3A_833] {strides = array<i32>} : memref<1600x16xf32, #tpu.memory_space<vmem>>, vector<1x16xf32>,
      %get3A_835 = vector.shape_cast %get3A_834 : vector<1x16xf32> to vector<16xf32>
      %add3A_836 = arith.addf %add3A_827, %get3A_835 : vector<16xf32>
      %scan3A_837 = arith.constant 8 : i32
      %scan3A_838 = arith.addi %scan3A_766, %scan3A_837 : i32
      %add3A_839 = arith.constant 1100 : i32
      %add3A_840 = arith.addi %add3A_839, %scan3A_838 : i32
      %get3A_841 = arith.index_cast %add3A_840 : i32 to index
      %get3A_842 = arith.constant 0 : index
      %get3A_843 = tpu.vector_load %arg6[%get3A_841, %get3A_842] {strides = array<i32>} : memref<1600x16xf32, #tpu.memory_space<vmem>>, vector<1x16xf32>,
      %get3A_844 = vector.shape_cast %get3A_843 : vector<1x16xf32> to vector<16xf32>
      %add3A_845 = arith.addf %add3A_836, %get3A_844 : vector<16xf32>
      %scan3A_846 = arith.constant 9 : i32
      %scan3A_847 = arith.addi %scan3A_766, %scan3A_846 : i32
      %add3A_848 = arith.constant 1100 : i32
      %add3A_849 = arith.addi %add3A_848, %scan3A_847 : i32
      %get3A_850 = arith.index_cast %add3A_849 : i32 to index
      %get3A_851 = arith.constant 0 : index
      %get3A_852 = tpu.vector_load %arg6[%get3A_850, %get3A_851] {strides = array<i32>} : memref<1600x16xf32, #tpu.memory_space<vmem>>, vector<1x16xf32>,
      %get3A_853 = vector.shape_cast %get3A_852 : vector<1x16xf32> to vector<16xf32>
      %add3A_854 = arith.addf %add3A_845, %get3A_853 : vector<16xf32>
      scf.yield %add3A_854 : vector<16xf32>
    }
    %scan3A_631 = arith.constant 50 : i32
    %swap3A_632 = arith.constant 22 : i32
    %swap3A_633 = arith.index_cast %swap3A_632 : i32 to index
    %swap3A_634 = arith.constant 0 : index
    %swap3A_635 = tpu.vector_load %arg7[%swap3A_633, %swap3A_634] {strides = array<i32>} : memref<32x16xf32, #tpu.memory_space<vmem>>, vector<1x16xf32>,
    %swap3A_636 = vector.shape_cast %swap3A_635 : vector<1x16xf32> to vector<16xf32>
    %swap3A_637 = vector.shape_cast %scan3A_630 : vector<16xf32> to vector<1x16xf32>
    tpu.vector_store %arg7[%swap3A_633, %swap3A_634], %swap3A_637 {strides = array<i32>} : memref<32x16xf32, #tpu.memory_space<vmem>>, vector<1x16xf32>,
    %broadcast_in_dim3A_638 = arith.constant 0.000000e+00 : f32
    %broadcast_in_dim3A_639 = vector.broadcast %broadcast_in_dim3A_638 : f32 to vector<16xf32>
    %scan3A_640 = arith.constant 0 : i32
    %scan3A_641 = arith.constant 50 : i32
    %scan3A_642 = arith.addi %scan3A_640, %scan3A_641 : i32
    %scan3A_643 = arith.constant 10 : i32
    %scan3A_644 = scf.for %scan3A_766 = %scan3A_640 to %scan3A_642 step %scan3A_643 iter_args(%scan3A_767 = %broadcast_in_dim3A_639) -> (vector<16xf32>)  : i32 {
      %add3A_768 = arith.constant 1150 : i32
      %add3A_769 = arith.addi %add3A_768, %scan3A_766 : i32
      %get3A = arith.index_cast %add3A_769 : i32 to index
      %get3A_770 = arith.constant 0 : index
      %get3A_771 = tpu.vector_load %arg6[%get3A, %get3A_770] {strides = array<i32>} : memref<1600x16xf32, #tpu.memory_space<vmem>>, vector<1x16xf32>,
      %get3A_772 = vector.shape_cast %get3A_771 : vector<1x16xf32> to vector<16xf32>
      %add3A_773 = arith.addf %scan3A_767, %get3A_772 : vector<16xf32>
      %scan3A_774 = arith.constant 1 : i32
      %scan3A_775 = arith.addi %scan3A_766, %scan3A_774 : i32
      %add3A_776 = arith.constant 1150 : i32
      %add3A_777 = arith.addi %add3A_776, %scan3A_775 : i32
      %get3A_778 = arith.index_cast %add3A_777 : i32 to index
      %get3A_779 = arith.constant 0 : index
      %get3A_780 = tpu.vector_load %arg6[%get3A_778, %get3A_779] {strides = array<i32>} : memref<1600x16xf32, #tpu.memory_space<vmem>>, vector<1x16xf32>,
      %get3A_781 = vector.shape_cast %get3A_780 : vector<1x16xf32> to vector<16xf32>
      %add3A_782 = arith.addf %add3A_773, %get3A_781 : vector<16xf32>
      %scan3A_783 = arith.constant 2 : i32
      %scan3A_784 = arith.addi %scan3A_766, %scan3A_783 : i32
      %add3A_785 = arith.constant 1150 : i32
      %add3A_786 = arith.addi %add3A_785, %scan3A_784 : i32
      %get3A_787 = arith.index_cast %add3A_786 : i32 to index
      %get3A_788 = arith.constant 0 : index
      %get3A_789 = tpu.vector_load %arg6[%get3A_787, %get3A_788] {strides = array<i32>} : memref<1600x16xf32, #tpu.memory_space<vmem>>, vector<1x16xf32>,
      %get3A_790 = vector.shape_cast %get3A_789 : vector<1x16xf32> to vector<16xf32>
      %add3A_791 = arith.addf %add3A_782, %get3A_790 : vector<16xf32>
      %scan3A_792 = arith.constant 3 : i32
      %scan3A_793 = arith.addi %scan3A_766, %scan3A_792 : i32
      %add3A_794 = arith.constant 1150 : i32
      %add3A_795 = arith.addi %add3A_794, %scan3A_793 : i32
      %get3A_796 = arith.index_cast %add3A_795 : i32 to index
      %get3A_797 = arith.constant 0 : index
      %get3A_798 = tpu.vector_load %arg6[%get3A_796, %get3A_797] {strides = array<i32>} : memref<1600x16xf32, #tpu.memory_space<vmem>>, vector<1x16xf32>,
      %get3A_799 = vector.shape_cast %get3A_798 : vector<1x16xf32> to vector<16xf32>
      %add3A_800 = arith.addf %add3A_791, %get3A_799 : vector<16xf32>
      %scan3A_801 = arith.constant 4 : i32
      %scan3A_802 = arith.addi %scan3A_766, %scan3A_801 : i32
      %add3A_803 = arith.constant 1150 : i32
      %add3A_804 = arith.addi %add3A_803, %scan3A_802 : i32
      %get3A_805 = arith.index_cast %add3A_804 : i32 to index
      %get3A_806 = arith.constant 0 : index
      %get3A_807 = tpu.vector_load %arg6[%get3A_805, %get3A_806] {strides = array<i32>} : memref<1600x16xf32, #tpu.memory_space<vmem>>, vector<1x16xf32>,
      %get3A_808 = vector.shape_cast %get3A_807 : vector<1x16xf32> to vector<16xf32>
      %add3A_809 = arith.addf %add3A_800, %get3A_808 : vector<16xf32>
      %scan3A_810 = arith.constant 5 : i32
      %scan3A_811 = arith.addi %scan3A_766, %scan3A_810 : i32
      %add3A_812 = arith.constant 1150 : i32
      %add3A_813 = arith.addi %add3A_812, %scan3A_811 : i32
      %get3A_814 = arith.index_cast %add3A_813 : i32 to index
      %get3A_815 = arith.constant 0 : index
      %get3A_816 = tpu.vector_load %arg6[%get3A_814, %get3A_815] {strides = array<i32>} : memref<1600x16xf32, #tpu.memory_space<vmem>>, vector<1x16xf32>,
      %get3A_817 = vector.shape_cast %get3A_816 : vector<1x16xf32> to vector<16xf32>
      %add3A_818 = arith.addf %add3A_809, %get3A_817 : vector<16xf32>
      %scan3A_819 = arith.constant 6 : i32
      %scan3A_820 = arith.addi %scan3A_766, %scan3A_819 : i32
      %add3A_821 = arith.constant 1150 : i32
      %add3A_822 = arith.addi %add3A_821, %scan3A_820 : i32
      %get3A_823 = arith.index_cast %add3A_822 : i32 to index
      %get3A_824 = arith.constant 0 : index
      %get3A_825 = tpu.vector_load %arg6[%get3A_823, %get3A_824] {strides = array<i32>} : memref<1600x16xf32, #tpu.memory_space<vmem>>, vector<1x16xf32>,
      %get3A_826 = vector.shape_cast %get3A_825 : vector<1x16xf32> to vector<16xf32>
      %add3A_827 = arith.addf %add3A_818, %get3A_826 : vector<16xf32>
      %scan3A_828 = arith.constant 7 : i32
      %scan3A_829 = arith.addi %scan3A_766, %scan3A_828 : i32
      %add3A_830 = arith.constant 1150 : i32
      %add3A_831 = arith.addi %add3A_830, %scan3A_829 : i32
      %get3A_832 = arith.index_cast %add3A_831 : i32 to index
      %get3A_833 = arith.constant 0 : index
      %get3A_834 = tpu.vector_load %arg6[%get3A_832, %get3A_833] {strides = array<i32>} : memref<1600x16xf32, #tpu.memory_space<vmem>>, vector<1x16xf32>,
      %get3A_835 = vector.shape_cast %get3A_834 : vector<1x16xf32> to vector<16xf32>
      %add3A_836 = arith.addf %add3A_827, %get3A_835 : vector<16xf32>
      %scan3A_837 = arith.constant 8 : i32
      %scan3A_838 = arith.addi %scan3A_766, %scan3A_837 : i32
      %add3A_839 = arith.constant 1150 : i32
      %add3A_840 = arith.addi %add3A_839, %scan3A_838 : i32
      %get3A_841 = arith.index_cast %add3A_840 : i32 to index
      %get3A_842 = arith.constant 0 : index
      %get3A_843 = tpu.vector_load %arg6[%get3A_841, %get3A_842] {strides = array<i32>} : memref<1600x16xf32, #tpu.memory_space<vmem>>, vector<1x16xf32>,
      %get3A_844 = vector.shape_cast %get3A_843 : vector<1x16xf32> to vector<16xf32>
      %add3A_845 = arith.addf %add3A_836, %get3A_844 : vector<16xf32>
      %scan3A_846 = arith.constant 9 : i32
      %scan3A_847 = arith.addi %scan3A_766, %scan3A_846 : i32
      %add3A_848 = arith.constant 1150 : i32
      %add3A_849 = arith.addi %add3A_848, %scan3A_847 : i32
      %get3A_850 = arith.index_cast %add3A_849 : i32 to index
      %get3A_851 = arith.constant 0 : index
      %get3A_852 = tpu.vector_load %arg6[%get3A_850, %get3A_851] {strides = array<i32>} : memref<1600x16xf32, #tpu.memory_space<vmem>>, vector<1x16xf32>,
      %get3A_853 = vector.shape_cast %get3A_852 : vector<1x16xf32> to vector<16xf32>
      %add3A_854 = arith.addf %add3A_845, %get3A_853 : vector<16xf32>
      scf.yield %add3A_854 : vector<16xf32>
    }
    %scan3A_645 = arith.constant 50 : i32
    %swap3A_646 = arith.constant 23 : i32
    %swap3A_647 = arith.index_cast %swap3A_646 : i32 to index
    %swap3A_648 = arith.constant 0 : index
    %swap3A_649 = tpu.vector_load %arg7[%swap3A_647, %swap3A_648] {strides = array<i32>} : memref<32x16xf32, #tpu.memory_space<vmem>>, vector<1x16xf32>,
    %swap3A_650 = vector.shape_cast %swap3A_649 : vector<1x16xf32> to vector<16xf32>
    %swap3A_651 = vector.shape_cast %scan3A_644 : vector<16xf32> to vector<1x16xf32>
    tpu.vector_store %arg7[%swap3A_647, %swap3A_648], %swap3A_651 {strides = array<i32>} : memref<32x16xf32, #tpu.memory_space<vmem>>, vector<1x16xf32>,
    %broadcast_in_dim3A_652 = arith.constant 0.000000e+00 : f32
    %broadcast_in_dim3A_653 = vector.broadcast %broadcast_in_dim3A_652 : f32 to vector<16xf32>
    %scan3A_654 = arith.constant 0 : i32
    %scan3A_655 = arith.constant 50 : i32
    %scan3A_656 = arith.addi %scan3A_654, %scan3A_655 : i32
    %scan3A_657 = arith.constant 10 : i32
    %scan3A_658 = scf.for %scan3A_766 = %scan3A_654 to %scan3A_656 step %scan3A_657 iter_args(%scan3A_767 = %broadcast_in_dim3A_653) -> (vector<16xf32>)  : i32 {
      %add3A_768 = arith.constant 1200 : i32
      %add3A_769 = arith.addi %add3A_768, %scan3A_766 : i32
      %get3A = arith.index_cast %add3A_769 : i32 to index
      %get3A_770 = arith.constant 0 : index
      %get3A_771 = tpu.vector_load %arg6[%get3A, %get3A_770] {strides = array<i32>} : memref<1600x16xf32, #tpu.memory_space<vmem>>, vector<1x16xf32>,
      %get3A_772 = vector.shape_cast %get3A_771 : vector<1x16xf32> to vector<16xf32>
      %add3A_773 = arith.addf %scan3A_767, %get3A_772 : vector<16xf32>
      %scan3A_774 = arith.constant 1 : i32
      %scan3A_775 = arith.addi %scan3A_766, %scan3A_774 : i32
      %add3A_776 = arith.constant 1200 : i32
      %add3A_777 = arith.addi %add3A_776, %scan3A_775 : i32
      %get3A_778 = arith.index_cast %add3A_777 : i32 to index
      %get3A_779 = arith.constant 0 : index
      %get3A_780 = tpu.vector_load %arg6[%get3A_778, %get3A_779] {strides = array<i32>} : memref<1600x16xf32, #tpu.memory_space<vmem>>, vector<1x16xf32>,
      %get3A_781 = vector.shape_cast %get3A_780 : vector<1x16xf32> to vector<16xf32>
      %add3A_782 = arith.addf %add3A_773, %get3A_781 : vector<16xf32>
      %scan3A_783 = arith.constant 2 : i32
      %scan3A_784 = arith.addi %scan3A_766, %scan3A_783 : i32
      %add3A_785 = arith.constant 1200 : i32
      %add3A_786 = arith.addi %add3A_785, %scan3A_784 : i32
      %get3A_787 = arith.index_cast %add3A_786 : i32 to index
      %get3A_788 = arith.constant 0 : index
      %get3A_789 = tpu.vector_load %arg6[%get3A_787, %get3A_788] {strides = array<i32>} : memref<1600x16xf32, #tpu.memory_space<vmem>>, vector<1x16xf32>,
      %get3A_790 = vector.shape_cast %get3A_789 : vector<1x16xf32> to vector<16xf32>
      %add3A_791 = arith.addf %add3A_782, %get3A_790 : vector<16xf32>
      %scan3A_792 = arith.constant 3 : i32
      %scan3A_793 = arith.addi %scan3A_766, %scan3A_792 : i32
      %add3A_794 = arith.constant 1200 : i32
      %add3A_795 = arith.addi %add3A_794, %scan3A_793 : i32
      %get3A_796 = arith.index_cast %add3A_795 : i32 to index
      %get3A_797 = arith.constant 0 : index
      %get3A_798 = tpu.vector_load %arg6[%get3A_796, %get3A_797] {strides = array<i32>} : memref<1600x16xf32, #tpu.memory_space<vmem>>, vector<1x16xf32>,
      %get3A_799 = vector.shape_cast %get3A_798 : vector<1x16xf32> to vector<16xf32>
      %add3A_800 = arith.addf %add3A_791, %get3A_799 : vector<16xf32>
      %scan3A_801 = arith.constant 4 : i32
      %scan3A_802 = arith.addi %scan3A_766, %scan3A_801 : i32
      %add3A_803 = arith.constant 1200 : i32
      %add3A_804 = arith.addi %add3A_803, %scan3A_802 : i32
      %get3A_805 = arith.index_cast %add3A_804 : i32 to index
      %get3A_806 = arith.constant 0 : index
      %get3A_807 = tpu.vector_load %arg6[%get3A_805, %get3A_806] {strides = array<i32>} : memref<1600x16xf32, #tpu.memory_space<vmem>>, vector<1x16xf32>,
      %get3A_808 = vector.shape_cast %get3A_807 : vector<1x16xf32> to vector<16xf32>
      %add3A_809 = arith.addf %add3A_800, %get3A_808 : vector<16xf32>
      %scan3A_810 = arith.constant 5 : i32
      %scan3A_811 = arith.addi %scan3A_766, %scan3A_810 : i32
      %add3A_812 = arith.constant 1200 : i32
      %add3A_813 = arith.addi %add3A_812, %scan3A_811 : i32
      %get3A_814 = arith.index_cast %add3A_813 : i32 to index
      %get3A_815 = arith.constant 0 : index
      %get3A_816 = tpu.vector_load %arg6[%get3A_814, %get3A_815] {strides = array<i32>} : memref<1600x16xf32, #tpu.memory_space<vmem>>, vector<1x16xf32>,
      %get3A_817 = vector.shape_cast %get3A_816 : vector<1x16xf32> to vector<16xf32>
      %add3A_818 = arith.addf %add3A_809, %get3A_817 : vector<16xf32>
      %scan3A_819 = arith.constant 6 : i32
      %scan3A_820 = arith.addi %scan3A_766, %scan3A_819 : i32
      %add3A_821 = arith.constant 1200 : i32
      %add3A_822 = arith.addi %add3A_821, %scan3A_820 : i32
      %get3A_823 = arith.index_cast %add3A_822 : i32 to index
      %get3A_824 = arith.constant 0 : index
      %get3A_825 = tpu.vector_load %arg6[%get3A_823, %get3A_824] {strides = array<i32>} : memref<1600x16xf32, #tpu.memory_space<vmem>>, vector<1x16xf32>,
      %get3A_826 = vector.shape_cast %get3A_825 : vector<1x16xf32> to vector<16xf32>
      %add3A_827 = arith.addf %add3A_818, %get3A_826 : vector<16xf32>
      %scan3A_828 = arith.constant 7 : i32
      %scan3A_829 = arith.addi %scan3A_766, %scan3A_828 : i32
      %add3A_830 = arith.constant 1200 : i32
      %add3A_831 = arith.addi %add3A_830, %scan3A_829 : i32
      %get3A_832 = arith.index_cast %add3A_831 : i32 to index
      %get3A_833 = arith.constant 0 : index
      %get3A_834 = tpu.vector_load %arg6[%get3A_832, %get3A_833] {strides = array<i32>} : memref<1600x16xf32, #tpu.memory_space<vmem>>, vector<1x16xf32>,
      %get3A_835 = vector.shape_cast %get3A_834 : vector<1x16xf32> to vector<16xf32>
      %add3A_836 = arith.addf %add3A_827, %get3A_835 : vector<16xf32>
      %scan3A_837 = arith.constant 8 : i32
      %scan3A_838 = arith.addi %scan3A_766, %scan3A_837 : i32
      %add3A_839 = arith.constant 1200 : i32
      %add3A_840 = arith.addi %add3A_839, %scan3A_838 : i32
      %get3A_841 = arith.index_cast %add3A_840 : i32 to index
      %get3A_842 = arith.constant 0 : index
      %get3A_843 = tpu.vector_load %arg6[%get3A_841, %get3A_842] {strides = array<i32>} : memref<1600x16xf32, #tpu.memory_space<vmem>>, vector<1x16xf32>,
      %get3A_844 = vector.shape_cast %get3A_843 : vector<1x16xf32> to vector<16xf32>
      %add3A_845 = arith.addf %add3A_836, %get3A_844 : vector<16xf32>
      %scan3A_846 = arith.constant 9 : i32
      %scan3A_847 = arith.addi %scan3A_766, %scan3A_846 : i32
      %add3A_848 = arith.constant 1200 : i32
      %add3A_849 = arith.addi %add3A_848, %scan3A_847 : i32
      %get3A_850 = arith.index_cast %add3A_849 : i32 to index
      %get3A_851 = arith.constant 0 : index
      %get3A_852 = tpu.vector_load %arg6[%get3A_850, %get3A_851] {strides = array<i32>} : memref<1600x16xf32, #tpu.memory_space<vmem>>, vector<1x16xf32>,
      %get3A_853 = vector.shape_cast %get3A_852 : vector<1x16xf32> to vector<16xf32>
      %add3A_854 = arith.addf %add3A_845, %get3A_853 : vector<16xf32>
      scf.yield %add3A_854 : vector<16xf32>
    }
    %scan3A_659 = arith.constant 50 : i32
    %swap3A_660 = arith.constant 24 : i32
    %swap3A_661 = arith.index_cast %swap3A_660 : i32 to index
    %swap3A_662 = arith.constant 0 : index
    %swap3A_663 = tpu.vector_load %arg7[%swap3A_661, %swap3A_662] {strides = array<i32>} : memref<32x16xf32, #tpu.memory_space<vmem>>, vector<1x16xf32>,
    %swap3A_664 = vector.shape_cast %swap3A_663 : vector<1x16xf32> to vector<16xf32>
    %swap3A_665 = vector.shape_cast %scan3A_658 : vector<16xf32> to vector<1x16xf32>
    tpu.vector_store %arg7[%swap3A_661, %swap3A_662], %swap3A_665 {strides = array<i32>} : memref<32x16xf32, #tpu.memory_space<vmem>>, vector<1x16xf32>,
    %broadcast_in_dim3A_666 = arith.constant 0.000000e+00 : f32
    %broadcast_in_dim3A_667 = vector.broadcast %broadcast_in_dim3A_666 : f32 to vector<16xf32>
    %scan3A_668 = arith.constant 0 : i32
    %scan3A_669 = arith.constant 50 : i32
    %scan3A_670 = arith.addi %scan3A_668, %scan3A_669 : i32
    %scan3A_671 = arith.constant 10 : i32
    %scan3A_672 = scf.for %scan3A_766 = %scan3A_668 to %scan3A_670 step %scan3A_671 iter_args(%scan3A_767 = %broadcast_in_dim3A_667) -> (vector<16xf32>)  : i32 {
      %add3A_768 = arith.constant 1250 : i32
      %add3A_769 = arith.addi %add3A_768, %scan3A_766 : i32
      %get3A = arith.index_cast %add3A_769 : i32 to index
      %get3A_770 = arith.constant 0 : index
      %get3A_771 = tpu.vector_load %arg6[%get3A, %get3A_770] {strides = array<i32>} : memref<1600x16xf32, #tpu.memory_space<vmem>>, vector<1x16xf32>,
      %get3A_772 = vector.shape_cast %get3A_771 : vector<1x16xf32> to vector<16xf32>
      %add3A_773 = arith.addf %scan3A_767, %get3A_772 : vector<16xf32>
      %scan3A_774 = arith.constant 1 : i32
      %scan3A_775 = arith.addi %scan3A_766, %scan3A_774 : i32
      %add3A_776 = arith.constant 1250 : i32
      %add3A_777 = arith.addi %add3A_776, %scan3A_775 : i32
      %get3A_778 = arith.index_cast %add3A_777 : i32 to index
      %get3A_779 = arith.constant 0 : index
      %get3A_780 = tpu.vector_load %arg6[%get3A_778, %get3A_779] {strides = array<i32>} : memref<1600x16xf32, #tpu.memory_space<vmem>>, vector<1x16xf32>,
      %get3A_781 = vector.shape_cast %get3A_780 : vector<1x16xf32> to vector<16xf32>
      %add3A_782 = arith.addf %add3A_773, %get3A_781 : vector<16xf32>
      %scan3A_783 = arith.constant 2 : i32
      %scan3A_784 = arith.addi %scan3A_766, %scan3A_783 : i32
      %add3A_785 = arith.constant 1250 : i32
      %add3A_786 = arith.addi %add3A_785, %scan3A_784 : i32
      %get3A_787 = arith.index_cast %add3A_786 : i32 to index
      %get3A_788 = arith.constant 0 : index
      %get3A_789 = tpu.vector_load %arg6[%get3A_787, %get3A_788] {strides = array<i32>} : memref<1600x16xf32, #tpu.memory_space<vmem>>, vector<1x16xf32>,
      %get3A_790 = vector.shape_cast %get3A_789 : vector<1x16xf32> to vector<16xf32>
      %add3A_791 = arith.addf %add3A_782, %get3A_790 : vector<16xf32>
      %scan3A_792 = arith.constant 3 : i32
      %scan3A_793 = arith.addi %scan3A_766, %scan3A_792 : i32
      %add3A_794 = arith.constant 1250 : i32
      %add3A_795 = arith.addi %add3A_794, %scan3A_793 : i32
      %get3A_796 = arith.index_cast %add3A_795 : i32 to index
      %get3A_797 = arith.constant 0 : index
      %get3A_798 = tpu.vector_load %arg6[%get3A_796, %get3A_797] {strides = array<i32>} : memref<1600x16xf32, #tpu.memory_space<vmem>>, vector<1x16xf32>,
      %get3A_799 = vector.shape_cast %get3A_798 : vector<1x16xf32> to vector<16xf32>
      %add3A_800 = arith.addf %add3A_791, %get3A_799 : vector<16xf32>
      %scan3A_801 = arith.constant 4 : i32
      %scan3A_802 = arith.addi %scan3A_766, %scan3A_801 : i32
      %add3A_803 = arith.constant 1250 : i32
      %add3A_804 = arith.addi %add3A_803, %scan3A_802 : i32
      %get3A_805 = arith.index_cast %add3A_804 : i32 to index
      %get3A_806 = arith.constant 0 : index
      %get3A_807 = tpu.vector_load %arg6[%get3A_805, %get3A_806] {strides = array<i32>} : memref<1600x16xf32, #tpu.memory_space<vmem>>, vector<1x16xf32>,
      %get3A_808 = vector.shape_cast %get3A_807 : vector<1x16xf32> to vector<16xf32>
      %add3A_809 = arith.addf %add3A_800, %get3A_808 : vector<16xf32>
      %scan3A_810 = arith.constant 5 : i32
      %scan3A_811 = arith.addi %scan3A_766, %scan3A_810 : i32
      %add3A_812 = arith.constant 1250 : i32
      %add3A_813 = arith.addi %add3A_812, %scan3A_811 : i32
      %get3A_814 = arith.index_cast %add3A_813 : i32 to index
      %get3A_815 = arith.constant 0 : index
      %get3A_816 = tpu.vector_load %arg6[%get3A_814, %get3A_815] {strides = array<i32>} : memref<1600x16xf32, #tpu.memory_space<vmem>>, vector<1x16xf32>,
      %get3A_817 = vector.shape_cast %get3A_816 : vector<1x16xf32> to vector<16xf32>
      %add3A_818 = arith.addf %add3A_809, %get3A_817 : vector<16xf32>
      %scan3A_819 = arith.constant 6 : i32
      %scan3A_820 = arith.addi %scan3A_766, %scan3A_819 : i32
      %add3A_821 = arith.constant 1250 : i32
      %add3A_822 = arith.addi %add3A_821, %scan3A_820 : i32
      %get3A_823 = arith.index_cast %add3A_822 : i32 to index
      %get3A_824 = arith.constant 0 : index
      %get3A_825 = tpu.vector_load %arg6[%get3A_823, %get3A_824] {strides = array<i32>} : memref<1600x16xf32, #tpu.memory_space<vmem>>, vector<1x16xf32>,
      %get3A_826 = vector.shape_cast %get3A_825 : vector<1x16xf32> to vector<16xf32>
      %add3A_827 = arith.addf %add3A_818, %get3A_826 : vector<16xf32>
      %scan3A_828 = arith.constant 7 : i32
      %scan3A_829 = arith.addi %scan3A_766, %scan3A_828 : i32
      %add3A_830 = arith.constant 1250 : i32
      %add3A_831 = arith.addi %add3A_830, %scan3A_829 : i32
      %get3A_832 = arith.index_cast %add3A_831 : i32 to index
      %get3A_833 = arith.constant 0 : index
      %get3A_834 = tpu.vector_load %arg6[%get3A_832, %get3A_833] {strides = array<i32>} : memref<1600x16xf32, #tpu.memory_space<vmem>>, vector<1x16xf32>,
      %get3A_835 = vector.shape_cast %get3A_834 : vector<1x16xf32> to vector<16xf32>
      %add3A_836 = arith.addf %add3A_827, %get3A_835 : vector<16xf32>
      %scan3A_837 = arith.constant 8 : i32
      %scan3A_838 = arith.addi %scan3A_766, %scan3A_837 : i32
      %add3A_839 = arith.constant 1250 : i32
      %add3A_840 = arith.addi %add3A_839, %scan3A_838 : i32
      %get3A_841 = arith.index_cast %add3A_840 : i32 to index
      %get3A_842 = arith.constant 0 : index
      %get3A_843 = tpu.vector_load %arg6[%get3A_841, %get3A_842] {strides = array<i32>} : memref<1600x16xf32, #tpu.memory_space<vmem>>, vector<1x16xf32>,
      %get3A_844 = vector.shape_cast %get3A_843 : vector<1x16xf32> to vector<16xf32>
      %add3A_845 = arith.addf %add3A_836, %get3A_844 : vector<16xf32>
      %scan3A_846 = arith.constant 9 : i32
      %scan3A_847 = arith.addi %scan3A_766, %scan3A_846 : i32
      %add3A_848 = arith.constant 1250 : i32
      %add3A_849 = arith.addi %add3A_848, %scan3A_847 : i32
      %get3A_850 = arith.index_cast %add3A_849 : i32 to index
      %get3A_851 = arith.constant 0 : index
      %get3A_852 = tpu.vector_load %arg6[%get3A_850, %get3A_851] {strides = array<i32>} : memref<1600x16xf32, #tpu.memory_space<vmem>>, vector<1x16xf32>,
      %get3A_853 = vector.shape_cast %get3A_852 : vector<1x16xf32> to vector<16xf32>
      %add3A_854 = arith.addf %add3A_845, %get3A_853 : vector<16xf32>
      scf.yield %add3A_854 : vector<16xf32>
    }
    %scan3A_673 = arith.constant 50 : i32
    %swap3A_674 = arith.constant 25 : i32
    %swap3A_675 = arith.index_cast %swap3A_674 : i32 to index
    %swap3A_676 = arith.constant 0 : index
    %swap3A_677 = tpu.vector_load %arg7[%swap3A_675, %swap3A_676] {strides = array<i32>} : memref<32x16xf32, #tpu.memory_space<vmem>>, vector<1x16xf32>,
    %swap3A_678 = vector.shape_cast %swap3A_677 : vector<1x16xf32> to vector<16xf32>
    %swap3A_679 = vector.shape_cast %scan3A_672 : vector<16xf32> to vector<1x16xf32>
    tpu.vector_store %arg7[%swap3A_675, %swap3A_676], %swap3A_679 {strides = array<i32>} : memref<32x16xf32, #tpu.memory_space<vmem>>, vector<1x16xf32>,
    %broadcast_in_dim3A_680 = arith.constant 0.000000e+00 : f32
    %broadcast_in_dim3A_681 = vector.broadcast %broadcast_in_dim3A_680 : f32 to vector<16xf32>
    %scan3A_682 = arith.constant 0 : i32
    %scan3A_683 = arith.constant 50 : i32
    %scan3A_684 = arith.addi %scan3A_682, %scan3A_683 : i32
    %scan3A_685 = arith.constant 10 : i32
    %scan3A_686 = scf.for %scan3A_766 = %scan3A_682 to %scan3A_684 step %scan3A_685 iter_args(%scan3A_767 = %broadcast_in_dim3A_681) -> (vector<16xf32>)  : i32 {
      %add3A_768 = arith.constant 1300 : i32
      %add3A_769 = arith.addi %add3A_768, %scan3A_766 : i32
      %get3A = arith.index_cast %add3A_769 : i32 to index
      %get3A_770 = arith.constant 0 : index
      %get3A_771 = tpu.vector_load %arg6[%get3A, %get3A_770] {strides = array<i32>} : memref<1600x16xf32, #tpu.memory_space<vmem>>, vector<1x16xf32>,
      %get3A_772 = vector.shape_cast %get3A_771 : vector<1x16xf32> to vector<16xf32>
      %add3A_773 = arith.addf %scan3A_767, %get3A_772 : vector<16xf32>
      %scan3A_774 = arith.constant 1 : i32
      %scan3A_775 = arith.addi %scan3A_766, %scan3A_774 : i32
      %add3A_776 = arith.constant 1300 : i32
      %add3A_777 = arith.addi %add3A_776, %scan3A_775 : i32
      %get3A_778 = arith.index_cast %add3A_777 : i32 to index
      %get3A_779 = arith.constant 0 : index
      %get3A_780 = tpu.vector_load %arg6[%get3A_778, %get3A_779] {strides = array<i32>} : memref<1600x16xf32, #tpu.memory_space<vmem>>, vector<1x16xf32>,
      %get3A_781 = vector.shape_cast %get3A_780 : vector<1x16xf32> to vector<16xf32>
      %add3A_782 = arith.addf %add3A_773, %get3A_781 : vector<16xf32>
      %scan3A_783 = arith.constant 2 : i32
      %scan3A_784 = arith.addi %scan3A_766, %scan3A_783 : i32
      %add3A_785 = arith.constant 1300 : i32
      %add3A_786 = arith.addi %add3A_785, %scan3A_784 : i32
      %get3A_787 = arith.index_cast %add3A_786 : i32 to index
      %get3A_788 = arith.constant 0 : index
      %get3A_789 = tpu.vector_load %arg6[%get3A_787, %get3A_788] {strides = array<i32>} : memref<1600x16xf32, #tpu.memory_space<vmem>>, vector<1x16xf32>,
      %get3A_790 = vector.shape_cast %get3A_789 : vector<1x16xf32> to vector<16xf32>
      %add3A_791 = arith.addf %add3A_782, %get3A_790 : vector<16xf32>
      %scan3A_792 = arith.constant 3 : i32
      %scan3A_793 = arith.addi %scan3A_766, %scan3A_792 : i32
      %add3A_794 = arith.constant 1300 : i32
      %add3A_795 = arith.addi %add3A_794, %scan3A_793 : i32
      %get3A_796 = arith.index_cast %add3A_795 : i32 to index
      %get3A_797 = arith.constant 0 : index
      %get3A_798 = tpu.vector_load %arg6[%get3A_796, %get3A_797] {strides = array<i32>} : memref<1600x16xf32, #tpu.memory_space<vmem>>, vector<1x16xf32>,
      %get3A_799 = vector.shape_cast %get3A_798 : vector<1x16xf32> to vector<16xf32>
      %add3A_800 = arith.addf %add3A_791, %get3A_799 : vector<16xf32>
      %scan3A_801 = arith.constant 4 : i32
      %scan3A_802 = arith.addi %scan3A_766, %scan3A_801 : i32
      %add3A_803 = arith.constant 1300 : i32
      %add3A_804 = arith.addi %add3A_803, %scan3A_802 : i32
      %get3A_805 = arith.index_cast %add3A_804 : i32 to index
      %get3A_806 = arith.constant 0 : index
      %get3A_807 = tpu.vector_load %arg6[%get3A_805, %get3A_806] {strides = array<i32>} : memref<1600x16xf32, #tpu.memory_space<vmem>>, vector<1x16xf32>,
      %get3A_808 = vector.shape_cast %get3A_807 : vector<1x16xf32> to vector<16xf32>
      %add3A_809 = arith.addf %add3A_800, %get3A_808 : vector<16xf32>
      %scan3A_810 = arith.constant 5 : i32
      %scan3A_811 = arith.addi %scan3A_766, %scan3A_810 : i32
      %add3A_812 = arith.constant 1300 : i32
      %add3A_813 = arith.addi %add3A_812, %scan3A_811 : i32
      %get3A_814 = arith.index_cast %add3A_813 : i32 to index
      %get3A_815 = arith.constant 0 : index
      %get3A_816 = tpu.vector_load %arg6[%get3A_814, %get3A_815] {strides = array<i32>} : memref<1600x16xf32, #tpu.memory_space<vmem>>, vector<1x16xf32>,
      %get3A_817 = vector.shape_cast %get3A_816 : vector<1x16xf32> to vector<16xf32>
      %add3A_818 = arith.addf %add3A_809, %get3A_817 : vector<16xf32>
      %scan3A_819 = arith.constant 6 : i32
      %scan3A_820 = arith.addi %scan3A_766, %scan3A_819 : i32
      %add3A_821 = arith.constant 1300 : i32
      %add3A_822 = arith.addi %add3A_821, %scan3A_820 : i32
      %get3A_823 = arith.index_cast %add3A_822 : i32 to index
      %get3A_824 = arith.constant 0 : index
      %get3A_825 = tpu.vector_load %arg6[%get3A_823, %get3A_824] {strides = array<i32>} : memref<1600x16xf32, #tpu.memory_space<vmem>>, vector<1x16xf32>,
      %get3A_826 = vector.shape_cast %get3A_825 : vector<1x16xf32> to vector<16xf32>
      %add3A_827 = arith.addf %add3A_818, %get3A_826 : vector<16xf32>
      %scan3A_828 = arith.constant 7 : i32
      %scan3A_829 = arith.addi %scan3A_766, %scan3A_828 : i32
      %add3A_830 = arith.constant 1300 : i32
      %add3A_831 = arith.addi %add3A_830, %scan3A_829 : i32
      %get3A_832 = arith.index_cast %add3A_831 : i32 to index
      %get3A_833 = arith.constant 0 : index
      %get3A_834 = tpu.vector_load %arg6[%get3A_832, %get3A_833] {strides = array<i32>} : memref<1600x16xf32, #tpu.memory_space<vmem>>, vector<1x16xf32>,
      %get3A_835 = vector.shape_cast %get3A_834 : vector<1x16xf32> to vector<16xf32>
      %add3A_836 = arith.addf %add3A_827, %get3A_835 : vector<16xf32>
      %scan3A_837 = arith.constant 8 : i32
      %scan3A_838 = arith.addi %scan3A_766, %scan3A_837 : i32
      %add3A_839 = arith.constant 1300 : i32
      %add3A_840 = arith.addi %add3A_839, %scan3A_838 : i32
      %get3A_841 = arith.index_cast %add3A_840 : i32 to index
      %get3A_842 = arith.constant 0 : index
      %get3A_843 = tpu.vector_load %arg6[%get3A_841, %get3A_842] {strides = array<i32>} : memref<1600x16xf32, #tpu.memory_space<vmem>>, vector<1x16xf32>,
      %get3A_844 = vector.shape_cast %get3A_843 : vector<1x16xf32> to vector<16xf32>
      %add3A_845 = arith.addf %add3A_836, %get3A_844 : vector<16xf32>
      %scan3A_846 = arith.constant 9 : i32
      %scan3A_847 = arith.addi %scan3A_766, %scan3A_846 : i32
      %add3A_848 = arith.constant 1300 : i32
      %add3A_849 = arith.addi %add3A_848, %scan3A_847 : i32
      %get3A_850 = arith.index_cast %add3A_849 : i32 to index
      %get3A_851 = arith.constant 0 : index
      %get3A_852 = tpu.vector_load %arg6[%get3A_850, %get3A_851] {strides = array<i32>} : memref<1600x16xf32, #tpu.memory_space<vmem>>, vector<1x16xf32>,
      %get3A_853 = vector.shape_cast %get3A_852 : vector<1x16xf32> to vector<16xf32>
      %add3A_854 = arith.addf %add3A_845, %get3A_853 : vector<16xf32>
      scf.yield %add3A_854 : vector<16xf32>
    }
    %scan3A_687 = arith.constant 50 : i32
    %swap3A_688 = arith.constant 26 : i32
    %swap3A_689 = arith.index_cast %swap3A_688 : i32 to index
    %swap3A_690 = arith.constant 0 : index
    %swap3A_691 = tpu.vector_load %arg7[%swap3A_689, %swap3A_690] {strides = array<i32>} : memref<32x16xf32, #tpu.memory_space<vmem>>, vector<1x16xf32>,
    %swap3A_692 = vector.shape_cast %swap3A_691 : vector<1x16xf32> to vector<16xf32>
    %swap3A_693 = vector.shape_cast %scan3A_686 : vector<16xf32> to vector<1x16xf32>
    tpu.vector_store %arg7[%swap3A_689, %swap3A_690], %swap3A_693 {strides = array<i32>} : memref<32x16xf32, #tpu.memory_space<vmem>>, vector<1x16xf32>,
    %broadcast_in_dim3A_694 = arith.constant 0.000000e+00 : f32
    %broadcast_in_dim3A_695 = vector.broadcast %broadcast_in_dim3A_694 : f32 to vector<16xf32>
    %scan3A_696 = arith.constant 0 : i32
    %scan3A_697 = arith.constant 50 : i32
    %scan3A_698 = arith.addi %scan3A_696, %scan3A_697 : i32
    %scan3A_699 = arith.constant 10 : i32
    %scan3A_700 = scf.for %scan3A_766 = %scan3A_696 to %scan3A_698 step %scan3A_699 iter_args(%scan3A_767 = %broadcast_in_dim3A_695) -> (vector<16xf32>)  : i32 {
      %add3A_768 = arith.constant 1350 : i32
      %add3A_769 = arith.addi %add3A_768, %scan3A_766 : i32
      %get3A = arith.index_cast %add3A_769 : i32 to index
      %get3A_770 = arith.constant 0 : index
      %get3A_771 = tpu.vector_load %arg6[%get3A, %get3A_770] {strides = array<i32>} : memref<1600x16xf32, #tpu.memory_space<vmem>>, vector<1x16xf32>,
      %get3A_772 = vector.shape_cast %get3A_771 : vector<1x16xf32> to vector<16xf32>
      %add3A_773 = arith.addf %scan3A_767, %get3A_772 : vector<16xf32>
      %scan3A_774 = arith.constant 1 : i32
      %scan3A_775 = arith.addi %scan3A_766, %scan3A_774 : i32
      %add3A_776 = arith.constant 1350 : i32
      %add3A_777 = arith.addi %add3A_776, %scan3A_775 : i32
      %get3A_778 = arith.index_cast %add3A_777 : i32 to index
      %get3A_779 = arith.constant 0 : index
      %get3A_780 = tpu.vector_load %arg6[%get3A_778, %get3A_779] {strides = array<i32>} : memref<1600x16xf32, #tpu.memory_space<vmem>>, vector<1x16xf32>,
      %get3A_781 = vector.shape_cast %get3A_780 : vector<1x16xf32> to vector<16xf32>
      %add3A_782 = arith.addf %add3A_773, %get3A_781 : vector<16xf32>
      %scan3A_783 = arith.constant 2 : i32
      %scan3A_784 = arith.addi %scan3A_766, %scan3A_783 : i32
      %add3A_785 = arith.constant 1350 : i32
      %add3A_786 = arith.addi %add3A_785, %scan3A_784 : i32
      %get3A_787 = arith.index_cast %add3A_786 : i32 to index
      %get3A_788 = arith.constant 0 : index
      %get3A_789 = tpu.vector_load %arg6[%get3A_787, %get3A_788] {strides = array<i32>} : memref<1600x16xf32, #tpu.memory_space<vmem>>, vector<1x16xf32>,
      %get3A_790 = vector.shape_cast %get3A_789 : vector<1x16xf32> to vector<16xf32>
      %add3A_791 = arith.addf %add3A_782, %get3A_790 : vector<16xf32>
      %scan3A_792 = arith.constant 3 : i32
      %scan3A_793 = arith.addi %scan3A_766, %scan3A_792 : i32
      %add3A_794 = arith.constant 1350 : i32
      %add3A_795 = arith.addi %add3A_794, %scan3A_793 : i32
      %get3A_796 = arith.index_cast %add3A_795 : i32 to index
      %get3A_797 = arith.constant 0 : index
      %get3A_798 = tpu.vector_load %arg6[%get3A_796, %get3A_797] {strides = array<i32>} : memref<1600x16xf32, #tpu.memory_space<vmem>>, vector<1x16xf32>,
      %get3A_799 = vector.shape_cast %get3A_798 : vector<1x16xf32> to vector<16xf32>
      %add3A_800 = arith.addf %add3A_791, %get3A_799 : vector<16xf32>
      %scan3A_801 = arith.constant 4 : i32
      %scan3A_802 = arith.addi %scan3A_766, %scan3A_801 : i32
      %add3A_803 = arith.constant 1350 : i32
      %add3A_804 = arith.addi %add3A_803, %scan3A_802 : i32
      %get3A_805 = arith.index_cast %add3A_804 : i32 to index
      %get3A_806 = arith.constant 0 : index
      %get3A_807 = tpu.vector_load %arg6[%get3A_805, %get3A_806] {strides = array<i32>} : memref<1600x16xf32, #tpu.memory_space<vmem>>, vector<1x16xf32>,
      %get3A_808 = vector.shape_cast %get3A_807 : vector<1x16xf32> to vector<16xf32>
      %add3A_809 = arith.addf %add3A_800, %get3A_808 : vector<16xf32>
      %scan3A_810 = arith.constant 5 : i32
      %scan3A_811 = arith.addi %scan3A_766, %scan3A_810 : i32
      %add3A_812 = arith.constant 1350 : i32
      %add3A_813 = arith.addi %add3A_812, %scan3A_811 : i32
      %get3A_814 = arith.index_cast %add3A_813 : i32 to index
      %get3A_815 = arith.constant 0 : index
      %get3A_816 = tpu.vector_load %arg6[%get3A_814, %get3A_815] {strides = array<i32>} : memref<1600x16xf32, #tpu.memory_space<vmem>>, vector<1x16xf32>,
      %get3A_817 = vector.shape_cast %get3A_816 : vector<1x16xf32> to vector<16xf32>
      %add3A_818 = arith.addf %add3A_809, %get3A_817 : vector<16xf32>
      %scan3A_819 = arith.constant 6 : i32
      %scan3A_820 = arith.addi %scan3A_766, %scan3A_819 : i32
      %add3A_821 = arith.constant 1350 : i32
      %add3A_822 = arith.addi %add3A_821, %scan3A_820 : i32
      %get3A_823 = arith.index_cast %add3A_822 : i32 to index
      %get3A_824 = arith.constant 0 : index
      %get3A_825 = tpu.vector_load %arg6[%get3A_823, %get3A_824] {strides = array<i32>} : memref<1600x16xf32, #tpu.memory_space<vmem>>, vector<1x16xf32>,
      %get3A_826 = vector.shape_cast %get3A_825 : vector<1x16xf32> to vector<16xf32>
      %add3A_827 = arith.addf %add3A_818, %get3A_826 : vector<16xf32>
      %scan3A_828 = arith.constant 7 : i32
      %scan3A_829 = arith.addi %scan3A_766, %scan3A_828 : i32
      %add3A_830 = arith.constant 1350 : i32
      %add3A_831 = arith.addi %add3A_830, %scan3A_829 : i32
      %get3A_832 = arith.index_cast %add3A_831 : i32 to index
      %get3A_833 = arith.constant 0 : index
      %get3A_834 = tpu.vector_load %arg6[%get3A_832, %get3A_833] {strides = array<i32>} : memref<1600x16xf32, #tpu.memory_space<vmem>>, vector<1x16xf32>,
      %get3A_835 = vector.shape_cast %get3A_834 : vector<1x16xf32> to vector<16xf32>
      %add3A_836 = arith.addf %add3A_827, %get3A_835 : vector<16xf32>
      %scan3A_837 = arith.constant 8 : i32
      %scan3A_838 = arith.addi %scan3A_766, %scan3A_837 : i32
      %add3A_839 = arith.constant 1350 : i32
      %add3A_840 = arith.addi %add3A_839, %scan3A_838 : i32
      %get3A_841 = arith.index_cast %add3A_840 : i32 to index
      %get3A_842 = arith.constant 0 : index
      %get3A_843 = tpu.vector_load %arg6[%get3A_841, %get3A_842] {strides = array<i32>} : memref<1600x16xf32, #tpu.memory_space<vmem>>, vector<1x16xf32>,
      %get3A_844 = vector.shape_cast %get3A_843 : vector<1x16xf32> to vector<16xf32>
      %add3A_845 = arith.addf %add3A_836, %get3A_844 : vector<16xf32>
      %scan3A_846 = arith.constant 9 : i32
      %scan3A_847 = arith.addi %scan3A_766, %scan3A_846 : i32
      %add3A_848 = arith.constant 1350 : i32
      %add3A_849 = arith.addi %add3A_848, %scan3A_847 : i32
      %get3A_850 = arith.index_cast %add3A_849 : i32 to index
      %get3A_851 = arith.constant 0 : index
      %get3A_852 = tpu.vector_load %arg6[%get3A_850, %get3A_851] {strides = array<i32>} : memref<1600x16xf32, #tpu.memory_space<vmem>>, vector<1x16xf32>,
      %get3A_853 = vector.shape_cast %get3A_852 : vector<1x16xf32> to vector<16xf32>
      %add3A_854 = arith.addf %add3A_845, %get3A_853 : vector<16xf32>
      scf.yield %add3A_854 : vector<16xf32>
    }
    %scan3A_701 = arith.constant 50 : i32
    %swap3A_702 = arith.constant 27 : i32
    %swap3A_703 = arith.index_cast %swap3A_702 : i32 to index
    %swap3A_704 = arith.constant 0 : index
    %swap3A_705 = tpu.vector_load %arg7[%swap3A_703, %swap3A_704] {strides = array<i32>} : memref<32x16xf32, #tpu.memory_space<vmem>>, vector<1x16xf32>,
    %swap3A_706 = vector.shape_cast %swap3A_705 : vector<1x16xf32> to vector<16xf32>
    %swap3A_707 = vector.shape_cast %scan3A_700 : vector<16xf32> to vector<1x16xf32>
    tpu.vector_store %arg7[%swap3A_703, %swap3A_704], %swap3A_707 {strides = array<i32>} : memref<32x16xf32, #tpu.memory_space<vmem>>, vector<1x16xf32>,
    %broadcast_in_dim3A_708 = arith.constant 0.000000e+00 : f32
    %broadcast_in_dim3A_709 = vector.broadcast %broadcast_in_dim3A_708 : f32 to vector<16xf32>
    %scan3A_710 = arith.constant 0 : i32
    %scan3A_711 = arith.constant 50 : i32
    %scan3A_712 = arith.addi %scan3A_710, %scan3A_711 : i32
    %scan3A_713 = arith.constant 10 : i32
    %scan3A_714 = scf.for %scan3A_766 = %scan3A_710 to %scan3A_712 step %scan3A_713 iter_args(%scan3A_767 = %broadcast_in_dim3A_709) -> (vector<16xf32>)  : i32 {
      %add3A_768 = arith.constant 1400 : i32
      %add3A_769 = arith.addi %add3A_768, %scan3A_766 : i32
      %get3A = arith.index_cast %add3A_769 : i32 to index
      %get3A_770 = arith.constant 0 : index
      %get3A_771 = tpu.vector_load %arg6[%get3A, %get3A_770] {strides = array<i32>} : memref<1600x16xf32, #tpu.memory_space<vmem>>, vector<1x16xf32>,
      %get3A_772 = vector.shape_cast %get3A_771 : vector<1x16xf32> to vector<16xf32>
      %add3A_773 = arith.addf %scan3A_767, %get3A_772 : vector<16xf32>
      %scan3A_774 = arith.constant 1 : i32
      %scan3A_775 = arith.addi %scan3A_766, %scan3A_774 : i32
      %add3A_776 = arith.constant 1400 : i32
      %add3A_777 = arith.addi %add3A_776, %scan3A_775 : i32
      %get3A_778 = arith.index_cast %add3A_777 : i32 to index
      %get3A_779 = arith.constant 0 : index
      %get3A_780 = tpu.vector_load %arg6[%get3A_778, %get3A_779] {strides = array<i32>} : memref<1600x16xf32, #tpu.memory_space<vmem>>, vector<1x16xf32>,
      %get3A_781 = vector.shape_cast %get3A_780 : vector<1x16xf32> to vector<16xf32>
      %add3A_782 = arith.addf %add3A_773, %get3A_781 : vector<16xf32>
      %scan3A_783 = arith.constant 2 : i32
      %scan3A_784 = arith.addi %scan3A_766, %scan3A_783 : i32
      %add3A_785 = arith.constant 1400 : i32
      %add3A_786 = arith.addi %add3A_785, %scan3A_784 : i32
      %get3A_787 = arith.index_cast %add3A_786 : i32 to index
      %get3A_788 = arith.constant 0 : index
      %get3A_789 = tpu.vector_load %arg6[%get3A_787, %get3A_788] {strides = array<i32>} : memref<1600x16xf32, #tpu.memory_space<vmem>>, vector<1x16xf32>,
      %get3A_790 = vector.shape_cast %get3A_789 : vector<1x16xf32> to vector<16xf32>
      %add3A_791 = arith.addf %add3A_782, %get3A_790 : vector<16xf32>
      %scan3A_792 = arith.constant 3 : i32
      %scan3A_793 = arith.addi %scan3A_766, %scan3A_792 : i32
      %add3A_794 = arith.constant 1400 : i32
      %add3A_795 = arith.addi %add3A_794, %scan3A_793 : i32
      %get3A_796 = arith.index_cast %add3A_795 : i32 to index
      %get3A_797 = arith.constant 0 : index
      %get3A_798 = tpu.vector_load %arg6[%get3A_796, %get3A_797] {strides = array<i32>} : memref<1600x16xf32, #tpu.memory_space<vmem>>, vector<1x16xf32>,
      %get3A_799 = vector.shape_cast %get3A_798 : vector<1x16xf32> to vector<16xf32>
      %add3A_800 = arith.addf %add3A_791, %get3A_799 : vector<16xf32>
      %scan3A_801 = arith.constant 4 : i32
      %scan3A_802 = arith.addi %scan3A_766, %scan3A_801 : i32
      %add3A_803 = arith.constant 1400 : i32
      %add3A_804 = arith.addi %add3A_803, %scan3A_802 : i32
      %get3A_805 = arith.index_cast %add3A_804 : i32 to index
      %get3A_806 = arith.constant 0 : index
      %get3A_807 = tpu.vector_load %arg6[%get3A_805, %get3A_806] {strides = array<i32>} : memref<1600x16xf32, #tpu.memory_space<vmem>>, vector<1x16xf32>,
      %get3A_808 = vector.shape_cast %get3A_807 : vector<1x16xf32> to vector<16xf32>
      %add3A_809 = arith.addf %add3A_800, %get3A_808 : vector<16xf32>
      %scan3A_810 = arith.constant 5 : i32
      %scan3A_811 = arith.addi %scan3A_766, %scan3A_810 : i32
      %add3A_812 = arith.constant 1400 : i32
      %add3A_813 = arith.addi %add3A_812, %scan3A_811 : i32
      %get3A_814 = arith.index_cast %add3A_813 : i32 to index
      %get3A_815 = arith.constant 0 : index
      %get3A_816 = tpu.vector_load %arg6[%get3A_814, %get3A_815] {strides = array<i32>} : memref<1600x16xf32, #tpu.memory_space<vmem>>, vector<1x16xf32>,
      %get3A_817 = vector.shape_cast %get3A_816 : vector<1x16xf32> to vector<16xf32>
      %add3A_818 = arith.addf %add3A_809, %get3A_817 : vector<16xf32>
      %scan3A_819 = arith.constant 6 : i32
      %scan3A_820 = arith.addi %scan3A_766, %scan3A_819 : i32
      %add3A_821 = arith.constant 1400 : i32
      %add3A_822 = arith.addi %add3A_821, %scan3A_820 : i32
      %get3A_823 = arith.index_cast %add3A_822 : i32 to index
      %get3A_824 = arith.constant 0 : index
      %get3A_825 = tpu.vector_load %arg6[%get3A_823, %get3A_824] {strides = array<i32>} : memref<1600x16xf32, #tpu.memory_space<vmem>>, vector<1x16xf32>,
      %get3A_826 = vector.shape_cast %get3A_825 : vector<1x16xf32> to vector<16xf32>
      %add3A_827 = arith.addf %add3A_818, %get3A_826 : vector<16xf32>
      %scan3A_828 = arith.constant 7 : i32
      %scan3A_829 = arith.addi %scan3A_766, %scan3A_828 : i32
      %add3A_830 = arith.constant 1400 : i32
      %add3A_831 = arith.addi %add3A_830, %scan3A_829 : i32
      %get3A_832 = arith.index_cast %add3A_831 : i32 to index
      %get3A_833 = arith.constant 0 : index
      %get3A_834 = tpu.vector_load %arg6[%get3A_832, %get3A_833] {strides = array<i32>} : memref<1600x16xf32, #tpu.memory_space<vmem>>, vector<1x16xf32>,
      %get3A_835 = vector.shape_cast %get3A_834 : vector<1x16xf32> to vector<16xf32>
      %add3A_836 = arith.addf %add3A_827, %get3A_835 : vector<16xf32>
      %scan3A_837 = arith.constant 8 : i32
      %scan3A_838 = arith.addi %scan3A_766, %scan3A_837 : i32
      %add3A_839 = arith.constant 1400 : i32
      %add3A_840 = arith.addi %add3A_839, %scan3A_838 : i32
      %get3A_841 = arith.index_cast %add3A_840 : i32 to index
      %get3A_842 = arith.constant 0 : index
      %get3A_843 = tpu.vector_load %arg6[%get3A_841, %get3A_842] {strides = array<i32>} : memref<1600x16xf32, #tpu.memory_space<vmem>>, vector<1x16xf32>,
      %get3A_844 = vector.shape_cast %get3A_843 : vector<1x16xf32> to vector<16xf32>
      %add3A_845 = arith.addf %add3A_836, %get3A_844 : vector<16xf32>
      %scan3A_846 = arith.constant 9 : i32
      %scan3A_847 = arith.addi %scan3A_766, %scan3A_846 : i32
      %add3A_848 = arith.constant 1400 : i32
      %add3A_849 = arith.addi %add3A_848, %scan3A_847 : i32
      %get3A_850 = arith.index_cast %add3A_849 : i32 to index
      %get3A_851 = arith.constant 0 : index
      %get3A_852 = tpu.vector_load %arg6[%get3A_850, %get3A_851] {strides = array<i32>} : memref<1600x16xf32, #tpu.memory_space<vmem>>, vector<1x16xf32>,
      %get3A_853 = vector.shape_cast %get3A_852 : vector<1x16xf32> to vector<16xf32>
      %add3A_854 = arith.addf %add3A_845, %get3A_853 : vector<16xf32>
      scf.yield %add3A_854 : vector<16xf32>
    }
    %scan3A_715 = arith.constant 50 : i32
    %swap3A_716 = arith.constant 28 : i32
    %swap3A_717 = arith.index_cast %swap3A_716 : i32 to index
    %swap3A_718 = arith.constant 0 : index
    %swap3A_719 = tpu.vector_load %arg7[%swap3A_717, %swap3A_718] {strides = array<i32>} : memref<32x16xf32, #tpu.memory_space<vmem>>, vector<1x16xf32>,
    %swap3A_720 = vector.shape_cast %swap3A_719 : vector<1x16xf32> to vector<16xf32>
    %swap3A_721 = vector.shape_cast %scan3A_714 : vector<16xf32> to vector<1x16xf32>
    tpu.vector_store %arg7[%swap3A_717, %swap3A_718], %swap3A_721 {strides = array<i32>} : memref<32x16xf32, #tpu.memory_space<vmem>>, vector<1x16xf32>,
    %broadcast_in_dim3A_722 = arith.constant 0.000000e+00 : f32
    %broadcast_in_dim3A_723 = vector.broadcast %broadcast_in_dim3A_722 : f32 to vector<16xf32>
    %scan3A_724 = arith.constant 0 : i32
    %scan3A_725 = arith.constant 50 : i32
    %scan3A_726 = arith.addi %scan3A_724, %scan3A_725 : i32
    %scan3A_727 = arith.constant 10 : i32
    %scan3A_728 = scf.for %scan3A_766 = %scan3A_724 to %scan3A_726 step %scan3A_727 iter_args(%scan3A_767 = %broadcast_in_dim3A_723) -> (vector<16xf32>)  : i32 {
      %add3A_768 = arith.constant 1450 : i32
      %add3A_769 = arith.addi %add3A_768, %scan3A_766 : i32
      %get3A = arith.index_cast %add3A_769 : i32 to index
      %get3A_770 = arith.constant 0 : index
      %get3A_771 = tpu.vector_load %arg6[%get3A, %get3A_770] {strides = array<i32>} : memref<1600x16xf32, #tpu.memory_space<vmem>>, vector<1x16xf32>,
      %get3A_772 = vector.shape_cast %get3A_771 : vector<1x16xf32> to vector<16xf32>
      %add3A_773 = arith.addf %scan3A_767, %get3A_772 : vector<16xf32>
      %scan3A_774 = arith.constant 1 : i32
      %scan3A_775 = arith.addi %scan3A_766, %scan3A_774 : i32
      %add3A_776 = arith.constant 1450 : i32
      %add3A_777 = arith.addi %add3A_776, %scan3A_775 : i32
      %get3A_778 = arith.index_cast %add3A_777 : i32 to index
      %get3A_779 = arith.constant 0 : index
      %get3A_780 = tpu.vector_load %arg6[%get3A_778, %get3A_779] {strides = array<i32>} : memref<1600x16xf32, #tpu.memory_space<vmem>>, vector<1x16xf32>,
      %get3A_781 = vector.shape_cast %get3A_780 : vector<1x16xf32> to vector<16xf32>
      %add3A_782 = arith.addf %add3A_773, %get3A_781 : vector<16xf32>
      %scan3A_783 = arith.constant 2 : i32
      %scan3A_784 = arith.addi %scan3A_766, %scan3A_783 : i32
      %add3A_785 = arith.constant 1450 : i32
      %add3A_786 = arith.addi %add3A_785, %scan3A_784 : i32
      %get3A_787 = arith.index_cast %add3A_786 : i32 to index
      %get3A_788 = arith.constant 0 : index
      %get3A_789 = tpu.vector_load %arg6[%get3A_787, %get3A_788] {strides = array<i32>} : memref<1600x16xf32, #tpu.memory_space<vmem>>, vector<1x16xf32>,
      %get3A_790 = vector.shape_cast %get3A_789 : vector<1x16xf32> to vector<16xf32>
      %add3A_791 = arith.addf %add3A_782, %get3A_790 : vector<16xf32>
      %scan3A_792 = arith.constant 3 : i32
      %scan3A_793 = arith.addi %scan3A_766, %scan3A_792 : i32
      %add3A_794 = arith.constant 1450 : i32
      %add3A_795 = arith.addi %add3A_794, %scan3A_793 : i32
      %get3A_796 = arith.index_cast %add3A_795 : i32 to index
      %get3A_797 = arith.constant 0 : index
      %get3A_798 = tpu.vector_load %arg6[%get3A_796, %get3A_797] {strides = array<i32>} : memref<1600x16xf32, #tpu.memory_space<vmem>>, vector<1x16xf32>,
      %get3A_799 = vector.shape_cast %get3A_798 : vector<1x16xf32> to vector<16xf32>
      %add3A_800 = arith.addf %add3A_791, %get3A_799 : vector<16xf32>
      %scan3A_801 = arith.constant 4 : i32
      %scan3A_802 = arith.addi %scan3A_766, %scan3A_801 : i32
      %add3A_803 = arith.constant 1450 : i32
      %add3A_804 = arith.addi %add3A_803, %scan3A_802 : i32
      %get3A_805 = arith.index_cast %add3A_804 : i32 to index
      %get3A_806 = arith.constant 0 : index
      %get3A_807 = tpu.vector_load %arg6[%get3A_805, %get3A_806] {strides = array<i32>} : memref<1600x16xf32, #tpu.memory_space<vmem>>, vector<1x16xf32>,
      %get3A_808 = vector.shape_cast %get3A_807 : vector<1x16xf32> to vector<16xf32>
      %add3A_809 = arith.addf %add3A_800, %get3A_808 : vector<16xf32>
      %scan3A_810 = arith.constant 5 : i32
      %scan3A_811 = arith.addi %scan3A_766, %scan3A_810 : i32
      %add3A_812 = arith.constant 1450 : i32
      %add3A_813 = arith.addi %add3A_812, %scan3A_811 : i32
      %get3A_814 = arith.index_cast %add3A_813 : i32 to index
      %get3A_815 = arith.constant 0 : index
      %get3A_816 = tpu.vector_load %arg6[%get3A_814, %get3A_815] {strides = array<i32>} : memref<1600x16xf32, #tpu.memory_space<vmem>>, vector<1x16xf32>,
      %get3A_817 = vector.shape_cast %get3A_816 : vector<1x16xf32> to vector<16xf32>
      %add3A_818 = arith.addf %add3A_809, %get3A_817 : vector<16xf32>
      %scan3A_819 = arith.constant 6 : i32
      %scan3A_820 = arith.addi %scan3A_766, %scan3A_819 : i32
      %add3A_821 = arith.constant 1450 : i32
      %add3A_822 = arith.addi %add3A_821, %scan3A_820 : i32
      %get3A_823 = arith.index_cast %add3A_822 : i32 to index
      %get3A_824 = arith.constant 0 : index
      %get3A_825 = tpu.vector_load %arg6[%get3A_823, %get3A_824] {strides = array<i32>} : memref<1600x16xf32, #tpu.memory_space<vmem>>, vector<1x16xf32>,
      %get3A_826 = vector.shape_cast %get3A_825 : vector<1x16xf32> to vector<16xf32>
      %add3A_827 = arith.addf %add3A_818, %get3A_826 : vector<16xf32>
      %scan3A_828 = arith.constant 7 : i32
      %scan3A_829 = arith.addi %scan3A_766, %scan3A_828 : i32
      %add3A_830 = arith.constant 1450 : i32
      %add3A_831 = arith.addi %add3A_830, %scan3A_829 : i32
      %get3A_832 = arith.index_cast %add3A_831 : i32 to index
      %get3A_833 = arith.constant 0 : index
      %get3A_834 = tpu.vector_load %arg6[%get3A_832, %get3A_833] {strides = array<i32>} : memref<1600x16xf32, #tpu.memory_space<vmem>>, vector<1x16xf32>,
      %get3A_835 = vector.shape_cast %get3A_834 : vector<1x16xf32> to vector<16xf32>
      %add3A_836 = arith.addf %add3A_827, %get3A_835 : vector<16xf32>
      %scan3A_837 = arith.constant 8 : i32
      %scan3A_838 = arith.addi %scan3A_766, %scan3A_837 : i32
      %add3A_839 = arith.constant 1450 : i32
      %add3A_840 = arith.addi %add3A_839, %scan3A_838 : i32
      %get3A_841 = arith.index_cast %add3A_840 : i32 to index
      %get3A_842 = arith.constant 0 : index
      %get3A_843 = tpu.vector_load %arg6[%get3A_841, %get3A_842] {strides = array<i32>} : memref<1600x16xf32, #tpu.memory_space<vmem>>, vector<1x16xf32>,
      %get3A_844 = vector.shape_cast %get3A_843 : vector<1x16xf32> to vector<16xf32>
      %add3A_845 = arith.addf %add3A_836, %get3A_844 : vector<16xf32>
      %scan3A_846 = arith.constant 9 : i32
      %scan3A_847 = arith.addi %scan3A_766, %scan3A_846 : i32
      %add3A_848 = arith.constant 1450 : i32
      %add3A_849 = arith.addi %add3A_848, %scan3A_847 : i32
      %get3A_850 = arith.index_cast %add3A_849 : i32 to index
      %get3A_851 = arith.constant 0 : index
      %get3A_852 = tpu.vector_load %arg6[%get3A_850, %get3A_851] {strides = array<i32>} : memref<1600x16xf32, #tpu.memory_space<vmem>>, vector<1x16xf32>,
      %get3A_853 = vector.shape_cast %get3A_852 : vector<1x16xf32> to vector<16xf32>
      %add3A_854 = arith.addf %add3A_845, %get3A_853 : vector<16xf32>
      scf.yield %add3A_854 : vector<16xf32>
    }
    %scan3A_729 = arith.constant 50 : i32
    %swap3A_730 = arith.constant 29 : i32
    %swap3A_731 = arith.index_cast %swap3A_730 : i32 to index
    %swap3A_732 = arith.constant 0 : index
    %swap3A_733 = tpu.vector_load %arg7[%swap3A_731, %swap3A_732] {strides = array<i32>} : memref<32x16xf32, #tpu.memory_space<vmem>>, vector<1x16xf32>,
    %swap3A_734 = vector.shape_cast %swap3A_733 : vector<1x16xf32> to vector<16xf32>
    %swap3A_735 = vector.shape_cast %scan3A_728 : vector<16xf32> to vector<1x16xf32>
    tpu.vector_store %arg7[%swap3A_731, %swap3A_732], %swap3A_735 {strides = array<i32>} : memref<32x16xf32, #tpu.memory_space<vmem>>, vector<1x16xf32>,
    %broadcast_in_dim3A_736 = arith.constant 0.000000e+00 : f32
    %broadcast_in_dim3A_737 = vector.broadcast %broadcast_in_dim3A_736 : f32 to vector<16xf32>
    %scan3A_738 = arith.constant 0 : i32
    %scan3A_739 = arith.constant 50 : i32
    %scan3A_740 = arith.addi %scan3A_738, %scan3A_739 : i32
    %scan3A_741 = arith.constant 10 : i32
    %scan3A_742 = scf.for %scan3A_766 = %scan3A_738 to %scan3A_740 step %scan3A_741 iter_args(%scan3A_767 = %broadcast_in_dim3A_737) -> (vector<16xf32>)  : i32 {
      %add3A_768 = arith.constant 1500 : i32
      %add3A_769 = arith.addi %add3A_768, %scan3A_766 : i32
      %get3A = arith.index_cast %add3A_769 : i32 to index
      %get3A_770 = arith.constant 0 : index
      %get3A_771 = tpu.vector_load %arg6[%get3A, %get3A_770] {strides = array<i32>} : memref<1600x16xf32, #tpu.memory_space<vmem>>, vector<1x16xf32>,
      %get3A_772 = vector.shape_cast %get3A_771 : vector<1x16xf32> to vector<16xf32>
      %add3A_773 = arith.addf %scan3A_767, %get3A_772 : vector<16xf32>
      %scan3A_774 = arith.constant 1 : i32
      %scan3A_775 = arith.addi %scan3A_766, %scan3A_774 : i32
      %add3A_776 = arith.constant 1500 : i32
      %add3A_777 = arith.addi %add3A_776, %scan3A_775 : i32
      %get3A_778 = arith.index_cast %add3A_777 : i32 to index
      %get3A_779 = arith.constant 0 : index
      %get3A_780 = tpu.vector_load %arg6[%get3A_778, %get3A_779] {strides = array<i32>} : memref<1600x16xf32, #tpu.memory_space<vmem>>, vector<1x16xf32>,
      %get3A_781 = vector.shape_cast %get3A_780 : vector<1x16xf32> to vector<16xf32>
      %add3A_782 = arith.addf %add3A_773, %get3A_781 : vector<16xf32>
      %scan3A_783 = arith.constant 2 : i32
      %scan3A_784 = arith.addi %scan3A_766, %scan3A_783 : i32
      %add3A_785 = arith.constant 1500 : i32
      %add3A_786 = arith.addi %add3A_785, %scan3A_784 : i32
      %get3A_787 = arith.index_cast %add3A_786 : i32 to index
      %get3A_788 = arith.constant 0 : index
      %get3A_789 = tpu.vector_load %arg6[%get3A_787, %get3A_788] {strides = array<i32>} : memref<1600x16xf32, #tpu.memory_space<vmem>>, vector<1x16xf32>,
      %get3A_790 = vector.shape_cast %get3A_789 : vector<1x16xf32> to vector<16xf32>
      %add3A_791 = arith.addf %add3A_782, %get3A_790 : vector<16xf32>
      %scan3A_792 = arith.constant 3 : i32
      %scan3A_793 = arith.addi %scan3A_766, %scan3A_792 : i32
      %add3A_794 = arith.constant 1500 : i32
      %add3A_795 = arith.addi %add3A_794, %scan3A_793 : i32
      %get3A_796 = arith.index_cast %add3A_795 : i32 to index
      %get3A_797 = arith.constant 0 : index
      %get3A_798 = tpu.vector_load %arg6[%get3A_796, %get3A_797] {strides = array<i32>} : memref<1600x16xf32, #tpu.memory_space<vmem>>, vector<1x16xf32>,
      %get3A_799 = vector.shape_cast %get3A_798 : vector<1x16xf32> to vector<16xf32>
      %add3A_800 = arith.addf %add3A_791, %get3A_799 : vector<16xf32>
      %scan3A_801 = arith.constant 4 : i32
      %scan3A_802 = arith.addi %scan3A_766, %scan3A_801 : i32
      %add3A_803 = arith.constant 1500 : i32
      %add3A_804 = arith.addi %add3A_803, %scan3A_802 : i32
      %get3A_805 = arith.index_cast %add3A_804 : i32 to index
      %get3A_806 = arith.constant 0 : index
      %get3A_807 = tpu.vector_load %arg6[%get3A_805, %get3A_806] {strides = array<i32>} : memref<1600x16xf32, #tpu.memory_space<vmem>>, vector<1x16xf32>,
      %get3A_808 = vector.shape_cast %get3A_807 : vector<1x16xf32> to vector<16xf32>
      %add3A_809 = arith.addf %add3A_800, %get3A_808 : vector<16xf32>
      %scan3A_810 = arith.constant 5 : i32
      %scan3A_811 = arith.addi %scan3A_766, %scan3A_810 : i32
      %add3A_812 = arith.constant 1500 : i32
      %add3A_813 = arith.addi %add3A_812, %scan3A_811 : i32
      %get3A_814 = arith.index_cast %add3A_813 : i32 to index
      %get3A_815 = arith.constant 0 : index
      %get3A_816 = tpu.vector_load %arg6[%get3A_814, %get3A_815] {strides = array<i32>} : memref<1600x16xf32, #tpu.memory_space<vmem>>, vector<1x16xf32>,
      %get3A_817 = vector.shape_cast %get3A_816 : vector<1x16xf32> to vector<16xf32>
      %add3A_818 = arith.addf %add3A_809, %get3A_817 : vector<16xf32>
      %scan3A_819 = arith.constant 6 : i32
      %scan3A_820 = arith.addi %scan3A_766, %scan3A_819 : i32
      %add3A_821 = arith.constant 1500 : i32
      %add3A_822 = arith.addi %add3A_821, %scan3A_820 : i32
      %get3A_823 = arith.index_cast %add3A_822 : i32 to index
      %get3A_824 = arith.constant 0 : index
      %get3A_825 = tpu.vector_load %arg6[%get3A_823, %get3A_824] {strides = array<i32>} : memref<1600x16xf32, #tpu.memory_space<vmem>>, vector<1x16xf32>,
      %get3A_826 = vector.shape_cast %get3A_825 : vector<1x16xf32> to vector<16xf32>
      %add3A_827 = arith.addf %add3A_818, %get3A_826 : vector<16xf32>
      %scan3A_828 = arith.constant 7 : i32
      %scan3A_829 = arith.addi %scan3A_766, %scan3A_828 : i32
      %add3A_830 = arith.constant 1500 : i32
      %add3A_831 = arith.addi %add3A_830, %scan3A_829 : i32
      %get3A_832 = arith.index_cast %add3A_831 : i32 to index
      %get3A_833 = arith.constant 0 : index
      %get3A_834 = tpu.vector_load %arg6[%get3A_832, %get3A_833] {strides = array<i32>} : memref<1600x16xf32, #tpu.memory_space<vmem>>, vector<1x16xf32>,
      %get3A_835 = vector.shape_cast %get3A_834 : vector<1x16xf32> to vector<16xf32>
      %add3A_836 = arith.addf %add3A_827, %get3A_835 : vector<16xf32>
      %scan3A_837 = arith.constant 8 : i32
      %scan3A_838 = arith.addi %scan3A_766, %scan3A_837 : i32
      %add3A_839 = arith.constant 1500 : i32
      %add3A_840 = arith.addi %add3A_839, %scan3A_838 : i32
      %get3A_841 = arith.index_cast %add3A_840 : i32 to index
      %get3A_842 = arith.constant 0 : index
      %get3A_843 = tpu.vector_load %arg6[%get3A_841, %get3A_842] {strides = array<i32>} : memref<1600x16xf32, #tpu.memory_space<vmem>>, vector<1x16xf32>,
      %get3A_844 = vector.shape_cast %get3A_843 : vector<1x16xf32> to vector<16xf32>
      %add3A_845 = arith.addf %add3A_836, %get3A_844 : vector<16xf32>
      %scan3A_846 = arith.constant 9 : i32
      %scan3A_847 = arith.addi %scan3A_766, %scan3A_846 : i32
      %add3A_848 = arith.constant 1500 : i32
      %add3A_849 = arith.addi %add3A_848, %scan3A_847 : i32
      %get3A_850 = arith.index_cast %add3A_849 : i32 to index
      %get3A_851 = arith.constant 0 : index
      %get3A_852 = tpu.vector_load %arg6[%get3A_850, %get3A_851] {strides = array<i32>} : memref<1600x16xf32, #tpu.memory_space<vmem>>, vector<1x16xf32>,
      %get3A_853 = vector.shape_cast %get3A_852 : vector<1x16xf32> to vector<16xf32>
      %add3A_854 = arith.addf %add3A_845, %get3A_853 : vector<16xf32>
      scf.yield %add3A_854 : vector<16xf32>
    }
    %scan3A_743 = arith.constant 50 : i32
    %swap3A_744 = arith.constant 30 : i32
    %swap3A_745 = arith.index_cast %swap3A_744 : i32 to index
    %swap3A_746 = arith.constant 0 : index
    %swap3A_747 = tpu.vector_load %arg7[%swap3A_745, %swap3A_746] {strides = array<i32>} : memref<32x16xf32, #tpu.memory_space<vmem>>, vector<1x16xf32>,
    %swap3A_748 = vector.shape_cast %swap3A_747 : vector<1x16xf32> to vector<16xf32>
    %swap3A_749 = vector.shape_cast %scan3A_742 : vector<16xf32> to vector<1x16xf32>
    tpu.vector_store %arg7[%swap3A_745, %swap3A_746], %swap3A_749 {strides = array<i32>} : memref<32x16xf32, #tpu.memory_space<vmem>>, vector<1x16xf32>,
    %broadcast_in_dim3A_750 = arith.constant 0.000000e+00 : f32
    %broadcast_in_dim3A_751 = vector.broadcast %broadcast_in_dim3A_750 : f32 to vector<16xf32>
    %scan3A_752 = arith.constant 0 : i32
    %scan3A_753 = arith.constant 50 : i32
    %scan3A_754 = arith.addi %scan3A_752, %scan3A_753 : i32
    %scan3A_755 = arith.constant 10 : i32
    %scan3A_756 = scf.for %scan3A_766 = %scan3A_752 to %scan3A_754 step %scan3A_755 iter_args(%scan3A_767 = %broadcast_in_dim3A_751) -> (vector<16xf32>)  : i32 {
      %add3A_768 = arith.constant 1550 : i32
      %add3A_769 = arith.addi %add3A_768, %scan3A_766 : i32
      %get3A = arith.index_cast %add3A_769 : i32 to index
      %get3A_770 = arith.constant 0 : index
      %get3A_771 = tpu.vector_load %arg6[%get3A, %get3A_770] {strides = array<i32>} : memref<1600x16xf32, #tpu.memory_space<vmem>>, vector<1x16xf32>,
      %get3A_772 = vector.shape_cast %get3A_771 : vector<1x16xf32> to vector<16xf32>
      %add3A_773 = arith.addf %scan3A_767, %get3A_772 : vector<16xf32>
      %scan3A_774 = arith.constant 1 : i32
      %scan3A_775 = arith.addi %scan3A_766, %scan3A_774 : i32
      %add3A_776 = arith.constant 1550 : i32
      %add3A_777 = arith.addi %add3A_776, %scan3A_775 : i32
      %get3A_778 = arith.index_cast %add3A_777 : i32 to index
      %get3A_779 = arith.constant 0 : index
      %get3A_780 = tpu.vector_load %arg6[%get3A_778, %get3A_779] {strides = array<i32>} : memref<1600x16xf32, #tpu.memory_space<vmem>>, vector<1x16xf32>,
      %get3A_781 = vector.shape_cast %get3A_780 : vector<1x16xf32> to vector<16xf32>
      %add3A_782 = arith.addf %add3A_773, %get3A_781 : vector<16xf32>
      %scan3A_783 = arith.constant 2 : i32
      %scan3A_784 = arith.addi %scan3A_766, %scan3A_783 : i32
      %add3A_785 = arith.constant 1550 : i32
      %add3A_786 = arith.addi %add3A_785, %scan3A_784 : i32
      %get3A_787 = arith.index_cast %add3A_786 : i32 to index
      %get3A_788 = arith.constant 0 : index
      %get3A_789 = tpu.vector_load %arg6[%get3A_787, %get3A_788] {strides = array<i32>} : memref<1600x16xf32, #tpu.memory_space<vmem>>, vector<1x16xf32>,
      %get3A_790 = vector.shape_cast %get3A_789 : vector<1x16xf32> to vector<16xf32>
      %add3A_791 = arith.addf %add3A_782, %get3A_790 : vector<16xf32>
      %scan3A_792 = arith.constant 3 : i32
      %scan3A_793 = arith.addi %scan3A_766, %scan3A_792 : i32
      %add3A_794 = arith.constant 1550 : i32
      %add3A_795 = arith.addi %add3A_794, %scan3A_793 : i32
      %get3A_796 = arith.index_cast %add3A_795 : i32 to index
      %get3A_797 = arith.constant 0 : index
      %get3A_798 = tpu.vector_load %arg6[%get3A_796, %get3A_797] {strides = array<i32>} : memref<1600x16xf32, #tpu.memory_space<vmem>>, vector<1x16xf32>,
      %get3A_799 = vector.shape_cast %get3A_798 : vector<1x16xf32> to vector<16xf32>
      %add3A_800 = arith.addf %add3A_791, %get3A_799 : vector<16xf32>
      %scan3A_801 = arith.constant 4 : i32
      %scan3A_802 = arith.addi %scan3A_766, %scan3A_801 : i32
      %add3A_803 = arith.constant 1550 : i32
      %add3A_804 = arith.addi %add3A_803, %scan3A_802 : i32
      %get3A_805 = arith.index_cast %add3A_804 : i32 to index
      %get3A_806 = arith.constant 0 : index
      %get3A_807 = tpu.vector_load %arg6[%get3A_805, %get3A_806] {strides = array<i32>} : memref<1600x16xf32, #tpu.memory_space<vmem>>, vector<1x16xf32>,
      %get3A_808 = vector.shape_cast %get3A_807 : vector<1x16xf32> to vector<16xf32>
      %add3A_809 = arith.addf %add3A_800, %get3A_808 : vector<16xf32>
      %scan3A_810 = arith.constant 5 : i32
      %scan3A_811 = arith.addi %scan3A_766, %scan3A_810 : i32
      %add3A_812 = arith.constant 1550 : i32
      %add3A_813 = arith.addi %add3A_812, %scan3A_811 : i32
      %get3A_814 = arith.index_cast %add3A_813 : i32 to index
      %get3A_815 = arith.constant 0 : index
      %get3A_816 = tpu.vector_load %arg6[%get3A_814, %get3A_815] {strides = array<i32>} : memref<1600x16xf32, #tpu.memory_space<vmem>>, vector<1x16xf32>,
      %get3A_817 = vector.shape_cast %get3A_816 : vector<1x16xf32> to vector<16xf32>
      %add3A_818 = arith.addf %add3A_809, %get3A_817 : vector<16xf32>
      %scan3A_819 = arith.constant 6 : i32
      %scan3A_820 = arith.addi %scan3A_766, %scan3A_819 : i32
      %add3A_821 = arith.constant 1550 : i32
      %add3A_822 = arith.addi %add3A_821, %scan3A_820 : i32
      %get3A_823 = arith.index_cast %add3A_822 : i32 to index
      %get3A_824 = arith.constant 0 : index
      %get3A_825 = tpu.vector_load %arg6[%get3A_823, %get3A_824] {strides = array<i32>} : memref<1600x16xf32, #tpu.memory_space<vmem>>, vector<1x16xf32>,
      %get3A_826 = vector.shape_cast %get3A_825 : vector<1x16xf32> to vector<16xf32>
      %add3A_827 = arith.addf %add3A_818, %get3A_826 : vector<16xf32>
      %scan3A_828 = arith.constant 7 : i32
      %scan3A_829 = arith.addi %scan3A_766, %scan3A_828 : i32
      %add3A_830 = arith.constant 1550 : i32
      %add3A_831 = arith.addi %add3A_830, %scan3A_829 : i32
      %get3A_832 = arith.index_cast %add3A_831 : i32 to index
      %get3A_833 = arith.constant 0 : index
      %get3A_834 = tpu.vector_load %arg6[%get3A_832, %get3A_833] {strides = array<i32>} : memref<1600x16xf32, #tpu.memory_space<vmem>>, vector<1x16xf32>,
      %get3A_835 = vector.shape_cast %get3A_834 : vector<1x16xf32> to vector<16xf32>
      %add3A_836 = arith.addf %add3A_827, %get3A_835 : vector<16xf32>
      %scan3A_837 = arith.constant 8 : i32
      %scan3A_838 = arith.addi %scan3A_766, %scan3A_837 : i32
      %add3A_839 = arith.constant 1550 : i32
      %add3A_840 = arith.addi %add3A_839, %scan3A_838 : i32
      %get3A_841 = arith.index_cast %add3A_840 : i32 to index
      %get3A_842 = arith.constant 0 : index
      %get3A_843 = tpu.vector_load %arg6[%get3A_841, %get3A_842] {strides = array<i32>} : memref<1600x16xf32, #tpu.memory_space<vmem>>, vector<1x16xf32>,
      %get3A_844 = vector.shape_cast %get3A_843 : vector<1x16xf32> to vector<16xf32>
      %add3A_845 = arith.addf %add3A_836, %get3A_844 : vector<16xf32>
      %scan3A_846 = arith.constant 9 : i32
      %scan3A_847 = arith.addi %scan3A_766, %scan3A_846 : i32
      %add3A_848 = arith.constant 1550 : i32
      %add3A_849 = arith.addi %add3A_848, %scan3A_847 : i32
      %get3A_850 = arith.index_cast %add3A_849 : i32 to index
      %get3A_851 = arith.constant 0 : index
      %get3A_852 = tpu.vector_load %arg6[%get3A_850, %get3A_851] {strides = array<i32>} : memref<1600x16xf32, #tpu.memory_space<vmem>>, vector<1x16xf32>,
      %get3A_853 = vector.shape_cast %get3A_852 : vector<1x16xf32> to vector<16xf32>
      %add3A_854 = arith.addf %add3A_845, %get3A_853 : vector<16xf32>
      scf.yield %add3A_854 : vector<16xf32>
    }
    %scan3A_757 = arith.constant 50 : i32
    %swap3A_758 = arith.constant 31 : i32
    %swap3A_759 = arith.index_cast %swap3A_758 : i32 to index
    %swap3A_760 = arith.constant 0 : index
    %swap3A_761 = tpu.vector_load %arg7[%swap3A_759, %swap3A_760] {strides = array<i32>} : memref<32x16xf32, #tpu.memory_space<vmem>>, vector<1x16xf32>,
    %swap3A_762 = vector.shape_cast %swap3A_761 : vector<1x16xf32> to vector<16xf32>
    %swap3A_763 = vector.shape_cast %scan3A_756 : vector<16xf32> to vector<1x16xf32>
    tpu.vector_store %arg7[%swap3A_759, %swap3A_760], %swap3A_763 {strides = array<i32>} : memref<32x16xf32, #tpu.memory_space<vmem>>, vector<1x16xf32>,
    %mul3A_764 = arith.constant 32 : i32
    %mul3A_765 = arith.muli %add3A, %mul3A_764 : i32
    "tpu.region"() ({
      %run_scoped3A = tpu.sem_alloc : memref<!tpu.dma_semaphore, #tpu.memory_space<semaphore_mem>>
      %dma_start3A_766 = arith.constant 0 : i32
      %dma_start3A_767 = tpu.memref_slice %arg4[%mul3A_765, %dma_start3A_766] : memref<1024x16xf32, #tpu.memory_space<hbm>> -> memref<32x16xf32, #tpu.memory_space<hbm>>
      %dma_start3A_768 = arith.constant 0 : i32
      %dma_start3A_769 = tpu.memref_slice %arg4[%mul3A_765, %dma_start3A_768] : memref<1024x16xf32, #tpu.memory_space<hbm>> -> memref<32x16xf32, #tpu.memory_space<hbm>>
      tpu.enqueue_dma source(%arg7 : memref<32x16xf32, #tpu.memory_space<vmem>>) target(%dma_start3A_769 : memref<32x16xf32, #tpu.memory_space<hbm>>) target_semaphore(%run_scoped3A : memref<!tpu.dma_semaphore, #tpu.memory_space<semaphore_mem>>)
      %dma_wait3A_770 = arith.constant 0 : i32
      %dma_wait3A_771 = tpu.memref_slice %arg4[%mul3A_765, %dma_wait3A_770] : memref<1024x16xf32, #tpu.memory_space<hbm>> -> memref<32x16xf32, #tpu.memory_space<hbm>>
      %dma_wait3A_772 = arith.constant 0 : i32
      %dma_wait3A_773 = tpu.memref_slice %arg4[%mul3A_765, %dma_wait3A_772] : memref<1024x16xf32, #tpu.memory_space<hbm>> -> memref<32x16xf32, #tpu.memory_space<hbm>>
      tpu.wait_dma2 semaphore(%run_scoped3A : memref<!tpu.dma_semaphore, #tpu.memory_space<semaphore_mem>>) src(%arg7 : memref<32x16xf32, #tpu.memory_space<vmem>>) dst(%dma_wait3A_773 : memref<32x16xf32, #tpu.memory_space<hbm>>)
      tpu.yield
    }) : () -> ()
    return
  }
}

module attributes {stable_mosaic.version = 14 : i64} {
  func.func @mm(%arg0: i32, %arg1: memref<16x1024xf32, #tpu.memory_space<vmem>>, %arg2: memref<16x2048xf32, #tpu.memory_space<vmem>>, %arg3: memref<1x2048xf32, #tpu.memory_space<vmem>>, %arg4: memref<2048x1024xf32, #tpu.memory_space<vmem>>) attributes {dimension_semantics = [#tpu.dimension_semantics<arbitrary>], iteration_bounds = array<i64: 49>, scalar_prefetch = 0 : i64, scratch_operands = 0 : i64, tpu.core_type = #tpu.core_type<tc>, window_params = [{pipeline_mode = #tpu.pipeline_mode<synchronous>, transform_indices = @transform_0, window_bounds = array<i64: 16, 1024>}, {transform_indices = @transform_1, window_bounds = array<i64: 16, 2048>}, {transform_indices = @transform_2, window_bounds = array<i64: 1, 2048>}, {transform_indices = @transform_3, window_bounds = array<i64: 2048, 1024>}]} {
    %get3A = arith.constant 0 : index
    %get3A_0 = arith.constant 0 : index
    %get3A_1 = vector.load %arg2[%get3A, %get3A_0] : memref<16x2048xf32, #tpu.memory_space<vmem>>, vector<16x2048xf32>
    %convert_element_type3A = arith.truncf %get3A_1 : vector<16x2048xf32> to vector<16x2048xbf16>
    %get3A_2 = arith.constant 0 : index
    %get3A_3 = arith.constant 0 : index
    %get3A_4 = vector.load %arg1[%get3A_2, %get3A_3] : memref<16x1024xf32, #tpu.memory_space<vmem>>, vector<16x1024xf32>
    %convert_element_type3A_5 = arith.truncf %get3A_4 : vector<16x1024xf32> to vector<16x1024xbf16>
    %dot_general3A = arith.constant dense<0.000000e+00> : vector<2048x1024xf32>
    %dot_general3A_6 = tpu.matmul %convert_element_type3A, %convert_element_type3A_5, %dot_general3A {dimension_numbers = #tpu.dot_dimension_numbers<[0], [0], [1], [1], [0, 1, 1, 1], [], []>, transpose_lhs_hint = false} : vector<16x2048xbf16>, vector<16x1024xbf16>, vector<2048x1024xf32> -> vector<2048x1024xf32>
    %get3A_7 = arith.constant 0 : index
    %get3A_8 = arith.constant 0 : index
    %get3A_9 = vector.load %arg3[%get3A_7, %get3A_8] : memref<1x2048xf32, #tpu.memory_space<vmem>>, vector<1x2048xf32>
    %transpose3A = tpu.transpose %get3A_9, [1, 0] : vector<1x2048xf32> -> vector<2048x1xf32>
    %add3A = vector.broadcast %transpose3A : vector<2048x1xf32> to vector<2048x1024xf32>
    %add3A_10 = arith.addf %dot_general3A_6, %add3A : vector<2048x1024xf32>
    %swap3A = arith.constant 0 : index
    %swap3A_11 = arith.constant 0 : index
    %swap3A_12 = vector.load %arg4[%swap3A, %swap3A_11] : memref<2048x1024xf32, #tpu.memory_space<vmem>>, vector<2048x1024xf32>
    tpu.vector_store %arg4[%swap3A, %swap3A_11], %add3A_10 {strides = array<i32>} : memref<2048x1024xf32, #tpu.memory_space<vmem>>, vector<2048x1024xf32>,
    return
  }
  func.func @transform_0(%arg0: i32) -> (i32, i32) {
    %c0_i32 = arith.constant 0 : i32
    %c0_i32_0 = arith.constant 0 : i32
    %c0_i32_1 = arith.constant 0 : i32
    return %c0_i32, %c0_i32_0 : i32, i32
  }
  func.func @transform_1(%arg0: i32) -> (i32, i32) {
    %c0_i32 = arith.constant 0 : i32
    %c0_i32_0 = arith.constant 0 : i32
    return %c0_i32, %arg0 : i32, i32
  }
  func.func @transform_2(%arg0: i32) -> (i32, i32) {
    %c0_i32 = arith.constant 0 : i32
    %c0_i32_0 = arith.constant 0 : i32
    return %c0_i32, %arg0 : i32, i32
  }
  func.func @transform_3(%arg0: i32) -> (i32, i32) {
    %c0_i32 = arith.constant 0 : i32
    %c0_i32_0 = arith.constant 0 : i32
    return %arg0, %c0_i32 : i32, i32
  }
}

</mosaic_0001>

<sc_bundles>
// kernel: kernel.4.cloned.1.call-start
scs
__scs_entry_jumppad:
0x0: {  	(pc) =	sbr.rel $0x88, $3  }
0x1: {  	(tag) =	ssettag $0x0;
	lr =	simm.s32 $0x1  }
0x2: {  	[smem:$0x3F9D] =	sst lr;
	_ =	strace $0xD0000000  }
0x3: {  	_ = 	snop  }
0x4: {  	_ = 	snop  }
0x5: {  	_ = 	snop  }
0x6: {  	_ = 	snop  }
0x7: {  	_ = 	snop  }
__scs_overlays_trampoline_lowered:
0x8: {  	[smem:$0x3FAC] =	sst s0  }
0x9: {  	[smem:$0x3FAD] =	sst s1  }
0xa: {  	[smem:$0x3FAE] =	sst s2  }
0xb: {  	[smem:$0x3FAF] =	sst s3  }
0xc: {  	[smem:$0x3FB0] =	sst s4  }
0xd: {  	[smem:$0x3FB1] =	sst s5  }
0xe: {  	[smem:$0x3FB2] =	sst s6  }
0xf: {  	[smem:$0x3FB3] =	sst s7  }
0x10: {  	[smem:$0x3FB4] =	sst s8  }
0x11: {  	[smem:$0x3FB5] =	sst s9;
	s0 =	simm.s32 @!p0 $0x0  }
0x12: {  	s1 =	sld [smem:$0x3F9B];
	s0 =	simm.s32 @p0 $0x1  }
0x13: {  	[smem:$0x3FB6] =	sst s0;
	s0 =	simm.s32 @!p1 $0x0  }
0x14: {  	s2 =	sld [smem:$0x3F9A];
	s0 =	simm.s32 @p1 $0x1  }
0x15: {  	[smem:$0x3FB7] =	sst s0;
	s0 =	simm.s32 @!p2 $0x0  }
0x16: {  	s3 =	sld [smem:$0x3FDB];
	s0 =	simm.s32 @p2 $0x1  }
0x17: {  	s4 =	simm.s32 $0x1BF5;
	[smem:$0x3FB9] =	sst s0  }
0x18: {  	s0 =	sld [smem:$0x3F9C];
	_ =	swait.ge [sflag:s4], $0x0  }
0x19: {  	s7 =	sld [smem:$0x3F9D]  }
0x1a: {  	s8 =	sadd.s32 $0xFFFFE003, lr  }
0x1b: {  	s9 =	sadd.s32 $0xFFFFFEF7, lr;
	s5 =	simm.s32 $0xFFFFFFFF;
	p2 =	slt.u32 s8, $0xFFFFF086  }
0x1c: {  	p1 =	slt.u32 s9, $0xF7A;
	s5 =	simm.s32 @!p2 $0x0  }
0x1d: {  	s5 =	simm.s32 @p1 $0x1;
	p0 =	seq.s32 s7, s2  }
0x1e: {  	s7 =	smul.u32 @!p0 $0xF7A, s2;
	p2 =	seq.s32 @!p0 s5, $0x0  }
0x1f: {  	s9 =	smul.u32 $0xF7A, s1;
	s8 =	simm.s32 @!p0 $0x1BF5;
	p2 =	por !p2, p0  }
0x20: {  	[sflag:s8] =	ssyncset.s32 @!p0 $0xFFFFF086;
	s6 =	sadd.s32 @!p0 s3, s7;
	s7 =	simm.s32 @!p0 $0x108  }
0x21: {  	s3 =	sadd.s32 s3, s9;
	s6 =	sadd.s32 @!p0 $0x88, s6;
	s7 =	simm.s32 @p2 $0x1082  }
0x22: {  	[simem:s7], [sflag:s8] =	dma.local @!p0 [hbm:s6], $0xF7A  }
0x23: {  	s9 =	sor.u32 $0xD0000000, s2;
	s6 =	simm.s32 $0x108;
	_ =	swait.ge @!p0 [sflag:s8], $0x0  }
0x24: {  	s3 =	sadd.s32 $0x88, s3;
	s6 =	simm.s32 @!p1 $0x1082;
	[sflag:s4] =	ssyncset.s32 $0xFFFFF086  }
0x25: {  	[simem:s6], [sflag:s4] =	dma.local [hbm:s3], $0xF7A  }
0x26: {  	[smem:$0x3F9D] =	sst s1;
	(tag) =	ssettag s2;
	_ =	strace s9  }
0x27: {  	s1 =	sld [smem:$0x3FAD]  }
0x28: {  	s2 =	sld [smem:$0x3FAE]  }
0x29: {  	s4 =	sld [smem:$0x3FB0]  }
0x2a: {  	p0 =	seq.s32 s5, $0x0;
	s5 =	sld [smem:$0x3FB1]  }
0x2b: {  	s6 =	sld [smem:$0x3FB2]  }
0x2c: {  	s7 =	sld [smem:$0x3FB3]  }
0x2d: {  	s3 =	simm.s32 $0x108;
	s8 =	sld [smem:$0x3FB4]  }
0x2e: {  	s3 =	simm.s32 @!p0 $0x1082;
	s9 =	sld [smem:$0x3FB5]  }
0x2f: {  	lr =	sadd.s32 s0, s3;
	s0 =	sld [smem:$0x3FAC]  }
0x30: {  	s3 =	sld [smem:$0x3FAF]  }
0x31: {  	[smem:$0x3FB8] =	sst s10  }
0x32: {  	s10 =	sld [smem:$0x3FB6];
	_ =	sdelay $0x3  }
0x33: {  	p0 =	seq.s32 s10, $0x1;
	s10 =	sld [smem:$0x3FB8];
	_ =	sdelay $0x3  }
0x34: {  	[smem:$0x3FB8] =	sst s10  }
0x35: {  	s10 =	sld [smem:$0x3FB7];
	_ =	sdelay $0x3  }
0x36: {  	p1 =	seq.s32 s10, $0x1;
	s10 =	sld [smem:$0x3FB8];
	_ =	sdelay $0x3  }
0x37: {  	[smem:$0x3FB8] =	sst s10  }
0x38: {  	s10 =	sld [smem:$0x3FB9]  }
0x39: {  	_ = 	snop;
	(pc) =	sbr.ind lr, $3  }
0x3a: {  	_ = 	snop  }
0x3b: {  	_ = 	snop  }
0x3c: {  	p2 =	seq.s32 s10, $0x1;
	s10 =	sld [smem:$0x3FB8]  }
0x3d: {  	_ =	shalt  }
0x3e: {  	_ =	shalt  }
0x3f: {  	_ =	shalt  }
0x40: {  	_ =	shalt  }
0x41: {  	_ =	shalt  }
0x42: {  	_ =	shalt  }
0x43: {  	_ =	shalt  }
0x44: {  	_ =	shalt  }
0x45: {  	_ =	shalt  }
0x46: {  	_ =	shalt  }
0x47: {  	_ =	shalt  }
0x48: {  	_ =	shalt  }
0x49: {  	_ =	shalt  }
0x4a: {  	_ =	shalt  }
0x4b: {  	_ =	shalt  }
0x4c: {  	_ =	shalt  }
0x4d: {  	_ =	shalt  }
0x4e: {  	_ =	shalt  }
0x4f: {  	_ =	shalt  }
0x50: {  	_ =	shalt  }
0x51: {  	_ =	shalt  }
0x52: {  	_ =	shalt  }
0x53: {  	_ =	shalt  }
0x54: {  	_ =	shalt  }
0x55: {  	_ =	shalt  }
0x56: {  	_ =	shalt  }
0x57: {  	_ =	shalt  }
0x58: {  	_ =	shalt  }
0x59: {  	_ =	shalt  }
0x5a: {  	_ =	shalt  }
0x5b: {  	_ =	shalt  }
0x5c: {  	_ =	shalt  }
0x5d: {  	_ =	shalt  }
0x5e: {  	_ =	shalt  }
0x5f: {  	_ =	shalt  }
0x60: {  	_ =	shalt  }
0x61: {  	_ =	shalt  }
0x62: {  	_ =	shalt  }
0x63: {  	_ =	shalt  }
0x64: {  	_ =	shalt  }
0x65: {  	_ =	shalt  }
0x66: {  	_ =	shalt  }
0x67: {  	_ =	shalt  }
0x68: {  	_ =	shalt  }
0x69: {  	_ =	shalt  }
0x6a: {  	_ =	shalt  }
0x6b: {  	_ =	shalt  }
0x6c: {  	_ =	shalt  }
0x6d: {  	_ =	shalt  }
0x6e: {  	_ =	shalt  }
0x6f: {  	_ =	shalt  }
0x70: {  	_ =	shalt  }
0x71: {  	_ =	shalt  }
0x72: {  	_ =	shalt  }
0x73: {  	_ =	shalt  }
0x74: {  	_ =	shalt  }
0x75: {  	_ =	shalt  }
0x76: {  	_ =	shalt  }
0x77: {  	_ =	shalt  }
0x78: {  	_ =	shalt  }
0x79: {  	_ =	shalt  }
0x7a: {  	_ =	shalt  }
0x7b: {  	_ =	shalt  }
0x7c: {  	_ =	shalt  }
0x7d: {  	_ =	shalt  }
0x7e: {  	_ =	shalt  }
0x7f: {  	_ =	shalt  }
0x80: {  	_ =	shalt  }
0x81: {  	_ =	shalt  }
0x82: {  	_ =	shalt  }
0x83: {  	_ =	shalt  }
0x84: {  	_ =	shalt  }
0x85: {  	_ =	shalt  }
0x86: {  	_ =	shalt  }
0x87: {  	_ =	shalt  }
.Lfunc_end0:
.L_simem_size_0:
called_computation_lowered:
.L_overlay_start_0:
0x88: {  	s2 =	sld [smem:$0x3FD9]  }
0x89: {  	s3 =	sld [smem:$0x3FFE];
	_ =	sdelay $0x1  }
0x8a: {  	s1 =	srdreg.scid  }
0x8b: {  	s0 =	sand.u32 $0x1, s1  }
0x8c: {  	s17 =	sshll.u32 s0, $0xA;
	s2 =	sadd.s32 s3, s2  }
0x8d: {  	s2 =	sadd.s32 s2, s17  }
0x8e: {  	[smem:$0x3FC4] =	sst s2  }
0x8f: {  	_ = 	snop  }
0x90: {  	s2 =	sld [smem:$0x3FD0];
	(tm) =	ssettm $0x1  }
0x91: {  	s18 =	sld [smem:$0x3FFB];
	_ =	sdelay $0x3  }
0x92: {  	_ =	strace s18  }
0x93: {  	s3 =	sld [smem:$0x3FFC];
	_ =	sdelay $0x3  }
0x94: {  	_ =	strace s3  }
0x95: {  	s3 =	sld [smem:$0x3FFD];
	_ =	sdelay $0x3  }
0x96: {  	_ =	strace s3  }
0x97: {  	_ =	strace $0x8FFFFFFF  }
0x98: {  	s19 =	sld [smem:$0x3FDB];
	_ =	sdelay $0x1  }
0x99: {  	s4 =	simm.s32 $_scs_section_size  }
0x9a: {  	s5 =	simm.s32 $_size__tile_overlayer_lowered;
	s6 =	simm.s32 $_tile_overlayer_lowered  }
0x9b: {  	s22 =	simm.s32 $0x1BFF;
	s21 =	sshll.u32 s6, $0x1;
	s3 =	sadd.s32 s4, s19  }
0x9c: {  	s7 =	simm.s32 $0x0;
	s20 =	sshll.u32 s5, $0x1;
	s5 =	sadd.s32 s21, s3  }
0x9d: {  	[timem:s7], [sflag:s22] =	dma.local [hbm:s5], s20  }
0x9e: {  	_ =	swait.ge [sflag:s22], s20  }
0x9f: {  	s4 =	ssub.s32 $0x0, s20;
	[sflag:s22] =	ssyncset.done $0x0  }
0xa0: {  	[sflag:s22] =	ssyncadd.s32 s4;
	_ =	sdelay $0x1  }
0xa1: {  	s23 =	simm.s32 $0x1B8B  }
0xa2: {  	_ =	swait.ge [sflag:s23], $0x1  }
0xa3: {  	[sflag:s23] =	ssyncset.done $0x0  }
0xa4: {  	s25 =	simm.s32 $0x1B8E;
	s24 =	sld [smem:$0x3FFE];
	[sflag:s23] =	ssyncadd.s32 $0xFFFFFFFF  }
0xa5: {  	s26 =	simm.s32 $execute0_lowered;
	[smem:$0x3FD2] =	sst s25  }
0xa6: {  	s5 =	sshll.u32 s26, $0x1;
	_ =	strace $0x80000046;
	[dreg:$0x1] =	wrdreg $0xFFFFFFFF  }
0xa7: {  	s28 =	simm.s32 $_size_execute0_lowered;
	s3 =	sadd.s32 s3, s5;
	[dreg:$0x0] =	wrdreg $0x0  }
0xa8: {  	s5 =	sshll.u32 s28, $0x1;
	[dreg:$0x2] =	wrdreg s3  }
0xa9: {  	[dreg:$0x3] =	wrdreg s5  }
0xaa: {  	[dreg:$0x4] =	wrdreg $0xC0  }
0xab: {  	_ =	task [dreg:s7], $0x5FFFF  }
0xac: {  	[dreg:$0x1] =	wrdreg $0xFFFFFFFF  }
0xad: {  	[dreg:$0x0] =	wrdreg $0x60  }
0xae: {  	[dreg:$0x2] =	wrdreg s24  }
0xaf: {  	[dreg:$0x3] =	wrdreg s2  }
0xb0: {  	[dreg:$0x4] =	wrdreg $0x9  }
0xb1: {  	_ =	task.clear_ibuf [dreg:s7], $0x5FFFF;
	_ =	strace $0x90000046  }
0xb2: {  	s29 =	simm.s32 $0x9;
	_ =	strace $0x80000048  }
0xb3: {  	_ =	swait.ge [sflag:s29], $0x1  }
0xb4: {  	[sflag:s29] =	ssyncadd.s32 $0xFFFFFFFF  }
0xb5: {  	_ =	strace $0x90000048  }
0xb6: {  	_ =	sfence  }
0xb7: {  	s30 =	sld [smem:$0x0];
	_ =	sdelay $0x2  }
0xb8: {  	s31 =	sshll.u32 s1, $0xD;
	s1 =	sshrl.u32 s1, $0x2  }
0xb9: {  	s3 =	sand.u32 $0x4000, s31;
	s1 =	sadd.s32 s1, s30  }
0xba: {  	s0 =	sor.u32 s3, s0;
	s1 =	sshll.u32 s1, $0x11  }
0xbb: {  	s0 =	sor.u32 s1, s0  }
0xbc: {  	s0 =	sadd.s32 $0x8F2B, s0  }
0xbd: {  	[sflag:s0] =	ssyncadd.remote.s32 $0x1  }
0xbe: {  	_ =	sfence.sel $0xFFFF  }
0xbf: {  	[dreg:$0x0] =	wrdreg $0xFFFFFFFF;
	(pc) =	sbr.abs _section_cstart, $3  }
0xc0: {  	[dreg:$0x1] =	wrdreg $0xFFFFFFFF  }
0xc1: {  	_ =	task.clear_ibuf [dreg:s7], $0x2FFFF;
	_ =	strace $0x9FFFFFFF  }
0xc2: {  	(tm) =	ssettm $0x7FFFFFFF  }
0xc3: {  	_ =	shalt  }
tec
execute0_lowered:
.L_overlay_start_1:
0x0: {  	(tag) =	ssettag $0x1  }
0x1: {  	s1 =	srdreg.scid;
	s3 =	rddreg [dreg:$0x0]  }
0x2: {  	s0 =	stileid.u32;
	s5 =	rddreg [dreg:$0x1];
	s18 =	simm.s32 $0x680  }
0x3: {  	s19 =	simm.s32 $0x68;
	s20 =	simm.s32 $0xCC0;
	s21 =	simm.s32 $0xD0  }
0x4: {  	s23 =	simm.s32 $0x1300;
	s24 =	simm.s32 $0x138;
	s25 =	simm.s32 $0x1940  }
0x5: {  	s26 =	simm.s32 $0x1A0;
	s10 =	simm.s32 $0x270;
	s11 =	simm.s32 $0x2C00  }
0x6: {  	s12 =	simm.s32 $0x2D8;
	s1 =	sand.u32 $0x1, s1;
	s2 =	sshll.u32 s0, $0x1  }
0x7: {  	s13 =	simm.s32 $0x3240;
	s4 =	sor.u32 s1, s2;
	s2 =	simm.s32 $0x0  }
0x8: {  	s14 =	simm.s32 $0x340;
	s15 =	simm.s32 $0x3880;
	[smem:$0x7FF] =	sst s2  }
0x9: {  	s16 =	simm.s32 $0x3A8;
	_ =	strace $0x80000047;
	[dreg:$0x5] =	wrdreg s18  }
0xa: {  	s17 =	simm.s32 $0x3EC0;
	s28 =	simm.s32 $0x5E00;
	[dreg:$0x6] =	wrdreg s19  }
0xb: {  	s29 =	simm.s32 $0x618;
	s30 =	simm.s32 $0x6440;
	[dreg:$0x7] =	wrdreg s20  }
0xc: {  	s31 =	simm.s32 $0x1;
	s1 =	ssub.s32 $0x2, s1;
	[dreg:$0x8] =	wrdreg s21  }
0xd: {  	s6 =	smul.u32 $0xD0, s4;
	s4 =	sshll.u32 s4, $0x6;
	[dreg:$0x9] =	wrdreg s23  }
0xe: {  	s22 =	sshrl.u32 s1, $0x1;
	s4 =	sadd.s32 s5, s4;
	[dreg:$0xa] =	wrdreg s24  }
0xf: {  	s1 =	ssub.s32 s1, s22;
	s5 =	simm.s32 $0x2;
	[dreg:$0xb] =	wrdreg s25  }
0x10: {  	[dreg:$0xc] =	wrdreg s26;
	s18 =	simm.s32 $0x410;
	s19 =	simm.s32 $0x4500  }
0x11: {  	s20 =	simm.s32 $0x478;
	s21 =	simm.s32 $0x4B40;
	s22 =	simm.s32 $0x4E0  }
0x12: {  	s23 =	simm.s32 $0x5180;
	s24 =	simm.s32 $0x548;
	s25 =	simm.s32 $0x57C0  }
0x13: {  	s26 =	simm.s32 $0x5B0;
	s6 =	sadd.s32 s6, s3;
	[dreg:$0x4] =	wrdreg s4  }
0x14: {  	s3 =	sadd.s32 $0x2800, s3;
	s4 =	smax.u32 s1, $0x1;
	s6 =	sadd.s32 $0xE00, s6  }
0x15: {  	s1 =	simm.s32 $0x6A80;
	[dreg:$0x3] =	wrdreg s6;
	s6 =	simm.s32 $0x64  }
.LBB2_1:
0x16: {  	s0 =	rddreg [dreg:$0x3]  }
0x17: {  	[tilespmem:s2], [sflag:$0x2] =	stream.linear.gather [hbm4b:s0+s2], $0x680, $0x38;
	[tilespmem:$0x6C80] =	vst v63  }
0x18: {  	_ =	swait.ge [sflag:s5], $0x680  }
0x19: {  	s9 =	rddreg [dreg:$0x5]  }
0x1a: {  	s7 =	rddreg [dreg:$0x6]  }
0x1b: {  	[sflag:s5] =	ssyncset.done $0x0;
	s8 =	rddreg [dreg:$0x7]  }
0x1c: {  	s0 =	rddreg [dreg:$0x8];
	[sflag:s5] =	ssyncadd.s32 $0xFFFFF980  }
0x1d: {  	[tilespmem:s9], [sflag:$0x1] =	stream.indirect.gather [hbm4b:s3+s6], $0x10, s2, s6, $0xb8;
	[tilespmem:$0x6C80] =	vst v63  }
0x1e: {  	s9 =	rddreg [dreg:$0xb]  }
0x1f: {  	[tilespmem:s8], [sflag:$0x1] =	stream.indirect.gather [hbm4b:s3+s6], $0x10, s7, s6, $0xb8;
	[tilespmem:$0x6C80] =	vst v63  }
0x20: {  	s7 =	rddreg [dreg:$0x9]  }
0x21: {  	[tilespmem:s7], [sflag:$0x1] =	stream.indirect.gather [hbm4b:s3+s6], $0x10, s0, s6, $0xb8;
	[tilespmem:$0x6C80] =	vst v63  }
0x22: {  	s8 =	rddreg [dreg:$0xa]  }
0x23: {  	[tilespmem:s9], [sflag:$0x1] =	stream.indirect.gather [hbm4b:s3+s6], $0x10, s8, s6, $0xb8;
	[tilespmem:$0x6C80] =	vst v63  }
0x24: {  	s7 =	rddreg [dreg:$0xc];
	s9 =	simm.s32 $0x1F80  }
0x25: {  	[tilespmem:s9], [sflag:$0x1] =	stream.indirect.gather [hbm4b:s3+s6], $0x10, s7, s6, $0xb8;
	[tilespmem:$0x6C80] =	vst v63  }
0x26: {  	s8 =	simm.s32 $0x25C0;
	s7 =	simm.s32 $0x208  }
0x27: {  	[tilespmem:s8], [sflag:$0x1] =	stream.indirect.gather [hbm4b:s3+s6], $0x10, s7, s6, $0xb8;
	[tilespmem:$0x6C80] =	vst v63  }
0x28: {  	_ = 	snop  }
0x29: {  	[tilespmem:s11], [sflag:$0x1] =	stream.indirect.gather [hbm4b:s3+s6], $0x10, s10, s6, $0xb8;
	[tilespmem:$0x6C80] =	vst v63  }
0x2a: {  	_ = 	snop  }
0x2b: {  	[tilespmem:s13], [sflag:$0x1] =	stream.indirect.gather [hbm4b:s3+s6], $0x10, s12, s6, $0xb8;
	[tilespmem:$0x6C80] =	vst v63  }
0x2c: {  	_ = 	snop  }
0x2d: {  	[tilespmem:s15], [sflag:$0x1] =	stream.indirect.gather [hbm4b:s3+s6], $0x10, s14, s6, $0xb8;
	[tilespmem:$0x6C80] =	vst v63  }
0x2e: {  	_ = 	snop  }
0x2f: {  	[tilespmem:s17], [sflag:$0x1] =	stream.indirect.gather [hbm4b:s3+s6], $0x10, s16, s6, $0xb8;
	[tilespmem:$0x6C80] =	vst v63  }
0x30: {  	_ = 	snop  }
0x31: {  	[tilespmem:s19], [sflag:$0x1] =	stream.indirect.gather [hbm4b:s3+s6], $0x10, s18, s6, $0xb8;
	[tilespmem:$0x6C80] =	vst v63  }
0x32: {  	_ = 	snop  }
0x33: {  	[tilespmem:s21], [sflag:$0x1] =	stream.indirect.gather [hbm4b:s3+s6], $0x10, s20, s6, $0xb8;
	[tilespmem:$0x6C80] =	vst v63  }
0x34: {  	_ = 	snop  }
0x35: {  	[tilespmem:s23], [sflag:$0x1] =	stream.indirect.gather [hbm4b:s3+s6], $0x10, s22, s6, $0xb8;
	[tilespmem:$0x6C80] =	vst v63  }
0x36: {  	_ = 	snop  }
0x37: {  	[tilespmem:s25], [sflag:$0x1] =	stream.indirect.gather [hbm4b:s3+s6], $0x10, s24, s6, $0xb8;
	[tilespmem:$0x6C80] =	vst v63  }
0x38: {  	_ = 	snop  }
0x39: {  	[tilespmem:s28], [sflag:$0x1] =	stream.indirect.gather [hbm4b:s3+s6], $0x10, s26, s6, $0xb8;
	[tilespmem:$0x6C80] =	vst v63  }
0x3a: {  	_ = 	snop  }
0x3b: {  	[tilespmem:s30], [sflag:$0x1] =	stream.indirect.gather [hbm4b:s3+s6], $0x10, s29, s6, $0xb8;
	[tilespmem:$0x6C80] =	vst v63  }
0x3c: {  	_ =	swait.ge [sflag:s31], $0x640  }
0x3d: {  	[sflag:s31] =	ssyncset.done $0x0  }
0x3e: {  	[sflag:s31] =	ssyncadd.s32 $0xFFFFF9C0  }
0x3f: {  	_ =	swait.ge [sflag:s31], $0x640  }
0x40: {  	[sflag:s31] =	ssyncset.done $0x0  }
0x41: {  	[sflag:s31] =	ssyncadd.s32 $0xFFFFF9C0  }
0x42: {  	_ =	swait.ge [sflag:s31], $0x640  }
0x43: {  	[sflag:s31] =	ssyncset.done $0x0  }
0x44: {  	[sflag:s31] =	ssyncadd.s32 $0xFFFFF9C0  }
0x45: {  	_ =	swait.ge [sflag:s31], $0x640  }
0x46: {  	[sflag:s31] =	ssyncset.done $0x0  }
0x47: {  	[sflag:s31] =	ssyncadd.s32 $0xFFFFF9C0  }
0x48: {  	_ =	swait.ge [sflag:s31], $0x640  }
0x49: {  	[sflag:s31] =	ssyncset.done $0x0  }
0x4a: {  	[sflag:s31] =	ssyncadd.s32 $0xFFFFF9C0  }
0x4b: {  	_ =	swait.ge [sflag:s31], $0x640  }
0x4c: {  	[sflag:s31] =	ssyncset.done $0x0  }
0x4d: {  	[sflag:s31] =	ssyncadd.s32 $0xFFFFF9C0  }
0x4e: {  	_ =	swait.ge [sflag:s31], $0x640  }
0x4f: {  	[sflag:s31] =	ssyncset.done $0x0  }
0x50: {  	[sflag:s31] =	ssyncadd.s32 $0xFFFFF9C0  }
0x51: {  	_ =	swait.ge [sflag:s31], $0x640  }
0x52: {  	[sflag:s31] =	ssyncset.done $0x0  }
0x53: {  	[sflag:s31] =	ssyncadd.s32 $0xFFFFF9C0  }
0x54: {  	_ =	swait.ge [sflag:s31], $0x640  }
0x55: {  	[sflag:s31] =	ssyncset.done $0x0  }
0x56: {  	[sflag:s31] =	ssyncadd.s32 $0xFFFFF9C0  }
0x57: {  	_ =	swait.ge [sflag:s31], $0x640  }
0x58: {  	[sflag:s31] =	ssyncset.done $0x0  }
0x59: {  	[sflag:s31] =	ssyncadd.s32 $0xFFFFF9C0  }
0x5a: {  	_ =	swait.ge [sflag:s31], $0x640  }
0x5b: {  	[sflag:s31] =	ssyncset.done $0x0  }
0x5c: {  	[sflag:s31] =	ssyncadd.s32 $0xFFFFF9C0  }
0x5d: {  	_ =	swait.ge [sflag:s31], $0x640  }
0x5e: {  	[sflag:s31] =	ssyncset.done $0x0  }
0x5f: {  	[sflag:s31] =	ssyncadd.s32 $0xFFFFF9C0  }
0x60: {  	_ =	swait.ge [sflag:s31], $0x640  }
0x61: {  	[sflag:s31] =	ssyncset.done $0x0  }
0x62: {  	[sflag:s31] =	ssyncadd.s32 $0xFFFFF9C0  }
0x63: {  	_ =	swait.ge [sflag:s31], $0x640  }
0x64: {  	[sflag:s31] =	ssyncset.done $0x0  }
0x65: {  	[sflag:s31] =	ssyncadd.s32 $0xFFFFF9C0  }
0x66: {  	_ =	swait.ge [sflag:s31], $0x640  }
0x67: {  	[sflag:s31] =	ssyncset.done $0x0  }
0x68: {  	[sflag:s31] =	ssyncadd.s32 $0xFFFFF9C0  }
0x69: {  	_ =	swait.ge [sflag:s31], $0x640  }
0x6a: {  	[sflag:s31] =	ssyncset.done $0x0  }
0x6b: {  	[sflag:s31] =	ssyncadd.s32 $0xFFFFF9C0  }
0x6c: {  	v0 =	vld [tilespmem:$0x680]  }
0x6d: {  	v1 =	vld [tilespmem:$0x690]  }
0x6e: {  	v2 =	vld [tilespmem:$0x6A0]  }
0x6f: {  	v3 =	vld [tilespmem:$0x6B0]  }
0x70: {  	v4 =	vld [tilespmem:$0x6C0]  }
0x71: {  	v5 =	vld [tilespmem:$0x6D0]  }
0x72: {  	v6 =	vld [tilespmem:$0x6E0]  }
0x73: {  	v7 =	vld [tilespmem:$0x6F0]  }
0x74: {  	v8 =	vld [tilespmem:$0x700]  }
0x75: {  	v9 =	vld [tilespmem:$0x710]  }
0x76: {  	v10 =	vld [tilespmem:$0x720]  }
0x77: {  	v11 =	vld [tilespmem:$0x730]  }
0x78: {  	v12 =	vld [tilespmem:$0x740]  }
0x79: {  	v13 =	vld [tilespmem:$0x750]  }
0x7a: {  	v14 =	vld [tilespmem:$0x760]  }
0x7b: {  	v15 =	vld [tilespmem:$0x770]  }
0x7c: {  	v16 =	vld [tilespmem:$0x780]  }
0x7d: {  	v17 =	vld [tilespmem:$0x790]  }
0x7e: {  	v18 =	vld [tilespmem:$0x7A0]  }
0x7f: {  	v19 =	vld [tilespmem:$0x7B0]  }
0x80: {  	v20 =	vld [tilespmem:$0x7C0]  }
0x81: {  	v21 =	vld [tilespmem:$0x7D0]  }
0x82: {  	v22 =	vld [tilespmem:$0x7E0]  }
0x83: {  	v23 =	vld [tilespmem:$0x7F0]  }
0x84: {  	v24 =	vld [tilespmem:$0x800]  }
0x85: {  	v25 =	vld [tilespmem:$0x810]  }
0x86: {  	v26 =	vld [tilespmem:$0x820]  }
0x87: {  	v27 =	vld [tilespmem:$0x830]  }
0x88: {  	v28 =	vld [tilespmem:$0x9A0]  }
0x89: {  	v29 =	vld [tilespmem:$0x840]  }
0x8a: {  	v30 =	vld [tilespmem:$0x9B0]  }
0x8b: {  	v31 =	vld [tilespmem:$0x850]  }
0x8c: {  	v32 =	vld [tilespmem:$0x9C0]  }
0x8d: {  	v33 =	vld [tilespmem:$0x860];
	v0 =	vadd.f32 $0.0e+00, v0  }
0x8e: {  	v57 =	vld [tilespmem:$0x9D0];
	v28 =	vadd.f32 $0.0e+00, v28  }
0x8f: {  	v34 =	vld [tilespmem:$0x870];
	v0 =	vadd.f32 v1, v0  }
0x90: {  	v58 =	vld [tilespmem:$0x9E0];
	v28 =	vadd.f32 v30, v28  }
0x91: {  	v59 =	vld [tilespmem:$0x9F0];
	v0 =	vadd.f32 v2, v0  }
0x92: {  	v60 =	vld [tilespmem:$0xA00];
	v28 =	vadd.f32 v32, v28  }
0x93: {  	v61 =	vld [tilespmem:$0xA10];
	v0 =	vadd.f32 v3, v0  }
0x94: {  	v62 =	vld [tilespmem:$0xA20];
	v1 =	vadd.f32 v57, v28  }
0x95: {  	v63 =	vld [tilespmem:$0xA30];
	v0 =	vadd.f32 v4, v0  }
0x96: {  	v35 =	vld [tilespmem:$0xA40];
	v1 =	vadd.f32 v58, v1  }
0x97: {  	v36 =	vld [tilespmem:$0xA50];
	v0 =	vadd.f32 v5, v0  }
0x98: {  	v37 =	vld [tilespmem:$0xA60];
	v1 =	vadd.f32 v59, v1  }
0x99: {  	v38 =	vld [tilespmem:$0xA70];
	v0 =	vadd.f32 v6, v0  }
0x9a: {  	v39 =	vld [tilespmem:$0xA80];
	v1 =	vadd.f32 v60, v1  }
0x9b: {  	v40 =	vld [tilespmem:$0xA90];
	v0 =	vadd.f32 v7, v0  }
0x9c: {  	v41 =	vld [tilespmem:$0xAA0];
	v1 =	vadd.f32 v61, v1  }
0x9d: {  	v42 =	vld [tilespmem:$0xAB0];
	v0 =	vadd.f32 v8, v0  }
0x9e: {  	v43 =	vld [tilespmem:$0xAC0];
	v1 =	vadd.f32 v62, v1  }
0x9f: {  	v44 =	vld [tilespmem:$0xAD0];
	v0 =	vadd.f32 v9, v0  }
0xa0: {  	v45 =	vld [tilespmem:$0xAE0];
	v1 =	vadd.f32 v63, v1  }
0xa1: {  	v46 =	vld [tilespmem:$0xAF0];
	v0 =	vadd.f32 v10, v0  }
0xa2: {  	v47 =	vld [tilespmem:$0xB00];
	v1 =	vadd.f32 v35, v1  }
0xa3: {  	v48 =	vld [tilespmem:$0xB10];
	v0 =	vadd.f32 v11, v0  }
0xa4: {  	v49 =	vld [tilespmem:$0xB20];
	v1 =	vadd.f32 v36, v1  }
0xa5: {  	v50 =	vld [tilespmem:$0xB30];
	v0 =	vadd.f32 v12, v0  }
0xa6: {  	v51 =	vld [tilespmem:$0xB40];
	v1 =	vadd.f32 v37, v1  }
0xa7: {  	v52 =	vld [tilespmem:$0xB50];
	v0 =	vadd.f32 v13, v0  }
0xa8: {  	v53 =	vld [tilespmem:$0xB60];
	v1 =	vadd.f32 v38, v1  }
0xa9: {  	v54 =	vld [tilespmem:$0xB70];
	v0 =	vadd.f32 v14, v0  }
0xaa: {  	v55 =	vld [tilespmem:$0xB80];
	v1 =	vadd.f32 v39, v1  }
0xab: {  	v56 =	vld [tilespmem:$0xB90];
	v0 =	vadd.f32 v15, v0  }
0xac: {  	v30 =	vld [tilespmem:$0x880];
	v1 =	vadd.f32 v40, v1  }
0xad: {  	v32 =	vld [tilespmem:$0x890];
	v0 =	vadd.f32 v16, v0  }
0xae: {  	v28 =	vld [tilespmem:$0x8A0];
	v1 =	vadd.f32 v41, v1  }
0xaf: {  	v57 =	vld [tilespmem:$0xBA0];
	v0 =	vadd.f32 v17, v0  }
0xb0: {  	v3 =	vld [tilespmem:$0xC30];
	v1 =	vadd.f32 v42, v1  }
0xb1: {  	v58 =	vld [tilespmem:$0xBB0];
	v0 =	vadd.f32 v18, v0  }
0xb2: {  	v5 =	vld [tilespmem:$0x8B0];
	v1 =	vadd.f32 v43, v1  }
0xb3: {  	v59 =	vld [tilespmem:$0xBC0];
	v0 =	vadd.f32 v19, v0  }
0xb4: {  	v6 =	vld [tilespmem:$0x8C0];
	v1 =	vadd.f32 v44, v1  }
0xb5: {  	v60 =	vld [tilespmem:$0xBD0];
	v0 =	vadd.f32 v20, v0  }
0xb6: {  	v7 =	vld [tilespmem:$0x8D0];
	v1 =	vadd.f32 v45, v1  }
0xb7: {  	v61 =	vld [tilespmem:$0xBE0];
	v0 =	vadd.f32 v21, v0  }
0xb8: {  	v8 =	vld [tilespmem:$0x8E0];
	v1 =	vadd.f32 v46, v1  }
0xb9: {  	v62 =	vld [tilespmem:$0xBF0];
	v0 =	vadd.f32 v22, v0  }
0xba: {  	v9 =	vld [tilespmem:$0x8F0];
	v1 =	vadd.f32 v47, v1  }
0xbb: {  	v63 =	vld [tilespmem:$0xC10];
	v0 =	vadd.f32 v23, v0  }
0xbc: {  	v10 =	vld [tilespmem:$0x900];
	v1 =	vadd.f32 v48, v1  }
0xbd: {  	v35 =	vld [tilespmem:$0xC00];
	v0 =	vadd.f32 v24, v0  }
0xbe: {  	v11 =	vld [tilespmem:$0x910];
	v1 =	vadd.f32 v49, v1  }
0xbf: {  	v36 =	vld [tilespmem:$0xC60];
	v0 =	vadd.f32 v25, v0  }
0xc0: {  	v12 =	vld [tilespmem:$0x920];
	v1 =	vadd.f32 v50, v1  }
0xc1: {  	v37 =	vld [tilespmem:$0xC80];
	v0 =	vadd.f32 v26, v0  }
0xc2: {  	v13 =	vld [tilespmem:$0x930];
	v1 =	vadd.f32 v51, v1  }
0xc3: {  	v38 =	vld [tilespmem:$0xCB0];
	v0 =	vadd.f32 v27, v0  }
0xc4: {  	v14 =	vld [tilespmem:$0x940];
	v1 =	vadd.f32 v52, v1  }
0xc5: {  	v15 =	vld [tilespmem:$0x950];
	v0 =	vadd.f32 v29, v0  }
0xc6: {  	v40 =	vld [tilespmem:$0xD00];
	v1 =	vadd.f32 v53, v1  }
0xc7: {  	v16 =	vld [tilespmem:$0x960];
	v0 =	vadd.f32 v31, v0  }
0xc8: {  	v17 =	vld [tilespmem:$0x970];
	v1 =	vadd.f32 v54, v1  }
0xc9: {  	v18 =	vld [tilespmem:$0x980];
	v0 =	vadd.f32 v33, v0  }
0xca: {  	v43 =	vld [tilespmem:$0xD10];
	v1 =	vadd.f32 v55, v1  }
0xcb: {  	v19 =	vld [tilespmem:$0x990];
	v0 =	vadd.f32 v34, v0  }
0xcc: {  	v20 =	vld [tilespmem:$0xC70];
	v1 =	vadd.f32 v56, v1  }
0xcd: {  	v45 =	vld [tilespmem:$0xD20];
	v0 =	vadd.f32 v30, v0  }
0xce: {  	v23 =	vld [tilespmem:$0xC50];
	v1 =	vadd.f32 v57, v1  }
0xcf: {  	v48 =	vld [tilespmem:$0xD30];
	v0 =	vadd.f32 v32, v0  }
0xd0: {  	v24 =	vld [tilespmem:$0xC90];
	v1 =	vadd.f32 v58, v1  }
0xd1: {  	v51 =	vld [tilespmem:$0xD40];
	v0 =	vadd.f32 v28, v0  }
0xd2: {  	v27 =	vld [tilespmem:$0xCC0];
	v1 =	vadd.f32 v59, v1  }
0xd3: {  	v29 =	vld [tilespmem:$0xCD0];
	v0 =	vadd.f32 v5, v0  }
0xd4: {  	v31 =	vld [tilespmem:$0xC20];
	v1 =	vadd.f32 v60, v1  }
0xd5: {  	v54 =	vld [tilespmem:$0xD50];
	v0 =	vadd.f32 v6, v0  }
0xd6: {  	v33 =	vld [tilespmem:$0xC40];
	v1 =	vadd.f32 v61, v1  }
0xd7: {  	v34 =	vld [tilespmem:$0xCF0];
	v0 =	vadd.f32 v7, v0  }
0xd8: {  	v5 =	vld [tilespmem:$0xDA0];
	v1 =	vadd.f32 v62, v1  }
0xd9: {  	v6 =	vld [tilespmem:$0xDB0];
	v0 =	vadd.f32 v8, v0  }
0xda: {  	v7 =	vld [tilespmem:$0xDC0];
	v1 =	vadd.f32 v35, v1  }
0xdb: {  	v8 =	vld [tilespmem:$0xDD0];
	v0 =	vadd.f32 v9, v0  }
0xdc: {  	v1 =	vadd.f32 v63, v1;
	v63 =	vld [tilespmem:$0xD90]  }
0xdd: {  	[tilespmem:$0x1D170] =	vst v5;
	v9 =	vld [tilespmem:$0xDE0];
	v0 =	vadd.f32 v10, v0  }
0xde: {  	[tilespmem:$0x1D180] =	vst v6;
	v10 =	vld [tilespmem:$0xDF0]  }
0xdf: {  	[tilespmem:$0x1D190] =	vst v7;
	v0 =	vadd.f32 v11, v0;
	v11 =	vld [tilespmem:$0xE00]  }
0xe0: {  	v56 =	vld [tilespmem:$0xD60];
	[tilespmem:$0x1D1A0] =	vst v8  }
0xe1: {  	v30 =	vld [tilespmem:$0xCE0];
	[tilespmem:$0x1D160] =	vst v63  }
0xe2: {  	v32 =	vld [tilespmem:$0xCA0];
	[tilespmem:$0x1D1B0] =	vst v9  }
0xe3: {  	v58 =	vld [tilespmem:$0xD70];
	[tilespmem:$0x1D1C0] =	vst v10  }
0xe4: {  	v60 =	vld [tilespmem:$0xD80];
	v0 =	vadd.f32 v12, v0;
	[tilespmem:$0x1D1D0] =	vst v11  }
0xe5: {  	v1 =	vadd.f32 v31, v1;
	v2 =	vld [tilespmem:$0xE10]  }
0xe6: {  	v0 =	vadd.f32 v13, v0;
	v12 =	vld [tilespmem:$0xE20]  }
0xe7: {  	v1 =	vadd.f32 v3, v1;
	v13 =	vld [tilespmem:$0xE30]  }
0xe8: {  	v0 =	vadd.f32 v14, v0;
	v14 =	vld [tilespmem:$0xE40]  }
0xe9: {  	v1 =	vadd.f32 v33, v1;
	v21 =	vld [tilespmem:$0xE90]  }
0xea: {  	v22 =	vld [tilespmem:$0xEA0]  }
0xeb: {  	v1 =	vadd.f32 v23, v1;
	v23 =	vld [tilespmem:$0xEB0]  }
0xec: {  	v25 =	vld [tilespmem:$0xED0]  }
0xed: {  	v26 =	vld [tilespmem:$0xEE0]  }
0xee: {  	v28 =	vld [tilespmem:$0xEF0]  }
0xef: {  	v31 =	vld [tilespmem:$0xF00]  }
0xf0: {  	v33 =	vld [tilespmem:$0xF20]  }
0xf1: {  	v35 =	vld [tilespmem:$0xF30]  }
0xf2: {  	v1 =	vadd.f32 v36, v1;
	v36 =	vld [tilespmem:$0xF40]  }
0xf3: {  	v39 =	vld [tilespmem:$0xF70]  }
0xf4: {  	v41 =	vld [tilespmem:$0xF80]  }
0xf5: {  	v42 =	vld [tilespmem:$0xF90]  }
0xf6: {  	v44 =	vld [tilespmem:$0xFA0]  }
0xf7: {  	v46 =	vld [tilespmem:$0xFB0]  }
0xf8: {  	v47 =	vld [tilespmem:$0xFC0]  }
0xf9: {  	v49 =	vld [tilespmem:$0xFD0]  }
0xfa: {  	v3 =	vld [tilespmem:$0x1010]  }
0xfb: {  	v4 =	vld [tilespmem:$0x1020]  }
0xfc: {  	v5 =	vld [tilespmem:$0x1030]  }
0xfd: {  	v6 =	vld [tilespmem:$0x1040]  }
0xfe: {  	v7 =	vld [tilespmem:$0x1050]  }
0xff: {  	v8 =	vld [tilespmem:$0x1060]  }
0x100: {  	v9 =	vld [tilespmem:$0x1070]  }
0x101: {  	v10 =	vld [tilespmem:$0x1080]  }
0x102: {  	v11 =	vld [tilespmem:$0x1090]  }
0x103: {  	v53 =	vld [tilespmem:$0x11F0]  }
0x104: {  	v59 =	vld [tilespmem:$0x1200]  }
0x105: {  	v61 =	vld [tilespmem:$0x1210]  }
0x106: {  	v50 =	vld [tilespmem:$0x1220]  }
0x107: {  	v52 =	vld [tilespmem:$0x1230]  }
0x108: {  	v55 =	vld [tilespmem:$0x1240]  }
0x109: {  	v57 =	vld [tilespmem:$0x1250]  }
0x10a: {  	v27 =	vadd.f32 $0.0e+00, v27;
	v62 =	vld [tilespmem:$0x1260]  }
0x10b: {  	v63 =	vld [tilespmem:$0x1270]  }
0x10c: {  	v27 =	vadd.f32 v29, v27;
	v29 =	vld [tilespmem:$0x1AD0]  }
0x10d: {  	v0 =	vadd.f32 v15, v0;
	v15 =	vld [tilespmem:$0xE50]  }
0x10e: {  	v1 =	vadd.f32 v20, v1;
	v20 =	vld [tilespmem:$0xE80]  }
0x10f: {  	v0 =	vadd.f32 v16, v0;
	v16 =	vld [tilespmem:$0xE60]  }
0x110: {  	v1 =	vadd.f32 v37, v1;
	v37 =	vld [tilespmem:$0xF50]  }
0x111: {  	[tilespmem:$0x1D1E0] =	vst v2;
	v2 =	vld [tilespmem:$0x1000]  }
0x112: {  	[tilespmem:$0x1D1F0] =	vst v12;
	v12 =	vld [tilespmem:$0x10A0]  }
0x113: {  	[tilespmem:$0x1D200] =	vst v13;
	v13 =	vld [tilespmem:$0x10B0]  }
0x114: {  	[tilespmem:$0x1D210] =	vst v14;
	v14 =	vld [tilespmem:$0x10C0]  }
0x115: {  	[tilespmem:$0x1D260] =	vst v21;
	v21 =	vld [tilespmem:$0x1110]  }
0x116: {  	[tilespmem:$0x1D270] =	vst v22;
	v22 =	vld [tilespmem:$0x1120]  }
0x117: {  	[tilespmem:$0x1D2A0] =	vst v25;
	v25 =	vld [tilespmem:$0x1140]  }
0x118: {  	[tilespmem:$0x1D2C0] =	vst v28;
	v28 =	vld [tilespmem:$0x1150]  }
0x119: {  	[tilespmem:$0x1D310] =	vst v33;
	v33 =	vld [tilespmem:$0x1170]  }
0x11a: {  	[tilespmem:$0x1D350] =	vst v36;
	v36 =	vld [tilespmem:$0x1180]  }
0x11b: {  	[tilespmem:$0x1D3B0] =	vst v39;
	v39 =	vld [tilespmem:$0x11A0]  }
0x11c: {  	[tilespmem:$0x1D3F0] =	vst v42;
	v42 =	vld [tilespmem:$0x11B0]  }
0x11d: {  	[tilespmem:$0x1D410] =	vst v44;
	v44 =	vld [tilespmem:$0x11C0]  }
0x11e: {  	[tilespmem:$0x1D450] =	vst v47;
	v47 =	vld [tilespmem:$0x11D0]  }
0x11f: {  	[tilespmem:$0x1D470] =	vst v49;
	v49 =	vld [tilespmem:$0x11E0]  }
0x120: {  	[tilespmem:$0x1D280] =	vst v23;
	v23 =	vld [tilespmem:$0x1280]  }
0x121: {  	[tilespmem:$0x1D2B0] =	vst v26;
	v26 =	vld [tilespmem:$0x1290]  }
0x122: {  	[tilespmem:$0x1D2D0] =	vst v31;
	v31 =	vld [tilespmem:$0x12A0]  }
0x123: {  	[tilespmem:$0x1D330] =	vst v35;
	v35 =	vld [tilespmem:$0x12B0]  }
0x124: {  	[tilespmem:$0x1D3D0] =	vst v41;
	v41 =	vld [tilespmem:$0x12D0]  }
0x125: {  	[tilespmem:$0x1D430] =	vst v46;
	v46 =	vld [tilespmem:$0x12E0]  }
0x126: {  	[tilespmem:$0x1D2E0] =	vst v50;
	v50 =	vld [tilespmem:$0x12F0]  }
0x127: {  	[tilespmem:$0x1D300] =	vst v52;
	v52 =	vld [tilespmem:$0x1300]  }
0x128: {  	[tilespmem:$0x1D320] =	vst v55;
	v55 =	vld [tilespmem:$0x1310]  }
0x129: {  	[tilespmem:$0x1D340] =	vst v57;
	v57 =	vld [tilespmem:$0x1320]  }
0x12a: {  	[tilespmem:$0x1D360] =	vst v62;
	v62 =	vld [tilespmem:$0x1330]  }
0x12b: {  	[tilespmem:$0x1D380] =	vst v63;
	v63 =	vld [tilespmem:$0x1340]  }
0x12c: {  	[tilespmem:$0x1D890] =	vst v29;
	v29 =	vld [tilespmem:$0x1B10]  }
0x12d: {  	v0 =	vadd.f32 v17, v0;
	v17 =	vld [tilespmem:$0xE70]  }
0x12e: {  	v1 =	vadd.f32 v24, v1;
	v24 =	vld [tilespmem:$0xEC0]  }
0x12f: {  	[tilespmem:$0x1D220] =	vst v15;
	v15 =	vld [tilespmem:$0x10D0]  }
0x130: {  	[tilespmem:$0x1D250] =	vst v20;
	v20 =	vld [tilespmem:$0x1950]  }
0x131: {  	v1 =	vadd.f32 v32, v1;
	v32 =	vld [tilespmem:$0xF10]  }
0x132: {  	v0 =	vadd.f32 v18, v0;
	v18 =	vld [tilespmem:$0x1940]  }
0x133: {  	[tilespmem:$0x1D230] =	vst v16;
	v16 =	vld [tilespmem:$0x10E0]  }
0x134: {  	[tilespmem:$0x1D370] =	vst v37;
	v37 =	vld [tilespmem:$0x1190]  }
0x135: {  	v1 =	vadd.f32 v38, v1;
	v38 =	vld [tilespmem:$0xF60]  }
0x136: {  	v0 =	vadd.f32 v19, v0;
	v19 =	vld [tilespmem:$0x1100]  }
0x137: {  	[tilespmem:$0x1D3A0] =	vst v23;
	v23 =	vld [tilespmem:$0x1350]  }
0x138: {  	[tilespmem:$0x1D3C0] =	vst v26;
	v26 =	vld [tilespmem:$0x1360]  }
0x139: {  	[tilespmem:$0x1D3E0] =	vst v31;
	v31 =	vld [tilespmem:$0x1370]  }
0x13a: {  	[tilespmem:$0x1D400] =	vst v35;
	v35 =	vld [tilespmem:$0x1380]  }
0x13b: {  	[tilespmem:$0x1D440] =	vst v41;
	v41 =	vld [tilespmem:$0x13A0]  }
0x13c: {  	[tilespmem:$0x1D460] =	vst v46;
	v46 =	vld [tilespmem:$0x13B0]  }
0x13d: {  	[tilespmem:$0x1D490] =	vst v50;
	v50 =	vld [tilespmem:$0x13C0]  }
0x13e: {  	[tilespmem:$0x1D480] =	vst v52;
	v52 =	vld [tilespmem:$0x13D0]  }
0x13f: {  	[tilespmem:$0x1D4A0] =	vst v55;
	v55 =	vld [tilespmem:$0x13E0]  }
0x140: {  	[tilespmem:$0x1D4B0] =	vst v57;
	v57 =	vld [tilespmem:$0x13F0]  }
0x141: {  	[tilespmem:$0x1D4D0] =	vst v62;
	v62 =	vld [tilespmem:$0x1400]  }
0x142: {  	[tilespmem:$0x1D4F0] =	vst v63;
	v63 =	vld [tilespmem:$0x1410]  }
0x143: {  	[tilespmem:$0x1D950] =	vst v29;
	v29 =	vld [tilespmem:$0x1BE0]  }
0x144: {  	[tilespmem:$0x1D240] =	vst v17;
	v17 =	vld [tilespmem:$0x10F0]  }
0x145: {  	[tilespmem:$0x1D290] =	vst v24;
	v24 =	vld [tilespmem:$0x1130]  }
0x146: {  	[tilespmem:$0x6A80] =	vst v0;
	v0 =	vld [tilespmem:$0xFE0]  }
0x147: {  	[tilespmem:$0x6A90] =	vst v1;
	v1 =	vld [tilespmem:$0xFF0]  }
0x148: {  	[tilespmem:$0x1D2F0] =	vst v32;
	v32 =	vld [tilespmem:$0x1160]  }
0x149: {  	[tilespmem:$0x1D390] =	vst v38;
	v38 =	vld [tilespmem:$0x12C0]  }
0x14a: {  	[tilespmem:$0x1D510] =	vst v23;
	v23 =	vld [tilespmem:$0x1420]  }
0x14b: {  	[tilespmem:$0x1D530] =	vst v26;
	v26 =	vld [tilespmem:$0x1430]  }
0x14c: {  	[tilespmem:$0x1D550] =	vst v31;
	v31 =	vld [tilespmem:$0x1440]  }
0x14d: {  	[tilespmem:$0x1D570] =	vst v35;
	v35 =	vld [tilespmem:$0x1450]  }
0x14e: {  	[tilespmem:$0x1D5B0] =	vst v41;
	v41 =	vld [tilespmem:$0x1470]  }
0x14f: {  	[tilespmem:$0x1D5D0] =	vst v46;
	v46 =	vld [tilespmem:$0x1480]  }
0x150: {  	[tilespmem:$0x1D5F0] =	vst v50;
	v50 =	vld [tilespmem:$0x1490]  }
0x151: {  	[tilespmem:$0x1D610] =	vst v52;
	v52 =	vld [tilespmem:$0x14A0]  }
0x152: {  	[tilespmem:$0x1D640] =	vst v55;
	v55 =	vld [tilespmem:$0x14B0]  }
0x153: {  	[tilespmem:$0x1D670] =	vst v57;
	v57 =	vld [tilespmem:$0x14C0]  }
0x154: {  	[tilespmem:$0x1D6A0] =	vst v62;
	v62 =	vld [tilespmem:$0x14D0]  }
0x155: {  	[tilespmem:$0x1D6D0] =	vst v63;
	v63 =	vld [tilespmem:$0x14E0];
	v0 =	vadd.f32 $0.0e+00, v0  }
0x156: {  	[tilespmem:$0x1DBE0] =	vst v29;
	v29 =	vld [tilespmem:$0x1D10]  }
0x157: {  	v0 =	vadd.f32 v1, v0;
	v1 =	vadd.f32 v30, v27;
	v30 =	vld [tilespmem:$0x1AE0]  }
0x158: {  	v27 =	vld [tilespmem:$0x1B00]  }
0x159: {  	[tilespmem:$0x1D420] =	vst v38;
	v38 =	vld [tilespmem:$0x1390]  }
0x15a: {  	[tilespmem:$0x1D700] =	vst v23;
	v23 =	vld [tilespmem:$0x14F0]  }
0x15b: {  	[tilespmem:$0x1D730] =	vst v26;
	v26 =	vld [tilespmem:$0x1500]  }
0x15c: {  	[tilespmem:$0x1D760] =	vst v31;
	v31 =	vld [tilespmem:$0x1510]  }
0x15d: {  	[tilespmem:$0x1D790] =	vst v35;
	v35 =	vld [tilespmem:$0x1520]  }
0x15e: {  	[tilespmem:$0x1D7F0] =	vst v41;
	v41 =	vld [tilespmem:$0x1540]  }
0x15f: {  	[tilespmem:$0x1D820] =	vst v46;
	v46 =	vld [tilespmem:$0x1550]  }
0x160: {  	[tilespmem:$0x1D850] =	vst v50;
	v50 =	vld [tilespmem:$0x1560]  }
0x161: {  	[tilespmem:$0x1D880] =	vst v52;
	v52 =	vld [tilespmem:$0x1570]  }
0x162: {  	[tilespmem:$0x1D8B0] =	vst v55;
	v55 =	vld [tilespmem:$0x1580]  }
0x163: {  	[tilespmem:$0x1D8E0] =	vst v57;
	v57 =	vld [tilespmem:$0x1590]  }
0x164: {  	[tilespmem:$0x1D910] =	vst v62;
	v62 =	vld [tilespmem:$0x15A0]  }
0x165: {  	[tilespmem:$0x1D940] =	vst v63;
	v63 =	vld [tilespmem:$0x15B0];
	v1 =	vadd.f32 v34, v1  }
0x166: {  	v0 =	vadd.f32 v2, v0;
	v34 =	vld [tilespmem:$0x1B30]  }
0x167: {  	v1 =	vadd.f32 v40, v1;
	v40 =	vld [tilespmem:$0x1B40]  }
0x168: {  	v0 =	vadd.f32 v3, v0;
	v3 =	vld [tilespmem:$0x1D80]  }
0x169: {  	[tilespmem:$0x1D8C0] =	vst v30;
	v30 =	vld [tilespmem:$0x1B20]  }
0x16a: {  	[tilespmem:$0x1D920] =	vst v27;
	v27 =	vld [tilespmem:$0x1BD0]  }
0x16b: {  	[tilespmem:$0x1D590] =	vst v38;
	v38 =	vld [tilespmem:$0x1460]  }
0x16c: {  	[tilespmem:$0x1D970] =	vst v23;
	v23 =	vld [tilespmem:$0x15C0]  }
0x16d: {  	[tilespmem:$0x1D9A0] =	vst v26;
	v26 =	vld [tilespmem:$0x15D0]  }
0x16e: {  	[tilespmem:$0x1D9D0] =	vst v31;
	v31 =	vld [tilespmem:$0x15E0]  }
0x16f: {  	[tilespmem:$0x1DA00] =	vst v35;
	v35 =	vld [tilespmem:$0x15F0]  }
0x170: {  	[tilespmem:$0x1DA60] =	vst v41;
	v41 =	vld [tilespmem:$0x1610]  }
0x171: {  	[tilespmem:$0x1DAF0] =	vst v52;
	v52 =	vld [tilespmem:$0x1620]  }
0x172: {  	[tilespmem:$0x1DB60] =	vst v57;
	v57 =	vld [tilespmem:$0x1630]  }
0x173: {  	[tilespmem:$0x1DA90] =	vst v46;
	v46 =	vld [tilespmem:$0x1640]  }
0x174: {  	[tilespmem:$0x1DAC0] =	vst v50;
	v50 =	vld [tilespmem:$0x1650]  }
0x175: {  	[tilespmem:$0x1DB20] =	vst v55;
	v55 =	vld [tilespmem:$0x1660]  }
0x176: {  	[tilespmem:$0x1DB90] =	vst v62;
	v62 =	vld [tilespmem:$0x1670]  }
0x177: {  	[tilespmem:$0x1DBD0] =	vst v63;
	v63 =	vld [tilespmem:$0x1680]  }
0x178: {  	v1 =	vadd.f32 v43, v1;
	v43 =	vld [tilespmem:$0x1B50]  }
0x179: {  	v0 =	vadd.f32 v4, v0;
	v4 =	vld [tilespmem:$0x1B80]  }
0x17a: {  	[tilespmem:$0x1D9B0] =	vst v34;
	v34 =	vld [tilespmem:$0x1C00]  }
0x17b: {  	v1 =	vadd.f32 v45, v1;
	v45 =	vld [tilespmem:$0x1B60]  }
0x17c: {  	v0 =	vadd.f32 v5, v0;
	v5 =	vld [tilespmem:$0x1B90]  }
0x17d: {  	[tilespmem:$0x1D9E0] =	vst v40;
	v40 =	vld [tilespmem:$0x1C10]  }
0x17e: {  	v0 =	vadd.f32 v6, v0;
	v6 =	vld [tilespmem:$0x1BA0]  }
0x17f: {  	[tilespmem:$0x1D980] =	vst v30;
	v30 =	vld [tilespmem:$0x1BF0]  }
0x180: {  	v1 =	vadd.f32 v48, v1;
	v48 =	vld [tilespmem:$0x1D160]  }
0x181: {  	[tilespmem:$0x1DBA0] =	vst v27;
	v27 =	vld [tilespmem:$0x1D60]  }
0x182: {  	[tilespmem:$0x1D7C0] =	vst v38;
	v38 =	vld [tilespmem:$0x1530]  }
0x183: {  	[tilespmem:$0x1DC10] =	vst v23;
	v23 =	vld [tilespmem:$0x1690]  }
0x184: {  	[tilespmem:$0x1DC40] =	vst v26;
	v26 =	vld [tilespmem:$0x16A0]  }
0x185: {  	[tilespmem:$0x1DC80] =	vst v31;
	v31 =	vld [tilespmem:$0x16B0]  }
0x186: {  	[tilespmem:$0x1DCC0] =	vst v35;
	v35 =	vld [tilespmem:$0x16C0]  }
0x187: {  	[tilespmem:$0x1DD40] =	vst v41;
	v41 =	vld [tilespmem:$0x16E0]  }
0x188: {  	[tilespmem:$0x1D4C0] =	vst v46;
	v46 =	vld [tilespmem:$0x16F0]  }
0x189: {  	[tilespmem:$0x1D4E0] =	vst v50;
	v50 =	vld [tilespmem:$0x1700]  }
0x18a: {  	[tilespmem:$0x1D500] =	vst v55;
	v55 =	vld [tilespmem:$0x1710]  }
0x18b: {  	[tilespmem:$0x1D520] =	vst v62;
	v62 =	vld [tilespmem:$0x1720]  }
0x18c: {  	[tilespmem:$0x1D540] =	vst v63;
	v63 =	vld [tilespmem:$0x1730]  }
0x18d: {  	[tilespmem:$0x1DA10] =	vst v43;
	v43 =	vld [tilespmem:$0x1C20]  }
0x18e: {  	[tilespmem:$0x1DAA0] =	vst v4;
	v4 =	vld [tilespmem:$0x1D1B0]  }
0x18f: {  	v0 =	vadd.f32 v7, v0;
	v7 =	vld [tilespmem:$0x1BB0]  }
0x190: {  	v1 =	vadd.f32 v51, v1;
	v51 =	vld [tilespmem:$0x1C40]  }
0x191: {  	[tilespmem:$0x1DC50] =	vst v34;
	v34 =	vld [tilespmem:$0x1DA0]  }
0x192: {  	[tilespmem:$0x1D6F0] =	vst v63;
	v63 =	vld [tilespmem:$0x17E0]  }
0x193: {  	[tilespmem:$0x1DA40] =	vst v45;
	v45 =	vld [tilespmem:$0x1C30]  }
0x194: {  	[tilespmem:$0x1DAD0] =	vst v5;
	v5 =	vld [tilespmem:$0x1C80]  }
0x195: {  	v0 =	vadd.f32 v8, v0;
	v8 =	vld [tilespmem:$0x1BC0]  }
0x196: {  	v1 =	vadd.f32 v54, v1;
	v54 =	vld [tilespmem:$0x1C50]  }
0x197: {  	[tilespmem:$0x1D900] =	vst v63;
	v63 =	vld [tilespmem:$0x1890]  }
0x198: {  	[tilespmem:$0x1DC90] =	vst v40;
	v40 =	vld [tilespmem:$0x1D00]  }
0x199: {  	[tilespmem:$0x1DB00] =	vst v6;
	v6 =	vld [tilespmem:$0x1D1C0]  }
0x19a: {  	[tilespmem:$0x1DC20] =	vst v30;
	v30 =	vld [tilespmem:$0x1D40]  }
0x19b: {  	[tilespmem:$0x1DA30] =	vst v38;
	v38 =	vld [tilespmem:$0x1600]  }
0x19c: {  	[tilespmem:$0x1DB10] =	vst v63;
	v63 =	vld [tilespmem:$0x1A00]  }
0x19d: {  	[tilespmem:$0x1D560] =	vst v23;
	v23 =	vld [tilespmem:$0x1740]  }
0x19e: {  	[tilespmem:$0x1D580] =	vst v26;
	v26 =	vld [tilespmem:$0x1750]  }
0x19f: {  	[tilespmem:$0x1D5A0] =	vst v31;
	v31 =	vld [tilespmem:$0x1760]  }
0x1a0: {  	[tilespmem:$0x1D5C0] =	vst v35;
	v35 =	vld [tilespmem:$0x1770]  }
0x1a1: {  	[tilespmem:$0x1D620] =	vst v63;
	v63 =	vld [tilespmem:$0x1A10]  }
0x1a2: {  	[tilespmem:$0x1D600] =	vst v41;
	v41 =	vld [tilespmem:$0x1790]  }
0x1a3: {  	[tilespmem:$0x1D630] =	vst v46;
	v46 =	vld [tilespmem:$0x17A0]  }
0x1a4: {  	[tilespmem:$0x1D660] =	vst v50;
	v50 =	vld [tilespmem:$0x17B0]  }
0x1a5: {  	[tilespmem:$0x1D690] =	vst v55;
	v55 =	vld [tilespmem:$0x17C0]  }
0x1a6: {  	[tilespmem:$0x1D650] =	vst v63;
	v63 =	vld [tilespmem:$0x1A20]  }
0x1a7: {  	[tilespmem:$0x1D6C0] =	vst v62;
	v62 =	vld [tilespmem:$0x17D0]  }
0x1a8: {  	v1 =	vadd.f32 v56, v1;
	v56 =	vld [tilespmem:$0x1D170]  }
0x1a9: {  	[tilespmem:$0x1DCD0] =	vst v43;
	v43 =	vld [tilespmem:$0x1CF0]  }
0x1aa: {  	v0 =	vadd.f32 v9, v0;
	v9 =	vld [tilespmem:$0x1D1F0]  }
0x1ab: {  	[tilespmem:$0x1D680] =	vst v63;
	v63 =	vld [tilespmem:$0x1A30]  }
0x1ac: {  	[tilespmem:$0x1DD50] =	vst v51;
	v51 =	vld [tilespmem:$0x1CA0]  }
0x1ad: {  	[tilespmem:$0x1DB30] =	vst v7;
	v7 =	vld [tilespmem:$0x1D1D0]  }
0x1ae: {  	v1 =	vadd.f32 v58, v1;
	v58 =	vld [tilespmem:$0x1D180]  }
0x1af: {  	[tilespmem:$0x1DD10] =	vst v45;
	v45 =	vld [tilespmem:$0x1CE0]  }
0x1b0: {  	[tilespmem:$0x1D6B0] =	vst v63;
	v63 =	vld [tilespmem:$0x1A40]  }
0x1b1: {  	v0 =	vadd.f32 v10, v0;
	v10 =	vld [tilespmem:$0x1D30]  }
0x1b2: {  	[tilespmem:$0x1DD80] =	vst v54;
	v54 =	vld [tilespmem:$0x1C70]  }
0x1b3: {  	[tilespmem:$0x1DB70] =	vst v8;
	v8 =	vld [tilespmem:$0x1D1E0]  }
0x1b4: {  	v0 =	vadd.f32 v11, v0;
	v11 =	vld [tilespmem:$0x1C60]  }
0x1b5: {  	[tilespmem:$0x1D6E0] =	vst v63;
	v63 =	vld [tilespmem:$0x1A50]  }
0x1b6: {  	v1 =	vadd.f32 v60, v1;
	v60 =	vld [tilespmem:$0x1D190]  }
0x1b7: {  	[tilespmem:$0x1DD00] =	vst v38;
	v38 =	vld [tilespmem:$0x16D0]  }
0x1b8: {  	[tilespmem:$0x1D720] =	vst v23;
	v23 =	vld [tilespmem:$0x17F0]  }
0x1b9: {  	[tilespmem:$0x1D750] =	vst v26;
	v26 =	vld [tilespmem:$0x1800]  }
0x1ba: {  	[tilespmem:$0x1D710] =	vst v63;
	v63 =	vld [tilespmem:$0x1A60]  }
0x1bb: {  	[tilespmem:$0x1D780] =	vst v31;
	v31 =	vld [tilespmem:$0x1810]  }
0x1bc: {  	[tilespmem:$0x1D7B0] =	vst v35;
	v35 =	vld [tilespmem:$0x1820]  }
0x1bd: {  	[tilespmem:$0x1D810] =	vst v41;
	v41 =	vld [tilespmem:$0x1840]  }
0x1be: {  	[tilespmem:$0x1D840] =	vst v46;
	v46 =	vld [tilespmem:$0x1850]  }
0x1bf: {  	[tilespmem:$0x1D740] =	vst v63;
	v63 =	vld [tilespmem:$0x1A70]  }
0x1c0: {  	[tilespmem:$0x1D870] =	vst v50;
	v50 =	vld [tilespmem:$0x1860]  }
0x1c1: {  	[tilespmem:$0x1D8A0] =	vst v55;
	v55 =	vld [tilespmem:$0x1870]  }
0x1c2: {  	[tilespmem:$0x1D8D0] =	vst v62;
	v62 =	vld [tilespmem:$0x1880]  }
0x1c3: {  	v1 =	vadd.f32 v48, v1;
	v48 =	vld [tilespmem:$0x1CB0]  }
0x1c4: {  	[tilespmem:$0x1D770] =	vst v63;
	v63 =	vld [tilespmem:$0x1A80]  }
0x1c5: {  	v0 =	vadd.f32 v12, v0;
	v12 =	vld [tilespmem:$0x1D200]  }
0x1c6: {  	v1 =	vadd.f32 v56, v1;
	v56 =	vld [tilespmem:$0x1C90]  }
0x1c7: {  	v0 =	vadd.f32 v13, v0;
	v13 =	vld [tilespmem:$0x1D20]  }
0x1c8: {  	[tilespmem:$0x1D5E0] =	vst v38;
	v38 =	vld [tilespmem:$0x1780]  }
0x1c9: {  	[tilespmem:$0x1D7A0] =	vst v63;
	v63 =	vld [tilespmem:$0x1A90]  }
0x1ca: {  	[tilespmem:$0x1D930] =	vst v23;
	v23 =	vld [tilespmem:$0x18A0]  }
0x1cb: {  	[tilespmem:$0x1D960] =	vst v26;
	v26 =	vld [tilespmem:$0x18B0]  }
0x1cc: {  	[tilespmem:$0x1D990] =	vst v31;
	v31 =	vld [tilespmem:$0x18C0]  }
0x1cd: {  	[tilespmem:$0x1D9C0] =	vst v35;
	v35 =	vld [tilespmem:$0x18D0]  }
0x1ce: {  	[tilespmem:$0x1D7D0] =	vst v63;
	v63 =	vld [tilespmem:$0x1AA0]  }
0x1cf: {  	[tilespmem:$0x1DA20] =	vst v41;
	v41 =	vld [tilespmem:$0x18F0]  }
0x1d0: {  	[tilespmem:$0x1DA50] =	vst v46;
	v46 =	vld [tilespmem:$0x1900]  }
0x1d1: {  	[tilespmem:$0x1DA80] =	vst v50;
	v50 =	vld [tilespmem:$0x1910]  }
0x1d2: {  	[tilespmem:$0x1DAB0] =	vst v55;
	v55 =	vld [tilespmem:$0x1920]  }
0x1d3: {  	[tilespmem:$0x1D800] =	vst v63;
	v63 =	vld [tilespmem:$0x1AB0]  }
0x1d4: {  	[tilespmem:$0x1DAE0] =	vst v62;
	v62 =	vld [tilespmem:$0x1930]  }
0x1d5: {  	v0 =	vadd.f32 v14, v0;
	v14 =	vld [tilespmem:$0x1CD0]  }
0x1d6: {  	v1 =	vadd.f32 v58, v1;
	v58 =	vld [tilespmem:$0x1E70]  }
0x1d7: {  	v0 =	vadd.f32 v15, v0;
	v15 =	vld [tilespmem:$0x1D210]  }
0x1d8: {  	[tilespmem:$0x1D830] =	vst v63;
	v63 =	vld [tilespmem:$0x1AC0]  }
0x1d9: {  	v1 =	vadd.f32 v60, v1;
	v60 =	vld [tilespmem:$0x1E40]  }
0x1da: {  	v0 =	vadd.f32 v16, v0;
	v16 =	vld [tilespmem:$0x1CC0]  }
0x1db: {  	[tilespmem:$0x1D7E0] =	vst v38;
	v38 =	vld [tilespmem:$0x1830]  }
0x1dc: {  	[tilespmem:$0x1DB40] =	vst v23;
	v23 =	vld [tilespmem:$0x1960]  }
0x1dd: {  	[tilespmem:$0x1D860] =	vst v63;
	v63 =	vld [tilespmem:$0x1AF0]  }
0x1de: {  	[tilespmem:$0x1DB80] =	vst v26;
	v26 =	vld [tilespmem:$0x1970]  }
0x1df: {  	[tilespmem:$0x1DBB0] =	vst v31;
	v31 =	vld [tilespmem:$0x1980];
	v0 =	vadd.f32 v17, v0  }
0x1e0: {  	[tilespmem:$0x1DBF0] =	vst v35;
	v35 =	vld [tilespmem:$0x1990]  }
0x1e1: {  	[tilespmem:$0x1DC60] =	vst v41;
	v41 =	vld [tilespmem:$0x19B0];
	v0 =	vadd.f32 v19, v0  }
0x1e2: {  	[tilespmem:$0x1D8F0] =	vst v63;
	v63 =	vld [tilespmem:$0x1B70]  }
0x1e3: {  	[tilespmem:$0x1DCA0] =	vst v46;
	v46 =	vld [tilespmem:$0x19C0];
	v0 =	vadd.f32 v21, v0  }
0x1e4: {  	[tilespmem:$0x1DCE0] =	vst v50;
	v50 =	vld [tilespmem:$0x19D0]  }
0x1e5: {  	[tilespmem:$0x1DD20] =	vst v55;
	v55 =	vld [tilespmem:$0x19E0];
	v0 =	vadd.f32 v22, v0  }
0x1e6: {  	[tilespmem:$0x1D9F0] =	vst v38;
	v38 =	vld [tilespmem:$0x18E0]  }
0x1e7: {  	v0 =	vadd.f32 v24, v0;
	[tilespmem:$0x1DA70] =	vst v63;
	v63 =	vld [tilespmem:$0x1D1A0]  }
0x1e8: {  	[tilespmem:$0x1DD60] =	vst v62;
	v62 =	vld [tilespmem:$0x19F0]  }
0x1e9: {  	v19 =	vld [tilespmem:$0x1D220];
	v0 =	vadd.f32 v25, v0  }
0x1ea: {  	v22 =	vld [tilespmem:$0x1D230]  }
0x1eb: {  	[tilespmem:$0x1DC30] =	vst v38;
	v38 =	vld [tilespmem:$0x19A0];
	v0 =	vadd.f32 v28, v0  }
0x1ec: {  	v25 =	vld [tilespmem:$0x1D240];
	v1 =	vadd.f32 v63, v1  }
0x1ed: {  	v17 =	vadd.f32 v32, v0;
	v0 =	vld [tilespmem:$0x1DC0]  }
0x1ee: {  	v32 =	vld [tilespmem:$0x1D250];
	v1 =	vadd.f32 v4, v1  }
0x1ef: {  	v63 =	vld [tilespmem:$0x1D2A0]  }
0x1f0: {  	v4 =	vld [tilespmem:$0x1DB0];
	v1 =	vadd.f32 v6, v1  }
0x1f1: {  	v6 =	vadd.f32 v33, v17;
	v17 =	vld [tilespmem:$0x1E30]  }
0x1f2: {  	v1 =	vadd.f32 v7, v1;
	v7 =	vld [tilespmem:$0x1D50]  }
0x1f3: {  	v6 =	vadd.f32 v36, v6;
	v36 =	vld [tilespmem:$0x1E00]  }
0x1f4: {  	v1 =	vadd.f32 v8, v1;
	v8 =	vld [tilespmem:$0x1DE0]  }
0x1f5: {  	v28 =	vadd.f32 v37, v6;
	v37 =	vld [tilespmem:$0x1E10]  }
0x1f6: {  	v11 =	vadd.f32 $0.0e+00, v11;
	v6 =	vld [tilespmem:$0x1E20];
	v2 =	vadd.f32 v9, v1  }
0x1f7: {  	v1 =	vld [tilespmem:$0x1D70]  }
0x1f8: {  	v11 =	vadd.f32 v54, v11;
	v9 =	vld [tilespmem:$0x1D90];
	v2 =	vadd.f32 v12, v2  }
0x1f9: {  	v33 =	vadd.f32 v39, v28;
	v39 =	vld [tilespmem:$0x1D260]  }
0x1fa: {  	v5 =	vadd.f32 v5, v11;
	v28 =	vld [tilespmem:$0x1E80];
	v2 =	vadd.f32 v15, v2  }
0x1fb: {  	v12 =	vld [tilespmem:$0x1DF0]  }
0x1fc: {  	v5 =	vadd.f32 v56, v5;
	v21 =	vadd.f32 v19, v2;
	v2 =	vld [tilespmem:$0x1DD0]  }
0x1fd: {  	v19 =	vadd.f32 v42, v33;
	v42 =	vld [tilespmem:$0x1D270]  }
0x1fe: {  	v5 =	vadd.f32 v51, v5;
	v33 =	vld [tilespmem:$0x1D2B0];
	v24 =	vadd.f32 v22, v21  }
0x1ff: {  	v19 =	vadd.f32 v44, v19;
	v44 =	vld [tilespmem:$0x1D280]  }
0x200: {  	v5 =	vadd.f32 v48, v5;
	v15 =	vadd.f32 v25, v24;
	v24 =	vld [tilespmem:$0x1E60]  }
0x201: {  	v19 =	vadd.f32 v47, v19;
	v47 =	vld [tilespmem:$0x1D290]  }
0x202: {  	v5 =	vadd.f32 v16, v5;
	v25 =	vld [tilespmem:$0x1EA0]  }
0x203: {  	v15 =	vadd.f32 v32, v15;
	v49 =	vadd.f32 v49, v19;
	v19 =	vld [tilespmem:$0x1EB0]  }
0x204: {  	v5 =	vadd.f32 v14, v5;
	v32 =	vld [tilespmem:$0x1ED0]  }
0x205: {  	v15 =	vadd.f32 v39, v15;
	v39 =	vld [tilespmem:$0x1E50]  }
0x206: {  	v5 =	vadd.f32 v45, v5;
	v22 =	vadd.f32 v53, v49;
	v53 =	vld [tilespmem:$0x1EE0]  }
0x207: {  	v49 =	vld [tilespmem:$0x1D2C0];
	v15 =	vadd.f32 v42, v15  }
0x208: {  	v5 =	vadd.f32 v43, v5;
	v22 =	vadd.f32 v59, v22;
	v59 =	vld [tilespmem:$0x1F00]  }
0x209: {  	[tilespmem:$0x1DB50] =	vst v32;
	v32 =	vld [tilespmem:$0x1F20];
	v21 =	vadd.f32 v44, v15  }
0x20a: {  	v5 =	vadd.f32 v40, v5;
	v44 =	vld [tilespmem:$0x1EF0]  }
0x20b: {  	v42 =	vld [tilespmem:$0x1E90];
	v21 =	vadd.f32 v47, v21  }
0x20c: {  	v5 =	vadd.f32 v29, v5;
	v22 =	vadd.f32 v61, v22;
	v61 =	vld [tilespmem:$0x1D2D0]  }
0x20d: {  	[tilespmem:$0x1DC00] =	vst v59;
	v59 =	vld [tilespmem:$0x1F40];
	v21 =	vadd.f32 v63, v21  }
0x20e: {  	v5 =	vadd.f32 v13, v5;
	[tilespmem:$0x1DC70] =	vst v32;
	v32 =	vld [tilespmem:$0x1F50]  }
0x20f: {  	[tilespmem:$0x1DBC0] =	vst v44;
	v44 =	vld [tilespmem:$0x1F30];
	v21 =	vadd.f32 v33, v21  }
0x210: {  	v5 =	vadd.f32 v10, v5;
	v33 =	vld [tilespmem:$0x1D2E0]  }
0x211: {  	v21 =	vadd.f32 v49, v21;
	v49 =	vld [tilespmem:$0x1D2F0]  }
0x212: {  	v5 =	vadd.f32 v30, v5;
	[tilespmem:$0x1DCF0] =	vst v59;
	v59 =	vld [tilespmem:$0x1F70]  }
0x213: {  	v21 =	vadd.f32 v61, v21;
	v61 =	vld [tilespmem:$0x1D300]  }
0x214: {  	v5 =	vadd.f32 v7, v5;
	[tilespmem:$0x1DCB0] =	vst v44;
	v44 =	vld [tilespmem:$0x1F60]  }
0x215: {  	v47 =	vld [tilespmem:$0x1EC0]  }
0x216: {  	v5 =	vadd.f32 v27, v5;
	v22 =	vadd.f32 v33, v22;
	v33 =	vld [tilespmem:$0x1D310]  }
0x217: {  	v63 =	vld [tilespmem:$0x1F10];
	[tilespmem:$0x1DD30] =	vst v32  }
0x218: {  	v1 =	vadd.f32 v1, v5;
	v21 =	vadd.f32 v49, v21;
	v49 =	vld [tilespmem:$0x1D320];
	[tilespmem:$0x1DDA0] =	vst v59  }
0x219: {  	v22 =	vadd.f32 v61, v22;
	[tilespmem:$0x1DD70] =	vst v44;
	v61 =	vld [tilespmem:$0x1D330]  }
0x21a: {  	v18 =	vadd.f32 $0.0e+00, v18;
	v1 =	vadd.f32 v3, v1;
	v32 =	vld [tilespmem:$0x1F80]  }
0x21b: {  	v21 =	vadd.f32 v33, v21;
	v33 =	vld [tilespmem:$0x1D340]  }
0x21c: {  	v18 =	vadd.f32 v20, v18;
	v1 =	vadd.f32 v9, v1;
	v44 =	vld [tilespmem:$0x1F90]  }
0x21d: {  	v59 =	vld [tilespmem:$0x1FA0]  }
0x21e: {  	v18 =	vadd.f32 v23, v18;
	v1 =	vadd.f32 v34, v1;
	v54 =	vld [tilespmem:$0x1D4D0]  }
0x21f: {  	v23 =	vld [tilespmem:$0x1D500]  }
0x220: {  	v18 =	vadd.f32 v26, v18;
	v1 =	vadd.f32 v4, v1;
	v26 =	vld [tilespmem:$0x2150]  }
0x221: {  	v51 =	vld [tilespmem:$0x1D530]  }
0x222: {  	v18 =	vadd.f32 v31, v18;
	v0 =	vadd.f32 v0, v1;
	v56 =	vld [tilespmem:$0x2190]  }
0x223: {  	v31 =	vld [tilespmem:$0x1D580]  }
0x224: {  	v18 =	vadd.f32 v35, v18;
	v0 =	vadd.f32 v2, v0;
	v35 =	vld [tilespmem:$0x1D590]  }
0x225: {  	v48 =	vld [tilespmem:$0x21F0]  }
0x226: {  	v0 =	vadd.f32 v8, v0;
	v29 =	vld [tilespmem:$0x2260]  }
0x227: {  	v40 =	vld [tilespmem:$0x1D660]  }
0x228: {  	v0 =	vadd.f32 v12, v0;
	v43 =	vld [tilespmem:$0x1D670]  }
0x229: {  	v45 =	vld [tilespmem:$0x1D690]  }
0x22a: {  	v0 =	vadd.f32 v36, v0;
	v27 =	vld [tilespmem:$0x1D7C0]  }
0x22b: {  	v30 =	vld [tilespmem:$0x1D7D0]  }
0x22c: {  	v0 =	vadd.f32 v37, v0;
	v34 =	vld [tilespmem:$0x1D7F0]  }
0x22d: {  	v8 =	vld [tilespmem:$0x1D8A0]  }
0x22e: {  	v0 =	vadd.f32 v6, v0;
	v9 =	vld [tilespmem:$0x1D8B0]  }
0x22f: {  	v12 =	vld [tilespmem:$0x1D8E0]  }
0x230: {  	v0 =	vadd.f32 v17, v0;
	v36 =	vld [tilespmem:$0x2450]  }
0x231: {  	v37 =	vld [tilespmem:$0x1D920]  }
0x232: {  	v0 =	vadd.f32 v60, v0;
	v6 =	vld [tilespmem:$0x1D9A0]  }
0x233: {  	v17 =	vld [tilespmem:$0x1D9F0]  }
0x234: {  	v0 =	vadd.f32 v39, v0;
	v39 =	vld [tilespmem:$0x1DA00]  }
0x235: {  	v60 =	vld [tilespmem:$0x1DA10]  }
0x236: {  	v0 =	vadd.f32 v24, v0;
	v24 =	vld [tilespmem:$0x2540]  }
0x237: {  	v22 =	vadd.f32 v49, v22;
	v49 =	vld [tilespmem:$0x1D350]  }
0x238: {  	v0 =	vadd.f32 v58, v0;
	v58 =	vld [tilespmem:$0x2560]  }
0x239: {  	v21 =	vadd.f32 v61, v21;
	v61 =	vld [tilespmem:$0x1D360]  }
0x23a: {  	[tilespmem:$0x1DD90] =	vst v32;
	v32 =	vld [tilespmem:$0x1FB0]  }
0x23b: {  	v22 =	vadd.f32 v33, v22;
	v33 =	vld [tilespmem:$0x1D370]  }
0x23c: {  	[tilespmem:$0x1DDB0] =	vst v44;
	v44 =	vld [tilespmem:$0x1FC0]  }
0x23d: {  	[tilespmem:$0x1DDC0] =	vst v59;
	v59 =	vld [tilespmem:$0x1FD0]  }
0x23e: {  	[tilespmem:$0x1DF70] =	vst v26;
	v26 =	vld [tilespmem:$0x21C0]  }
0x23f: {  	[tilespmem:$0x1DFB0] =	vst v56;
	v56 =	vld [tilespmem:$0x1D5D0]  }
0x240: {  	[tilespmem:$0x1E050] =	vst v48;
	v48 =	vld [tilespmem:$0x22B0]  }
0x241: {  	[tilespmem:$0x1E130] =	vst v29;
	v29 =	vld [tilespmem:$0x22D0]  }
0x242: {  	v0 =	vadd.f32 v28, v0;
	v28 =	vld [tilespmem:$0x1DA80]  }
0x243: {  	[tilespmem:$0x1E0C0] =	vst v24;
	v24 =	vld [tilespmem:$0x1DB20]  }
0x244: {  	v21 =	vadd.f32 v49, v21;
	v49 =	vld [tilespmem:$0x1D380]  }
0x245: {  	v0 =	vadd.f32 v42, v0;
	v42 =	vld [tilespmem:$0x1DAA0]  }
0x246: {  	[tilespmem:$0x1E100] =	vst v58;
	v58 =	vld [tilespmem:$0x1DB90]  }
0x247: {  	v22 =	vadd.f32 v61, v22;
	v61 =	vld [tilespmem:$0x1D390]  }
0x248: {  	v0 =	vadd.f32 v25, v0;
	v25 =	vld [tilespmem:$0x1DB30]  }
0x249: {  	[tilespmem:$0x1DDD0] =	vst v32;
	v32 =	vld [tilespmem:$0x1FE0]  }
0x24a: {  	v21 =	vadd.f32 v33, v21;
	v33 =	vld [tilespmem:$0x1D3A0]  }
0x24b: {  	[tilespmem:$0x1DDE0] =	vst v44;
	v44 =	vld [tilespmem:$0x1FF0]  }
0x24c: {  	[tilespmem:$0x1DDF0] =	vst v59;
	v59 =	vld [tilespmem:$0x2000]  }
0x24d: {  	[tilespmem:$0x1DFF0] =	vst v26;
	v26 =	vld [tilespmem:$0x1D620]  }
0x24e: {  	v0 =	vadd.f32 v19, v0;
	v19 =	vld [tilespmem:$0x25B0]  }
0x24f: {  	v22 =	vadd.f32 v49, v22;
	v49 =	vld [tilespmem:$0x1D3B0]  }
0x250: {  	v0 =	vadd.f32 v47, v0;
	v47 =	vld [tilespmem:$0x1DB80]  }
0x251: {  	v21 =	vadd.f32 v61, v21;
	v61 =	vld [tilespmem:$0x1D3C0]  }
0x252: {  	[tilespmem:$0x1DE00] =	vst v32;
	v32 =	vld [tilespmem:$0x2010]  }
0x253: {  	v22 =	vadd.f32 v33, v22;
	v33 =	vld [tilespmem:$0x1D3D0]  }
0x254: {  	[tilespmem:$0x1DE10] =	vst v44;
	v44 =	vld [tilespmem:$0x2020]  }
0x255: {  	[tilespmem:$0x1DE20] =	vst v59;
	v59 =	vld [tilespmem:$0x2030]  }
0x256: {  	[tilespmem:$0x1E1C0] =	vst v19;
	v19 =	vld [tilespmem:$0x25C0]  }
0x257: {  	v21 =	vadd.f32 v49, v21;
	v49 =	vld [tilespmem:$0x1D3E0]  }
0x258: {  	v22 =	vadd.f32 v61, v22;
	v61 =	vld [tilespmem:$0x1D3F0]  }
0x259: {  	[tilespmem:$0x1DE30] =	vst v32;
	v32 =	vld [tilespmem:$0x2040]  }
0x25a: {  	v21 =	vadd.f32 v33, v21;
	v33 =	vld [tilespmem:$0x1D400]  }
0x25b: {  	[tilespmem:$0x1DE40] =	vst v44;
	v44 =	vld [tilespmem:$0x2050]  }
0x25c: {  	[tilespmem:$0x1DE50] =	vst v59;
	v59 =	vld [tilespmem:$0x2060]  }
0x25d: {  	v22 =	vadd.f32 v49, v22;
	v49 =	vld [tilespmem:$0x1D410]  }
0x25e: {  	v21 =	vadd.f32 v61, v21;
	v61 =	vld [tilespmem:$0x1D420]  }
0x25f: {  	[tilespmem:$0x1DE60] =	vst v32;
	v32 =	vld [tilespmem:$0x2070]  }
0x260: {  	[tilespmem:$0x1DE70] =	vst v44;
	v44 =	vld [tilespmem:$0x2080]  }
0x261: {  	v22 =	vadd.f32 v33, v22;
	v33 =	vld [tilespmem:$0x1D430]  }
0x262: {  	[tilespmem:$0x1DE80] =	vst v59;
	v59 =	vld [tilespmem:$0x2090]  }
0x263: {  	v21 =	vadd.f32 v49, v21;
	v49 =	vld [tilespmem:$0x1D440]  }
0x264: {  	v22 =	vadd.f32 v61, v22;
	v61 =	vld [tilespmem:$0x1D450]  }
0x265: {  	[tilespmem:$0x1DEA0] =	vst v44;
	v44 =	vld [tilespmem:$0x20B0]  }
0x266: {  	[tilespmem:$0x1DE90] =	vst v32;
	v32 =	vld [tilespmem:$0x20A0]  }
0x267: {  	v21 =	vadd.f32 v33, v21;
	v33 =	vld [tilespmem:$0x1D460]  }
0x268: {  	[tilespmem:$0x1DEB0] =	vst v59;
	v59 =	vld [tilespmem:$0x1D480]  }
0x269: {  	v22 =	vadd.f32 v49, v22;
	v49 =	vld [tilespmem:$0x1D470]  }
0x26a: {  	[tilespmem:$0x1DED0] =	vst v44;
	v44 =	vadd.f32 $0.0e+00, v52;
	v52 =	vld [tilespmem:$0x1D4A0]  }
0x26b: {  	[tilespmem:$0x1DEC0] =	vst v32;
	v32 =	vld [tilespmem:$0x20C0]  }
0x26c: {  	v21 =	vadd.f32 v61, v21;
	v22 =	vadd.f32 v33, v22;
	v33 =	vld [tilespmem:$0x1D490]  }
0x26d: {  	v61 =	vadd.f32 $0.0e+00, v59;
	v59 =	vld [tilespmem:$0x20E0]  }
0x26e: {  	v15 =	vadd.f32 v49, v21;
	v49 =	vld [tilespmem:$0x20D0]  }
0x26f: {  	v21 =	vadd.f32 v52, v61;
	v61 =	vld [tilespmem:$0x20F0]  }
0x270: {  	[tilespmem:$0x1DEE0] =	vst v32;
	v32 =	vld [tilespmem:$0x1D4B0]  }
0x271: {  	[tilespmem:$0x1E150] =	vst v15;
	v15 =	vadd.f32 v33, v22;
	v33 =	vld [tilespmem:$0x2100]  }
0x272: {  	v22 =	vadd.f32 v57, v44;
	v44 =	vld [tilespmem:$0x1D4C0]  }
0x273: {  	v52 =	vld [tilespmem:$0x2110]  }
0x274: {  	v57 =	vld [tilespmem:$0x2120]  }
0x275: {  	[tilespmem:$0x1DF00] =	vst v59;
	v59 =	vld [tilespmem:$0x1D4E0]  }
0x276: {  	[tilespmem:$0x1E170] =	vst v15;
	v15 =	vld [tilespmem:$0x1D4F0]  }
0x277: {  	[tilespmem:$0x1DF10] =	vst v61;
	v61 =	vld [tilespmem:$0x2130]  }
0x278: {  	[tilespmem:$0x1DEF0] =	vst v49;
	v49 =	vadd.f32 v44, v22;
	v22 =	vld [tilespmem:$0x2140]  }
0x279: {  	v21 =	vadd.f32 v32, v21;
	v32 =	vld [tilespmem:$0x1D510]  }
0x27a: {  	[tilespmem:$0x1DF20] =	vst v33;
	v33 =	vld [tilespmem:$0x2160]  }
0x27b: {  	v44 =	vld [tilespmem:$0x1D520]  }
0x27c: {  	[tilespmem:$0x1DF30] =	vst v52;
	v52 =	vld [tilespmem:$0x2180]  }
0x27d: {  	[tilespmem:$0x1DF40] =	vst v57;
	v57 =	vld [tilespmem:$0x1D550]  }
0x27e: {  	v20 =	vadd.f32 v59, v49;
	v49 =	vld [tilespmem:$0x2170]  }
0x27f: {  	v21 =	vadd.f32 v54, v21;
	v54 =	vld [tilespmem:$0x1D540]  }
0x280: {  	v18 =	vadd.f32 v38, v18;
	v59 =	vld [tilespmem:$0x21A0]  }
0x281: {  	v11 =	vadd.f32 v15, v21;
	v21 =	vld [tilespmem:$0x21B0]  }
0x282: {  	v20 =	vadd.f32 v23, v20;
	v23 =	vadd.f32 v41, v18;
	v41 =	vld [tilespmem:$0x21E0]  }
0x283: {  	v18 =	vld [tilespmem:$0x1D5F0]  }
0x284: {  	v15 =	vld [tilespmem:$0x1D740]  }
0x285: {  	[tilespmem:$0x1DF50] =	vst v61;
	v61 =	vld [tilespmem:$0x1D560]  }
0x286: {  	[tilespmem:$0x1DF60] =	vst v22;
	v22 =	vld [tilespmem:$0x1D570]  }
0x287: {  	[tilespmem:$0x1DF80] =	vst v33;
	v33 =	vld [tilespmem:$0x21D0]  }
0x288: {  	[tilespmem:$0x1DFA0] =	vst v52;
	v52 =	vld [tilespmem:$0x1D5C0]  }
0x289: {  	v20 =	vadd.f32 v44, v20;
	v44 =	vld [tilespmem:$0x1D5A0]  }
0x28a: {  	v38 =	vadd.f32 v46, v23;
	v23 =	vld [tilespmem:$0x1D610]  }
0x28b: {  	v11 =	vadd.f32 v32, v11;
	[tilespmem:$0x1DF90] =	vst v49;
	v49 =	vld [tilespmem:$0x1D5B0]  }
0x28c: {  	[tilespmem:$0x1DFC0] =	vst v59;
	v59 =	vld [tilespmem:$0x1D5E0]  }
0x28d: {  	v11 =	vadd.f32 v51, v11;
	v51 =	vld [tilespmem:$0x2200]  }
0x28e: {  	v20 =	vadd.f32 v54, v20;
	v54 =	vld [tilespmem:$0x2210]  }
0x28f: {  	v14 =	vadd.f32 v50, v38;
	v38 =	vld [tilespmem:$0x2280]  }
0x290: {  	v50 =	vld [tilespmem:$0x1D6C0]  }
0x291: {  	[tilespmem:$0x1DFD0] =	vst v21;
	v21 =	vld [tilespmem:$0x1D600]  }
0x292: {  	[tilespmem:$0x1E030] =	vst v41;
	v41 =	vld [tilespmem:$0x2290]  }
0x293: {  	v11 =	vadd.f32 v57, v11;
	v57 =	vld [tilespmem:$0x2220]  }
0x294: {  	v20 =	vadd.f32 v61, v20;
	v61 =	vld [tilespmem:$0x2230]  }
0x295: {  	[tilespmem:$0x1E010] =	vst v33;
	v33 =	vld [tilespmem:$0x1D640]  }
0x296: {  	v14 =	vadd.f32 v55, v14;
	v55 =	vld [tilespmem:$0x1D700]  }
0x297: {  	v32 =	vadd.f32 v31, v20;
	v20 =	vld [tilespmem:$0x2240]  }
0x298: {  	v11 =	vadd.f32 v22, v11;
	v22 =	vld [tilespmem:$0x2250]  }
0x299: {  	v31 =	vld [tilespmem:$0x1D630]  }
0x29a: {  	v14 =	vadd.f32 v62, v14;
	v62 =	vld [tilespmem:$0x1D720]  }
0x29b: {  	[tilespmem:$0x1E190] =	vst v38;
	v38 =	vld [tilespmem:$0x22A0]  }
0x29c: {  	[tilespmem:$0x1E070] =	vst v51;
	v51 =	vld [tilespmem:$0x1D6D0]  }
0x29d: {  	[tilespmem:$0x1E090] =	vst v54;
	v54 =	vld [tilespmem:$0x1D6F0]  }
0x29e: {  	v46 =	vadd.f32 v44, v32;
	v32 =	vld [tilespmem:$0x2270]  }
0x29f: {  	v11 =	vadd.f32 v35, v11;
	v35 =	vld [tilespmem:$0x1D650]  }
0x2a0: {  	v44 =	vld [tilespmem:$0x1D680]  }
0x2a1: {  	v14 =	vadd.f32 v26, v14;
	v26 =	vld [tilespmem:$0x1D7B0]  }
0x2a2: {  	[tilespmem:$0x1E1B0] =	vst v41;
	v41 =	vld [tilespmem:$0x1D820]  }
0x2a3: {  	[tilespmem:$0x1E0B0] =	vst v57;
	v57 =	vld [tilespmem:$0x22E0]  }
0x2a4: {  	[tilespmem:$0x1E0D0] =	vst v61;
	v61 =	vld [tilespmem:$0x1D710]  }
0x2a5: {  	v16 =	vadd.f32 v52, v46;
	v46 =	vld [tilespmem:$0x1D6A0]  }
0x2a6: {  	v11 =	vadd.f32 v49, v11;
	v49 =	vld [tilespmem:$0x1D6B0]  }
0x2a7: {  	v52 =	vld [tilespmem:$0x1D6E0]  }
0x2a8: {  	[tilespmem:$0x1E0F0] =	vst v20;
	v20 =	vld [tilespmem:$0x1D770]  }
0x2a9: {  	[tilespmem:$0x1E110] =	vst v22;
	v22 =	vld [tilespmem:$0x1D790]  }
0x2aa: {  	v16 =	vadd.f32 v59, v16;
	v59 =	vld [tilespmem:$0x22C0]  }
0x2ab: {  	v11 =	vadd.f32 v56, v11;
	v56 =	vld [tilespmem:$0x22F0]  }
0x2ac: {  	v13 =	vadd.f32 v35, v14;
	v35 =	vld [tilespmem:$0x1D800]  }
0x2ad: {  	v38 =	vadd.f32 $0.0e+00, v38;
	v11 =	vadd.f32 v18, v11;
	v18 =	vld [tilespmem:$0x1D760]  }
0x2ae: {  	v16 =	vadd.f32 v21, v16;
	v21 =	vld [tilespmem:$0x1D780]  }
0x2af: {  	v38 =	vadd.f32 v48, v38;
	v48 =	vld [tilespmem:$0x2700]  }
0x2b0: {  	v11 =	vadd.f32 v23, v11;
	v23 =	vld [tilespmem:$0x1D7A0]  }
0x2b1: {  	v16 =	vadd.f32 v31, v16;
	v31 =	vld [tilespmem:$0x1D7E0]  }
0x2b2: {  	v38 =	vadd.f32 v59, v38;
	v59 =	vld [tilespmem:$0x1DDF0]  }
0x2b3: {  	v14 =	vadd.f32 v40, v16;
	v16 =	vld [tilespmem:$0x1D750]  }
0x2b4: {  	v11 =	vadd.f32 v33, v11;
	v33 =	vld [tilespmem:$0x2360]  }
0x2b5: {  	v40 =	vld [tilespmem:$0x1D810]  }
0x2b6: {  	v29 =	vadd.f32 v29, v38;
	v38 =	vld [tilespmem:$0x2930];
	v10 =	vadd.f32 v43, v11  }
0x2b7: {  	v11 =	vadd.f32 v44, v13;
	v13 =	vadd.f32 v45, v14;
	v45 =	vld [tilespmem:$0x2300]  }
0x2b8: {  	v43 =	vld [tilespmem:$0x2310]  }
0x2b9: {  	v14 =	vld [tilespmem:$0x1D730]  }
0x2ba: {  	v44 =	vld [tilespmem:$0x1D830]  }
0x2bb: {  	v29 =	vadd.f32 v57, v29;
	v57 =	vld [tilespmem:$0x1DE10]  }
0x2bc: {  	v11 =	vadd.f32 v49, v11;
	v49 =	vld [tilespmem:$0x2340]  }
0x2bd: {  	v13 =	vadd.f32 v50, v13;
	v50 =	vld [tilespmem:$0x2350]  }
0x2be: {  	v10 =	vadd.f32 v46, v10;
	v46 =	vld [tilespmem:$0x1D840]  }
0x2bf: {  	v29 =	vadd.f32 v56, v29;
	v56 =	vld [tilespmem:$0x2950]  }
0x2c0: {  	v7 =	vadd.f32 v51, v10;
	v51 =	vld [tilespmem:$0x2320]  }
0x2c1: {  	v10 =	vadd.f32 v52, v11;
	v52 =	vld [tilespmem:$0x2330]  }
0x2c2: {  	v11 =	vadd.f32 v54, v13;
	v54 =	vld [tilespmem:$0x1D850]  }
0x2c3: {  	v29 =	vadd.f32 v45, v29;
	v45 =	vld [tilespmem:$0x2780]  }
0x2c4: {  	v7 =	vadd.f32 v55, v7;
	v55 =	vld [tilespmem:$0x1D860]  }
0x2c5: {  	v10 =	vadd.f32 v61, v10;
	v61 =	vld [tilespmem:$0x1D870]  }
0x2c6: {  	v11 =	vadd.f32 v62, v11;
	v62 =	vld [tilespmem:$0x1D880]  }
0x2c7: {  	v29 =	vadd.f32 v43, v29;
	v43 =	vld [tilespmem:$0x2790]  }
0x2c8: {  	v5 =	vadd.f32 v14, v7;
	v14 =	vld [tilespmem:$0x2390]  }
0x2c9: {  	v7 =	vadd.f32 v15, v10;
	v15 =	vld [tilespmem:$0x23A0]  }
0x2ca: {  	v10 =	vadd.f32 v16, v11;
	v16 =	vld [tilespmem:$0x23B0]  }
0x2cb: {  	v11 =	vld [tilespmem:$0x1D8D0]  }
0x2cc: {  	v29 =	vadd.f32 v51, v29;
	v51 =	vld [tilespmem:$0x2A20];
	v3 =	vadd.f32 v18, v5  }
0x2cd: {  	v5 =	vadd.f32 v20, v7;
	v7 =	vadd.f32 v21, v10;
	v21 =	vld [tilespmem:$0x2370]  }
0x2ce: {  	v18 =	vld [tilespmem:$0x23C0]  }
0x2cf: {  	v20 =	vld [tilespmem:$0x23D0]  }
0x2d0: {  	v10 =	vld [tilespmem:$0x1D8C0]  }
0x2d1: {  	v29 =	vadd.f32 v52, v29;
	v52 =	vld [tilespmem:$0x1DEE0]  }
0x2d2: {  	v3 =	vadd.f32 v22, v3;
	v22 =	vld [tilespmem:$0x2380]  }
0x2d3: {  	v5 =	vadd.f32 v23, v5;
	v23 =	vld [tilespmem:$0x23F0]  }
0x2d4: {  	v7 =	vadd.f32 v26, v7;
	v26 =	vld [tilespmem:$0x2430]  }
0x2d5: {  	v29 =	vadd.f32 v49, v29;
	v49 =	vld [tilespmem:$0x27A0]  }
0x2d6: {  	[tilespmem:$0x1E160] =	vst v32;
	v32 =	vadd.f32 v31, v7;
	v7 =	vld [tilespmem:$0x1D890]  }
0x2d7: {  	v5 =	vadd.f32 v30, v5;
	v30 =	vld [tilespmem:$0x2410]  }
0x2d8: {  	v31 =	vld [tilespmem:$0x2420]  }
0x2d9: {  	v3 =	vadd.f32 v27, v3;
	v27 =	vld [tilespmem:$0x1D8F0]  }
0x2da: {  	v29 =	vadd.f32 v50, v29;
	v50 =	vld [tilespmem:$0x1DED0]  }
0x2db: {  	v4 =	vadd.f32 v35, v5;
	v5 =	vadd.f32 v40, v32;
	v32 =	vld [tilespmem:$0x2400]  }
0x2dc: {  	v3 =	vadd.f32 v34, v3;
	v34 =	vld [tilespmem:$0x1D900]  }
0x2dd: {  	v35 =	vld [tilespmem:$0x1D910]  }
0x2de: {  	v40 =	vld [tilespmem:$0x1D930]  }
0x2df: {  	v29 =	vadd.f32 v33, v29;
	v33 =	vld [tilespmem:$0x27B0]  }
0x2e0: {  	v1 =	vadd.f32 v41, v3;
	v41 =	vld [tilespmem:$0x23E0]  }
0x2e1: {  	v3 =	vadd.f32 v44, v4;
	v44 =	vld [tilespmem:$0x1D940]  }
0x2e2: {  	v4 =	vadd.f32 v46, v5;
	v46 =	vld [tilespmem:$0x1D950]  }
0x2e3: {  	v21 =	vadd.f32 v21, v29;
	v29 =	vld [tilespmem:$0x2A10]  }
0x2e4: {  	v1 =	vadd.f32 v54, v1;
	v54 =	vld [tilespmem:$0x1D960]  }
0x2e5: {  	v2 =	vadd.f32 v55, v3;
	v55 =	vld [tilespmem:$0x1D970]  }
0x2e6: {  	v4 =	vadd.f32 v61, v4;
	v61 =	vld [tilespmem:$0x1D980]  }
0x2e7: {  	v3 =	vld [tilespmem:$0x28E0]  }
0x2e8: {  	v21 =	vadd.f32 v22, v21;
	v22 =	vld [tilespmem:$0x1DEC0]  }
0x2e9: {  	v1 =	vadd.f32 v62, v1;
	v62 =	vld [tilespmem:$0x1D990]  }
0x2ea: {  	v2 =	vadd.f32 v7, v2;
	v7 =	vld [tilespmem:$0x1D9B0]  }
0x2eb: {  	v4 =	vadd.f32 v8, v4;
	v8 =	vld [tilespmem:$0x1D9C0]  }
0x2ec: {  	v14 =	vadd.f32 v14, v21;
	v21 =	vld [tilespmem:$0x2A00]  }
0x2ed: {  	v1 =	vadd.f32 v9, v1;
	v9 =	vld [tilespmem:$0x24D0]  }
0x2ee: {  	v2 =	vadd.f32 v10, v2;
	v10 =	vld [tilespmem:$0x1D9D0]  }
0x2ef: {  	v4 =	vadd.f32 v11, v4;
	v11 =	vld [tilespmem:$0x1D9E0]  }
0x2f0: {  	v14 =	vadd.f32 v15, v14;
	v15 =	vld [tilespmem:$0x2860]  }
0x2f1: {  	v2 =	vadd.f32 v27, v2;
	v27 =	vld [tilespmem:$0x2440]  }
0x2f2: {  	v13 =	vadd.f32 v12, v1;
	v4 =	vadd.f32 v34, v4;
	v34 =	vld [tilespmem:$0x2460]  }
0x2f3: {  	v14 =	vadd.f32 v16, v14;
	v16 =	vld [tilespmem:$0x2890]  }
0x2f4: {  	v5 =	vadd.f32 v35, v13;
	v35 =	vld [tilespmem:$0x2470]  }
0x2f5: {  	v4 =	vadd.f32 v40, v4;
	v40 =	vld [tilespmem:$0x2480]  }
0x2f6: {  	v13 =	vld [tilespmem:$0x24E0]  }
0x2f7: {  	v2 =	vadd.f32 v37, v2;
	v37 =	vld [tilespmem:$0x24F0]  }
0x2f8: {  	[tilespmem:$0x1DFE0] =	vst v9;
	v9 =	vld [tilespmem:$0x1DA40]  }
0x2f9: {  	v14 =	vadd.f32 v18, v14;
	v18 =	vld [tilespmem:$0x28A0]  }
0x2fa: {  	v5 =	vadd.f32 v44, v5;
	v44 =	vld [tilespmem:$0x2490]  }
0x2fb: {  	v2 =	vadd.f32 v46, v2;
	v46 =	vld [tilespmem:$0x24A0]  }
0x2fc: {  	v4 =	vadd.f32 v54, v4;
	v54 =	vld [tilespmem:$0x24B0]  }
0x2fd: {  	v14 =	vadd.f32 v20, v14;
	v20 =	vld [tilespmem:$0x28B0]  }
0x2fe: {  	v5 =	vadd.f32 v55, v5;
	v55 =	vld [tilespmem:$0x24C0]  }
0x2ff: {  	v2 =	vadd.f32 v61, v2;
	v61 =	vld [tilespmem:$0x2500]  }
0x300: {  	v4 =	vadd.f32 v62, v4;
	v62 =	vld [tilespmem:$0x1DA20]  }
0x301: {  	[tilespmem:$0x1E000] =	vst v13;
	v13 =	vld [tilespmem:$0x1DA60]  }
0x302: {  	[tilespmem:$0x1E020] =	vst v37;
	v37 =	vld [tilespmem:$0x2550]  }
0x303: {  	v14 =	vadd.f32 v41, v14;
	v41 =	vld [tilespmem:$0x2AD0]  }
0x304: {  	v2 =	vadd.f32 v7, v2;
	v7 =	vld [tilespmem:$0x2510]  }
0x305: {  	v5 =	vadd.f32 v6, v5;
	v4 =	vadd.f32 v8, v4;
	v8 =	vld [tilespmem:$0x1DA30]  }
0x306: {  	v14 =	vadd.f32 v23, v14;
	v23 =	vld [tilespmem:$0x1DF30]  }
0x307: {  	v5 =	vadd.f32 v10, v5;
	v10 =	vld [tilespmem:$0x2520]  }
0x308: {  	v12 =	vadd.f32 v11, v2;
	v11 =	vld [tilespmem:$0x1DA50]  }
0x309: {  	v4 =	vadd.f32 v17, v4;
	v17 =	vld [tilespmem:$0x1DA70]  }
0x30a: {  	[tilespmem:$0x1E040] =	vst v61;
	v61 =	vld [tilespmem:$0x2570]  }
0x30b: {  	v14 =	vadd.f32 v32, v14;
	v32 =	vld [tilespmem:$0x2AB0]  }
0x30c: {  	v6 =	vadd.f32 v60, v12;
	v12 =	vld [tilespmem:$0x2530]  }
0x30d: {  	v5 =	vadd.f32 v39, v5;
	v39 =	vld [tilespmem:$0x1DA90]  }
0x30e: {  	v60 =	vld [tilespmem:$0x1DAB0]  }
0x30f: {  	v4 =	vadd.f32 v62, v4;
	v62 =	vld [tilespmem:$0x1DAC0]  }
0x310: {  	[tilespmem:$0x1E0E0] =	vst v37;
	v37 =	vld [tilespmem:$0x1DB50]  }
0x311: {  	[tilespmem:$0x1E060] =	vst v7;
	v7 =	vld [tilespmem:$0x1DAD0]  }
0x312: {  	v14 =	vadd.f32 v30, v14;
	v30 =	vld [tilespmem:$0x2AA0]  }
0x313: {  	v5 =	vadd.f32 v8, v5;
	v8 =	vld [tilespmem:$0x2580]  }
0x314: {  	v6 =	vadd.f32 v9, v6;
	v9 =	vld [tilespmem:$0x1DAE0]  }
0x315: {  	[tilespmem:$0x1E080] =	vst v10;
	v10 =	vld [tilespmem:$0x2590]  }
0x316: {  	v4 =	vadd.f32 v11, v4;
	v11 =	vld [tilespmem:$0x1DAF0]  }
0x317: {  	v14 =	vadd.f32 v31, v14;
	v31 =	vld [tilespmem:$0x1DF60]  }
0x318: {  	v5 =	vadd.f32 v13, v5;
	v13 =	vld [tilespmem:$0x25A0]  }
0x319: {  	v6 =	vadd.f32 v17, v6;
	v17 =	vld [tilespmem:$0x1DB10]  }
0x31a: {  	[tilespmem:$0x1E120] =	vst v61;
	v61 =	vld [tilespmem:$0x1DBB0]  }
0x31b: {  	[tilespmem:$0x1E0A0] =	vst v12;
	v12 =	vld [tilespmem:$0x1DB00]  }
0x31c: {  	v4 =	vadd.f32 v28, v4;
	v28 =	vld [tilespmem:$0x1DB40]  }
0x31d: {  	v0 =	vadd.f32 v37, v0;
	v37 =	vld [tilespmem:$0x1DC60]  }
0x31e: {  	v14 =	vadd.f32 v26, v14;
	v26 =	vld [tilespmem:$0x1DF40]  }
0x31f: {  	v5 =	vadd.f32 v39, v5;
	v39 =	vld [tilespmem:$0x1DB60]  }
0x320: {  	v6 =	vadd.f32 v42, v6;
	v42 =	vld [tilespmem:$0x1DB70]  }
0x321: {  	v4 =	vadd.f32 v60, v4;
	v60 =	vld [tilespmem:$0x1DBA0]  }
0x322: {  	v0 =	vadd.f32 v53, v0;
	v53 =	vld [tilespmem:$0x2610]  }
0x323: {  	[tilespmem:$0x1E140] =	vst v8;
	v8 =	vld [tilespmem:$0x1DBE0]  }
0x324: {  	v5 =	vadd.f32 v62, v5;
	v62 =	vld [tilespmem:$0x1DBC0]  }
0x325: {  	v6 =	vadd.f32 v7, v6;
	v7 =	vld [tilespmem:$0x1DBD0]  }
0x326: {  	[tilespmem:$0x1E180] =	vst v10;
	v10 =	vld [tilespmem:$0x1DC00]  }
0x327: {  	v14 =	vadd.f32 v27, v14;
	v4 =	vadd.f32 v9, v4;
	v9 =	vld [tilespmem:$0x1DBF0]  }
0x328: {  	[tilespmem:$0x1E1A0] =	vst v13;
	v13 =	vld [tilespmem:$0x1DC30]  }
0x329: {  	v14 =	vadd.f32 v36, v14;
	v36 =	vld [tilespmem:$0x2AC0]  }
0x32a: {  	v5 =	vadd.f32 v11, v5;
	v11 =	vld [tilespmem:$0x1DC10]  }
0x32b: {  	v6 =	vadd.f32 v12, v6;
	v12 =	vld [tilespmem:$0x1DC20]  }
0x32c: {  	v4 =	vadd.f32 v17, v4;
	v17 =	vld [tilespmem:$0x1DC40]  }
0x32d: {  	v14 =	vadd.f32 v34, v14;
	v34 =	vld [tilespmem:$0x1DF70]  }
0x32e: {  	v6 =	vadd.f32 v25, v6;
	v25 =	vld [tilespmem:$0x25D0]  }
0x32f: {  	v5 =	vadd.f32 v24, v5;
	v24 =	vld [tilespmem:$0x1DC50]  }
0x330: {  	v4 =	vadd.f32 v28, v4;
	v28 =	vld [tilespmem:$0x25E0]  }
0x331: {  	v0 =	vadd.f32 v62, v0;
	v62 =	vld [tilespmem:$0x2640]  }
0x332: {  	v14 =	vadd.f32 v35, v14;
	v35 =	vld [tilespmem:$0x2B80]  }
0x333: {  	v6 =	vadd.f32 v42, v6;
	v42 =	vld [tilespmem:$0x25F0]  }
0x334: {  	v5 =	vadd.f32 v39, v5;
	v39 =	vld [tilespmem:$0x1DC70]  }
0x335: {  	v4 =	vadd.f32 v47, v4;
	v47 =	vld [tilespmem:$0x2600]  }
0x336: {  	v0 =	vadd.f32 v10, v0;
	v10 =	vld [tilespmem:$0x1DCA0]  }
0x337: {  	v14 =	vadd.f32 v40, v14;
	v40 =	vld [tilespmem:$0x1E110]  }
0x338: {  	v5 =	vadd.f32 v58, v5;
	v58 =	vld [tilespmem:$0x2620]  }
0x339: {  	v6 =	vadd.f32 v60, v6;
	v60 =	vld [tilespmem:$0x1DC80]  }
0x33a: {  	v19 =	vadd.f32 $0.0e+00, v19;
	v4 =	vadd.f32 v61, v4;
	v61 =	vld [tilespmem:$0x2630]  }
0x33b: {  	v0 =	vadd.f32 v63, v0;
	v63 =	vld [tilespmem:$0x2650]  }
0x33c: {  	v19 =	vadd.f32 v25, v19;
	v25 =	vld [tilespmem:$0x2910]  }
0x33d: {  	v14 =	vadd.f32 v44, v14;
	v44 =	vld [tilespmem:$0x2C30]  }
0x33e: {  	v5 =	vadd.f32 v7, v5;
	v7 =	vld [tilespmem:$0x2660]  }
0x33f: {  	v6 =	vadd.f32 v8, v6;
	v8 =	vld [tilespmem:$0x2670]  }
0x340: {  	v4 =	vadd.f32 v9, v4;
	v9 =	vld [tilespmem:$0x1DC90]  }
0x341: {  	v0 =	vadd.f32 v39, v0;
	v39 =	vld [tilespmem:$0x1DD10]  }
0x342: {  	v19 =	vadd.f32 v28, v19;
	v28 =	vld [tilespmem:$0x2920]  }
0x343: {  	v14 =	vadd.f32 v46, v14;
	v46 =	vld [tilespmem:$0x1E000]  }
0x344: {  	v5 =	vadd.f32 v11, v5;
	v11 =	vld [tilespmem:$0x1DCB0]  }
0x345: {  	v6 =	vadd.f32 v12, v6;
	v12 =	vld [tilespmem:$0x1DCC0]  }
0x346: {  	v4 =	vadd.f32 v13, v4;
	v13 =	vld [tilespmem:$0x1DCD0]  }
0x347: {  	v19 =	vadd.f32 v42, v19;
	v42 =	vld [tilespmem:$0x2940]  }
0x348: {  	v14 =	vadd.f32 v54, v14;
	v54 =	vld [tilespmem:$0x2B40]  }
0x349: {  	v5 =	vadd.f32 v17, v5;
	v17 =	vld [tilespmem:$0x1DCE0]  }
0x34a: {  	v6 =	vadd.f32 v24, v6;
	v24 =	vld [tilespmem:$0x1DCF0]  }
0x34b: {  	v4 =	vadd.f32 v37, v4;
	v37 =	vld [tilespmem:$0x1DD00]  }
0x34c: {  	v19 =	vadd.f32 v47, v19;
	v47 =	vld [tilespmem:$0x2770]  }
0x34d: {  	v14 =	vadd.f32 v55, v14;
	v55 =	vld [tilespmem:$0x2C70]  }
0x34e: {  	v6 =	vadd.f32 v9, v6;
	v9 =	vld [tilespmem:$0x2680]  }
0x34f: {  	v5 =	vadd.f32 v60, v5;
	v60 =	vld [tilespmem:$0x1DD20]  }
0x350: {  	v4 =	vadd.f32 v10, v4;
	v10 =	vld [tilespmem:$0x2690]  }
0x351: {  	v0 =	vadd.f32 v11, v0;
	v11 =	vld [tilespmem:$0x26A0]  }
0x352: {  	v19 =	vadd.f32 v53, v19;
	v53 =	vld [tilespmem:$0x1DE70]  }
0x353: {  	v5 =	vadd.f32 v12, v5;
	v12 =	vld [tilespmem:$0x26B0]  }
0x354: {  	v6 =	vadd.f32 v13, v6;
	v13 =	vld [tilespmem:$0x26C0]  }
0x355: {  	v4 =	vadd.f32 v17, v4;
	v17 =	vld [tilespmem:$0x1DD40]  }
0x356: {  	v0 =	vadd.f32 v24, v0;
	v24 =	vld [tilespmem:$0x1DD50]  }
0x357: {  	v19 =	vadd.f32 v58, v19;
	v58 =	vld [tilespmem:$0x1DE40]  }
0x358: {  	v5 =	vadd.f32 v37, v5;
	v37 =	vld [tilespmem:$0x1DD60]  }
0x359: {  	v6 =	vadd.f32 v39, v6;
	v39 =	vld [tilespmem:$0x1DD70]  }
0x35a: {  	v1 =	vadd.f32 v60, v4;
	v4 =	vld [tilespmem:$0x1DD30]  }
0x35b: {  	v60 =	vld [tilespmem:$0x1DD80];
	v19 =	vadd.f32 v61, v19  }
0x35c: {  	v61 =	vld [tilespmem:$0x2970]  }
0x35d: {  	v19 =	vadd.f32 v62, v19;
	v62 =	vld [tilespmem:$0x1DE60]  }
0x35e: {  	v17 =	vadd.f32 v17, v5;
	v5 =	vld [tilespmem:$0x26E0]  }
0x35f: {  	v19 =	vadd.f32 v63, v19;
	v63 =	vld [tilespmem:$0x29B0]  }
0x360: {  	v2 =	vadd.f32 v4, v0;
	v4 =	vld [tilespmem:$0x26D0]  }
0x361: {  	v0 =	vadd.f32 v24, v6;
	v6 =	vld [tilespmem:$0x1DD90]  }
0x362: {  	v24 =	vadd.f32 v37, v1;
	v1 =	vld [tilespmem:$0x28F0]  }
0x363: {  	v7 =	vadd.f32 v7, v19;
	v19 =	vld [tilespmem:$0x27C0]  }
0x364: {  	v2 =	vadd.f32 v39, v2;
	v39 =	vld [tilespmem:$0x1DDA0]  }
0x365: {  	v37 =	vadd.f32 v60, v0;
	v60 =	vld [tilespmem:$0x1DDB0]  }
0x366: {  	v3 =	vadd.f32 $0.0e+00, v3;
	v7 =	vadd.f32 v8, v7;
	v8 =	vld [tilespmem:$0x27D0]  }
0x367: {  	v0 =	vadd.f32 $0.0e+00, v6;
	v6 =	vld [tilespmem:$0x26F0]  }
0x368: {  	v1 =	vadd.f32 v1, v3;
	v3 =	vld [tilespmem:$0x2710];
	v7 =	vadd.f32 v9, v7  }
0x369: {  	v9 =	vld [tilespmem:$0x27E0]  }
0x36a: {  	v0 =	vadd.f32 v60, v0;
	v60 =	vld [tilespmem:$0x1DDC0];
	v7 =	vadd.f32 v10, v7  }
0x36b: {  	v39 =	vadd.f32 v39, v2;
	v2 =	vld [tilespmem:$0x2900]  }
0x36c: {  	v10 =	vld [tilespmem:$0x27F0];
	v7 =	vadd.f32 v11, v7  }
0x36d: {  	v11 =	vld [tilespmem:$0x2800]  }
0x36e: {  	v7 =	vadd.f32 v12, v7;
	v12 =	vld [tilespmem:$0x2810]  }
0x36f: {  	v0 =	vadd.f32 v60, v0;
	v60 =	vld [tilespmem:$0x1DDD0]  }
0x370: {  	v1 =	vadd.f32 v2, v1;
	v2 =	vld [tilespmem:$0x2720]  }
0x371: {  	v7 =	vadd.f32 v13, v7;
	v13 =	vld [tilespmem:$0x2820]  }
0x372: {  	v1 =	vadd.f32 v25, v1;
	v25 =	vld [tilespmem:$0x2730]  }
0x373: {  	v4 =	vadd.f32 v4, v7;
	v7 =	vld [tilespmem:$0x2830]  }
0x374: {  	v1 =	vadd.f32 v28, v1;
	v28 =	vld [tilespmem:$0x2740]  }
0x375: {  	v0 =	vadd.f32 v60, v0;
	v60 =	vld [tilespmem:$0x1DDE0]  }
0x376: {  	v4 =	vadd.f32 v5, v4;
	v5 =	vld [tilespmem:$0x2840]  }
0x377: {  	v1 =	vadd.f32 v38, v1;
	v38 =	vld [tilespmem:$0x2750]  }
0x378: {  	v4 =	vadd.f32 v6, v4;
	v6 =	vld [tilespmem:$0x2850]  }
0x379: {  	v1 =	vadd.f32 v42, v1;
	v42 =	vld [tilespmem:$0x2760]  }
0x37a: {  	v4 =	vadd.f32 v48, v4;
	v48 =	vld [tilespmem:$0x2B00]  }
0x37b: {  	v0 =	vadd.f32 v60, v0;
	v60 =	vld [tilespmem:$0x1DE00]  }
0x37c: {  	v1 =	vadd.f32 v56, v1;
	v56 =	vld [tilespmem:$0x1DE30]  }
0x37d: {  	v3 =	vadd.f32 v3, v4;
	v4 =	vld [tilespmem:$0x2870]  }
0x37e: {  	v0 =	vadd.f32 v59, v0;
	v59 =	vld [tilespmem:$0x2960]  }
0x37f: {  	v2 =	vadd.f32 v2, v3;
	v3 =	vld [tilespmem:$0x2880]  }
0x380: {  	v0 =	vadd.f32 v60, v0;
	v60 =	vld [tilespmem:$0x1DE20]  }
0x381: {  	v2 =	vadd.f32 v25, v2;
	v25 =	vld [tilespmem:$0x2A80]  }
0x382: {  	v0 =	vadd.f32 v57, v0;
	v57 =	vld [tilespmem:$0x2980]  }
0x383: {  	v1 =	vadd.f32 v59, v1;
	v59 =	vld [tilespmem:$0x2990]  }
0x384: {  	v2 =	vadd.f32 v28, v2;
	v28 =	vld [tilespmem:$0x2A90]  }
0x385: {  	v1 =	vadd.f32 v61, v1;
	v61 =	vld [tilespmem:$0x29A0]  }
0x386: {  	v2 =	vadd.f32 v38, v2;
	v38 =	vld [tilespmem:$0x1DF80]  }
0x387: {  	v0 =	vadd.f32 v60, v0;
	v60 =	vld [tilespmem:$0x1DE50]  }
0x388: {  	v2 =	vadd.f32 v42, v2;
	v42 =	vld [tilespmem:$0x1DF90]  }
0x389: {  	v0 =	vadd.f32 v56, v0;
	v56 =	vld [tilespmem:$0x29C0]  }
0x38a: {  	v1 =	vadd.f32 v57, v1;
	v57 =	vld [tilespmem:$0x1DE80]  }
0x38b: {  	v2 =	vadd.f32 v47, v2;
	v47 =	vld [tilespmem:$0x1DFA0]  }
0x38c: {  	v0 =	vadd.f32 v58, v0;
	v1 =	vadd.f32 v59, v1;
	v58 =	vld [tilespmem:$0x29D0]  }
0x38d: {  	v59 =	vld [tilespmem:$0x1DE90]  }
0x38e: {  	v2 =	vadd.f32 v45, v2;
	v45 =	vld [tilespmem:$0x2AF0];
	v1 =	vadd.f32 v61, v1  }
0x38f: {  	v0 =	vadd.f32 v60, v0;
	v60 =	vld [tilespmem:$0x29E0]  }
0x390: {  	v61 =	vld [tilespmem:$0x1DEA0];
	v1 =	vadd.f32 v63, v1  }
0x391: {  	v2 =	vadd.f32 v43, v2;
	v43 =	vld [tilespmem:$0x2AE0]  }
0x392: {  	v0 =	vadd.f32 v62, v0;
	v62 =	vld [tilespmem:$0x29F0];
	v1 =	vadd.f32 v56, v1  }
0x393: {  	v63 =	vld [tilespmem:$0x1DEB0]  }
0x394: {  	v2 =	vadd.f32 v49, v2;
	v49 =	vld [tilespmem:$0x2B10];
	v1 =	vadd.f32 v58, v1  }
0x395: {  	v0 =	vadd.f32 v53, v0;
	v53 =	vld [tilespmem:$0x2A30]  }
0x396: {  	v56 =	vld [tilespmem:$0x1DEF0];
	v1 =	vadd.f32 v60, v1  }
0x397: {  	v2 =	vadd.f32 v33, v2;
	v33 =	vld [tilespmem:$0x2B70];
	v0 =	vadd.f32 v57, v0  }
0x398: {  	v57 =	vld [tilespmem:$0x2A40];
	v1 =	vadd.f32 v62, v1  }
0x399: {  	v58 =	vld [tilespmem:$0x1DF00];
	v0 =	vadd.f32 v59, v0  }
0x39a: {  	v2 =	vadd.f32 v19, v2;
	v59 =	vld [tilespmem:$0x2A50];
	v1 =	vadd.f32 v21, v1  }
0x39b: {  	v60 =	vld [tilespmem:$0x1DF10];
	v0 =	vadd.f32 v61, v0  }
0x39c: {  	v2 =	vadd.f32 v8, v2;
	v8 =	vld [tilespmem:$0x2BF0];
	v1 =	vadd.f32 v29, v1  }
0x39d: {  	v61 =	vld [tilespmem:$0x2A60];
	v0 =	vadd.f32 v63, v0  }
0x39e: {  	v62 =	vld [tilespmem:$0x1DF20];
	v1 =	vadd.f32 v51, v1  }
0x39f: {  	v2 =	vadd.f32 v9, v2;
	v63 =	vld [tilespmem:$0x2A70];
	v0 =	vadd.f32 v22, v0  }
0x3a0: {  	v21 =	vld [tilespmem:$0x28C0];
	v1 =	vadd.f32 v53, v1  }
0x3a1: {  	v2 =	vadd.f32 v10, v2;
	v29 =	vld [tilespmem:$0x1DF50];
	v0 =	vadd.f32 v50, v0  }
0x3a2: {  	v22 =	vld [tilespmem:$0x28D0];
	v1 =	vadd.f32 v57, v1  }
0x3a3: {  	v2 =	vadd.f32 v11, v2;
	v50 =	vld [tilespmem:$0x1DFB0];
	v0 =	vadd.f32 v52, v0  }
0x3a4: {  	v51 =	vld [tilespmem:$0x2B20];
	v1 =	vadd.f32 v59, v1  }
0x3a5: {  	v2 =	vadd.f32 v12, v2;
	v12 =	vld [tilespmem:$0x2BC0];
	v0 =	vadd.f32 v56, v0  }
0x3a6: {  	v52 =	vld [tilespmem:$0x2B30];
	v1 =	vadd.f32 v61, v1  }
0x3a7: {  	v53 =	vld [tilespmem:$0x1DFC0];
	v0 =	vadd.f32 v58, v0  }
0x3a8: {  	v2 =	vadd.f32 v13, v2;
	v13 =	vld [tilespmem:$0x2BE0];
	v1 =	vadd.f32 v63, v1  }
0x3a9: {  	v56 =	vld [tilespmem:$0x2B50];
	v0 =	vadd.f32 v60, v0  }
0x3aa: {  	v57 =	vld [tilespmem:$0x1DFD0];
	v1 =	vadd.f32 v25, v1  }
0x3ab: {  	v58 =	vld [tilespmem:$0x2B60];
	v0 =	vadd.f32 v62, v0  }
0x3ac: {  	v59 =	vld [tilespmem:$0x1E030];
	v1 =	vadd.f32 v28, v1  }
0x3ad: {  	v60 =	vld [tilespmem:$0x1E040];
	v0 =	vadd.f32 v23, v0  }
0x3ae: {  	v61 =	vld [tilespmem:$0x1E050];
	v1 =	vadd.f32 v30, v1  }
0x3af: {  	v62 =	vld [tilespmem:$0x1E060];
	v0 =	vadd.f32 v26, v0  }
0x3b0: {  	v63 =	vld [tilespmem:$0x1E070];
	v1 =	vadd.f32 v32, v1  }
0x3b1: {  	v25 =	vld [tilespmem:$0x2B90];
	v0 =	vadd.f32 v29, v0  }
0x3b2: {  	v26 =	vld [tilespmem:$0x2BD0];
	v1 =	vadd.f32 v36, v1  }
0x3b3: {  	v28 =	vld [tilespmem:$0x1E080];
	v0 =	vadd.f32 v31, v0  }
0x3b4: {  	v29 =	vld [tilespmem:$0x1E090];
	v1 =	vadd.f32 v41, v1  }
0x3b5: {  	v30 =	vld [tilespmem:$0x1E0A0];
	v0 =	vadd.f32 v34, v0  }
0x3b6: {  	v32 =	vld [tilespmem:$0x1DFE0];
	v1 =	vadd.f32 v43, v1  }
0x3b7: {  	v31 =	vld [tilespmem:$0x1E0B0];
	v0 =	vadd.f32 v38, v0  }
0x3b8: {  	v34 =	vld [tilespmem:$0x1DFF0];
	v1 =	vadd.f32 v45, v1  }
0x3b9: {  	v36 =	vld [tilespmem:$0x1E100];
	v0 =	vadd.f32 v42, v0  }
0x3ba: {  	v38 =	vld [tilespmem:$0x2C10];
	v1 =	vadd.f32 v48, v1  }
0x3bb: {  	v41 =	vld [tilespmem:$0x2C20];
	v0 =	vadd.f32 v47, v0  }
0x3bc: {  	v14 =	vadd.f32 v32, v14;
	v32 =	vld [tilespmem:$0x1E0C0];
	v1 =	vadd.f32 v49, v1  }
0x3bd: {  	v47 =	vld [tilespmem:$0x1E010];
	v0 =	vadd.f32 v50, v0  }
0x3be: {  	v45 =	vld [tilespmem:$0x2C50];
	v1 =	vadd.f32 v51, v1  }
0x3bf: {  	v48 =	vld [tilespmem:$0x2BA0];
	v0 =	vadd.f32 v53, v0  }
0x3c0: {  	v50 =	vld [tilespmem:$0x2BB0];
	v1 =	vadd.f32 v52, v1  }
0x3c1: {  	v49 =	vld [tilespmem:$0x1E020];
	v0 =	vadd.f32 v57, v0  }
0x3c2: {  	v53 =	vld [tilespmem:$0x2C00];
	v1 =	vadd.f32 v54, v1  }
0x3c3: {  	v57 =	vld [tilespmem:$0x2C90];
	v0 =	vadd.f32 v34, v0  }
0x3c4: {  	v34 =	vld [tilespmem:$0x1E0E0];
	v1 =	vadd.f32 v56, v1  }
0x3c5: {  	v0 =	vadd.f32 v47, v0;
	v54 =	vld [tilespmem:$0x2C60]  }
0x3c6: {  	v56 =	vld [tilespmem:$0x2C80];
	v1 =	vadd.f32 v58, v1  }
0x3c7: {  	v0 =	vadd.f32 v59, v0;
	v59 =	vld [tilespmem:$0x2CA0]  }
0x3c8: {  	v58 =	vld [tilespmem:$0x2C40];
	v1 =	vadd.f32 v33, v1  }
0x3c9: {  	v33 =	vld [tilespmem:$0x1E0D0]  }
0x3ca: {  	v1 =	vadd.f32 v35, v1;
	v35 =	vld [tilespmem:$0x1E0F0]  }
0x3cb: {  	v42 =	vld [tilespmem:$0x1E120]  }
0x3cc: {  	v2 =	vadd.f32 v7, v2;
	v43 =	vld [tilespmem:$0x2CB0]  }
0x3cd: {  	v14 =	vadd.f32 v46, v14;
	v46 =	vld [tilespmem:$0x1E130]  }
0x3ce: {  	v2 =	vadd.f32 v5, v2;
	v47 =	vld [tilespmem:$0x2CC0]  }
0x3cf: {  	v14 =	vadd.f32 v49, v14;
	v49 =	vld [tilespmem:$0x2CD0]  }
0x3d0: {  	v2 =	vadd.f32 v6, v2;
	v51 =	vld [tilespmem:$0x1E160]  }
0x3d1: {  	v52 =	vld [tilespmem:$0x2CE0]  }
0x3d2: {  	v2 =	vadd.f32 v15, v2;
	v14 =	vadd.f32 v60, v14;
	v60 =	vld [tilespmem:$0x1E170]  }
0x3d3: {  	v0 =	vadd.f32 v61, v0;
	v61 =	vld [tilespmem:$0x1E180]  }
0x3d4: {  	v2 =	vadd.f32 v4, v2;
	v14 =	vadd.f32 v62, v14;
	v62 =	vld [tilespmem:$0x2CF0]  }
0x3d5: {  	v0 =	vadd.f32 v63, v0;
	v63 =	vld [tilespmem:$0x1E190]  }
0x3d6: {  	v2 =	vadd.f32 v3, v2;
	v9 =	vld [tilespmem:$0x2D00]  }
0x3d7: {  	v10 =	vld [tilespmem:$0x1E1A0]  }
0x3d8: {  	v2 =	vadd.f32 v16, v2;
	v11 =	vld [tilespmem:$0x2D10]  }
0x3d9: {  	v7 =	vadd.f32 v28, v14;
	v14 =	vld [tilespmem:$0x2D20]  }
0x3da: {  	v2 =	vadd.f32 v18, v2;
	v15 =	vld [tilespmem:$0x1E1C0]  }
0x3db: {  	v16 =	vld [tilespmem:$0x2D30]  }
0x3dc: {  	v2 =	vadd.f32 v20, v2;
	v18 =	vld [tilespmem:$0x2D40]  }
0x3dd: {  	v19 =	vld [tilespmem:$0x2D50]  }
0x3de: {  	v2 =	vadd.f32 v21, v2;
	v20 =	vld [tilespmem:$0x2D60]  }
0x3df: {  	v21 =	vld [tilespmem:$0x2D70]  }
0x3e0: {  	[tilespmem:$0x6AC0] =	vst v17;
	v17 =	vadd.f32 v22, v2;
	v22 =	vld [tilespmem:$0x2D80]  }
0x3e1: {  	v23 =	vld [tilespmem:$0x2D90]  }
0x3e2: {  	[tilespmem:$0x6AD0] =	vst v24;
	v24 =	vld [tilespmem:$0x2DA0]  }
0x3e3: {  	v27 =	vld [tilespmem:$0x2DD0]  }
0x3e4: {  	v28 =	vld [tilespmem:$0x2DE0]  }
0x3e5: {  	v0 =	vadd.f32 v29, v0;
	v29 =	vld [tilespmem:$0x2DF0]  }
0x3e6: {  	v5 =	vadd.f32 v30, v7;
	v30 =	vld [tilespmem:$0x2E00]  }
0x3e7: {  	[tilespmem:$0x6AE0] =	vst v37;
	v37 =	vld [tilespmem:$0x2E70]  }
0x3e8: {  	[tilespmem:$0x6AF0] =	vst v39;
	v39 =	vld [tilespmem:$0x2E80]  }
0x3e9: {  	v2 =	vld [tilespmem:$0x2F30]  }
0x3ea: {  	v6 =	vld [tilespmem:$0x2F70]  }
0x3eb: {  	v7 =	vld [tilespmem:$0x2F80]  }
0x3ec: {  	v5 =	vadd.f32 v32, v5;
	v32 =	vld [tilespmem:$0x2E20]  }
0x3ed: {  	v1 =	vadd.f32 v25, v1;
	v25 =	vld [tilespmem:$0x2DB0]  }
0x3ee: {  	v0 =	vadd.f32 v31, v0;
	v31 =	vld [tilespmem:$0x2E10]  }
0x3ef: {  	[tilespmem:$0x6B20] =	vst v17;
	v17 =	vld [tilespmem:$0x3020]  }
0x3f0: {  	v5 =	vadd.f32 v34, v5;
	v34 =	vld [tilespmem:$0x2E40]  }
0x3f1: {  	v1 =	vadd.f32 v48, v1;
	v48 =	vld [tilespmem:$0x1E140]  }
0x3f2: {  	v0 =	vadd.f32 v33, v0;
	v33 =	vld [tilespmem:$0x2E30]  }
0x3f3: {  	v4 =	vadd.f32 v36, v5;
	v36 =	vld [tilespmem:$0x2E60]  }
0x3f4: {  	[tilespmem:$0x1E1D0] =	vst v43;
	v43 =	vld [tilespmem:$0x2EB0]  }
0x3f5: {  	[tilespmem:$0x1E1E0] =	vst v47;
	v47 =	vld [tilespmem:$0x2ED0]  }
0x3f6: {  	[tilespmem:$0x1E1F0] =	vst v49;
	v49 =	vld [tilespmem:$0x2EF0]  }
0x3f7: {  	v5 =	vld [tilespmem:$0x2F60]  }
0x3f8: {  	[tilespmem:$0x1E220] =	vst v9;
	v9 =	vld [tilespmem:$0x2FA0]  }
0x3f9: {  	[tilespmem:$0x1E230] =	vst v11;
	v11 =	vld [tilespmem:$0x2FC0]  }
0x3fa: {  	[tilespmem:$0x1E240] =	vst v14;
	v14 =	vld [tilespmem:$0x2FF0]  }
0x3fb: {  	[tilespmem:$0x1E250] =	vst v16;
	v16 =	vld [tilespmem:$0x3010]  }
0x3fc: {  	[tilespmem:$0x1E260] =	vst v18;
	v18 =	vld [tilespmem:$0x3030]  }
0x3fd: {  	[tilespmem:$0x1E270] =	vst v19;
	v19 =	vld [tilespmem:$0x3040]  }
0x3fe: {  	[tilespmem:$0x1E280] =	vst v20;
	v20 =	vld [tilespmem:$0x3050]  }
0x3ff: {  	[tilespmem:$0x1E2A0] =	vst v22;
	v22 =	vld [tilespmem:$0x3060]  }
0x400: {  	[tilespmem:$0x1E2B0] =	vst v23;
	v23 =	vld [tilespmem:$0x3070]  }
0x401: {  	[tilespmem:$0x1E2F0] =	vst v27;
	v27 =	vld [tilespmem:$0x3080]  }
0x402: {  	[tilespmem:$0x1E300] =	vst v28;
	v28 =	vld [tilespmem:$0x3090]  }
0x403: {  	[tilespmem:$0x1E320] =	vst v30;
	v30 =	vld [tilespmem:$0x30A0]  }
0x404: {  	[tilespmem:$0x1E3B0] =	vst v37;
	v37 =	vld [tilespmem:$0x30F0]  }
0x405: {  	[tilespmem:$0x1E3D0] =	vst v39;
	v39 =	vld [tilespmem:$0x3100]  }
0x406: {  	[tilespmem:$0x6AB0] =	vst v60;
	v60 =	vld [tilespmem:$0x3150]  }
0x407: {  	[tilespmem:$0x1E200] =	vst v52;
	v52 =	vld [tilespmem:$0x3170]  }
0x408: {  	[tilespmem:$0x1E210] =	vst v62;
	v62 =	vld [tilespmem:$0x3190]  }
0x409: {  	[tilespmem:$0x1E290] =	vst v21;
	v21 =	vld [tilespmem:$0x31A0]  }
0x40a: {  	[tilespmem:$0x1E2C0] =	vst v24;
	v24 =	vld [tilespmem:$0x31B0]  }
0x40b: {  	[tilespmem:$0x1E310] =	vst v29;
	v29 =	vld [tilespmem:$0x31E0]  }
0x40c: {  	v1 =	vadd.f32 v50, v1;
	v50 =	vld [tilespmem:$0x1E150]  }
0x40d: {  	v0 =	vadd.f32 v35, v0;
	v35 =	vld [tilespmem:$0x2E50]  }
0x40e: {  	[tilespmem:$0x1E340] =	vst v32;
	v32 =	vld [tilespmem:$0x30C0]  }
0x40f: {  	v3 =	vadd.f32 v42, v4;
	v42 =	vld [tilespmem:$0x2EA0]  }
0x410: {  	v4 =	vld [tilespmem:$0x2F50]  }
0x411: {  	[tilespmem:$0x1E330] =	vst v31;
	v31 =	vld [tilespmem:$0x30B0]  }
0x412: {  	[tilespmem:$0x1E2D0] =	vst v25;
	v25 =	vld [tilespmem:$0x31C0]  }
0x413: {  	v1 =	vadd.f32 v12, v1;
	v12 =	vld [tilespmem:$0x1E1B0]  }
0x414: {  	v0 =	vadd.f32 v40, v0;
	v40 =	vld [tilespmem:$0x2E90]  }
0x415: {  	[tilespmem:$0x1E360] =	vst v34;
	v34 =	vld [tilespmem:$0x3200]  }
0x416: {  	v3 =	vadd.f32 v48, v3;
	v48 =	vld [tilespmem:$0x2EE0]  }
0x417: {  	[tilespmem:$0x1E350] =	vst v33;
	v33 =	vld [tilespmem:$0x31F0]  }
0x418: {  	v1 =	vadd.f32 v26, v1;
	v26 =	vld [tilespmem:$0x2DC0]  }
0x419: {  	v0 =	vadd.f32 v46, v0;
	v46 =	vld [tilespmem:$0x2EC0]  }
0x41a: {  	[tilespmem:$0x1E390] =	vst v36;
	v36 =	vld [tilespmem:$0x30E0]  }
0x41b: {  	[tilespmem:$0x1E430] =	vst v43;
	v43 =	vld [tilespmem:$0x3110]  }
0x41c: {  	[tilespmem:$0x1E470] =	vst v47;
	v47 =	vld [tilespmem:$0x3230]  }
0x41d: {  	[tilespmem:$0x1E4B0] =	vst v49;
	v49 =	vld [tilespmem:$0x3240]  }
0x41e: {  	[tilespmem:$0x1E380] =	vst v52;
	v52 =	vld [tilespmem:$0x3260]  }
0x41f: {  	[tilespmem:$0x1E3C0] =	vst v62;
	v62 =	vld [tilespmem:$0x3280]  }
0x420: {  	[tilespmem:$0x1E3E0] =	vst v21;
	v21 =	vld [tilespmem:$0x3290]  }
0x421: {  	[tilespmem:$0x1E400] =	vst v24;
	v24 =	vld [tilespmem:$0x32A0]  }
0x422: {  	[tilespmem:$0x1E460] =	vst v29;
	v29 =	vld [tilespmem:$0x32D0]  }
0x423: {  	[tilespmem:$0x6AA0] =	vst v50;
	v50 =	vld [tilespmem:$0x2F00]  }
0x424: {  	[tilespmem:$0x1E370] =	vst v35;
	v35 =	vld [tilespmem:$0x30D0]  }
0x425: {  	v3 =	vadd.f32 v61, v3;
	v61 =	vld [tilespmem:$0x3180]  }
0x426: {  	v0 =	vadd.f32 v51, v0;
	v51 =	vld [tilespmem:$0x2F10]  }
0x427: {  	v1 =	vadd.f32 v13, v1;
	v13 =	vld [tilespmem:$0x2FE0]  }
0x428: {  	[tilespmem:$0x1E410] =	vst v42;
	v42 =	vld [tilespmem:$0x3220]  }
0x429: {  	[tilespmem:$0x1E420] =	vst v25;
	v25 =	vld [tilespmem:$0x32B0]  }
0x42a: {  	v3 =	vadd.f32 v10, v3;
	v10 =	vld [tilespmem:$0x2FB0]  }
0x42b: {  	[tilespmem:$0x1E3F0] =	vst v40;
	v40 =	vld [tilespmem:$0x3210]  }
0x42c: {  	[tilespmem:$0x1E4A0] =	vst v34;
	v34 =	vld [tilespmem:$0x32F0]  }
0x42d: {  	v1 =	vadd.f32 v8, v1;
	v8 =	vld [tilespmem:$0x2F90]  }
0x42e: {  	[tilespmem:$0x1E490] =	vst v48;
	v48 =	vld [tilespmem:$0x3130]  }
0x42f: {  	v0 =	vadd.f32 v63, v0;
	v63 =	vld [tilespmem:$0x3160]  }
0x430: {  	[tilespmem:$0x1E480] =	vst v33;
	v33 =	vld [tilespmem:$0x32E0]  }
0x431: {  	v3 =	vadd.f32 v15, v3;
	v15 =	vld [tilespmem:$0x3000]  }
0x432: {  	[tilespmem:$0x1E450] =	vst v46;
	v46 =	vld [tilespmem:$0x3120]  }
0x433: {  	[tilespmem:$0x1E2E0] =	vst v26;
	v26 =	vld [tilespmem:$0x31D0]  }
0x434: {  	[tilespmem:$0x1E510] =	vst v47;
	v47 =	vld [tilespmem:$0x3320]  }
0x435: {  	[tilespmem:$0x1E500] =	vst v49;
	v49 =	vld [tilespmem:$0x3330]  }
0x436: {  	[tilespmem:$0x1E530] =	vst v52;
	v52 =	vld [tilespmem:$0x3350]  }
0x437: {  	[tilespmem:$0x1E560] =	vst v62;
	v62 =	vld [tilespmem:$0x3370]  }
0x438: {  	[tilespmem:$0x1E580] =	vst v21;
	v21 =	vld [tilespmem:$0x3380]  }
0x439: {  	[tilespmem:$0x1E5A0] =	vst v24;
	v24 =	vld [tilespmem:$0x3390]  }
0x43a: {  	[tilespmem:$0x1E600] =	vst v29;
	v29 =	vld [tilespmem:$0x33C0]  }
0x43b: {  	[tilespmem:$0x6B30] =	vst v1;
	v1 =	vld [tilespmem:$0x2F20]  }
0x43c: {  	v0 =	vadd.f32 v12, v0;
	v12 =	vld [tilespmem:$0x2FD0]  }
0x43d: {  	[tilespmem:$0x1E4D0] =	vst v50;
	v50 =	vld [tilespmem:$0x3250]  }
0x43e: {  	[tilespmem:$0x1E3A0] =	vst v61;
	v61 =	vld [tilespmem:$0x3270]  }
0x43f: {  	[tilespmem:$0x6B10] =	vst v3;
	v3 =	vld [tilespmem:$0x2F40]  }
0x440: {  	[tilespmem:$0x1E4F0] =	vst v51;
	v51 =	vld [tilespmem:$0x3140]  }
0x441: {  	[tilespmem:$0x1E4E0] =	vst v42;
	v42 =	vld [tilespmem:$0x3310]  }
0x442: {  	[tilespmem:$0x1E5C0] =	vst v25;
	v25 =	vld [tilespmem:$0x33A0]  }
0x443: {  	[tilespmem:$0x1E4C0] =	vst v40;
	v40 =	vld [tilespmem:$0x3300]  }
0x444: {  	[tilespmem:$0x1E640] =	vst v34;
	v34 =	vld [tilespmem:$0x33E0]  }
0x445: {  	[tilespmem:$0x6B00] =	vst v0;
	v0 =	vadd.f32 $0.0e+00, v53;
	v53 =	vld [tilespmem:$0x3940]  }
0x446: {  	[tilespmem:$0x1E620] =	vst v33;
	v33 =	vld [tilespmem:$0x33D0]  }
0x447: {  	[tilespmem:$0x1E440] =	vst v26;
	v26 =	vld [tilespmem:$0x32C0]  }
0x448: {  	[tilespmem:$0x1E6B0] =	vst v47;
	v47 =	vld [tilespmem:$0x3410]  }
0x449: {  	[tilespmem:$0x1E6E0] =	vst v49;
	v49 =	vld [tilespmem:$0x3420]  }
0x44a: {  	[tilespmem:$0x1E740] =	vst v52;
	v52 =	vld [tilespmem:$0x3440]  }
0x44b: {  	[tilespmem:$0x1E7A0] =	vst v62;
	v62 =	vld [tilespmem:$0x3460]  }
0x44c: {  	[tilespmem:$0x1E7D0] =	vst v21;
	v21 =	vld [tilespmem:$0x3470]  }
0x44d: {  	[tilespmem:$0x1E800] =	vst v24;
	v24 =	vld [tilespmem:$0x3480]  }
0x44e: {  	[tilespmem:$0x1E880] =	vst v29;
	v29 =	vld [tilespmem:$0x34B0]  }
0x44f: {  	v0 =	vadd.f32 v38, v0;
	v38 =	vld [tilespmem:$0x3980]  }
0x450: {  	[tilespmem:$0x1E520] =	vst v50;
	v50 =	vld [tilespmem:$0x3340]  }
0x451: {  	[tilespmem:$0x1E540] =	vst v61;
	v61 =	vld [tilespmem:$0x3360]  }
0x452: {  	[tilespmem:$0x1E680] =	vst v42;
	v42 =	vld [tilespmem:$0x3400]  }
0x453: {  	[tilespmem:$0x1E820] =	vst v25;
	v25 =	vld [tilespmem:$0x3490]  }
0x454: {  	v0 =	vadd.f32 v41, v0;
	v41 =	vld [tilespmem:$0x3990]  }
0x455: {  	[tilespmem:$0x1E660] =	vst v40;
	v40 =	vld [tilespmem:$0x33F0]  }
0x456: {  	[tilespmem:$0x1E8E0] =	vst v34;
	v34 =	vld [tilespmem:$0x34D0]  }
0x457: {  	[tilespmem:$0x1E690] =	vst v53;
	v53 =	vld [tilespmem:$0x3950]  }
0x458: {  	[tilespmem:$0x1E8B0] =	vst v33;
	v33 =	vld [tilespmem:$0x34C0]  }
0x459: {  	v0 =	vadd.f32 v44, v0;
	v44 =	vld [tilespmem:$0x39E0]  }
0x45a: {  	[tilespmem:$0x1E5E0] =	vst v26;
	v26 =	vld [tilespmem:$0x33B0]  }
0x45b: {  	[tilespmem:$0x1E970] =	vst v47;
	v47 =	vld [tilespmem:$0x3500]  }
0x45c: {  	[tilespmem:$0x1E9A0] =	vst v49;
	v49 =	vld [tilespmem:$0x3510]  }
0x45d: {  	[tilespmem:$0x1EA00] =	vst v52;
	v52 =	vld [tilespmem:$0x3530]  }
0x45e: {  	[tilespmem:$0x1EA60] =	vst v62;
	v62 =	vld [tilespmem:$0x3550]  }
0x45f: {  	[tilespmem:$0x1EA90] =	vst v21;
	v21 =	vld [tilespmem:$0x3590]  }
0x460: {  	[tilespmem:$0x1EAC0] =	vst v24;
	v24 =	vld [tilespmem:$0x35A0]  }
0x461: {  	[tilespmem:$0x1EB50] =	vst v29;
	v29 =	vld [tilespmem:$0x35D0]  }
0x462: {  	[tilespmem:$0x1E750] =	vst v38;
	v38 =	vld [tilespmem:$0x39B0]  }
0x463: {  	v1 =	vadd.f32 $0.0e+00, v1;
	[tilespmem:$0x1E710] =	vst v50;
	v50 =	vld [tilespmem:$0x3430]  }
0x464: {  	[tilespmem:$0x1E770] =	vst v61;
	v61 =	vld [tilespmem:$0x3450]  }
0x465: {  	v1 =	vadd.f32 v2, v1;
	v0 =	vadd.f32 v58, v0;
	v58 =	vld [tilespmem:$0x39C0]  }
0x466: {  	[tilespmem:$0x1E940] =	vst v42;
	v42 =	vld [tilespmem:$0x34F0]  }
0x467: {  	v1 =	vadd.f32 v3, v1;
	[tilespmem:$0x1EAF0] =	vst v25;
	v25 =	vld [tilespmem:$0x35B0]  }
0x468: {  	[tilespmem:$0x1E780] =	vst v41;
	v41 =	vld [tilespmem:$0x39D0]  }
0x469: {  	v1 =	vadd.f32 v4, v1;
	v4 =	vld [tilespmem:$0x3A20]  }
0x46a: {  	[tilespmem:$0x1E910] =	vst v40;
	v40 =	vld [tilespmem:$0x34E0]  }
0x46b: {  	[tilespmem:$0x1EBB0] =	vst v34;
	v34 =	vld [tilespmem:$0x35F0]  }
0x46c: {  	[tilespmem:$0x1E6C0] =	vst v53;
	v53 =	vld [tilespmem:$0x3960]  }
0x46d: {  	v0 =	vadd.f32 v45, v0;
	v45 =	vld [tilespmem:$0x39F0]  }
0x46e: {  	[tilespmem:$0x1EB80] =	vst v33;
	v33 =	vld [tilespmem:$0x35E0]  }
0x46f: {  	v1 =	vadd.f32 v5, v1;
	v5 =	vld [tilespmem:$0x3A30]  }
0x470: {  	[tilespmem:$0x1E860] =	vst v44;
	v44 =	vld [tilespmem:$0x3AA0]  }
0x471: {  	[tilespmem:$0x1E850] =	vst v26;
	v26 =	vld [tilespmem:$0x34A0]  }
0x472: {  	[tilespmem:$0x1EC70] =	vst v49;
	v49 =	vld [tilespmem:$0x3560]  }
0x473: {  	[tilespmem:$0x1ECF0] =	vst v52;
	v52 =	vld [tilespmem:$0x3570]  }
0x474: {  	[tilespmem:$0x1ED70] =	vst v62;
	v62 =	vld [tilespmem:$0x3580]  }
0x475: {  	[tilespmem:$0x1EC40] =	vst v47;
	v47 =	vld [tilespmem:$0x3620]  }
0x476: {  	[tilespmem:$0x1E550] =	vst v21;
	v21 =	vld [tilespmem:$0x3650]  }
0x477: {  	[tilespmem:$0x1E570] =	vst v24;
	v24 =	vld [tilespmem:$0x3660]  }
0x478: {  	[tilespmem:$0x1E5D0] =	vst v29;
	v29 =	vld [tilespmem:$0x3690]  }
0x479: {  	v0 =	vadd.f32 v54, v0;
	v54 =	vld [tilespmem:$0x3A10]  }
0x47a: {  	[tilespmem:$0x1E7E0] =	vst v38;
	v38 =	vld [tilespmem:$0x3A90]  }
0x47b: {  	[tilespmem:$0x1E9D0] =	vst v50;
	v50 =	vld [tilespmem:$0x3520]  }
0x47c: {  	[tilespmem:$0x1EA30] =	vst v61;
	v61 =	vld [tilespmem:$0x3540]  }
0x47d: {  	v1 =	vadd.f32 v6, v1;
	v6 =	vld [tilespmem:$0x3A40]  }
0x47e: {  	[tilespmem:$0x1EC10] =	vst v42;
	v42 =	vld [tilespmem:$0x3610]  }
0x47f: {  	[tilespmem:$0x1E590] =	vst v25;
	v25 =	vld [tilespmem:$0x3670]  }
0x480: {  	[tilespmem:$0x1E830] =	vst v41;
	v41 =	vld [tilespmem:$0x1E1D0]  }
0x481: {  	v0 =	vadd.f32 v55, v0;
	v55 =	vld [tilespmem:$0x3AD0]  }
0x482: {  	[tilespmem:$0x1E920] =	vst v4;
	v4 =	vld [tilespmem:$0x1E200]  }
0x483: {  	[tilespmem:$0x1EBE0] =	vst v40;
	v40 =	vld [tilespmem:$0x3600]  }
0x484: {  	[tilespmem:$0x1E610] =	vst v34;
	v34 =	vld [tilespmem:$0x36B0]  }
0x485: {  	[tilespmem:$0x1E6F0] =	vst v53;
	v53 =	vld [tilespmem:$0x3970]  }
0x486: {  	v1 =	vadd.f32 v7, v1;
	v7 =	vld [tilespmem:$0x3A50]  }
0x487: {  	[tilespmem:$0x1E890] =	vst v45;
	v45 =	vld [tilespmem:$0x3AB0]  }
0x488: {  	[tilespmem:$0x1E5F0] =	vst v33;
	v33 =	vld [tilespmem:$0x36A0]  }
0x489: {  	v0 =	vadd.f32 v56, v0;
	v56 =	vld [tilespmem:$0x1E1F0]  }
0x48a: {  	[tilespmem:$0x1E950] =	vst v5;
	v5 =	vld [tilespmem:$0x3B00]  }
0x48b: {  	[tilespmem:$0x1EAA0] =	vst v44;
	v44 =	vld [tilespmem:$0x3C90]  }
0x48c: {  	[tilespmem:$0x1EB20] =	vst v26;
	v26 =	vld [tilespmem:$0x35C0]  }
0x48d: {  	[tilespmem:$0x1E670] =	vst v47;
	v47 =	vld [tilespmem:$0x36E0]  }
0x48e: {  	[tilespmem:$0x1E700] =	vst v21;
	v21 =	vld [tilespmem:$0x3710]  }
0x48f: {  	[tilespmem:$0x1E730] =	vst v24;
	v24 =	vld [tilespmem:$0x3720]  }
0x490: {  	[tilespmem:$0x1E7C0] =	vst v29;
	v29 =	vld [tilespmem:$0x3750]  }
0x491: {  	v1 =	vadd.f32 v8, v1;
	v8 =	vld [tilespmem:$0x3A60]  }
0x492: {  	[tilespmem:$0x1E8F0] =	vst v54;
	v54 =	vld [tilespmem:$0x3AC0]  }
0x493: {  	[tilespmem:$0x1EA70] =	vst v38;
	v38 =	vld [tilespmem:$0x3C80]  }
0x494: {  	[tilespmem:$0x1ECB0] =	vst v50;
	v50 =	vld [tilespmem:$0x3630]  }
0x495: {  	[tilespmem:$0x1ED30] =	vst v61;
	v61 =	vld [tilespmem:$0x3640]  }
0x496: {  	v0 =	vadd.f32 v57, v0;
	v57 =	vld [tilespmem:$0x3AE0]  }
0x497: {  	[tilespmem:$0x1E980] =	vst v6;
	v6 =	vld [tilespmem:$0x3B10]  }
0x498: {  	[tilespmem:$0x1E650] =	vst v42;
	v42 =	vld [tilespmem:$0x36D0]  }
0x499: {  	[tilespmem:$0x1E760] =	vst v25;
	v25 =	vld [tilespmem:$0x3730]  }
0x49a: {  	v1 =	vadd.f32 v9, v1;
	v9 =	vld [tilespmem:$0x3A70]  }
0x49b: {  	[tilespmem:$0x1EB30] =	vst v55;
	v55 =	vld [tilespmem:$0x3C10]  }
0x49c: {  	[tilespmem:$0x1E630] =	vst v40;
	v40 =	vld [tilespmem:$0x36C0]  }
0x49d: {  	[tilespmem:$0x1E810] =	vst v34;
	v34 =	vld [tilespmem:$0x3770]  }
0x49e: {  	[tilespmem:$0x1E720] =	vst v53;
	v53 =	vld [tilespmem:$0x39A0]  }
0x49f: {  	v0 =	vadd.f32 v59, v0;
	v59 =	vld [tilespmem:$0x3AF0]  }
0x4a0: {  	[tilespmem:$0x1E9B0] =	vst v7;
	v7 =	vld [tilespmem:$0x1E210]  }
0x4a1: {  	[tilespmem:$0x1EAD0] =	vst v45;
	v45 =	vld [tilespmem:$0x3CA0]  }
0x4a2: {  	[tilespmem:$0x1E7F0] =	vst v33;
	v33 =	vld [tilespmem:$0x3760]  }
0x4a3: {  	v1 =	vadd.f32 v10, v1;
	v10 =	vld [tilespmem:$0x3A80]  }
0x4a4: {  	[tilespmem:$0x1E5B0] =	vst v26;
	v26 =	vld [tilespmem:$0x3680]  }
0x4a5: {  	[tilespmem:$0x1E8A0] =	vst v47;
	v47 =	vld [tilespmem:$0x37A0]  }
0x4a6: {  	[tilespmem:$0x1E930] =	vst v21;
	v21 =	vld [tilespmem:$0x37D0]  }
0x4a7: {  	[tilespmem:$0x1E960] =	vst v24;
	v24 =	vld [tilespmem:$0x37E0]  }
0x4a8: {  	[tilespmem:$0x1E9F0] =	vst v29;
	v29 =	vld [tilespmem:$0x3810]  }
0x4a9: {  	[tilespmem:$0x1E9E0] =	vst v8;
	v8 =	vld [tilespmem:$0x3B20]  }
0x4aa: {  	v0 =	vadd.f32 v41, v0;
	v41 =	vld [tilespmem:$0x3CB0]  }
0x4ab: {  	[tilespmem:$0x1E6A0] =	vst v50;
	v50 =	vld [tilespmem:$0x36F0]  }
0x4ac: {  	[tilespmem:$0x1E6D0] =	vst v61;
	v61 =	vld [tilespmem:$0x3700]  }
0x4ad: {  	v1 =	vadd.f32 v11, v1;
	v11 =	vld [tilespmem:$0x3B40]  }
0x4ae: {  	[tilespmem:$0x1EBF0] =	vst v6;
	v6 =	vld [tilespmem:$0x3BD0]  }
0x4af: {  	[tilespmem:$0x1EB60] =	vst v57;
	v57 =	vld [tilespmem:$0x3C70]  }
0x4b0: {  	[tilespmem:$0x1E870] =	vst v42;
	v42 =	vld [tilespmem:$0x3790]  }
0x4b1: {  	[tilespmem:$0x1E990] =	vst v25;
	v25 =	vld [tilespmem:$0x37F0]  }
0x4b2: {  	[tilespmem:$0x1EA10] =	vst v9;
	v9 =	vld [tilespmem:$0x3B30]  }
0x4b3: {  	[tilespmem:$0x1E840] =	vst v40;
	v40 =	vld [tilespmem:$0x3780]  }
0x4b4: {  	[tilespmem:$0x1EA50] =	vst v34;
	v34 =	vld [tilespmem:$0x3830]  }
0x4b5: {  	[tilespmem:$0x1E7B0] =	vst v53;
	v53 =	vld [tilespmem:$0x3A00]  }
0x4b6: {  	v1 =	vadd.f32 v12, v1;
	v12 =	vld [tilespmem:$0x3B50]  }
0x4b7: {  	[tilespmem:$0x1EB90] =	vst v59;
	v59 =	vld [tilespmem:$0x3C60]  }
0x4b8: {  	[tilespmem:$0x1EA20] =	vst v33;
	v33 =	vld [tilespmem:$0x3820]  }
0x4b9: {  	[tilespmem:$0x1EA40] =	vst v10;
	v10 =	vld [tilespmem:$0x1E220]  }
0x4ba: {  	[tilespmem:$0x1E790] =	vst v26;
	v26 =	vld [tilespmem:$0x3740]  }
0x4bb: {  	[tilespmem:$0x1EAE0] =	vst v47;
	v47 =	vld [tilespmem:$0x3860]  }
0x4bc: {  	[tilespmem:$0x1EB70] =	vst v21;
	v21 =	vld [tilespmem:$0x3880]  }
0x4bd: {  	[tilespmem:$0x1EBA0] =	vst v24;
	v24 =	vld [tilespmem:$0x3890]  }
0x4be: {  	[tilespmem:$0x1EC30] =	vst v29;
	v29 =	vld [tilespmem:$0x38C0]  }
0x4bf: {  	v1 =	vadd.f32 v13, v1;
	v13 =	vld [tilespmem:$0x1E230]  }
0x4c0: {  	[tilespmem:$0x1EC20] =	vst v8;
	v8 =	vld [tilespmem:$0x3D30]  }
0x4c1: {  	[tilespmem:$0x1E8D0] =	vst v50;
	v50 =	vld [tilespmem:$0x37B0]  }
0x4c2: {  	[tilespmem:$0x1E900] =	vst v61;
	v61 =	vld [tilespmem:$0x37C0]  }
0x4c3: {  	[tilespmem:$0x1EC80] =	vst v11;
	v11 =	vld [tilespmem:$0x3CC0]  }
0x4c4: {  	[tilespmem:$0x1EAB0] =	vst v42;
	v42 =	vld [tilespmem:$0x3850]  }
0x4c5: {  	[tilespmem:$0x1EBD0] =	vst v25;
	v25 =	vld [tilespmem:$0x38A0]  }
0x4c6: {  	v1 =	vadd.f32 v14, v1;
	v14 =	vld [tilespmem:$0x3B60]  }
0x4c7: {  	[tilespmem:$0x1EC50] =	vst v9;
	v9 =	vld [tilespmem:$0x3BF0]  }
0x4c8: {  	[tilespmem:$0x1EA80] =	vst v40;
	v40 =	vld [tilespmem:$0x3840]  }
0x4c9: {  	[tilespmem:$0x1EC90] =	vst v34;
	v34 =	vld [tilespmem:$0x38E0]  }
0x4ca: {  	[tilespmem:$0x1E8C0] =	vst v53;
	v53 =	vld [tilespmem:$0x1E1E0]  }
0x4cb: {  	[tilespmem:$0x1EC60] =	vst v33;
	v33 =	vld [tilespmem:$0x38D0]  }
0x4cc: {  	v1 =	vadd.f32 v15, v1;
	v15 =	vld [tilespmem:$0x3B70]  }
0x4cd: {  	[tilespmem:$0x1E9C0] =	vst v26;
	v26 =	vld [tilespmem:$0x3800]  }
0x4ce: {  	[tilespmem:$0x1ED50] =	vst v47;
	v47 =	vld [tilespmem:$0x3910]  }
0x4cf: {  	[tilespmem:$0x1EB10] =	vst v50;
	v50 =	vld [tilespmem:$0x3870]  }
0x4d0: {  	[tilespmem:$0x1EB40] =	vst v61;
	v61 =	vld [tilespmem:$0x3930]  }
0x4d1: {  	v1 =	vadd.f32 v16, v1;
	v16 =	vld [tilespmem:$0x1E240]  }
0x4d2: {  	[tilespmem:$0x1ED10] =	vst v42;
	v42 =	vld [tilespmem:$0x3900];
	v0 =	vadd.f32 v53, v0  }
0x4d3: {  	[tilespmem:$0x1ECD0] =	vst v40;
	v40 =	vld [tilespmem:$0x38F0]  }
0x4d4: {  	v1 =	vadd.f32 v17, v1;
	v17 =	vld [tilespmem:$0x3B80];
	v0 =	vadd.f32 v56, v0  }
0x4d5: {  	[tilespmem:$0x1ED40] =	vst v15;
	v15 =	vld [tilespmem:$0x3BC0]  }
0x4d6: {  	[tilespmem:$0x1EC00] =	vst v26;
	v26 =	vld [tilespmem:$0x38B0];
	v0 =	vadd.f32 v4, v0  }
0x4d7: {  	v1 =	vadd.f32 v18, v1;
	v18 =	vld [tilespmem:$0x3B90]  }
0x4d8: {  	v56 =	vld [tilespmem:$0x3C00];
	v0 =	vadd.f32 v7, v0  }
0x4d9: {  	[tilespmem:$0x1ED90] =	vst v50;
	v50 =	vld [tilespmem:$0x3920];
	v1 =	vadd.f32 v19, v1  }
0x4da: {  	v19 =	vld [tilespmem:$0x1E250];
	v0 =	vadd.f32 v10, v0  }
0x4db: {  	[tilespmem:$0x1ED80] =	vst v17;
	v17 =	vld [tilespmem:$0x3D10];
	v1 =	vadd.f32 v20, v1  }
0x4dc: {  	v20 =	vld [tilespmem:$0x1E260];
	v0 =	vadd.f32 v13, v0  }
0x4dd: {  	[tilespmem:$0x1EDB0] =	vst v18;
	v18 =	vld [tilespmem:$0x3C30];
	v1 =	vadd.f32 v22, v1  }
0x4de: {  	v22 =	vld [tilespmem:$0x1E270];
	v0 =	vadd.f32 v16, v0  }
0x4df: {  	v13 =	vld [tilespmem:$0x3BA0];
	v1 =	vadd.f32 v23, v1  }
0x4e0: {  	v23 =	vld [tilespmem:$0x1E280];
	v0 =	vadd.f32 v19, v0  }
0x4e1: {  	v1 =	vadd.f32 v27, v1;
	v27 =	vld [tilespmem:$0x1E290]  }
0x4e2: {  	v16 =	vld [tilespmem:$0x3C20];
	v0 =	vadd.f32 v20, v0  }
0x4e3: {  	v19 =	vld [tilespmem:$0x3BB0];
	v1 =	vadd.f32 v28, v1  }
0x4e4: {  	v28 =	vld [tilespmem:$0x1E2A0];
	v2 =	vadd.f32 v22, v0  }
0x4e5: {  	v1 =	vadd.f32 v30, v1;
	v30 =	vld [tilespmem:$0x1E2B0]  }
0x4e6: {  	v20 =	vld [tilespmem:$0x3CF0];
	v2 =	vadd.f32 v23, v2  }
0x4e7: {  	v0 =	vld [tilespmem:$0x3BE0];
	v1 =	vadd.f32 v31, v1  }
0x4e8: {  	v22 =	vld [tilespmem:$0x3C40];
	v2 =	vadd.f32 v27, v2  }
0x4e9: {  	v31 =	vld [tilespmem:$0x1E2C0];
	v1 =	vadd.f32 v32, v1  }
0x4ea: {  	v23 =	vld [tilespmem:$0x3C50];
	v2 =	vadd.f32 v28, v2  }
0x4eb: {  	v32 =	vld [tilespmem:$0x1E2D0];
	v1 =	vadd.f32 v35, v1  }
0x4ec: {  	v35 =	vld [tilespmem:$0x1E2E0];
	v2 =	vadd.f32 v30, v2  }
0x4ed: {  	v27 =	vld [tilespmem:$0x3CE0];
	v1 =	vadd.f32 v36, v1  }
0x4ee: {  	v36 =	vld [tilespmem:$0x1E2F0];
	v2 =	vadd.f32 v31, v2  }
0x4ef: {  	v28 =	vld [tilespmem:$0x3D20];
	v1 =	vadd.f32 v37, v1  }
0x4f0: {  	v37 =	vld [tilespmem:$0x1E300];
	v2 =	vadd.f32 v32, v2  }
0x4f1: {  	v30 =	vld [tilespmem:$0x3D00];
	v1 =	vadd.f32 v39, v1  }
0x4f2: {  	v39 =	vld [tilespmem:$0x1E310];
	v2 =	vadd.f32 v35, v2  }
0x4f3: {  	v1 =	vadd.f32 v43, v1;
	v43 =	vld [tilespmem:$0x1E320]  }
0x4f4: {  	v32 =	vld [tilespmem:$0x3D40];
	v2 =	vadd.f32 v36, v2  }
0x4f5: {  	v35 =	vld [tilespmem:$0x3CD0]  }
0x4f6: {  	v1 =	vadd.f32 v46, v1;
	v46 =	vld [tilespmem:$0x1E330];
	v2 =	vadd.f32 v37, v2  }
0x4f7: {  	[tilespmem:$0x1EBC0] =	vst v5;
	v36 =	vld [tilespmem:$0x3D70]  }
0x4f8: {  	[tilespmem:$0x1EB00] =	vst v54;
	v1 =	vadd.f32 v48, v1;
	v48 =	vld [tilespmem:$0x1E340];
	v2 =	vadd.f32 v39, v2  }
0x4f9: {  	[tilespmem:$0x1ECC0] =	vst v12;
	v39 =	vld [tilespmem:$0x3D60]  }
0x4fa: {  	[tilespmem:$0x1ED00] =	vst v14;
	v3 =	vadd.f32 v43, v2;
	v2 =	vld [tilespmem:$0x3D50]  }
0x4fb: {  	v37 =	vld [tilespmem:$0x3D80]  }
0x4fc: {  	v1 =	vadd.f32 v51, v1;
	v51 =	vld [tilespmem:$0x1E350]  }
0x4fd: {  	v3 =	vadd.f32 v46, v3  }
0x4fe: {  	v53 =	vld [tilespmem:$0x1E360]  }
0x4ff: {  	v1 =	vadd.f32 v60, v1;
	v60 =	vld [tilespmem:$0x1E370];
	v3 =	vadd.f32 v48, v3  }
0x500: {  	v43 =	vld [tilespmem:$0x1E380]  }
0x501: {  	v46 =	vld [tilespmem:$0x1E390];
	v3 =	vadd.f32 v51, v3  }
0x502: {  	v48 =	vld [tilespmem:$0x1E3A0]  }
0x503: {  	v54 =	vadd.f32 v63, v1;
	v7 =	vadd.f32 v53, v3  }
0x504: {  	v53 =	vld [tilespmem:$0x1E3C0]  }
0x505: {  	v10 =	vadd.f32 v43, v54;
	v51 =	vld [tilespmem:$0x1E3B0];
	v63 =	vadd.f32 v60, v7;
	_ =	sdelay $0x1  }
0x506: {  	v43 =	vadd.f32 v48, v10;
	v31 =	vadd.f32 v46, v63;
	v63 =	vld [tilespmem:$0x1E3D0];
	_ =	sdelay $0x1  }
0x507: {  	v43 =	vadd.f32 v53, v43;
	v53 =	vld [tilespmem:$0x1E3F0]  }
0x508: {  	v31 =	vadd.f32 v51, v31;
	_ =	sdelay $0x1  }
0x509: {  	v31 =	vadd.f32 v63, v31;
	_ =	sdelay $0x1  }
0x50a: {  	v31 =	vadd.f32 v53, v31;
	v53 =	vld [tilespmem:$0x3E60];
	_ =	sdelay $0x2  }
0x50b: {  	v51 =	vld [tilespmem:$0x1E3E0];
	_ =	sdelay $0x1  }
0x50c: {  	[tilespmem:$0x1ECA0] =	vst v53;
	v53 =	vld [tilespmem:$0x1E400];
	_ =	sdelay $0x2  }
0x50d: {  	v43 =	vadd.f32 v51, v43;
	_ =	sdelay $0x1  }
0x50e: {  	v43 =	vadd.f32 v53, v43;
	v53 =	vld [tilespmem:$0x3E70];
	_ =	sdelay $0x4  }
0x50f: {  	[tilespmem:$0x1ECE0] =	vst v53;
	v53 =	vld [tilespmem:$0x1E410];
	_ =	sdelay $0x4  }
0x510: {  	v31 =	vadd.f32 v53, v31;
	v53 =	vld [tilespmem:$0x3E80];
	_ =	sdelay $0x4  }
0x511: {  	[tilespmem:$0x1ED20] =	vst v53;
	v53 =	vld [tilespmem:$0x1E420];
	_ =	sdelay $0x4  }
0x512: {  	v43 =	vadd.f32 v53, v43;
	v53 =	vld [tilespmem:$0x3E90];
	_ =	sdelay $0x4  }
0x513: {  	[tilespmem:$0x1ED60] =	vst v53;
	v53 =	vld [tilespmem:$0x1E430];
	_ =	sdelay $0x4  }
0x514: {  	v31 =	vadd.f32 v53, v31;
	v53 =	vld [tilespmem:$0x3EA0];
	_ =	sdelay $0x4  }
0x515: {  	[tilespmem:$0x1EDA0] =	vst v53;
	v53 =	vld [tilespmem:$0x1E440];
	_ =	sdelay $0x4  }
0x516: {  	v43 =	vadd.f32 v53, v43;
	v53 =	vld [tilespmem:$0x3EB0];
	_ =	sdelay $0x4  }
0x517: {  	[tilespmem:$0x1EDD0] =	vst v53;
	v53 =	vld [tilespmem:$0x1E450];
	_ =	sdelay $0x4  }
0x518: {  	v31 =	vadd.f32 v53, v31;
	v53 =	vld [tilespmem:$0x3EC0];
	_ =	sdelay $0x4  }
0x519: {  	[tilespmem:$0x1EDC0] =	vst v53;
	v53 =	vld [tilespmem:$0x1E460];
	_ =	sdelay $0x4  }
0x51a: {  	v43 =	vadd.f32 v53, v43;
	v53 =	vld [tilespmem:$0x3ED0];
	_ =	sdelay $0x4  }
0x51b: {  	[tilespmem:$0x1EDE0] =	vst v53;
	v53 =	vld [tilespmem:$0x1E470];
	_ =	sdelay $0x4  }
0x51c: {  	v31 =	vadd.f32 v53, v31;
	v53 =	vld [tilespmem:$0x3EE0];
	_ =	sdelay $0x4  }
0x51d: {  	[tilespmem:$0x1EDF0] =	vst v53;
	v53 =	vld [tilespmem:$0x1E480];
	_ =	sdelay $0x1  }
0x51e: {  	v13 =	vadd.f32 $0.0e+00, v13;
	_ =	sdelay $0x1  }
0x51f: {  	v13 =	vadd.f32 v19, v13  }
0x520: {  	v43 =	vadd.f32 v53, v43;
	v53 =	vld [tilespmem:$0x3EF0]  }
0x521: {  	v13 =	vadd.f32 v15, v13;
	_ =	sdelay $0x1  }
0x522: {  	v6 =	vadd.f32 v6, v13;
	_ =	sdelay $0x1  }
0x523: {  	v0 =	vadd.f32 v0, v6;
	[tilespmem:$0x1EE00] =	vst v53;
	v53 =	vld [tilespmem:$0x1E490];
	_ =	sdelay $0x1  }
0x524: {  	v0 =	vadd.f32 v9, v0;
	_ =	sdelay $0x1  }
0x525: {  	v0 =	vadd.f32 v56, v0  }
0x526: {  	v31 =	vadd.f32 v53, v31;
	v53 =	vld [tilespmem:$0x3F00]  }
0x527: {  	v0 =	vadd.f32 v55, v0;
	_ =	sdelay $0x1  }
0x528: {  	v0 =	vadd.f32 v16, v0;
	_ =	sdelay $0x1  }
0x529: {  	v0 =	vadd.f32 v18, v0;
	[tilespmem:$0x1EE10] =	vst v53;
	v53 =	vld [tilespmem:$0x1E4A0];
	_ =	sdelay $0x1  }
0x52a: {  	v0 =	vadd.f32 v22, v0;
	_ =	sdelay $0x1  }
0x52b: {  	v0 =	vadd.f32 v23, v0  }
0x52c: {  	v43 =	vadd.f32 v53, v43;
	v53 =	vld [tilespmem:$0x3F10]  }
0x52d: {  	v0 =	vadd.f32 v59, v0;
	_ =	sdelay $0x1  }
0x52e: {  	v0 =	vadd.f32 v57, v0;
	_ =	sdelay $0x1  }
0x52f: {  	v0 =	vadd.f32 v38, v0;
	[tilespmem:$0x1EE20] =	vst v53;
	v53 =	vld [tilespmem:$0x1E4B0]  }
0x530: {  	v5 =	vld [tilespmem:$0x3D90]  }
0x531: {  	v12 =	vld [tilespmem:$0x3DA0];
	v0 =	vadd.f32 v44, v0  }
0x532: {  	v21 =	vadd.f32 $0.0e+00, v21;
	v4 =	vld [tilespmem:$0x3DB0]  }
0x533: {  	v1 =	vld [tilespmem:$0x3DD0];
	v0 =	vadd.f32 v45, v0  }
0x534: {  	v21 =	vadd.f32 v24, v21;
	v31 =	vadd.f32 v53, v31;
	v53 =	vld [tilespmem:$0x3F20]  }
0x535: {  	v14 =	vld [tilespmem:$0x3DE0];
	v0 =	vadd.f32 v41, v0  }
0x536: {  	v21 =	vadd.f32 v25, v21;
	v25 =	vld [tilespmem:$0x1E560]  }
0x537: {  	v56 =	vld [tilespmem:$0x1E5E0];
	v0 =	vadd.f32 v11, v0  }
0x538: {  	v55 =	vld [tilespmem:$0x1E680]  }
0x539: {  	v0 =	vadd.f32 v35, v0;
	[tilespmem:$0x1EE30] =	vst v53;
	v53 =	vld [tilespmem:$0x1E4C0]  }
0x53a: {  	v18 =	vld [tilespmem:$0x4110]  }
0x53b: {  	v22 =	vld [tilespmem:$0x4120];
	v0 =	vadd.f32 v27, v0  }
0x53c: {  	v23 =	vld [tilespmem:$0x1E6D0]  }
0x53d: {  	v16 =	vld [tilespmem:$0x1E950];
	v0 =	vadd.f32 v20, v0  }
0x53e: {  	v43 =	vadd.f32 v53, v43;
	v53 =	vld [tilespmem:$0x3F30]  }
0x53f: {  	v59 =	vld [tilespmem:$0x1E7A0];
	v0 =	vadd.f32 v30, v0  }
0x540: {  	v57 =	vld [tilespmem:$0x41B0]  }
0x541: {  	v54 =	vld [tilespmem:$0x3E00];
	v0 =	vadd.f32 v17, v0  }
0x542: {  	v38 =	vld [tilespmem:$0x1E720]  }
0x543: {  	v0 =	vadd.f32 v28, v0;
	[tilespmem:$0x1EE40] =	vst v53;
	v53 =	vld [tilespmem:$0x1E4D0]  }
0x544: {  	[tilespmem:$0x1F020] =	vst v18;
	v18 =	vld [tilespmem:$0x1E7C0]  }
0x545: {  	[tilespmem:$0x1F030] =	vst v22;
	v22 =	vld [tilespmem:$0x1E7E0];
	v0 =	vadd.f32 v8, v0  }
0x546: {  	v44 =	vld [tilespmem:$0x1E740]  }
0x547: {  	v3 =	vld [tilespmem:$0x3DC0];
	v0 =	vadd.f32 v32, v0  }
0x548: {  	v31 =	vadd.f32 v53, v31;
	v53 =	vld [tilespmem:$0x3F40]  }
0x549: {  	[tilespmem:$0x1F0F0] =	vst v57;
	v57 =	vld [tilespmem:$0x42A0];
	v0 =	vadd.f32 v2, v0  }
0x54a: {  	v10 =	vld [tilespmem:$0x3E20]  }
0x54b: {  	v48 =	vld [tilespmem:$0x3E30];
	v0 =	vadd.f32 v39, v0  }
0x54c: {  	v45 =	vld [tilespmem:$0x1E8B0]  }
0x54d: {  	v0 =	vadd.f32 v36, v0;
	[tilespmem:$0x1EE50] =	vst v53;
	v53 =	vld [tilespmem:$0x1E4E0]  }
0x54e: {  	v7 =	vld [tilespmem:$0x3DF0]  }
0x54f: {  	v60 =	vld [tilespmem:$0x3E10];
	v0 =	vadd.f32 v37, v0  }
0x550: {  	v41 =	vld [tilespmem:$0x1E870]  }
0x551: {  	v46 =	vld [tilespmem:$0x1E500];
	v0 =	vadd.f32 v5, v0  }
0x552: {  	v43 =	vadd.f32 v53, v43;
	v53 =	vld [tilespmem:$0x3F50]  }
0x553: {  	v35 =	vld [tilespmem:$0x4230];
	v0 =	vadd.f32 v12, v0  }
0x554: {  	v63 =	vld [tilespmem:$0x3E40]  }
0x555: {  	v27 =	vld [tilespmem:$0x4240];
	v0 =	vadd.f32 v4, v0  }
0x556: {  	v51 =	vld [tilespmem:$0x3E50]  }
0x557: {  	v0 =	vadd.f32 v3, v0;
	[tilespmem:$0x1EE60] =	vst v53;
	v53 =	vld [tilespmem:$0x1E4F0]  }
0x558: {  	v20 =	vld [tilespmem:$0x1E980]  }
0x559: {  	v30 =	vld [tilespmem:$0x1E9E0];
	v0 =	vadd.f32 v1, v0  }
0x55a: {  	v17 =	vld [tilespmem:$0x42C0]  }
0x55b: {  	v28 =	vld [tilespmem:$0x1E9C0];
	v0 =	vadd.f32 v14, v0  }
0x55c: {  	v31 =	vadd.f32 v53, v31;
	v53 =	vld [tilespmem:$0x3F60]  }
0x55d: {  	v32 =	vld [tilespmem:$0x1E9F0];
	v0 =	vadd.f32 v7, v0  }
0x55e: {  	v39 =	vld [tilespmem:$0x4340]  }
0x55f: {  	v36 =	vld [tilespmem:$0x1EA20];
	v0 =	vadd.f32 v54, v0  }
0x560: {  	v37 =	vld [tilespmem:$0x4350]  }
0x561: {  	v0 =	vadd.f32 v60, v0;
	[tilespmem:$0x1EE70] =	vst v53;
	v53 =	vld [tilespmem:$0x1E510]  }
0x562: {  	v12 =	vld [tilespmem:$0x1EAA0]  }
0x563: {  	v14 =	vld [tilespmem:$0x1EB80];
	v0 =	vadd.f32 v10, v0  }
0x564: {  	v54 =	vld [tilespmem:$0x1EBD0]  }
0x565: {  	v60 =	vld [tilespmem:$0x1EBF0];
	v0 =	vadd.f32 v48, v0  }
0x566: {  	v43 =	vadd.f32 v53, v43;
	v53 =	vld [tilespmem:$0x3F70]  }
0x567: {  	v10 =	vld [tilespmem:$0x1EC10];
	v0 =	vadd.f32 v63, v0  }
0x568: {  	[tilespmem:$0x1F100] =	vst v43;
	v43 =	vadd.f32 $0.0e+00, v49;
	v49 =	vld [tilespmem:$0x1E520]  }
0x569: {  	v0 =	vadd.f32 v51, v0;
	v51 =	vld [tilespmem:$0x1EC80]  }
0x56a: {  	[tilespmem:$0x1F0E0] =	vst v31;
	v43 =	vadd.f32 v52, v43;
	v52 =	vld [tilespmem:$0x1E530]  }
0x56b: {  	v31 =	vadd.f32 $0.0e+00, v46;
	[tilespmem:$0x1EE80] =	vst v53;
	v53 =	vld [tilespmem:$0x3F80]  }
0x56c: {  	v46 =	vld [tilespmem:$0x3FB0]  }
0x56d: {  	v43 =	vadd.f32 v62, v43;
	v62 =	vld [tilespmem:$0x3FD0];
	v31 =	vadd.f32 v49, v31  }
0x56e: {  	v49 =	vld [tilespmem:$0x3F90]  }
0x56f: {  	v31 =	vadd.f32 v52, v31;
	v52 =	vld [tilespmem:$0x3FC0]  }
0x570: {  	[tilespmem:$0x1EE90] =	vst v53;
	v53 =	vld [tilespmem:$0x3FA0]  }
0x571: {  	[tilespmem:$0x1EEC0] =	vst v46;
	v46 =	vld [tilespmem:$0x3FF0]  }
0x572: {  	v26 =	vadd.f32 v26, v21;
	[tilespmem:$0x1EEE0] =	vst v62;
	v62 =	vld [tilespmem:$0x1E590]  }
0x573: {  	[tilespmem:$0x1EEA0] =	vst v49;
	v49 =	vld [tilespmem:$0x1E540]  }
0x574: {  	[tilespmem:$0x1EED0] =	vst v52;
	v52 =	vadd.f32 v29, v26;
	v29 =	vld [tilespmem:$0x4020]  }
0x575: {  	[tilespmem:$0x1EEB0] =	vst v53;
	v53 =	vld [tilespmem:$0x1E550]  }
0x576: {  	v26 =	vadd.f32 v33, v52;
	v33 =	vld [tilespmem:$0x4030]  }
0x577: {  	v52 =	vld [tilespmem:$0x1E5D0]  }
0x578: {  	v19 =	vadd.f32 v49, v31;
	v31 =	vld [tilespmem:$0x3FE0]  }
0x579: {  	v49 =	vld [tilespmem:$0x1E580]  }
0x57a: {  	[tilespmem:$0x1EF00] =	vst v46;
	v46 =	vadd.f32 v34, v26;
	v26 =	vld [tilespmem:$0x1E610]  }
0x57b: {  	v34 =	vld [tilespmem:$0x1E630]  }
0x57c: {  	v15 =	vadd.f32 v25, v19;
	v25 =	vld [tilespmem:$0x1E5A0]  }
0x57d: {  	[tilespmem:$0x1EF30] =	vst v29;
	v29 =	vld [tilespmem:$0x4090]  }
0x57e: {  	v24 =	vadd.f32 v53, v43;
	v43 =	vld [tilespmem:$0x1E570]  }
0x57f: {  	v53 =	vld [tilespmem:$0x4000]  }
0x580: {  	v9 =	vadd.f32 v40, v46;
	v40 =	vld [tilespmem:$0x40B0]  }
0x581: {  	v46 =	vld [tilespmem:$0x1E650]  }
0x582: {  	[tilespmem:$0x1EF40] =	vst v33;
	v33 =	vld [tilespmem:$0x40A0]  }
0x583: {  	[tilespmem:$0x1EEF0] =	vst v31;
	v31 =	vld [tilespmem:$0x1E5B0]  }
0x584: {  	v13 =	vadd.f32 v49, v15;
	v49 =	vld [tilespmem:$0x4040]  }
0x585: {  	v9 =	vadd.f32 v42, v9;
	v42 =	vld [tilespmem:$0x1E640]  }
0x586: {  	v6 =	vadd.f32 v25, v13;
	v25 =	vld [tilespmem:$0x4080]  }
0x587: {  	v9 =	vadd.f32 v47, v9;
	v47 =	vld [tilespmem:$0x40D0]  }
0x588: {  	[tilespmem:$0x1EFA0] =	vst v29;
	v29 =	vld [tilespmem:$0x4140]  }
0x589: {  	v21 =	vadd.f32 v43, v24;
	v24 =	vld [tilespmem:$0x4010]  }
0x58a: {  	v43 =	vld [tilespmem:$0x1E5C0]  }
0x58b: {  	[tilespmem:$0x1EF10] =	vst v53;
	v53 =	vld [tilespmem:$0x4050]  }
0x58c: {  	[tilespmem:$0x1EFC0] =	vst v40;
	v40 =	vld [tilespmem:$0x4160]  }
0x58d: {  	v9 =	vadd.f32 v50, v9;
	v50 =	vld [tilespmem:$0x40E0]  }
0x58e: {  	[tilespmem:$0x1EFB0] =	vst v33;
	v33 =	vld [tilespmem:$0x4150]  }
0x58f: {  	v19 =	vadd.f32 v62, v21;
	v62 =	vld [tilespmem:$0x4060]  }
0x590: {  	v21 =	vld [tilespmem:$0x4070]  }
0x591: {  	[tilespmem:$0x1EF50] =	vst v49;
	v49 =	vld [tilespmem:$0x1E660]  }
0x592: {  	v9 =	vadd.f32 v61, v9;
	v61 =	vld [tilespmem:$0x4100]  }
0x593: {  	v15 =	vadd.f32 v31, v19;
	v19 =	vld [tilespmem:$0x1E5F0]  }
0x594: {  	v31 =	vld [tilespmem:$0x1E620]  }
0x595: {  	[tilespmem:$0x1EF90] =	vst v25;
	v25 =	vld [tilespmem:$0x1E6E0]  }
0x596: {  	[tilespmem:$0x1EFE0] =	vst v47;
	v47 =	vld [tilespmem:$0x4180]  }
0x597: {  	[tilespmem:$0x1F050] =	vst v29;
	v29 =	vld [tilespmem:$0x1E820]  }
0x598: {  	[tilespmem:$0x1EF20] =	vst v24;
	v24 =	vld [tilespmem:$0x1E600]  }
0x599: {  	v6 =	vadd.f32 v43, v6;
	v43 =	vld [tilespmem:$0x40C0]  }
0x59a: {  	[tilespmem:$0x1EF60] =	vst v53;
	v53 =	vld [tilespmem:$0x40F0]  }
0x59b: {  	[tilespmem:$0x1F070] =	vst v40;
	v40 =	vld [tilespmem:$0x1E860]  }
0x59c: {  	v13 =	vadd.f32 v52, v15;
	v52 =	vld [tilespmem:$0x1E670]  }
0x59d: {  	[tilespmem:$0x1EFF0] =	vst v50;
	v50 =	vld [tilespmem:$0x4190]  }
0x59e: {  	[tilespmem:$0x1F060] =	vst v33;
	v33 =	vld [tilespmem:$0x1E840]  }
0x59f: {  	v15 =	vld [tilespmem:$0x1E940]  }
0x5a0: {  	v6 =	vadd.f32 v56, v6;
	v56 =	vld [tilespmem:$0x1E690]  }
0x5a1: {  	[tilespmem:$0x1EF70] =	vst v62;
	v62 =	vld [tilespmem:$0x1E6A0]  }
0x5a2: {  	[tilespmem:$0x1EF80] =	vst v21;
	v21 =	vld [tilespmem:$0x1E6C0]  }
0x5a3: {  	[tilespmem:$0x1F010] =	vst v61;
	v61 =	vld [tilespmem:$0x1E7B0]  }
0x5a4: {  	v13 =	vadd.f32 v19, v13;
	v19 =	vld [tilespmem:$0x1E6B0]  }
0x5a5: {  	[tilespmem:$0x1F090] =	vst v47;
	v47 =	vld [tilespmem:$0x4200]  }
0x5a6: {  	v6 =	vadd.f32 v24, v6;
	v24 =	vld [tilespmem:$0x4130]  }
0x5a7: {  	[tilespmem:$0x1EFD0] =	vst v43;
	v43 =	vld [tilespmem:$0x4170]  }
0x5a8: {  	[tilespmem:$0x1F000] =	vst v53;
	v53 =	vld [tilespmem:$0x1E780]  }
0x5a9: {  	v13 =	vadd.f32 v26, v13;
	v26 =	vld [tilespmem:$0x1E6F0]  }
0x5aa: {  	[tilespmem:$0x1F0A0] =	vst v50;
	v50 =	vld [tilespmem:$0x1E8D0]  }
0x5ab: {  	v6 =	vadd.f32 v31, v6;
	v31 =	vld [tilespmem:$0x1E700]  }
0x5ac: {  	v9 =	vadd.f32 v56, v9;
	v56 =	vld [tilespmem:$0x1E790]  }
0x5ad: {  	v13 =	vadd.f32 v34, v13;
	v34 =	vld [tilespmem:$0x1E710]  }
0x5ae: {  	v6 =	vadd.f32 v42, v6;
	v42 =	vld [tilespmem:$0x1E730]  }
0x5af: {  	v9 =	vadd.f32 v21, v9;
	v21 =	vld [tilespmem:$0x1E7D0]  }
0x5b0: {  	v13 =	vadd.f32 v46, v13;
	v46 =	vld [tilespmem:$0x1E750]  }
0x5b1: {  	[tilespmem:$0x1F040] =	vst v24;
	v24 =	vld [tilespmem:$0x1E800]  }
0x5b2: {  	[tilespmem:$0x1F080] =	vst v43;
	v43 =	vld [tilespmem:$0x1E890]  }
0x5b3: {  	v6 =	vadd.f32 v49, v6;
	v49 =	vld [tilespmem:$0x1E760]  }
0x5b4: {  	v9 =	vadd.f32 v26, v9;
	v26 =	vld [tilespmem:$0x1E810]  }
0x5b5: {  	v13 =	vadd.f32 v52, v13;
	v52 =	vld [tilespmem:$0x1E770]  }
0x5b6: {  	v6 =	vadd.f32 v55, v6;
	v55 =	vld [tilespmem:$0x41A0]  }
0x5b7: {  	v9 =	vadd.f32 v38, v9;
	v38 =	vld [tilespmem:$0x4220]  }
0x5b8: {  	v13 =	vadd.f32 v62, v13;
	v62 =	vld [tilespmem:$0x41C0]  }
0x5b9: {  	v6 =	vadd.f32 v19, v6;
	v19 =	vld [tilespmem:$0x41D0]  }
0x5ba: {  	v9 =	vadd.f32 v46, v9;
	v46 =	vld [tilespmem:$0x4210]  }
0x5bb: {  	v13 =	vadd.f32 v23, v13;
	v23 =	vld [tilespmem:$0x1E7F0]  }
0x5bc: {  	v6 =	vadd.f32 v25, v6;
	v25 =	vld [tilespmem:$0x41E0]  }
0x5bd: {  	v9 =	vadd.f32 v53, v9;
	v53 =	vld [tilespmem:$0x41F0]  }
0x5be: {  	v13 =	vadd.f32 v31, v13;
	v31 =	vld [tilespmem:$0x1E830]  }
0x5bf: {  	[tilespmem:$0x1F0C0] =	vst v55;
	v55 =	vld [tilespmem:$0x1E8F0]  }
0x5c0: {  	v6 =	vadd.f32 v34, v6;
	v34 =	vld [tilespmem:$0x1E850]  }
0x5c1: {  	v9 =	vadd.f32 v61, v9;
	v61 =	vld [tilespmem:$0x4250]  }
0x5c2: {  	[tilespmem:$0x1F120] =	vst v62;
	v62 =	vld [tilespmem:$0x1E920]  }
0x5c3: {  	v13 =	vadd.f32 v42, v13;
	v42 =	vld [tilespmem:$0x1E880]  }
0x5c4: {  	[tilespmem:$0x1F140] =	vst v19;
	v19 =	vld [tilespmem:$0x1E970]  }
0x5c5: {  	v6 =	vadd.f32 v44, v6;
	v44 =	vld [tilespmem:$0x1E8A0]  }
0x5c6: {  	v9 =	vadd.f32 v22, v9;
	v22 =	vld [tilespmem:$0x1E990]  }
0x5c7: {  	v13 =	vadd.f32 v49, v13;
	v49 =	vld [tilespmem:$0x1E8C0]  }
0x5c8: {  	v6 =	vadd.f32 v52, v6;
	v52 =	vld [tilespmem:$0x1E8E0]  }
0x5c9: {  	v25 =	vadd.f32 $0.0e+00, v25;
	v9 =	vadd.f32 v58, v9;
	v58 =	vld [tilespmem:$0x1E910]  }
0x5ca: {  	v13 =	vadd.f32 v56, v13;
	v56 =	vld [tilespmem:$0x1E900]  }
0x5cb: {  	v25 =	vadd.f32 v53, v25;
	v53 =	vld [tilespmem:$0x45A0]  }
0x5cc: {  	v6 =	vadd.f32 v59, v6;
	v59 =	vld [tilespmem:$0x4270]  }
0x5cd: {  	v9 =	vadd.f32 v31, v9;
	v31 =	vld [tilespmem:$0x4290]  }
0x5ce: {  	v13 =	vadd.f32 v18, v13;
	v18 =	vld [tilespmem:$0x1E960]  }
0x5cf: {  	v25 =	vadd.f32 v47, v25;
	v47 =	vld [tilespmem:$0x4860]  }
0x5d0: {  	v6 =	vadd.f32 v21, v6;
	v21 =	vld [tilespmem:$0x4260]  }
0x5d1: {  	v9 =	vadd.f32 v40, v9;
	v40 =	vld [tilespmem:$0x1EA30]  }
0x5d2: {  	v11 =	vadd.f32 v23, v13;
	v13 =	vld [tilespmem:$0x1E930]  }
0x5d3: {  	v23 =	vld [tilespmem:$0x1E9A0]  }
0x5d4: {  	v25 =	vadd.f32 v46, v25;
	v46 =	vld [tilespmem:$0x4870]  }
0x5d5: {  	v6 =	vadd.f32 v24, v6;
	v24 =	vld [tilespmem:$0x1E9B0]  }
0x5d6: {  	v9 =	vadd.f32 v43, v9;
	v43 =	vld [tilespmem:$0x1EA50]  }
0x5d7: {  	v11 =	vadd.f32 v26, v11;
	v26 =	vld [tilespmem:$0x4280]  }
0x5d8: {  	v25 =	vadd.f32 v38, v25;
	v38 =	vld [tilespmem:$0x45D0]  }
0x5d9: {  	v9 =	vadd.f32 v49, v9;
	v49 =	vld [tilespmem:$0x4320]  }
0x5da: {  	v6 =	vadd.f32 v29, v6;
	v29 =	vld [tilespmem:$0x1E9D0]  }
0x5db: {  	v11 =	vadd.f32 v33, v11;
	v33 =	vld [tilespmem:$0x1EA00]  }
0x5dc: {  	v25 =	vadd.f32 v35, v25;
	v35 =	vld [tilespmem:$0x45E0]  }
0x5dd: {  	v9 =	vadd.f32 v55, v9;
	v55 =	vld [tilespmem:$0x42B0]  }
0x5de: {  	v6 =	vadd.f32 v34, v6;
	v34 =	vld [tilespmem:$0x1EA10]  }
0x5df: {  	v11 =	vadd.f32 v41, v11;
	v41 =	vld [tilespmem:$0x4330]  }
0x5e0: {  	v25 =	vadd.f32 v27, v25;
	v27 =	vld [tilespmem:$0x45F0]  }
0x5e1: {  	v6 =	vadd.f32 v42, v6;
	v42 =	vld [tilespmem:$0x1EA40]  }
0x5e2: {  	v8 =	vadd.f32 v62, v9;
	v62 =	vld [tilespmem:$0x1EA80]  }
0x5e3: {  	v11 =	vadd.f32 v44, v11;
	v44 =	vld [tilespmem:$0x4310]  }
0x5e4: {  	v25 =	vadd.f32 v61, v25;
	v61 =	vld [tilespmem:$0x48C0]  }
0x5e5: {  	v6 =	vadd.f32 v45, v6;
	v45 =	vld [tilespmem:$0x42F0]  }
0x5e6: {  	v8 =	vadd.f32 v16, v8;
	v16 =	vld [tilespmem:$0x1EAC0]  }
0x5e7: {  	v11 =	vadd.f32 v50, v11;
	v50 =	vld [tilespmem:$0x42E0]  }
0x5e8: {  	v21 =	vadd.f32 v21, v25;
	v25 =	vld [tilespmem:$0x4610]  }
0x5e9: {  	v6 =	vadd.f32 v52, v6;
	v52 =	vld [tilespmem:$0x1EA60]  }
0x5ea: {  	v11 =	vadd.f32 v56, v11;
	v56 =	vld [tilespmem:$0x1EA70]  }
0x5eb: {  	v21 =	vadd.f32 v59, v21;
	v59 =	vld [tilespmem:$0x4900]  }
0x5ec: {  	v6 =	vadd.f32 v58, v6;
	v58 =	vld [tilespmem:$0x42D0]  }
0x5ed: {  	v9 =	vadd.f32 v13, v11;
	v13 =	vld [tilespmem:$0x4370]  }
0x5ee: {  	v11 =	vld [tilespmem:$0x1EA90]  }
0x5ef: {  	v21 =	vadd.f32 v26, v21;
	v26 =	vld [tilespmem:$0x4630]  }
0x5f0: {  	v6 =	vadd.f32 v15, v6;
	v15 =	vld [tilespmem:$0x1EAB0]  }
0x5f1: {  	v9 =	vadd.f32 v18, v9;
	v18 =	vld [tilespmem:$0x4300]  }
0x5f2: {  	v21 =	vadd.f32 v31, v21;
	v31 =	vld [tilespmem:$0x4640]  }
0x5f3: {  	v2 =	vadd.f32 v19, v6;
	v19 =	vld [tilespmem:$0x1EAD0]  }
0x5f4: {  	v6 =	vadd.f32 v20, v8;
	v20 =	vld [tilespmem:$0x1EAE0]  }
0x5f5: {  	v8 =	vadd.f32 v22, v9;
	v22 =	vld [tilespmem:$0x43D0]  }
0x5f6: {  	v9 =	vld [tilespmem:$0x1EB60]  }
0x5f7: {  	v21 =	vadd.f32 v57, v21;
	v57 =	vld [tilespmem:$0x1EEA0]  }
0x5f8: {  	v2 =	vadd.f32 v23, v2;
	v23 =	vld [tilespmem:$0x43E0]  }
0x5f9: {  	v6 =	vadd.f32 v24, v6;
	v24 =	vld [tilespmem:$0x1EAF0]  }
0x5fa: {  	v8 =	vadd.f32 v28, v8;
	v28 =	vld [tilespmem:$0x43C0]  }
0x5fb: {  	v21 =	vadd.f32 v55, v21;
	v55 =	vld [tilespmem:$0x1EEF0]  }
0x5fc: {  	v6 =	vadd.f32 v30, v6;
	v30 =	vld [tilespmem:$0x4390]  }
0x5fd: {  	v2 =	vadd.f32 v29, v2;
	v29 =	vld [tilespmem:$0x43F0]  }
0x5fe: {  	v8 =	vadd.f32 v32, v8;
	v32 =	vld [tilespmem:$0x43B0]  }
0x5ff: {  	v17 =	vadd.f32 v17, v21;
	v21 =	vld [tilespmem:$0x46A0]  }
0x600: {  	v6 =	vadd.f32 v34, v6;
	v34 =	vld [tilespmem:$0x4360]  }
0x601: {  	v2 =	vadd.f32 v33, v2;
	v33 =	vld [tilespmem:$0x43A0]  }
0x602: {  	v8 =	vadd.f32 v36, v8;
	v36 =	vld [tilespmem:$0x4380]  }
0x603: {  	v17 =	vadd.f32 v58, v17;
	v58 =	vld [tilespmem:$0x1EF20]  }
0x604: {  	v2 =	vadd.f32 v40, v2;
	v40 =	vld [tilespmem:$0x1EB00]  }
0x605: {  	v5 =	vadd.f32 v42, v6;
	v42 =	vld [tilespmem:$0x1EB10]  }
0x606: {  	v6 =	vadd.f32 v43, v8;
	v43 =	vld [tilespmem:$0x1EB20]  }
0x607: {  	v8 =	vld [tilespmem:$0x1EB50]  }
0x608: {  	v17 =	vadd.f32 v50, v17;
	v50 =	vld [tilespmem:$0x1EF00]  }
0x609: {  	v2 =	vadd.f32 v52, v2;
	v52 =	vld [tilespmem:$0x4410]  }
0x60a: {  	v5 =	vadd.f32 v56, v5;
	v56 =	vld [tilespmem:$0x1EB30]  }
0x60b: {  	v6 =	vadd.f32 v62, v6;
	v62 =	vld [tilespmem:$0x1EB40]  }
0x60c: {  	v17 =	vadd.f32 v45, v17;
	v45 =	vld [tilespmem:$0x4720]  }
0x60d: {  	v2 =	vadd.f32 v11, v2;
	v11 =	vld [tilespmem:$0x4430]  }
0x60e: {  	v4 =	vadd.f32 v12, v5;
	v12 =	vld [tilespmem:$0x1EB70]  }
0x60f: {  	v5 =	vadd.f32 v15, v6;
	v15 =	vld [tilespmem:$0x1EB90]  }
0x610: {  	v6 =	vld [tilespmem:$0x44E0]  }
0x611: {  	v3 =	vadd.f32 v19, v4;
	v19 =	vld [tilespmem:$0x4440]  }
0x612: {  	v2 =	vadd.f32 v16, v2;
	v16 =	vld [tilespmem:$0x1EBA0]  }
0x613: {  	v17 =	vadd.f32 v18, v17;
	v4 =	vadd.f32 v20, v5;
	v20 =	vld [tilespmem:$0x4400]  }
0x614: {  	v5 =	vld [tilespmem:$0x1EC50]  }
0x615: {  	v17 =	vadd.f32 v44, v17;
	v44 =	vld [tilespmem:$0x49C0]  }
0x616: {  	v1 =	vadd.f32 v24, v2;
	v24 =	vld [tilespmem:$0x4420]  }
0x617: {  	v2 =	vadd.f32 v40, v3;
	v40 =	vld [tilespmem:$0x1EBB0]  }
0x618: {  	v3 =	vadd.f32 v42, v4;
	v42 =	vld [tilespmem:$0x4470]  }
0x619: {  	v4 =	vld [tilespmem:$0x1ECE0]  }
0x61a: {  	v17 =	vadd.f32 v49, v17;
	v49 =	vld [tilespmem:$0x49D0]  }
0x61b: {  	v1 =	vadd.f32 v43, v1;
	v43 =	vld [tilespmem:$0x1EBC0]  }
0x61c: {  	v2 =	vadd.f32 v56, v2;
	v56 =	vld [tilespmem:$0x1EBE0]  }
0x61d: {  	[tilespmem:$0x1F130] =	vst v6;
	v6 =	vld [tilespmem:$0x1ED00]  }
0x61e: {  	v3 =	vadd.f32 v62, v3;
	v62 =	vld [tilespmem:$0x1EC00]  }
0x61f: {  	v17 =	vadd.f32 v41, v17;
	v41 =	vld [tilespmem:$0x1EF60]  }
0x620: {  	v2 =	vadd.f32 v9, v2;
	v9 =	vld [tilespmem:$0x4480]  }
0x621: {  	v1 =	vadd.f32 v8, v1;
	v8 =	vld [tilespmem:$0x44B0]  }
0x622: {  	v3 =	vadd.f32 v12, v3;
	v12 =	vld [tilespmem:$0x4450]  }
0x623: {  	v17 =	vadd.f32 v39, v17;
	v39 =	vld [tilespmem:$0x47B0]  }
0x624: {  	v1 =	vadd.f32 v14, v1;
	v14 =	vld [tilespmem:$0x4460]  }
0x625: {  	v2 =	vadd.f32 v15, v2;
	v3 =	vadd.f32 v16, v3;
	v16 =	vld [tilespmem:$0x4490]  }
0x626: {  	v17 =	vadd.f32 v37, v17;
	v37 =	vld [tilespmem:$0x49B0]  }
0x627: {  	v2 =	vadd.f32 v43, v2;
	v43 =	vld [tilespmem:$0x44A0]  }
0x628: {  	v1 =	vadd.f32 v40, v1;
	v40 =	vld [tilespmem:$0x1EC20]  }
0x629: {  	v3 =	vadd.f32 v54, v3;
	v54 =	vld [tilespmem:$0x44C0]  }
0x62a: {  	v17 =	vadd.f32 v34, v17;
	v34 =	vld [tilespmem:$0x1EFE0]  }
0x62b: {  	v1 =	vadd.f32 v56, v1;
	v56 =	vld [tilespmem:$0x1EC30]  }
0x62c: {  	v2 =	vadd.f32 v60, v2;
	v60 =	vld [tilespmem:$0x44D0]  }
0x62d: {  	v3 =	vadd.f32 v62, v3;
	v62 =	vld [tilespmem:$0x1EC40]  }
0x62e: {  	v15 =	vadd.f32 v10, v1;
	v10 =	vld [tilespmem:$0x1EC60]  }
0x62f: {  	v1 =	vld [tilespmem:$0x4820]  }
0x630: {  	v13 =	vadd.f32 v13, v17;
	v48 =	vadd.f32 v40, v2;
	v40 =	vld [tilespmem:$0x44F0]  }
0x631: {  	v2 =	vld [tilespmem:$0x4840]  }
0x632: {  	v13 =	vadd.f32 v36, v13;
	v36 =	vld [tilespmem:$0x47A0]  }
0x633: {  	[tilespmem:$0x1F0D0] =	vst v54;
	v54 =	vld [tilespmem:$0x1EC90]  }
0x634: {  	v7 =	vadd.f32 v5, v48;
	v48 =	vld [tilespmem:$0x1EC70]  }
0x635: {  	v3 =	vadd.f32 v56, v3;
	v56 =	vld [tilespmem:$0x1ECA0]  }
0x636: {  	[tilespmem:$0x1F110] =	vst v60;
	v60 =	vld [tilespmem:$0x1ECB0]  }
0x637: {  	v5 =	vld [tilespmem:$0x1ECF0]  }
0x638: {  	v63 =	vadd.f32 v62, v15;
	v62 =	vld [tilespmem:$0x1ECC0]  }
0x639: {  	v13 =	vadd.f32 v30, v13;
	v7 =	vadd.f32 v51, v7;
	v51 =	vld [tilespmem:$0x4520]  }
0x63a: {  	v15 =	vadd.f32 v10, v3;
	v3 =	vld [tilespmem:$0x4590]  }
0x63b: {  	v13 =	vadd.f32 v33, v13;
	v33 =	vld [tilespmem:$0x4790]  }
0x63c: {  	[tilespmem:$0x1F150] =	vst v40;
	v40 =	vld [tilespmem:$0x4500]  }
0x63d: {  	v10 =	vadd.f32 v54, v15;
	v54 =	vld [tilespmem:$0x4530]  }
0x63e: {  	v15 =	vld [tilespmem:$0x1ED10]  }
0x63f: {  	v13 =	vadd.f32 v32, v13;
	v32 =	vld [tilespmem:$0x4B40]  }
0x640: {  	[tilespmem:$0x1F0B0] =	vst v8;
	v8 =	vadd.f32 v48, v63;
	v48 =	vld [tilespmem:$0x4510]  }
0x641: {  	v63 =	vld [tilespmem:$0x1ECD0]  }
0x642: {  	v0 =	vadd.f32 v56, v0;
	v56 =	vld [tilespmem:$0x4540]  }
0x643: {  	v7 =	vadd.f32 v62, v7;
	v62 =	vld [tilespmem:$0x1ED30]  }
0x644: {  	v13 =	vadd.f32 v28, v13;
	v28 =	vld [tilespmem:$0x4B20]  }
0x645: {  	v8 =	vadd.f32 v60, v8;
	v60 =	vld [tilespmem:$0x1ED20]  }
0x646: {  	v0 =	vadd.f32 v4, v0;
	v4 =	vld [tilespmem:$0x1ED50]  }
0x647: {  	v7 =	vadd.f32 v6, v7;
	v6 =	vld [tilespmem:$0x1ED70]  }
0x648: {  	v13 =	vadd.f32 v22, v13;
	v22 =	vld [tilespmem:$0x4AE0]  }
0x649: {  	v40 =	vadd.f32 $0.0e+00, v40;
	v8 =	vadd.f32 v5, v8;
	v5 =	vld [tilespmem:$0x1ED60]  }
0x64a: {  	v10 =	vadd.f32 v63, v10;
	v63 =	vld [tilespmem:$0x1ED40]  }
0x64b: {  	v40 =	vadd.f32 v48, v40;
	v48 =	vld [tilespmem:$0x4850]  }
0x64c: {  	v13 =	vadd.f32 v23, v13;
	v23 =	vld [tilespmem:$0x4AF0]  }
0x64d: {  	v8 =	vadd.f32 v62, v8;
	v62 =	vld [tilespmem:$0x4560]  }
0x64e: {  	v0 =	vadd.f32 v60, v0;
	v60 =	vld [tilespmem:$0x4550]  }
0x64f: {  	v10 =	vadd.f32 v15, v10;
	v15 =	vld [tilespmem:$0x1ED80]  }
0x650: {  	v40 =	vadd.f32 v51, v40;
	v51 =	vld [tilespmem:$0x1EE10]  }
0x651: {  	v13 =	vadd.f32 v29, v13;
	v29 =	vld [tilespmem:$0x4B30]  }
0x652: {  	v8 =	vadd.f32 v6, v8;
	v6 =	vld [tilespmem:$0x1EDB0]  }
0x653: {  	v10 =	vadd.f32 v4, v10;
	v4 =	vld [tilespmem:$0x1ED90]  }
0x654: {  	v0 =	vadd.f32 v5, v0;
	v5 =	vld [tilespmem:$0x1EDA0]  }
0x655: {  	v40 =	vadd.f32 v54, v40;
	v54 =	vld [tilespmem:$0x4880]  }
0x656: {  	v13 =	vadd.f32 v20, v13;
	v7 =	vadd.f32 v63, v7;
	v63 =	vld [tilespmem:$0x4570]  }
0x657: {  	v40 =	vadd.f32 v56, v40;
	v56 =	vld [tilespmem:$0x1EE30]  }
0x658: {  	v13 =	vadd.f32 v52, v13;
	v52 =	vld [tilespmem:$0x47E0]  }
0x659: {  	v40 =	vadd.f32 v60, v40;
	v60 =	vld [tilespmem:$0x1EE40]  }
0x65a: {  	v7 =	vadd.f32 v15, v7;
	v13 =	vadd.f32 v24, v13;
	v24 =	vld [tilespmem:$0x1F080]  }
0x65b: {  	v15 =	vadd.f32 v4, v10;
	v4 =	vld [tilespmem:$0x4580]  }
0x65c: {  	v10 =	vadd.f32 v5, v0;
	v5 =	vadd.f32 v6, v7;
	v6 =	vld [tilespmem:$0x1EDD0]  }
0x65d: {  	v0 =	vld [tilespmem:$0x4830]  }
0x65e: {  	v7 =	vld [tilespmem:$0x1EDC0];
	v40 =	vadd.f32 v62, v40  }
0x65f: {  	v62 =	vld [tilespmem:$0x48A0]  }
0x660: {  	v1 =	vadd.f32 $0.0e+00, v1;
	v40 =	vadd.f32 v63, v40;
	v63 =	vld [tilespmem:$0x48D0]  }
0x661: {  	v10 =	vadd.f32 v6, v10;
	v6 =	vld [tilespmem:$0x1EDE0]  }
0x662: {  	v0 =	vadd.f32 v0, v1;
	v1 =	vld [tilespmem:$0x45B0]  }
0x663: {  	v4 =	vadd.f32 v4, v40;
	v40 =	vld [tilespmem:$0x4660]  }
0x664: {  	v0 =	vadd.f32 v2, v0;
	v2 =	vld [tilespmem:$0x45C0]  }
0x665: {  	v3 =	vadd.f32 v3, v4;
	v4 =	vld [tilespmem:$0x4650]  }
0x666: {  	v7 =	vadd.f32 $0.0e+00, v7;
	v0 =	vadd.f32 v48, v0;
	v48 =	vld [tilespmem:$0x4600]  }
0x667: {  	v3 =	vadd.f32 v53, v3;
	v53 =	vld [tilespmem:$0x48E0]  }
0x668: {  	v7 =	vadd.f32 v6, v7;
	v6 =	vld [tilespmem:$0x1EDF0]  }
0x669: {  	v0 =	vadd.f32 v47, v0;
	v47 =	vld [tilespmem:$0x4890]  }
0x66a: {  	v1 =	vadd.f32 v1, v3;
	v3 =	vld [tilespmem:$0x4670]  }
0x66b: {  	v0 =	vadd.f32 v46, v0;
	v46 =	vld [tilespmem:$0x4620]  }
0x66c: {  	v1 =	vadd.f32 v2, v1;
	v2 =	vld [tilespmem:$0x4680]  }
0x66d: {  	v7 =	vadd.f32 v6, v7;
	v6 =	vld [tilespmem:$0x1EE00]  }
0x66e: {  	v0 =	vadd.f32 v54, v0;
	v54 =	vld [tilespmem:$0x1EE50];
	v1 =	vadd.f32 v38, v1  }
0x66f: {  	v38 =	vld [tilespmem:$0x46C0]  }
0x670: {  	v0 =	vadd.f32 v47, v0;
	v1 =	vadd.f32 v35, v1;
	v47 =	vld [tilespmem:$0x1EED0]  }
0x671: {  	v35 =	vld [tilespmem:$0x4690]  }
0x672: {  	v0 =	vadd.f32 v62, v0;
	v62 =	vld [tilespmem:$0x1EE70];
	v1 =	vadd.f32 v27, v1  }
0x673: {  	v7 =	vadd.f32 v6, v7;
	v6 =	vld [tilespmem:$0x1EE20]  }
0x674: {  	v27 =	vld [tilespmem:$0x46E0];
	v1 =	vadd.f32 v48, v1  }
0x675: {  	v48 =	vld [tilespmem:$0x1EF70]  }
0x676: {  	v7 =	vadd.f32 v51, v7;
	v51 =	vld [tilespmem:$0x1EE80];
	v1 =	vadd.f32 v25, v1  }
0x677: {  	v25 =	vld [tilespmem:$0x4B00]  }
0x678: {  	v7 =	vadd.f32 v6, v7;
	v1 =	vadd.f32 v46, v1;
	v6 =	vld [tilespmem:$0x1EF50]  }
0x679: {  	v46 =	vld [tilespmem:$0x1EFA0]  }
0x67a: {  	v7 =	vadd.f32 v56, v7;
	v56 =	vld [tilespmem:$0x48B0];
	v1 =	vadd.f32 v26, v1  }
0x67b: {  	v26 =	vld [tilespmem:$0x46F0]  }
0x67c: {  	v7 =	vadd.f32 v60, v7;
	v60 =	vld [tilespmem:$0x1EE60];
	v1 =	vadd.f32 v31, v1  }
0x67d: {  	v31 =	vld [tilespmem:$0x4700]  }
0x67e: {  	v7 =	vadd.f32 v54, v7;
	v54 =	vld [tilespmem:$0x1EE90];
	v1 =	vadd.f32 v4, v1  }
0x67f: {  	v0 =	vadd.f32 v56, v0;
	v56 =	vld [tilespmem:$0x48F0]  }
0x680: {  	v1 =	vadd.f32 v40, v1;
	v40 =	vld [tilespmem:$0x4710]  }
0x681: {  	v7 =	vadd.f32 v60, v7;
	v60 =	vld [tilespmem:$0x1EEB0]  }
0x682: {  	v0 =	vadd.f32 v61, v0;
	v61 =	vld [tilespmem:$0x4910]  }
0x683: {  	v1 =	vadd.f32 v3, v1;
	v7 =	vadd.f32 v62, v7;
	v62 =	vld [tilespmem:$0x1EEC0]  }
0x684: {  	v0 =	vadd.f32 v63, v0;
	v63 =	vld [tilespmem:$0x4920]  }
0x685: {  	v1 =	vadd.f32 v2, v1;
	v7 =	vadd.f32 v51, v7;
	v51 =	vld [tilespmem:$0x4930]  }
0x686: {  	v0 =	vadd.f32 v53, v0;
	v53 =	vld [tilespmem:$0x1EEE0]  }
0x687: {  	v1 =	vadd.f32 v35, v1;
	v35 =	vld [tilespmem:$0x4A40]  }
0x688: {  	v7 =	vadd.f32 v54, v7;
	v54 =	vld [tilespmem:$0x4940]  }
0x689: {  	v0 =	vadd.f32 v56, v0;
	v56 =	vld [tilespmem:$0x4950]  }
0x68a: {  	v7 =	vadd.f32 v57, v7;
	v57 =	vld [tilespmem:$0x46B0]  }
0x68b: {  	v0 =	vadd.f32 v59, v0;
	v59 =	vld [tilespmem:$0x4980]  }
0x68c: {  	v7 =	vadd.f32 v60, v7;
	v60 =	vld [tilespmem:$0x1EF30]  }
0x68d: {  	v0 =	vadd.f32 v61, v0;
	v61 =	vld [tilespmem:$0x4990]  }
0x68e: {  	v1 =	vadd.f32 v21, v1;
	v7 =	vadd.f32 v62, v7;
	v62 =	vld [tilespmem:$0x1EF40]  }
0x68f: {  	v0 =	vadd.f32 v63, v0;
	v63 =	vld [tilespmem:$0x49A0]  }
0x690: {  	v1 =	vadd.f32 v57, v1;
	v57 =	vld [tilespmem:$0x49F0]  }
0x691: {  	v0 =	vadd.f32 v51, v0;
	v51 =	vld [tilespmem:$0x4960]  }
0x692: {  	v7 =	vadd.f32 v47, v7;
	v47 =	vld [tilespmem:$0x4A00]  }
0x693: {  	v1 =	vadd.f32 v38, v1;
	v38 =	vld [tilespmem:$0x4A50]  }
0x694: {  	v7 =	vadd.f32 v53, v7;
	v53 =	vld [tilespmem:$0x1EF10]  }
0x695: {  	v0 =	vadd.f32 v54, v0;
	v54 =	vld [tilespmem:$0x4970]  }
0x696: {  	v7 =	vadd.f32 v55, v7;
	v55 =	vld [tilespmem:$0x46D0]  }
0x697: {  	v0 =	vadd.f32 v56, v0;
	v56 =	vld [tilespmem:$0x1EF90]  }
0x698: {  	v7 =	vadd.f32 v50, v7;
	v50 =	vld [tilespmem:$0x4730]  }
0x699: {  	v0 =	vadd.f32 v51, v0;
	v51 =	vld [tilespmem:$0x1EF80]  }
0x69a: {  	v7 =	vadd.f32 v53, v7;
	v53 =	vld [tilespmem:$0x49E0]  }
0x69b: {  	v0 =	vadd.f32 v54, v0;
	v54 =	vld [tilespmem:$0x4740]  }
0x69c: {  	v1 =	vadd.f32 v55, v1;
	v55 =	vld [tilespmem:$0x1EFC0]  }
0x69d: {  	v7 =	vadd.f32 v58, v7;
	v58 =	vld [tilespmem:$0x4750]  }
0x69e: {  	v0 =	vadd.f32 v59, v0;
	v59 =	vld [tilespmem:$0x1EFB0]  }
0x69f: {  	v1 =	vadd.f32 v27, v1;
	v27 =	vld [tilespmem:$0x1F090]  }
0x6a0: {  	v7 =	vadd.f32 v60, v7;
	v60 =	vld [tilespmem:$0x4A10]  }
0x6a1: {  	v0 =	vadd.f32 v61, v0;
	v61 =	vld [tilespmem:$0x4770]  }
0x6a2: {  	v1 =	vadd.f32 v26, v1;
	v26 =	vld [tilespmem:$0x4B10]  }
0x6a3: {  	v7 =	vadd.f32 v62, v7;
	v0 =	vadd.f32 v63, v0;
	v62 =	vld [tilespmem:$0x1EFD0]  }
0x6a4: {  	v63 =	vld [tilespmem:$0x4A30];
	v1 =	vadd.f32 v31, v1  }
0x6a5: {  	v7 =	vadd.f32 v6, v7;
	v0 =	vadd.f32 v37, v0;
	v37 =	vld [tilespmem:$0x1EFF0]  }
0x6a6: {  	v6 =	vld [tilespmem:$0x1F070]  }
0x6a7: {  	v1 =	vadd.f32 v40, v1;
	v40 =	vld [tilespmem:$0x1F000];
	v7 =	vadd.f32 v41, v7  }
0x6a8: {  	v0 =	vadd.f32 v44, v0;
	v41 =	vld [tilespmem:$0x4A60]  }
0x6a9: {  	v44 =	vld [tilespmem:$0x47C0];
	v7 =	vadd.f32 v48, v7  }
0x6aa: {  	v1 =	vadd.f32 v45, v1;
	v45 =	vld [tilespmem:$0x1F010];
	v0 =	vadd.f32 v49, v0  }
0x6ab: {  	v48 =	vld [tilespmem:$0x4760];
	v7 =	vadd.f32 v51, v7  }
0x6ac: {  	v49 =	vld [tilespmem:$0x1F020];
	v0 =	vadd.f32 v53, v0  }
0x6ad: {  	v1 =	vadd.f32 v50, v1;
	v50 =	vld [tilespmem:$0x4A80];
	v7 =	vadd.f32 v56, v7  }
0x6ae: {  	v53 =	vld [tilespmem:$0x1F030];
	v0 =	vadd.f32 v57, v0  }
0x6af: {  	v56 =	vld [tilespmem:$0x4A20];
	v7 =	vadd.f32 v46, v7  }
0x6b0: {  	v1 =	vadd.f32 v54, v1;
	v54 =	vld [tilespmem:$0x4A90];
	v0 =	vadd.f32 v47, v0  }
0x6b1: {  	v57 =	vld [tilespmem:$0x4780];
	v7 =	vadd.f32 v59, v7  }
0x6b2: {  	v1 =	vadd.f32 v58, v1;
	v58 =	vld [tilespmem:$0x1F040];
	v0 =	vadd.f32 v60, v0  }
0x6b3: {  	v46 =	vld [tilespmem:$0x4A70];
	v7 =	vadd.f32 v55, v7  }
0x6b4: {  	v47 =	vld [tilespmem:$0x47D0];
	v1 =	vadd.f32 v48, v1;
	v0 =	vadd.f32 v56, v0  }
0x6b5: {  	v48 =	vld [tilespmem:$0x1F050];
	v7 =	vadd.f32 v62, v7  }
0x6b6: {  	v59 =	vld [tilespmem:$0x4AA0];
	v1 =	vadd.f32 v61, v1;
	v0 =	vadd.f32 v63, v0  }
0x6b7: {  	v60 =	vld [tilespmem:$0x4800];
	v7 =	vadd.f32 v34, v7  }
0x6b8: {  	v61 =	vld [tilespmem:$0x1F060];
	v1 =	vadd.f32 v57, v1;
	v0 =	vadd.f32 v35, v0  }
0x6b9: {  	v55 =	vld [tilespmem:$0x47F0];
	v7 =	vadd.f32 v37, v7  }
0x6ba: {  	v62 =	vld [tilespmem:$0x4AC0];
	v1 =	vadd.f32 v33, v1;
	v0 =	vadd.f32 v38, v0  }
0x6bb: {  	v63 =	vld [tilespmem:$0x4AD0];
	v7 =	vadd.f32 v40, v7  }
0x6bc: {  	v33 =	vld [tilespmem:$0x1F0A0];
	v1 =	vadd.f32 v36, v1;
	v0 =	vadd.f32 v41, v0  }
0x6bd: {  	v34 =	vld [tilespmem:$0x1F0B0];
	v7 =	vadd.f32 v45, v7  }
0x6be: {  	v37 =	vld [tilespmem:$0x4B50];
	v1 =	vadd.f32 v39, v1;
	v0 =	vadd.f32 v46, v0  }
0x6bf: {  	v4 =	vadd.f32 v49, v7;
	v49 =	vld [tilespmem:$0x4AB0]  }
0x6c0: {  	v1 =	vadd.f32 v44, v1;
	v0 =	vadd.f32 v50, v0;
	v50 =	vld [tilespmem:$0x4810]  }
0x6c1: {  	v35 =	vld [tilespmem:$0x1F0C0]  }
0x6c2: {  	v1 =	vadd.f32 v47, v1;
	v47 =	vld [tilespmem:$0x4B60]  }
0x6c3: {  	v36 =	vld [tilespmem:$0x1F0D0]  }
0x6c4: {  	v38 =	vld [tilespmem:$0x1F0E0]  }
0x6c5: {  	v39 =	vld [tilespmem:$0x1F0F0]  }
0x6c6: {  	v40 =	vld [tilespmem:$0x1F100]  }
0x6c7: {  	v41 =	vld [tilespmem:$0x1F110]  }
0x6c8: {  	v45 =	vld [tilespmem:$0x4BA0]  }
0x6c9: {  	v51 =	vadd.f32 v11, v13;
	v44 =	vld [tilespmem:$0x1F130]  }
0x6ca: {  	v46 =	vld [tilespmem:$0x1F140]  }
0x6cb: {  	v7 =	vadd.f32 v19, v51;
	v51 =	vld [tilespmem:$0x4C30]  }
0x6cc: {  	v56 =	vld [tilespmem:$0x4CA0]  }
0x6cd: {  	v57 =	vld [tilespmem:$0x4CB0]  }
0x6ce: {  	[tilespmem:$0x6B80] =	vst v5;
	v5 =	vld [tilespmem:$0x4D00]  }
0x6cf: {  	[tilespmem:$0x6B60] =	vst v8;
	v8 =	vld [tilespmem:$0x4D30]  }
0x6d0: {  	[tilespmem:$0x6B90] =	vst v10;
	v10 =	vld [tilespmem:$0x4D50]  }
0x6d1: {  	v11 =	vld [tilespmem:$0x4D60]  }
0x6d2: {  	v13 =	vld [tilespmem:$0x4D80]  }
0x6d3: {  	[tilespmem:$0x6B70] =	vst v15;
	v15 =	vld [tilespmem:$0x4DA0]  }
0x6d4: {  	v17 =	vld [tilespmem:$0x4DC0]  }
0x6d5: {  	v18 =	vld [tilespmem:$0x4DD0]  }
0x6d6: {  	v19 =	vld [tilespmem:$0x4DE0]  }
0x6d7: {  	v20 =	vld [tilespmem:$0x4DF0]  }
0x6d8: {  	v21 =	vld [tilespmem:$0x4E00]  }
0x6d9: {  	v30 =	vld [tilespmem:$0x4FF0]  }
0x6da: {  	v31 =	vld [tilespmem:$0x50B0]  }
0x6db: {  	v1 =	vadd.f32 v52, v1;
	v52 =	vld [tilespmem:$0x4C90]  }
0x6dc: {  	v4 =	vadd.f32 v53, v4;
	v53 =	vld [tilespmem:$0x4BB0]  }
0x6dd: {  	v0 =	vadd.f32 v54, v0;
	v54 =	vld [tilespmem:$0x4C40]  }
0x6de: {  	v7 =	vadd.f32 v12, v7;
	v12 =	vld [tilespmem:$0x4D70]  }
0x6df: {  	v1 =	vadd.f32 v55, v1;
	v55 =	vld [tilespmem:$0x4C50]  }
0x6e0: {  	v0 =	vadd.f32 v59, v0;
	v59 =	vld [tilespmem:$0x4B80]  }
0x6e1: {  	v3 =	vadd.f32 v58, v4;
	v58 =	vld [tilespmem:$0x4CC0]  }
0x6e2: {  	v4 =	vld [tilespmem:$0x4CF0]  }
0x6e3: {  	v7 =	vadd.f32 v14, v7;
	v14 =	vld [tilespmem:$0x4D90]  }
0x6e4: {  	[tilespmem:$0x6B40] =	vst v38;
	v38 =	vld [tilespmem:$0x4BF0]  }
0x6e5: {  	[tilespmem:$0x6B50] =	vst v40;
	v40 =	vld [tilespmem:$0x4C00]  }
0x6e6: {  	v1 =	vadd.f32 v60, v1;
	v60 =	vld [tilespmem:$0x4C60]  }
0x6e7: {  	[tilespmem:$0x1F1F0] =	vst v5;
	v5 =	vld [tilespmem:$0x4EC0]  }
0x6e8: {  	[tilespmem:$0x1F220] =	vst v8;
	v8 =	vld [tilespmem:$0x4EF0]  }
0x6e9: {  	[tilespmem:$0x1F240] =	vst v10;
	v10 =	vld [tilespmem:$0x4F10]  }
0x6ea: {  	[tilespmem:$0x1F250] =	vst v11;
	v11 =	vld [tilespmem:$0x4F20]  }
0x6eb: {  	[tilespmem:$0x1F270] =	vst v13;
	v13 =	vld [tilespmem:$0x4F40]  }
0x6ec: {  	[tilespmem:$0x1F2B0] =	vst v15;
	v15 =	vld [tilespmem:$0x4F60]  }
0x6ed: {  	[tilespmem:$0x1F2F0] =	vst v17;
	v17 =	vld [tilespmem:$0x4F80]  }
0x6ee: {  	[tilespmem:$0x1F330] =	vst v19;
	v19 =	vld [tilespmem:$0x4F90]  }
0x6ef: {  	[tilespmem:$0x1F370] =	vst v21;
	v21 =	vld [tilespmem:$0x4FA0]  }
0x6f0: {  	[tilespmem:$0x1F1A0] =	vst v57;
	v57 =	vld [tilespmem:$0x5060]  }
0x6f1: {  	[tilespmem:$0x1F190] =	vst v56;
	v56 =	vld [tilespmem:$0x5070]  }
0x6f2: {  	[tilespmem:$0x1F310] =	vst v18;
	v18 =	vld [tilespmem:$0x50D0]  }
0x6f3: {  	[tilespmem:$0x1F350] =	vst v20;
	v20 =	vld [tilespmem:$0x50E0]  }
0x6f4: {  	[tilespmem:$0x1F2A0] =	vst v31;
	v31 =	vld [tilespmem:$0x5120]  }
0x6f5: {  	v7 =	vadd.f32 v42, v7;
	v42 =	vld [tilespmem:$0x4B70]  }
0x6f6: {  	v2 =	vadd.f32 v48, v3;
	v48 =	vld [tilespmem:$0x1F150]  }
0x6f7: {  	v0 =	vadd.f32 v49, v0;
	v49 =	vld [tilespmem:$0x4C70]  }
0x6f8: {  	[tilespmem:$0x1F180] =	vst v52;
	v52 =	vld [tilespmem:$0x5050]  }
0x6f9: {  	v1 =	vadd.f32 v50, v1;
	v50 =	vld [tilespmem:$0x4C80]  }
0x6fa: {  	[tilespmem:$0x1F260] =	vst v12;
	v12 =	vld [tilespmem:$0x4F30]  }
0x6fb: {  	v2 =	vadd.f32 v61, v2;
	v61 =	vld [tilespmem:$0x4CD0]  }
0x6fc: {  	v0 =	vadd.f32 v62, v0;
	v62 =	vld [tilespmem:$0x4CE0]  }
0x6fd: {  	v7 =	vadd.f32 v9, v7;
	v9 =	vld [tilespmem:$0x4D40]  }
0x6fe: {  	[tilespmem:$0x1F1E0] =	vst v4;
	v4 =	vld [tilespmem:$0x4EB0]  }
0x6ff: {  	[tilespmem:$0x1F290] =	vst v14;
	v14 =	vld [tilespmem:$0x4F50]  }
0x700: {  	[tilespmem:$0x1F1B0] =	vst v58;
	v58 =	vld [tilespmem:$0x5080]  }
0x701: {  	v0 =	vadd.f32 v63, v0;
	v63 =	vld [tilespmem:$0x4BC0]  }
0x702: {  	v2 =	vadd.f32 v6, v2;
	v6 =	vld [tilespmem:$0x4D10]  }
0x703: {  	v7 =	vadd.f32 v16, v7;
	v16 =	vld [tilespmem:$0x4DB0]  }
0x704: {  	[tilespmem:$0x1F2E0] =	vst v18;
	v18 =	vld [tilespmem:$0x5140]  }
0x705: {  	[tilespmem:$0x1F300] =	vst v20;
	v20 =	vld [tilespmem:$0x5150]  }
0x706: {  	[tilespmem:$0x1F380] =	vst v31;
	v31 =	vld [tilespmem:$0x5190]  }
0x707: {  	[tilespmem:$0x1F160] =	vst v49;
	v49 =	vld [tilespmem:$0x4E80]  }
0x708: {  	v7 =	vadd.f32 v43, v7;
	v43 =	vld [tilespmem:$0x1F120]  }
0x709: {  	v0 =	vadd.f32 v22, v0;
	v22 =	vld [tilespmem:$0x4E10]  }
0x70a: {  	v2 =	vadd.f32 v24, v2;
	v24 =	vld [tilespmem:$0x4E30]  }
0x70b: {  	[tilespmem:$0x1F170] =	vst v50;
	v50 =	vld [tilespmem:$0x5040]  }
0x70c: {  	[tilespmem:$0x1F230] =	vst v9;
	v9 =	vld [tilespmem:$0x4F00]  }
0x70d: {  	[tilespmem:$0x1F1C0] =	vst v61;
	v61 =	vld [tilespmem:$0x5090]  }
0x70e: {  	[tilespmem:$0x1F1D0] =	vst v62;
	v62 =	vld [tilespmem:$0x50C0]  }
0x70f: {  	v0 =	vadd.f32 v23, v0;
	v23 =	vld [tilespmem:$0x4E20]  }
0x710: {  	v7 =	vadd.f32 v34, v7;
	v34 =	vld [tilespmem:$0x5010]  }
0x711: {  	v2 =	vadd.f32 v27, v2;
	v27 =	vld [tilespmem:$0x50A0]  }
0x712: {  	[tilespmem:$0x1F200] =	vst v6;
	v6 =	vld [tilespmem:$0x4ED0]  }
0x713: {  	[tilespmem:$0x1F2D0] =	vst v16;
	v16 =	vld [tilespmem:$0x4F70]  }
0x714: {  	[tilespmem:$0x1F3C0] =	vst v18;
	v18 =	vld [tilespmem:$0x51B0]  }
0x715: {  	[tilespmem:$0x1F3E0] =	vst v20;
	v20 =	vld [tilespmem:$0x51C0]  }
0x716: {  	[tilespmem:$0x1F440] =	vst v31;
	v31 =	vld [tilespmem:$0x5200]  }
0x717: {  	v2 =	vadd.f32 v33, v2;
	v33 =	vld [tilespmem:$0x4BD0]  }
0x718: {  	v0 =	vadd.f32 v25, v0;
	v25 =	vld [tilespmem:$0x4E40]  }
0x719: {  	v7 =	vadd.f32 v36, v7;
	v36 =	vld [tilespmem:$0x5000]  }
0x71a: {  	[tilespmem:$0x1F390] =	vst v22;
	v22 =	vld [tilespmem:$0x50F0]  }
0x71b: {  	[tilespmem:$0x1F3D0] =	vst v24;
	v24 =	vld [tilespmem:$0x5100]  }
0x71c: {  	v3 =	vadd.f32 v41, v7;
	v41 =	vld [tilespmem:$0x4B90]  }
0x71d: {  	v2 =	vadd.f32 v35, v2;
	v35 =	vld [tilespmem:$0x4BE0]  }
0x71e: {  	v7 =	vld [tilespmem:$0x4D20]  }
0x71f: {  	v0 =	vadd.f32 v26, v0;
	v26 =	vld [tilespmem:$0x4E50]  }
0x720: {  	[tilespmem:$0x1F2C0] =	vst v62;
	v62 =	vld [tilespmem:$0x5130]  }
0x721: {  	[tilespmem:$0x1F3B0] =	vst v23;
	v23 =	vld [tilespmem:$0x4FB0]  }
0x722: {  	[tilespmem:$0x1F280] =	vst v27;
	v27 =	vld [tilespmem:$0x5110]  }
0x723: {  	v3 =	vadd.f32 v44, v3;
	v44 =	vld [tilespmem:$0x4C10]  }
0x724: {  	v0 =	vadd.f32 v28, v0;
	v28 =	vld [tilespmem:$0x4FE0]  }
0x725: {  	v2 =	vadd.f32 v39, v2;
	v39 =	vld [tilespmem:$0x5020]  }
0x726: {  	[tilespmem:$0x1F480] =	vst v18;
	v18 =	vld [tilespmem:$0x5220]  }
0x727: {  	[tilespmem:$0x1F4A0] =	vst v20;
	v20 =	vld [tilespmem:$0x5230]  }
0x728: {  	[tilespmem:$0x1F520] =	vst v31;
	v31 =	vld [tilespmem:$0x5270]  }
0x729: {  	[tilespmem:$0x1F3F0] =	vst v25;
	v25 =	vld [tilespmem:$0x4FC0]  }
0x72a: {  	v3 =	vadd.f32 v48, v3;
	v48 =	vld [tilespmem:$0x4C20]  }
0x72b: {  	v0 =	vadd.f32 v29, v0;
	v29 =	vld [tilespmem:$0x4E60]  }
0x72c: {  	v2 =	vadd.f32 v43, v2;
	v43 =	vld [tilespmem:$0x4E70]  }
0x72d: {  	[tilespmem:$0x1F320] =	vst v22;
	v22 =	vld [tilespmem:$0x5160]  }
0x72e: {  	[tilespmem:$0x1F340] =	vst v24;
	v24 =	vld [tilespmem:$0x5170]  }
0x72f: {  	[tilespmem:$0x1F210] =	vst v7;
	v7 =	vld [tilespmem:$0x4EE0]  }
0x730: {  	[tilespmem:$0x1F410] =	vst v26;
	v26 =	vld [tilespmem:$0x4FD0]  }
0x731: {  	[tilespmem:$0x1F3A0] =	vst v62;
	v62 =	vld [tilespmem:$0x51A0]  }
0x732: {  	[tilespmem:$0x6BB0] =	vst v3;
	v3 =	vld [tilespmem:$0x4EA0]  }
0x733: {  	v2 =	vadd.f32 v46, v2;
	[tilespmem:$0x6BD0] =	vst v0;
	v46 =	vld [tilespmem:$0x5030]  }
0x734: {  	[tilespmem:$0x1F360] =	vst v27;
	v27 =	vld [tilespmem:$0x5180]  }
0x735: {  	[tilespmem:$0x1F560] =	vst v18;
	v18 =	vld [tilespmem:$0x5290]  }
0x736: {  	[tilespmem:$0x1F580] =	vst v20;
	v20 =	vld [tilespmem:$0x52A0]  }
0x737: {  	v0 =	vadd.f32 $0.0e+00, v32;
	[tilespmem:$0x1F610] =	vst v31;
	v31 =	vld [tilespmem:$0x52E0]  }
0x738: {  	[tilespmem:$0x6BA0] =	vst v2;
	v2 =	vld [tilespmem:$0x4E90]  }
0x739: {  	v0 =	vadd.f32 v37, v0;
	v37 =	vld [tilespmem:$0x5830]  }
0x73a: {  	[tilespmem:$0x1F400] =	vst v22;
	v22 =	vld [tilespmem:$0x51D0]  }
0x73b: {  	[tilespmem:$0x1F430] =	vst v24;
	v24 =	vld [tilespmem:$0x51E0]  }
0x73c: {  	v32 =	vadd.f32 $0.0e+00, v29;
	v29 =	vld [tilespmem:$0x5820]  }
0x73d: {  	[tilespmem:$0x1F460] =	vst v62;
	v62 =	vld [tilespmem:$0x5210]  }
0x73e: {  	v0 =	vadd.f32 v47, v0;
	v47 =	vld [tilespmem:$0x5850]  }
0x73f: {  	[tilespmem:$0x1F420] =	vst v27;
	v27 =	vld [tilespmem:$0x51F0]  }
0x740: {  	[tilespmem:$0x6BC0] =	vst v1;
	v1 =	vadd.f32 v43, v32;
	v43 =	vld [tilespmem:$0x5840]  }
0x741: {  	v32 =	vld [tilespmem:$0x5880]  }
0x742: {  	[tilespmem:$0x1F670] =	vst v18;
	v18 =	vld [tilespmem:$0x5300]  }
0x743: {  	[tilespmem:$0x1F6A0] =	vst v20;
	v20 =	vld [tilespmem:$0x5310]  }
0x744: {  	[tilespmem:$0x1F760] =	vst v31;
	v31 =	vld [tilespmem:$0x5350]  }
0x745: {  	v0 =	vadd.f32 v42, v0;
	v42 =	vld [tilespmem:$0x5870]  }
0x746: {  	v1 =	vadd.f32 v49, v1;
	v49 =	vld [tilespmem:$0x5860]  }
0x747: {  	[tilespmem:$0x1F4C0] =	vst v22;
	v22 =	vld [tilespmem:$0x5240]  }
0x748: {  	[tilespmem:$0x1F4E0] =	vst v24;
	v24 =	vld [tilespmem:$0x5250]  }
0x749: {  	v0 =	vadd.f32 v59, v0;
	v59 =	vld [tilespmem:$0x5890]  }
0x74a: {  	[tilespmem:$0x1F540] =	vst v62;
	v62 =	vld [tilespmem:$0x5280]  }
0x74b: {  	[tilespmem:$0x1F500] =	vst v27;
	v27 =	vld [tilespmem:$0x5260]  }
0x74c: {  	[tilespmem:$0x1F5D0] =	vst v32;
	v32 =	vld [tilespmem:$0x58A0]  }
0x74d: {  	v0 =	vadd.f32 v41, v0;
	v41 =	vld [tilespmem:$0x58B0]  }
0x74e: {  	[tilespmem:$0x1F7C0] =	vst v18;
	v18 =	vld [tilespmem:$0x5370]  }
0x74f: {  	[tilespmem:$0x1F7F0] =	vst v20;
	v20 =	vld [tilespmem:$0x5380]  }
0x750: {  	v1 =	vadd.f32 v2, v1;
	[tilespmem:$0x1F8B0] =	vst v31;
	v31 =	vld [tilespmem:$0x53C0]  }
0x751: {  	v0 =	vadd.f32 v45, v0;
	v45 =	vld [tilespmem:$0x58F0]  }
0x752: {  	v1 =	vadd.f32 v3, v1;
	[tilespmem:$0x1F5A0] =	vst v22;
	v22 =	vld [tilespmem:$0x52B0]  }
0x753: {  	[tilespmem:$0x1F5C0] =	vst v24;
	v24 =	vld [tilespmem:$0x52C0]  }
0x754: {  	v1 =	vadd.f32 v4, v1;
	v4 =	vld [tilespmem:$0x58C0]  }
0x755: {  	[tilespmem:$0x1F640] =	vst v62;
	v62 =	vld [tilespmem:$0x52F0]  }
0x756: {  	v0 =	vadd.f32 v53, v0;
	v53 =	vld [tilespmem:$0x5900]  }
0x757: {  	[tilespmem:$0x1F5F0] =	vst v27;
	v27 =	vld [tilespmem:$0x52D0]  }
0x758: {  	[tilespmem:$0x1F620] =	vst v32;
	v32 =	vld [tilespmem:$0x58D0]  }
0x759: {  	[tilespmem:$0x1F650] =	vst v41;
	v41 =	vld [tilespmem:$0x58E0]  }
0x75a: {  	v1 =	vadd.f32 v5, v1;
	v5 =	vld [tilespmem:$0x5920]  }
0x75b: {  	[tilespmem:$0x1F910] =	vst v18;
	v18 =	vld [tilespmem:$0x53E0]  }
0x75c: {  	[tilespmem:$0x1F940] =	vst v20;
	v20 =	vld [tilespmem:$0x53F0]  }
0x75d: {  	[tilespmem:$0x1FA00] =	vst v31;
	v31 =	vld [tilespmem:$0x5430]  }
0x75e: {  	v0 =	vadd.f32 v63, v0;
	v63 =	vld [tilespmem:$0x5A00]  }
0x75f: {  	v1 =	vadd.f32 v6, v1;
	v6 =	vld [tilespmem:$0x5930]  }
0x760: {  	[tilespmem:$0x1F710] =	vst v45;
	v45 =	vld [tilespmem:$0x59D0]  }
0x761: {  	[tilespmem:$0x1F6D0] =	vst v22;
	v22 =	vld [tilespmem:$0x5320]  }
0x762: {  	[tilespmem:$0x1F700] =	vst v24;
	v24 =	vld [tilespmem:$0x5330]  }
0x763: {  	[tilespmem:$0x1F680] =	vst v4;
	v4 =	vld [tilespmem:$0x5910]  }
0x764: {  	v0 =	vadd.f32 v33, v0;
	v33 =	vld [tilespmem:$0x5970]  }
0x765: {  	[tilespmem:$0x1F790] =	vst v62;
	v62 =	vld [tilespmem:$0x5360]  }
0x766: {  	v1 =	vadd.f32 v7, v1;
	v7 =	vld [tilespmem:$0x5940]  }
0x767: {  	[tilespmem:$0x1F740] =	vst v53;
	v53 =	vld [tilespmem:$0x59F0]  }
0x768: {  	[tilespmem:$0x1F730] =	vst v27;
	v27 =	vld [tilespmem:$0x5340]  }
0x769: {  	[tilespmem:$0x1F6B0] =	vst v32;
	v32 =	vld [tilespmem:$0x5960]  }
0x76a: {  	v0 =	vadd.f32 v35, v0;
	v35 =	vld [tilespmem:$0x5980]  }
0x76b: {  	[tilespmem:$0x1F6E0] =	vst v41;
	v41 =	vld [tilespmem:$0x59B0]  }
0x76c: {  	[tilespmem:$0x1F7A0] =	vst v5;
	v5 =	vld [tilespmem:$0x5A20]  }
0x76d: {  	[tilespmem:$0x1FA60] =	vst v18;
	v18 =	vld [tilespmem:$0x5450]  }
0x76e: {  	[tilespmem:$0x1FA90] =	vst v20;
	v20 =	vld [tilespmem:$0x5460]  }
0x76f: {  	[tilespmem:$0x1FB50] =	vst v31;
	v31 =	vld [tilespmem:$0x54B0]  }
0x770: {  	v1 =	vadd.f32 v8, v1;
	v8 =	vld [tilespmem:$0x5950]  }
0x771: {  	v0 =	vadd.f32 v38, v0;
	v38 =	vld [tilespmem:$0x5990]  }
0x772: {  	[tilespmem:$0x1F7D0] =	vst v6;
	v6 =	vld [tilespmem:$0x5A30]  }
0x773: {  	[tilespmem:$0x1F9B0] =	vst v45;
	v45 =	vld [tilespmem:$0x1F210]  }
0x774: {  	[tilespmem:$0x1F820] =	vst v22;
	v22 =	vld [tilespmem:$0x5390]  }
0x775: {  	[tilespmem:$0x1F850] =	vst v24;
	v24 =	vld [tilespmem:$0x53A0]  }
0x776: {  	[tilespmem:$0x1F770] =	vst v4;
	v4 =	vld [tilespmem:$0x5A10]  }
0x777: {  	v1 =	vadd.f32 v9, v1;
	v9 =	vld [tilespmem:$0x5A60]  }
0x778: {  	[tilespmem:$0x1F890] =	vst v33;
	v33 =	vld [tilespmem:$0x5B40]  }
0x779: {  	[tilespmem:$0x1F8E0] =	vst v62;
	v62 =	vld [tilespmem:$0x53D0]  }
0x77a: {  	v0 =	vadd.f32 v40, v0;
	v40 =	vld [tilespmem:$0x59A0]  }
0x77b: {  	[tilespmem:$0x1F800] =	vst v7;
	v7 =	vld [tilespmem:$0x5A40]  }
0x77c: {  	[tilespmem:$0x1FA10] =	vst v53;
	v53 =	vld [tilespmem:$0x1F240]  }
0x77d: {  	[tilespmem:$0x1F880] =	vst v27;
	v27 =	vld [tilespmem:$0x53B0]  }
0x77e: {  	v1 =	vadd.f32 v10, v1;
	v10 =	vld [tilespmem:$0x1F160]  }
0x77f: {  	[tilespmem:$0x1F950] =	vst v41;
	v41 =	vld [tilespmem:$0x5B00]  }
0x780: {  	[tilespmem:$0x1F8C0] =	vst v35;
	v35 =	vld [tilespmem:$0x1F1E0]  }
0x781: {  	[tilespmem:$0x1FBB0] =	vst v18;
	v18 =	vld [tilespmem:$0x54C0]  }
0x782: {  	[tilespmem:$0x1FBF0] =	vst v20;
	v20 =	vld [tilespmem:$0x54D0]  }
0x783: {  	[tilespmem:$0x1F450] =	vst v31;
	v31 =	vld [tilespmem:$0x5510]  }
0x784: {  	v0 =	vadd.f32 v44, v0;
	v44 =	vld [tilespmem:$0x59C0]  }
0x785: {  	[tilespmem:$0x1F830] =	vst v8;
	v8 =	vld [tilespmem:$0x5A50]  }
0x786: {  	v1 =	vadd.f32 v11, v1;
	v11 =	vld [tilespmem:$0x5A70]  }
0x787: {  	[tilespmem:$0x1F970] =	vst v22;
	v22 =	vld [tilespmem:$0x5400]  }
0x788: {  	[tilespmem:$0x1F9A0] =	vst v24;
	v24 =	vld [tilespmem:$0x5410]  }
0x789: {  	v0 =	vadd.f32 v48, v0;
	v48 =	vld [tilespmem:$0x59E0]  }
0x78a: {  	[tilespmem:$0x1FA30] =	vst v62;
	v62 =	vld [tilespmem:$0x5440]  }
0x78b: {  	v1 =	vadd.f32 v12, v1;
	v12 =	vld [tilespmem:$0x5A80]  }
0x78c: {  	[tilespmem:$0x1F920] =	vst v40;
	v40 =	vld [tilespmem:$0x5B10]  }
0x78d: {  	[tilespmem:$0x1FB00] =	vst v7;
	v7 =	vld [tilespmem:$0x5B20]  }
0x78e: {  	[tilespmem:$0x1F9D0] =	vst v27;
	v27 =	vld [tilespmem:$0x5420]  }
0x78f: {  	v0 =	vadd.f32 v51, v0;
	v51 =	vld [tilespmem:$0x5BC0]  }
0x790: {  	[tilespmem:$0x1F470] =	vst v18;
	v18 =	vld [tilespmem:$0x5520]  }
0x791: {  	[tilespmem:$0x1F490] =	vst v20;
	v20 =	vld [tilespmem:$0x5530]  }
0x792: {  	[tilespmem:$0x1F510] =	vst v31;
	v31 =	vld [tilespmem:$0x5570]  }
0x793: {  	v1 =	vadd.f32 v13, v1;
	v13 =	vld [tilespmem:$0x1F170]  }
0x794: {  	[tilespmem:$0x1FB30] =	vst v8;
	v8 =	vld [tilespmem:$0x5AF0]  }
0x795: {  	[tilespmem:$0x1F980] =	vst v44;
	v44 =	vld [tilespmem:$0x5B80]  }
0x796: {  	v0 =	vadd.f32 v54, v0;
	v54 =	vld [tilespmem:$0x1F250]  }
0x797: {  	[tilespmem:$0x1FAC0] =	vst v22;
	v22 =	vld [tilespmem:$0x5470]  }
0x798: {  	[tilespmem:$0x1FAF0] =	vst v24;
	v24 =	vld [tilespmem:$0x5480]  }
0x799: {  	v1 =	vadd.f32 v14, v1;
	v14 =	vld [tilespmem:$0x5A90]  }
0x79a: {  	[tilespmem:$0x1F9E0] =	vst v48;
	v48 =	vld [tilespmem:$0x5BD0]  }
0x79b: {  	[tilespmem:$0x1FB80] =	vst v62;
	v62 =	vld [tilespmem:$0x54A0]  }
0x79c: {  	v0 =	vadd.f32 v55, v0;
	v55 =	vld [tilespmem:$0x5B70]  }
0x79d: {  	[tilespmem:$0x1FBC0] =	vst v12;
	v12 =	vld [tilespmem:$0x5C50]  }
0x79e: {  	[tilespmem:$0x1FB20] =	vst v27;
	v27 =	vld [tilespmem:$0x5490]  }
0x79f: {  	v1 =	vadd.f32 v15, v1;
	v15 =	vld [tilespmem:$0x5AA0]  }
0x7a0: {  	[tilespmem:$0x1F530] =	vst v18;
	v18 =	vld [tilespmem:$0x5580]  }
0x7a1: {  	[tilespmem:$0x1F550] =	vst v20;
	v20 =	vld [tilespmem:$0x5590]  }
0x7a2: {  	[tilespmem:$0x1F5E0] =	vst v31;
	v31 =	vld [tilespmem:$0x55D0]  }
0x7a3: {  	v0 =	vadd.f32 v60, v0;
	v60 =	vld [tilespmem:$0x1F290]  }
0x7a4: {  	v1 =	vadd.f32 v16, v1;
	v16 =	vld [tilespmem:$0x1F180]  }
0x7a5: {  	[tilespmem:$0x1FC20] =	vst v22;
	v22 =	vld [tilespmem:$0x54E0]  }
0x7a6: {  	[tilespmem:$0x1FC50] =	vst v24;
	v24 =	vld [tilespmem:$0x54F0]  }
0x7a7: {  	[tilespmem:$0x1FC00] =	vst v14;
	v14 =	vld [tilespmem:$0x5AE0]  }
0x7a8: {  	v1 =	vadd.f32 v17, v1;
	v17 =	vld [tilespmem:$0x5AB0]  }
0x7a9: {  	[tilespmem:$0x1FC80] =	vst v27;
	v27 =	vld [tilespmem:$0x5500]  }
0x7aa: {  	[tilespmem:$0x1FC30] =	vst v15;
	v15 =	vld [tilespmem:$0x5BF0]  }
0x7ab: {  	v0 =	vadd.f32 v10, v0;
	[tilespmem:$0x1F600] =	vst v18;
	v18 =	vld [tilespmem:$0x55E0]  }
0x7ac: {  	[tilespmem:$0x1F630] =	vst v20;
	v20 =	vld [tilespmem:$0x55F0]  }
0x7ad: {  	v0 =	vadd.f32 v13, v0;
	[tilespmem:$0x1F6F0] =	vst v31;
	v31 =	vld [tilespmem:$0x5630]  }
0x7ae: {  	v1 =	vadd.f32 v19, v1;
	v19 =	vld [tilespmem:$0x5AC0]  }
0x7af: {  	v0 =	vadd.f32 v16, v0;
	v16 =	vld [tilespmem:$0x5C40]  }
0x7b0: {  	[tilespmem:$0x1F4B0] =	vst v22;
	v22 =	vld [tilespmem:$0x5540]  }
0x7b1: {  	[tilespmem:$0x1F4D0] =	vst v24;
	v24 =	vld [tilespmem:$0x5550]  }
0x7b2: {  	v1 =	vadd.f32 v21, v1;
	v21 =	vld [tilespmem:$0x1F190]  }
0x7b3: {  	[tilespmem:$0x1FC60] =	vst v17;
	v17 =	vld [tilespmem:$0x5C00]  }
0x7b4: {  	[tilespmem:$0x1F4F0] =	vst v27;
	v27 =	vld [tilespmem:$0x5560]  }
0x7b5: {  	v1 =	vadd.f32 v23, v1;
	v23 =	vld [tilespmem:$0x5AD0]  }
0x7b6: {  	[tilespmem:$0x1F720] =	vst v18;
	v18 =	vld [tilespmem:$0x5640]  }
0x7b7: {  	[tilespmem:$0x1F750] =	vst v20;
	v20 =	vld [tilespmem:$0x5650]  }
0x7b8: {  	[tilespmem:$0x1F810] =	vst v31;
	v31 =	vld [tilespmem:$0x5690]  }
0x7b9: {  	[tilespmem:$0x1FC90] =	vst v19;
	v19 =	vld [tilespmem:$0x5BA0]  }
0x7ba: {  	v1 =	vadd.f32 v25, v1;
	v25 =	vld [tilespmem:$0x1F1A0]  }
0x7bb: {  	[tilespmem:$0x1F570] =	vst v22;
	v22 =	vld [tilespmem:$0x55A0]  }
0x7bc: {  	[tilespmem:$0x1F590] =	vst v24;
	v24 =	vld [tilespmem:$0x55B0]  }
0x7bd: {  	v0 =	vadd.f32 v21, v0;
	v21 =	vld [tilespmem:$0x5B50]  }
0x7be: {  	v1 =	vadd.f32 v26, v1;
	v26 =	vld [tilespmem:$0x1F1B0]  }
0x7bf: {  	[tilespmem:$0x1F5B0] =	vst v27;
	v27 =	vld [tilespmem:$0x55C0]  }
0x7c0: {  	[tilespmem:$0x1FCC0] =	vst v23;
	v23 =	vld [tilespmem:$0x5BB0]  }
0x7c1: {  	[tilespmem:$0x1F840] =	vst v18;
	v18 =	vld [tilespmem:$0x56A0]  }
0x7c2: {  	[tilespmem:$0x1F870] =	vst v20;
	v20 =	vld [tilespmem:$0x56B0]  }
0x7c3: {  	[tilespmem:$0x1F930] =	vst v31;
	v31 =	vld [tilespmem:$0x56F0]  }
0x7c4: {  	v1 =	vadd.f32 v28, v1;
	v28 =	vld [tilespmem:$0x1F1C0]  }
0x7c5: {  	v0 =	vadd.f32 v25, v0;
	v25 =	vld [tilespmem:$0x5B30]  }
0x7c6: {  	[tilespmem:$0x1F660] =	vst v22;
	v22 =	vld [tilespmem:$0x5600]  }
0x7c7: {  	[tilespmem:$0x1F690] =	vst v24;
	v24 =	vld [tilespmem:$0x5610]  }
0x7c8: {  	v1 =	vadd.f32 v30, v1;
	v30 =	vld [tilespmem:$0x1F1D0]  }
0x7c9: {  	[tilespmem:$0x1F6C0] =	vst v27;
	v27 =	vld [tilespmem:$0x5620]  }
0x7ca: {  	[tilespmem:$0x1F860] =	vst v32;
	v32 =	vadd.f32 v36, v1;
	v1 =	vld [tilespmem:$0x5B60]  }
0x7cb: {  	v36 =	vld [tilespmem:$0x1F1F0]  }
0x7cc: {  	[tilespmem:$0x1F960] =	vst v18;
	v18 =	vld [tilespmem:$0x5700]  }
0x7cd: {  	v2 =	vadd.f32 v26, v0;
	[tilespmem:$0x1F990] =	vst v20;
	v20 =	vld [tilespmem:$0x5710]  }
0x7ce: {  	[tilespmem:$0x1FA50] =	vst v31;
	v31 =	vld [tilespmem:$0x5750]  }
0x7cf: {  	v2 =	vadd.f32 v28, v2;
	v28 =	vld [tilespmem:$0x5C60]  }
0x7d0: {  	v3 =	vadd.f32 v34, v32;
	v34 =	vld [tilespmem:$0x5C20]  }
0x7d1: {  	[tilespmem:$0x1F780] =	vst v22;
	v22 =	vld [tilespmem:$0x5660]  }
0x7d2: {  	[tilespmem:$0x1F7B0] =	vst v24;
	v24 =	vld [tilespmem:$0x5670]  }
0x7d3: {  	v2 =	vadd.f32 v30, v2;
	v30 =	vld [tilespmem:$0x5C70]  }
0x7d4: {  	v3 =	vadd.f32 v39, v3;
	v39 =	vld [tilespmem:$0x1F200]  }
0x7d5: {  	[tilespmem:$0x1F7E0] =	vst v27;
	v27 =	vld [tilespmem:$0x5680]  }
0x7d6: {  	v2 =	vadd.f32 v35, v2;
	v35 =	vld [tilespmem:$0x5C10]  }
0x7d7: {  	[tilespmem:$0x1FA80] =	vst v18;
	v18 =	vld [tilespmem:$0x5760]  }
0x7d8: {  	[tilespmem:$0x1FAB0] =	vst v20;
	v20 =	vld [tilespmem:$0x5770]  }
0x7d9: {  	[tilespmem:$0x1FB70] =	vst v31;
	v31 =	vld [tilespmem:$0x57B0]  }
0x7da: {  	v3 =	vadd.f32 v46, v3;
	v46 =	vld [tilespmem:$0x1F220]  }
0x7db: {  	[tilespmem:$0x1F8F0] =	vst v38;
	v38 =	vadd.f32 v36, v2;
	v2 =	vld [tilespmem:$0x5B90]  }
0x7dc: {  	[tilespmem:$0x1F8A0] =	vst v22;
	v22 =	vld [tilespmem:$0x56C0]  }
0x7dd: {  	[tilespmem:$0x1F8D0] =	vst v24;
	v24 =	vld [tilespmem:$0x56D0]  }
0x7de: {  	v3 =	vadd.f32 v50, v3;
	v50 =	vld [tilespmem:$0x1F230]  }
0x7df: {  	[tilespmem:$0x1FA70] =	vst v4;
	v4 =	vadd.f32 v39, v38;
	v38 =	vld [tilespmem:$0x5BE0]  }
0x7e0: {  	v39 =	vld [tilespmem:$0x5C90]  }
0x7e1: {  	[tilespmem:$0x1F900] =	vst v27;
	v27 =	vld [tilespmem:$0x56E0]  }
0x7e2: {  	[tilespmem:$0x1FBA0] =	vst v18;
	v18 =	vld [tilespmem:$0x57C0]  }
0x7e3: {  	v3 =	vadd.f32 v52, v3;
	[tilespmem:$0x1FBD0] =	vst v20;
	v20 =	vld [tilespmem:$0x57D0]  }
0x7e4: {  	[tilespmem:$0x1FCA0] =	vst v31;
	v31 =	vld [tilespmem:$0x5810]  }
0x7e5: {  	v52 =	vadd.f32 v57, v3;
	v3 =	vld [tilespmem:$0x5C30]  }
0x7e6: {  	v57 =	vld [tilespmem:$0x1F270]  }
0x7e7: {  	[tilespmem:$0x1F9C0] =	vst v22;
	v22 =	vld [tilespmem:$0x5720]  }
0x7e8: {  	v4 =	vadd.f32 v45, v4;
	[tilespmem:$0x1F9F0] =	vst v24;
	v24 =	vld [tilespmem:$0x5730]  }
0x7e9: {  	[tilespmem:$0x1FAA0] =	vst v5;
	v5 =	vadd.f32 v56, v52;
	v56 =	vld [tilespmem:$0x1F260]  }
0x7ea: {  	v4 =	vadd.f32 v46, v4;
	v52 =	vld [tilespmem:$0x5CB0]  }
0x7eb: {  	[tilespmem:$0x1FA20] =	vst v27;
	v27 =	vld [tilespmem:$0x5740]  }
0x7ec: {  	[tilespmem:$0x1FA40] =	vst v63;
	v4 =	vadd.f32 v50, v4;
	v5 =	vadd.f32 v58, v5;
	v58 =	vld [tilespmem:$0x1F280]  }
0x7ed: {  	[tilespmem:$0x1FAE0] =	vst v22;
	v22 =	vld [tilespmem:$0x5780]  }
0x7ee: {  	v4 =	vadd.f32 v53, v4;
	[tilespmem:$0x1FB10] =	vst v24;
	v24 =	vld [tilespmem:$0x5790]  }
0x7ef: {  	[tilespmem:$0x1FAD0] =	vst v6;
	v5 =	vadd.f32 v61, v5;
	v61 =	vld [tilespmem:$0x1F2A0]  }
0x7f0: {  	v4 =	vadd.f32 v54, v4;
	[tilespmem:$0x1FB40] =	vst v27;
	v27 =	vld [tilespmem:$0x57A0]  }
0x7f1: {  	[tilespmem:$0x1FB60] =	vst v9;
	v54 =	vld [tilespmem:$0x5C80]  }
0x7f2: {  	[tilespmem:$0x1FB90] =	vst v11;
	v4 =	vadd.f32 v56, v4;
	v56 =	vld [tilespmem:$0x5CA0]  }
0x7f3: {  	[tilespmem:$0x1FC10] =	vst v22;
	v22 =	vld [tilespmem:$0x57E0]  }
0x7f4: {  	v5 =	vadd.f32 v58, v5;
	[tilespmem:$0x1FC40] =	vst v24;
	v24 =	vld [tilespmem:$0x57F0]  }
0x7f5: {  	[tilespmem:$0x1FC70] =	vst v27;
	v27 =	vld [tilespmem:$0x5800]  }
0x7f6: {  	v5 =	vadd.f32 v61, v5;
	v61 =	vld [tilespmem:$0x5CC0]  }
0x7f7: {  	v63 =	vld [tilespmem:$0x1F2B0]  }
0x7f8: {  	v6 =	vld [tilespmem:$0x1F2C0]  }
0x7f9: {  	v4 =	vadd.f32 v57, v4;
	v9 =	vld [tilespmem:$0x1F2D0]  }
0x7fa: {  	v10 =	vld [tilespmem:$0x1F2E0]  }
0x7fb: {  	v4 =	vadd.f32 v60, v4;
	v11 =	vld [tilespmem:$0x1F2F0]  }
0x7fc: {  	v26 =	vld [tilespmem:$0x1F300]  }
0x7fd: {  	v36 =	vld [tilespmem:$0x1F310];
	v4 =	vadd.f32 v63, v4;
	v5 =	vadd.f32 v6, v5  }
0x7fe: {  	v45 =	vld [tilespmem:$0x1F320]  }
0x7ff: {  	v4 =	vadd.f32 v9, v4;
	v5 =	vadd.f32 v10, v5  }
0x800: {  	v9 =	vld [tilespmem:$0x1F340]  }
0x801: {  	v13 =	vadd.f32 v11, v4;
	v32 =	vadd.f32 v26, v5  }
0x802: {  	v57 =	vld [tilespmem:$0x1F330]  }
0x803: {  	v6 =	vadd.f32 v36, v13;
	v53 =	vadd.f32 v45, v32;
	v36 =	vld [tilespmem:$0x1F360];
	_ =	sdelay $0x1  }
0x804: {  	v10 =	vadd.f32 v9, v53;
	v9 =	vld [tilespmem:$0x1F380];
	_ =	sdelay $0x2  }
0x805: {  	v32 =	vld [tilespmem:$0x1F350];
	v58 =	vadd.f32 v57, v6;
	v57 =	vadd.f32 v36, v10;
	_ =	sdelay $0x1  }
0x806: {  	v57 =	vadd.f32 v9, v57;
	v9 =	vld [tilespmem:$0x1F3A0];
	_ =	sdelay $0x2  }
0x807: {  	v11 =	vadd.f32 v32, v58;
	v58 =	vld [tilespmem:$0x1F370];
	_ =	sdelay $0x1  }
0x808: {  	v0 =	vadd.f32 v9, v57;
	v9 =	vld [tilespmem:$0x1F3C0];
	_ =	sdelay $0x2  }
0x809: {  	v36 =	vadd.f32 v58, v11;
	v58 =	vld [tilespmem:$0x1F390];
	_ =	sdelay $0x1  }
0x80a: {  	v0 =	vadd.f32 v9, v0;
	v9 =	vld [tilespmem:$0x5DE0];
	_ =	sdelay $0x2  }
0x80b: {  	v36 =	vadd.f32 v58, v36;
	v58 =	vld [tilespmem:$0x1F3B0];
	_ =	sdelay $0x1  }
0x80c: {  	[tilespmem:$0x1FCB0] =	vst v9;
	v9 =	vld [tilespmem:$0x1F3D0];
	_ =	sdelay $0x2  }
0x80d: {  	v36 =	vadd.f32 v58, v36;
	_ =	sdelay $0x1  }
0x80e: {  	v36 =	vadd.f32 v9, v36;
	v9 =	vld [tilespmem:$0x5DF0];
	_ =	sdelay $0x1  }
0x80f: {  	v14 =	vadd.f32 $0.0e+00, v14;
	_ =	sdelay $0x1  }
0x810: {  	v8 =	vadd.f32 v8, v14  }
0x811: {  	[tilespmem:$0x1FCE0] =	vst v9;
	v9 =	vld [tilespmem:$0x1F3E0]  }
0x812: {  	v8 =	vadd.f32 v41, v8;
	_ =	sdelay $0x1  }
0x813: {  	v8 =	vadd.f32 v40, v8;
	_ =	sdelay $0x1  }
0x814: {  	v7 =	vadd.f32 v7, v8;
	v0 =	vadd.f32 v9, v0;
	v9 =	vld [tilespmem:$0x5E00];
	_ =	sdelay $0x1  }
0x815: {  	v7 =	vadd.f32 v25, v7;
	_ =	sdelay $0x1  }
0x816: {  	v7 =	vadd.f32 v33, v7  }
0x817: {  	[tilespmem:$0x1FCD0] =	vst v9;
	v9 =	vld [tilespmem:$0x1F3F0]  }
0x818: {  	v7 =	vadd.f32 v21, v7  }
0x819: {  	v46 =	vld [tilespmem:$0x5CD0]  }
0x81a: {  	v1 =	vadd.f32 v1, v7;
	v60 =	vld [tilespmem:$0x5CE0]  }
0x81b: {  	v18 =	vadd.f32 $0.0e+00, v18;
	v50 =	vld [tilespmem:$0x5D00]  }
0x81c: {  	v1 =	vadd.f32 v55, v1;
	v36 =	vadd.f32 v9, v36;
	v9 =	vld [tilespmem:$0x5E10]  }
0x81d: {  	v18 =	vadd.f32 v20, v18;
	v20 =	vld [tilespmem:$0x5E70]  }
0x81e: {  	v1 =	vadd.f32 v44, v1;
	v14 =	vld [tilespmem:$0x5E80]  }
0x81f: {  	v41 =	vld [tilespmem:$0x1F4A0]  }
0x820: {  	v1 =	vadd.f32 v2, v1;
	v40 =	vld [tilespmem:$0x1F4D0]  }
0x821: {  	[tilespmem:$0x1FCF0] =	vst v9;
	v9 =	vld [tilespmem:$0x1F400]  }
0x822: {  	v1 =	vadd.f32 v19, v1;
	v25 =	vld [tilespmem:$0x1F500]  }
0x823: {  	v33 =	vld [tilespmem:$0x1F520]  }
0x824: {  	v1 =	vadd.f32 v23, v1;
	v21 =	vld [tilespmem:$0x1F570]  }
0x825: {  	v44 =	vld [tilespmem:$0x1F5E0]  }
0x826: {  	v1 =	vadd.f32 v51, v1;
	v0 =	vadd.f32 v9, v0;
	v9 =	vld [tilespmem:$0x5E20]  }
0x827: {  	v55 =	vld [tilespmem:$0x1F600]  }
0x828: {  	v1 =	vadd.f32 v48, v1;
	v19 =	vld [tilespmem:$0x1F630]  }
0x829: {  	v23 =	vld [tilespmem:$0x6030]  }
0x82a: {  	v1 =	vadd.f32 v38, v1;
	v38 =	vld [tilespmem:$0x6060]  }
0x82b: {  	[tilespmem:$0x1FD00] =	vst v9;
	v9 =	vld [tilespmem:$0x1F410]  }
0x82c: {  	v48 =	vld [tilespmem:$0x1F6E0]  }
0x82d: {  	v51 =	vld [tilespmem:$0x1F6F0]  }
0x82e: {  	v1 =	vadd.f32 v15, v1;
	v15 =	vld [tilespmem:$0x1F720]  }
0x82f: {  	v18 =	vadd.f32 v22, v18;
	v22 =	vld [tilespmem:$0x1F490]  }
0x830: {  	v1 =	vadd.f32 v17, v1;
	v17 =	vld [tilespmem:$0x60C0];
	v9 =	vadd.f32 v9, v36  }
0x831: {  	v18 =	vadd.f32 v24, v18;
	v24 =	vld [tilespmem:$0x1F4C0]  }
0x832: {  	[tilespmem:$0x1FFB0] =	vst v9;
	v9 =	vld [tilespmem:$0x5E30]  }
0x833: {  	v1 =	vadd.f32 v35, v1;
	v35 =	vld [tilespmem:$0x6110]  }
0x834: {  	v63 =	vld [tilespmem:$0x5CF0]  }
0x835: {  	[tilespmem:$0x1FD50] =	vst v20;
	v20 =	vld [tilespmem:$0x1F480]  }
0x836: {  	[tilespmem:$0x1FEF0] =	vst v23;
	v23 =	vld [tilespmem:$0x1F760]  }
0x837: {  	[tilespmem:$0x1FD10] =	vst v9;
	v9 =	vld [tilespmem:$0x1F430]  }
0x838: {  	[tilespmem:$0x1FF20] =	vst v38;
	v38 =	vld [tilespmem:$0x1F7C0]  }
0x839: {  	v18 =	vadd.f32 v27, v18;
	v27 =	vld [tilespmem:$0x5F10]  }
0x83a: {  	v1 =	vadd.f32 v34, v1;
	v34 =	vld [tilespmem:$0x1F7A0]  }
0x83b: {  	[tilespmem:$0x1FF80] =	vst v17;
	v17 =	vld [tilespmem:$0x1F8A0]  }
0x83c: {  	v18 =	vadd.f32 v31, v18;
	v31 =	vld [tilespmem:$0x5F20];
	v0 =	vadd.f32 v9, v0  }
0x83d: {  	v4 =	vld [tilespmem:$0x5D10]  }
0x83e: {  	[tilespmem:$0x1FFD0] =	vst v0;
	v0 =	vadd.f32 $0.0e+00, v62;
	v62 =	vld [tilespmem:$0x5E40]  }
0x83f: {  	v5 =	vld [tilespmem:$0x5D20]  }
0x840: {  	v26 =	vld [tilespmem:$0x5D40]  }
0x841: {  	v36 =	vld [tilespmem:$0x1F420]  }
0x842: {  	v1 =	vadd.f32 v3, v1;
	[tilespmem:$0x1FFF0] =	vst v35;
	v35 =	vld [tilespmem:$0x6200]  }
0x843: {  	[tilespmem:$0x1FD20] =	vst v62;
	v62 =	vld [tilespmem:$0x1F440]  }
0x844: {  	v1 =	vadd.f32 v16, v1;
	v16 =	vld [tilespmem:$0x6140]  }
0x845: {  	v13 =	vld [tilespmem:$0x5D30]  }
0x846: {  	v45 =	vld [tilespmem:$0x5D60];
	v36 =	vadd.f32 $0.0e+00, v36  }
0x847: {  	[tilespmem:$0x1FDF0] =	vst v27;
	v27 =	vld [tilespmem:$0x5F50]  }
0x848: {  	v36 =	vadd.f32 v62, v36;
	v62 =	vld [tilespmem:$0x5E50]  }
0x849: {  	v1 =	vadd.f32 v12, v1;
	v12 =	vld [tilespmem:$0x1F880]  }
0x84a: {  	v6 =	vld [tilespmem:$0x5D50]  }
0x84b: {  	v53 =	vld [tilespmem:$0x5D70]  }
0x84c: {  	[tilespmem:$0x1FE00] =	vst v31;
	v31 =	vld [tilespmem:$0x5FA0]  }
0x84d: {  	[tilespmem:$0x1FD30] =	vst v62;
	v62 =	vld [tilespmem:$0x1F450]  }
0x84e: {  	v1 =	vadd.f32 v28, v1;
	v28 =	vld [tilespmem:$0x6170]  }
0x84f: {  	v10 =	vld [tilespmem:$0x5D80]  }
0x850: {  	v32 =	vld [tilespmem:$0x5DA0];
	v1 =	vadd.f32 v30, v1  }
0x851: {  	v30 =	vld [tilespmem:$0x1F920]  }
0x852: {  	v1 =	vadd.f32 v54, v1;
	v0 =	vadd.f32 v62, v0;
	v62 =	vld [tilespmem:$0x5E60]  }
0x853: {  	[tilespmem:$0x1FE70] =	vst v31;
	v31 =	vld [tilespmem:$0x1F680]  }
0x854: {  	v54 =	vld [tilespmem:$0x61A0];
	v1 =	vadd.f32 v39, v1  }
0x855: {  	v39 =	vld [tilespmem:$0x1F950]  }
0x856: {  	v11 =	vld [tilespmem:$0x5D90];
	v1 =	vadd.f32 v56, v1  }
0x857: {  	[tilespmem:$0x1FD40] =	vst v62;
	v62 =	vld [tilespmem:$0x1F460]  }
0x858: {  	[tilespmem:$0x1FBE0] =	vst v32;
	v32 =	vld [tilespmem:$0x5DB0];
	v1 =	vadd.f32 v52, v1  }
0x859: {  	v56 =	vld [tilespmem:$0x6210]  }
0x85a: {  	v57 =	vld [tilespmem:$0x5DC0];
	v1 =	vadd.f32 v61, v1  }
0x85b: {  	v52 =	vld [tilespmem:$0x6230]  }
0x85c: {  	v1 =	vadd.f32 v46, v1;
	v36 =	vadd.f32 v62, v36;
	v62 =	vld [tilespmem:$0x1F470]  }
0x85d: {  	v61 =	vld [tilespmem:$0x6270]  }
0x85e: {  	v1 =	vadd.f32 v60, v1;
	v60 =	vld [tilespmem:$0x6280]  }
0x85f: {  	v58 =	vld [tilespmem:$0x5DD0]  }
0x860: {  	v9 =	vld [tilespmem:$0x1F560]  }
0x861: {  	v0 =	vadd.f32 v62, v0;
	v62 =	vadd.f32 v20, v36;
	v20 =	vld [tilespmem:$0x5E90]  }
0x862: {  	v36 =	vld [tilespmem:$0x5EA0]  }
0x863: {  	[tilespmem:$0x1FD60] =	vst v14;
	v14 =	vadd.f32 v41, v62;
	v62 =	vld [tilespmem:$0x5EB0]  }
0x864: {  	v0 =	vadd.f32 v22, v0;
	v22 =	vld [tilespmem:$0x5EC0]  }
0x865: {  	v41 =	vld [tilespmem:$0x5EE0]  }
0x866: {  	v14 =	vadd.f32 v24, v14;
	v24 =	vld [tilespmem:$0x5F00]  }
0x867: {  	[tilespmem:$0x1FD70] =	vst v20;
	v20 =	vld [tilespmem:$0x1F4B0]  }
0x868: {  	[tilespmem:$0x1FD80] =	vst v36;
	v36 =	vld [tilespmem:$0x5ED0]  }
0x869: {  	[tilespmem:$0x1FD90] =	vst v62;
	v62 =	vld [tilespmem:$0x1F4E0]  }
0x86a: {  	[tilespmem:$0x1FDA0] =	vst v22;
	v22 =	vld [tilespmem:$0x1F4F0]  }
0x86b: {  	[tilespmem:$0x1FDC0] =	vst v41;
	v41 =	vld [tilespmem:$0x1F540]  }
0x86c: {  	[tilespmem:$0x1FDE0] =	vst v24;
	v24 =	vld [tilespmem:$0x1F580]  }
0x86d: {  	v0 =	vadd.f32 v20, v0;
	v20 =	vld [tilespmem:$0x5EF0]  }
0x86e: {  	[tilespmem:$0x1FDB0] =	vst v36;
	v36 =	vld [tilespmem:$0x5F30]  }
0x86f: {  	v8 =	vadd.f32 v62, v14;
	v14 =	vadd.f32 v29, v18;
	v29 =	vld [tilespmem:$0x1F510]  }
0x870: {  	v0 =	vadd.f32 v40, v0;
	v40 =	vld [tilespmem:$0x5F40]  }
0x871: {  	v62 =	vld [tilespmem:$0x5F60]  }
0x872: {  	v14 =	vadd.f32 v37, v14;
	v37 =	vld [tilespmem:$0x1F530]  }
0x873: {  	v0 =	vadd.f32 v22, v0;
	v22 =	vld [tilespmem:$0x5F80]  }
0x874: {  	v8 =	vadd.f32 v25, v8;
	v25 =	vld [tilespmem:$0x5F90]  }
0x875: {  	[tilespmem:$0x1FDD0] =	vst v20;
	v20 =	vld [tilespmem:$0x5F70]  }
0x876: {  	[tilespmem:$0x1FE10] =	vst v36;
	v36 =	vld [tilespmem:$0x5FB0]  }
0x877: {  	v14 =	vadd.f32 v43, v14;
	v43 =	vld [tilespmem:$0x1F550]  }
0x878: {  	v8 =	vadd.f32 v33, v8;
	v33 =	vld [tilespmem:$0x1F5A0]  }
0x879: {  	v0 =	vadd.f32 v29, v0;
	v29 =	vld [tilespmem:$0x1F590]  }
0x87a: {  	[tilespmem:$0x1FE20] =	vst v40;
	v40 =	vld [tilespmem:$0x5FC0]  }
0x87b: {  	[tilespmem:$0x1FE30] =	vst v62;
	v62 =	vld [tilespmem:$0x1F610]  }
0x87c: {  	v8 =	vadd.f32 v41, v8;
	v41 =	vld [tilespmem:$0x1F5C0]  }
0x87d: {  	v18 =	vadd.f32 v47, v14;
	v47 =	vld [tilespmem:$0x5FE0]  }
0x87e: {  	v14 =	vld [tilespmem:$0x1F620]  }
0x87f: {  	v0 =	vadd.f32 v37, v0;
	v37 =	vld [tilespmem:$0x1F5B0]  }
0x880: {  	[tilespmem:$0x1FE50] =	vst v22;
	v22 =	vld [tilespmem:$0x1F650]  }
0x881: {  	[tilespmem:$0x1FE60] =	vst v25;
	v25 =	vld [tilespmem:$0x6040]  }
0x882: {  	v7 =	vadd.f32 v9, v8;
	v8 =	vadd.f32 v49, v18;
	v49 =	vld [tilespmem:$0x1F5F0]  }
0x883: {  	[tilespmem:$0x1FE80] =	vst v36;
	v36 =	vld [tilespmem:$0x5FF0]  }
0x884: {  	v18 =	vld [tilespmem:$0x6010]  }
0x885: {  	[tilespmem:$0x1FE40] =	vst v20;
	v20 =	vld [tilespmem:$0x6020]  }
0x886: {  	v9 =	vld [tilespmem:$0x6120]  }
0x887: {  	v0 =	vadd.f32 v43, v0;
	v43 =	vld [tilespmem:$0x5FD0]  }
0x888: {  	v8 =	vadd.f32 v42, v8;
	v42 =	vld [tilespmem:$0x1F5D0]  }
0x889: {  	v7 =	vadd.f32 v24, v7;
	v24 =	vld [tilespmem:$0x1F660]  }
0x88a: {  	[tilespmem:$0x1FE90] =	vst v40;
	v40 =	vld [tilespmem:$0x1F6A0]  }
0x88b: {  	v0 =	vadd.f32 v21, v0;
	v21 =	vld [tilespmem:$0x1F640]  }
0x88c: {  	[tilespmem:$0x1FEB0] =	vst v47;
	v47 =	vld [tilespmem:$0x1F6D0]  }
0x88d: {  	v7 =	vadd.f32 v33, v7;
	v33 =	vld [tilespmem:$0x6050]  }
0x88e: {  	[tilespmem:$0x1FF00] =	vst v25;
	v25 =	vld [tilespmem:$0x60F0]  }
0x88f: {  	v0 =	vadd.f32 v29, v0;
	v29 =	vld [tilespmem:$0x1F670]  }
0x890: {  	[tilespmem:$0x1FED0] =	vst v18;
	v18 =	vld [tilespmem:$0x1F730]  }
0x891: {  	[tilespmem:$0x1FEE0] =	vst v20;
	v20 =	vld [tilespmem:$0x60D0]  }
0x892: {  	v2 =	vadd.f32 v41, v7;
	v41 =	vld [tilespmem:$0x1F6B0]  }
0x893: {  	[tilespmem:$0x1FEA0] =	vst v43;
	v43 =	vld [tilespmem:$0x1F6C0]  }
0x894: {  	v0 =	vadd.f32 v37, v0;
	v37 =	vld [tilespmem:$0x1F690]  }
0x895: {  	v7 =	vadd.f32 v42, v8;
	v42 =	vld [tilespmem:$0x6070]  }
0x896: {  	v2 =	vadd.f32 v49, v2;
	v49 =	vld [tilespmem:$0x6090]  }
0x897: {  	v7 =	vadd.f32 v59, v7;
	v59 =	vld [tilespmem:$0x6000]  }
0x898: {  	v0 =	vadd.f32 v44, v0;
	v44 =	vld [tilespmem:$0x6080]  }
0x899: {  	[tilespmem:$0x1FF10] =	vst v33;
	v33 =	vld [tilespmem:$0x1F790]  }
0x89a: {  	[tilespmem:$0x1FFC0] =	vst v25;
	v25 =	vld [tilespmem:$0x1F900]  }
0x89b: {  	v2 =	vadd.f32 v62, v2;
	v62 =	vld [tilespmem:$0x1F710]  }
0x89c: {  	[tilespmem:$0x1FF90] =	vst v20;
	v20 =	vld [tilespmem:$0x1F8C0]  }
0x89d: {  	v0 =	vadd.f32 v55, v0;
	v55 =	vld [tilespmem:$0x60A0]  }
0x89e: {  	v7 =	vadd.f32 v14, v7;
	v14 =	vld [tilespmem:$0x60B0]  }
0x89f: {  	v2 =	vadd.f32 v21, v2;
	v21 =	vld [tilespmem:$0x1F750]  }
0x8a0: {  	[tilespmem:$0x1FF30] =	vst v42;
	v42 =	vld [tilespmem:$0x1F7E0]  }
0x8a1: {  	v0 =	vadd.f32 v19, v0;
	v19 =	vld [tilespmem:$0x1F740]  }
0x8a2: {  	v7 =	vadd.f32 v22, v7;
	v22 =	vld [tilespmem:$0x60E0]  }
0x8a3: {  	[tilespmem:$0x1FF50] =	vst v49;
	v49 =	vld [tilespmem:$0x1F830]  }
0x8a4: {  	[tilespmem:$0x1FEC0] =	vst v59;
	v59 =	vld [tilespmem:$0x1F700]  }
0x8a5: {  	v2 =	vadd.f32 v29, v2;
	v29 =	vld [tilespmem:$0x1F780]  }
0x8a6: {  	[tilespmem:$0x1FF40] =	vst v44;
	v44 =	vld [tilespmem:$0x1F800]  }
0x8a7: {  	v0 =	vadd.f32 v24, v0;
	v24 =	vld [tilespmem:$0x1F770]  }
0x8a8: {  	v7 =	vadd.f32 v31, v7;
	v31 =	vld [tilespmem:$0x6100]  }
0x8a9: {  	[tilespmem:$0x1FF70] =	vst v14;
	v14 =	vld [tilespmem:$0x6150]  }
0x8aa: {  	[tilespmem:$0x1FF60] =	vst v55;
	v55 =	vld [tilespmem:$0x1F850]  }
0x8ab: {  	v2 =	vadd.f32 v40, v2;
	v0 =	vadd.f32 v37, v0;
	v37 =	vld [tilespmem:$0x1F7B0]  }
0x8ac: {  	v7 =	vadd.f32 v41, v7;
	v41 =	vld [tilespmem:$0x1F7D0]  }
0x8ad: {  	v2 =	vadd.f32 v47, v2;
	v47 =	vld [tilespmem:$0x1F810]  }
0x8ae: {  	[tilespmem:$0x1FFA0] =	vst v22;
	v22 =	vld [tilespmem:$0x1F8E0]  }
0x8af: {  	v0 =	vadd.f32 v43, v0;
	v43 =	vld [tilespmem:$0x1F7F0]  }
0x8b0: {  	v7 =	vadd.f32 v48, v7;
	v48 =	vld [tilespmem:$0x1F820]  }
0x8b1: {  	v2 =	vadd.f32 v59, v2;
	v59 =	vld [tilespmem:$0x1F860]  }
0x8b2: {  	[tilespmem:$0x1FFE0] =	vst v31;
	v31 =	vld [tilespmem:$0x1F930]  }
0x8b3: {  	v0 =	vadd.f32 v51, v0;
	v51 =	vld [tilespmem:$0x1F840]  }
0x8b4: {  	v7 =	vadd.f32 v62, v7;
	v62 =	vld [tilespmem:$0x1F870]  }
0x8b5: {  	v2 =	vadd.f32 v18, v2;
	v18 =	vld [tilespmem:$0x61B0]  }
0x8b6: {  	v0 =	vadd.f32 v15, v0;
	v15 =	vld [tilespmem:$0x1F890]  }
0x8b7: {  	v7 =	vadd.f32 v19, v7;
	v19 =	vld [tilespmem:$0x1F8B0]  }
0x8b8: {  	v2 =	vadd.f32 v23, v2;
	v23 =	vld [tilespmem:$0x6160]  }
0x8b9: {  	v0 =	vadd.f32 v21, v0;
	v21 =	vld [tilespmem:$0x1F8D0]  }
0x8ba: {  	v7 =	vadd.f32 v24, v7;
	v24 =	vld [tilespmem:$0x1F8F0]  }
0x8bb: {  	v2 =	vadd.f32 v33, v2;
	v33 =	vld [tilespmem:$0x1F940]  }
0x8bc: {  	v0 =	vadd.f32 v29, v0;
	v29 =	vld [tilespmem:$0x1F910]  }
0x8bd: {  	v3 =	vadd.f32 v34, v7;
	v34 =	vld [tilespmem:$0x6220]  }
0x8be: {  	v40 =	vadd.f32 v38, v2;
	v2 =	vld [tilespmem:$0x6130]  }
0x8bf: {  	v38 =	vld [tilespmem:$0x61E0]  }
0x8c0: {  	v7 =	vadd.f32 v37, v0;
	v37 =	vld [tilespmem:$0x61F0]  }
0x8c1: {  	v3 =	vadd.f32 v41, v3;
	v41 =	vld [tilespmem:$0x1F970]  }
0x8c2: {  	v0 =	vld [tilespmem:$0x6770]  }
0x8c3: {  	v8 =	vadd.f32 v43, v40;
	v40 =	vld [tilespmem:$0x1F960]  }
0x8c4: {  	v43 =	vld [tilespmem:$0x1F990]  }
0x8c5: {  	v3 =	vadd.f32 v44, v3;
	v44 =	vld [tilespmem:$0x6180]  }
0x8c6: {  	v7 =	vadd.f32 v42, v7;
	v42 =	vld [tilespmem:$0x1F980]  }
0x8c7: {  	v8 =	vadd.f32 v48, v8;
	v48 =	vld [tilespmem:$0x1F9B0]  }
0x8c8: {  	v7 =	vadd.f32 v47, v7;
	v47 =	vld [tilespmem:$0x1F9A0]  }
0x8c9: {  	v9 =	vadd.f32 $0.0e+00, v9;
	v3 =	vadd.f32 v49, v3;
	v49 =	vld [tilespmem:$0x1F9C0]  }
0x8ca: {  	v8 =	vadd.f32 v55, v8;
	v55 =	vld [tilespmem:$0x6250]  }
0x8cb: {  	v2 =	vadd.f32 v2, v9;
	v3 =	vadd.f32 v59, v3;
	v59 =	vld [tilespmem:$0x6190]  }
0x8cc: {  	v7 =	vadd.f32 v51, v7;
	v51 =	vadd.f32 v63, v1;
	v63 =	vld [tilespmem:$0x62A0]  }
0x8cd: {  	v1 =	vld [tilespmem:$0x6780]  }
0x8ce: {  	v2 =	vadd.f32 v16, v2;
	v16 =	vld [tilespmem:$0x67B0]  }
0x8cf: {  	v3 =	vadd.f32 v15, v3;
	v15 =	vld [tilespmem:$0x61C0]  }
0x8d0: {  	v8 =	vadd.f32 v12, v8;
	v7 =	vadd.f32 v62, v7;
	v62 =	vld [tilespmem:$0x62B0]  }
0x8d1: {  	v2 =	vadd.f32 v14, v2;
	v14 =	vld [tilespmem:$0x67C0]  }
0x8d2: {  	v8 =	vadd.f32 v19, v8;
	v19 =	vld [tilespmem:$0x61D0]  }
0x8d3: {  	v3 =	vadd.f32 v20, v3;
	v20 =	vld [tilespmem:$0x6290]  }
0x8d4: {  	v7 =	vadd.f32 v17, v7;
	v17 =	vadd.f32 v50, v51;
	v51 =	vld [tilespmem:$0x62C0]  }
0x8d5: {  	v50 =	vld [tilespmem:$0x62D0]  }
0x8d6: {  	v2 =	vadd.f32 v23, v2;
	v23 =	vld [tilespmem:$0x64A0]  }
0x8d7: {  	v8 =	vadd.f32 v22, v8;
	v22 =	vld [tilespmem:$0x1F9D0]  }
0x8d8: {  	v3 =	vadd.f32 v24, v3;
	v24 =	vld [tilespmem:$0x1F9E0]  }
0x8d9: {  	v4 =	vadd.f32 v4, v17;
	v17 =	vld [tilespmem:$0x1FAA0]  }
0x8da: {  	v7 =	vadd.f32 v21, v7;
	v21 =	vld [tilespmem:$0x1FAB0]  }
0x8db: {  	v2 =	vadd.f32 v28, v2;
	v28 =	vld [tilespmem:$0x64B0]  }
0x8dc: {  	v8 =	vadd.f32 v29, v8;
	v29 =	vld [tilespmem:$0x1FA00]  }
0x8dd: {  	v7 =	vadd.f32 v25, v7;
	v25 =	vld [tilespmem:$0x1F9F0]  }
0x8de: {  	v3 =	vadd.f32 v30, v3;
	v30 =	vld [tilespmem:$0x1FA10]  }
0x8df: {  	v2 =	vadd.f32 v44, v2;
	v44 =	vld [tilespmem:$0x6800]  }
0x8e0: {  	v8 =	vadd.f32 v33, v8;
	v33 =	vld [tilespmem:$0x1FA20]  }
0x8e1: {  	v4 =	vadd.f32 v5, v4;
	v7 =	vadd.f32 v31, v7;
	v31 =	vld [tilespmem:$0x6240]  }
0x8e2: {  	v3 =	vadd.f32 v39, v3;
	v39 =	vld [tilespmem:$0x1FA30]  }
0x8e3: {  	v4 =	vadd.f32 v13, v4;
	v13 =	vld [tilespmem:$0x1FA90]  }
0x8e4: {  	v2 =	vadd.f32 v59, v2;
	v59 =	vld [tilespmem:$0x1FD70]  }
0x8e5: {  	v8 =	vadd.f32 v41, v8;
	v41 =	vld [tilespmem:$0x1FA50]  }
0x8e6: {  	v7 =	vadd.f32 v40, v7;
	v40 =	vld [tilespmem:$0x1FA40]  }
0x8e7: {  	v3 =	vadd.f32 v42, v3;
	v42 =	vld [tilespmem:$0x1FA60]  }
0x8e8: {  	v4 =	vadd.f32 v26, v4;
	v26 =	vld [tilespmem:$0x1FAF0]  }
0x8e9: {  	v2 =	vadd.f32 v54, v2;
	v54 =	vld [tilespmem:$0x6810]  }
0x8ea: {  	v8 =	vadd.f32 v47, v8;
	v47 =	vld [tilespmem:$0x1FB20]  }
0x8eb: {  	v46 =	vadd.f32 v43, v7;
	v7 =	vld [tilespmem:$0x6260]  }
0x8ec: {  	v3 =	vadd.f32 v48, v3;
	v48 =	vld [tilespmem:$0x62E0]  }
0x8ed: {  	v8 =	vadd.f32 v22, v8;
	v22 =	vld [tilespmem:$0x1FAC0]  }
0x8ee: {  	v12 =	vadd.f32 v49, v46;
	v49 =	vld [tilespmem:$0x1FA70]  }
0x8ef: {  	v4 =	vadd.f32 v6, v4;
	v46 =	vld [tilespmem:$0x6300]  }
0x8f0: {  	v3 =	vadd.f32 v24, v3;
	v24 =	vld [tilespmem:$0x1FAD0]  }
0x8f1: {  	v4 =	vadd.f32 v45, v4;
	v45 =	vld [tilespmem:$0x1FBB0]  }
0x8f2: {  	v2 =	vadd.f32 v18, v2;
	v8 =	vadd.f32 v29, v8;
	v29 =	vld [tilespmem:$0x1FB00]  }
0x8f3: {  	v12 =	vadd.f32 v25, v12;
	v25 =	vld [tilespmem:$0x1FAE0]  }
0x8f4: {  	v2 =	vadd.f32 v15, v2;
	v3 =	vadd.f32 v30, v3;
	v30 =	vld [tilespmem:$0x1FB10]  }
0x8f5: {  	v8 =	vadd.f32 v39, v8;
	v39 =	vld [tilespmem:$0x6350]  }
0x8f6: {  	v2 =	vadd.f32 v19, v2;
	v3 =	vadd.f32 v40, v3;
	v40 =	vld [tilespmem:$0x6310]  }
0x8f7: {  	v12 =	vadd.f32 v33, v12;
	v33 =	vld [tilespmem:$0x6330]  }
0x8f8: {  	v4 =	vadd.f32 v53, v4;
	v2 =	vadd.f32 v38, v2;
	v38 =	vld [tilespmem:$0x6870]  }
0x8f9: {  	v43 =	vadd.f32 v42, v8;
	v8 =	vld [tilespmem:$0x1FA80]  }
0x8fa: {  	v4 =	vadd.f32 v10, v4;
	v3 =	vadd.f32 v49, v3;
	v49 =	vld [tilespmem:$0x62F0]  }
0x8fb: {  	v12 =	vadd.f32 v41, v12;
	v41 =	vld [tilespmem:$0x6320]  }
0x8fc: {  	v4 =	vadd.f32 v11, v4;
	v11 =	vld [tilespmem:$0x1FBC0]  }
0x8fd: {  	v2 =	vadd.f32 v37, v2;
	v37 =	vld [tilespmem:$0x1FDE0]  }
0x8fe: {  	v5 =	vadd.f32 v13, v43;
	v43 =	vld [tilespmem:$0x6340]  }
0x8ff: {  	v13 =	vld [tilespmem:$0x1FB50]  }
0x900: {  	v3 =	vadd.f32 v17, v3;
	v17 =	vld [tilespmem:$0x1FB60]  }
0x901: {  	v2 =	vadd.f32 v35, v2;
	v35 =	vld [tilespmem:$0x6550]  }
0x902: {  	v5 =	vadd.f32 v22, v5;
	v22 =	vld [tilespmem:$0x1FB80]  }
0x903: {  	v3 =	vadd.f32 v24, v3;
	v24 =	vld [tilespmem:$0x1FB90]  }
0x904: {  	v2 =	vadd.f32 v56, v2;
	v56 =	vld [tilespmem:$0x6580]  }
0x905: {  	v12 =	vadd.f32 v8, v12;
	v5 =	vadd.f32 v26, v5;
	v26 =	vld [tilespmem:$0x6380]  }
0x906: {  	v3 =	vadd.f32 v29, v3;
	v29 =	vld [tilespmem:$0x6370]  }
0x907: {  	v8 =	vadd.f32 v21, v12;
	v12 =	vld [tilespmem:$0x1FB40]  }
0x908: {  	v21 =	vld [tilespmem:$0x1FB70]  }
0x909: {  	v2 =	vadd.f32 v34, v2;
	v34 =	vld [tilespmem:$0x68C0]  }
0x90a: {  	v5 =	vadd.f32 v47, v5;
	v47 =	vld [tilespmem:$0x63C0]  }
0x90b: {  	v8 =	vadd.f32 v25, v8;
	v25 =	vld [tilespmem:$0x6390]  }
0x90c: {  	v2 =	vadd.f32 v52, v2;
	v52 =	vld [tilespmem:$0x6570]  }
0x90d: {  	v42 =	vadd.f32 v30, v8;
	v30 =	vld [tilespmem:$0x6360]  }
0x90e: {  	v5 =	vadd.f32 v13, v5;
	v8 =	vld [tilespmem:$0x1FB30]  }
0x90f: {  	v2 =	vadd.f32 v31, v2;
	v31 =	vld [tilespmem:$0x65A0]  }
0x910: {  	v5 =	vadd.f32 v22, v5;
	v22 =	vld [tilespmem:$0x1FBE0]  }
0x911: {  	v6 =	vadd.f32 v12, v42;
	v42 =	vld [tilespmem:$0x1FBA0]  }
0x912: {  	v12 =	vld [tilespmem:$0x1FBD0]  }
0x913: {  	v2 =	vadd.f32 v55, v2;
	v55 =	vld [tilespmem:$0x65E0]  }
0x914: {  	v53 =	vadd.f32 v45, v5;
	v5 =	vld [tilespmem:$0x63D0]  }
0x915: {  	v6 =	vadd.f32 v21, v6;
	v21 =	vld [tilespmem:$0x63B0];
	v2 =	vadd.f32 v7, v2  }
0x916: {  	v3 =	vadd.f32 v8, v3;
	v4 =	vadd.f32 v22, v4;
	v22 =	vld [tilespmem:$0x6400]  }
0x917: {  	v2 =	vadd.f32 v61, v2;
	v61 =	vld [tilespmem:$0x6600]  }
0x918: {  	v3 =	vadd.f32 v17, v3;
	v17 =	vld [tilespmem:$0x63A0]  }
0x919: {  	v6 =	vadd.f32 v42, v6;
	v42 =	vld [tilespmem:$0x1FC00]  }
0x91a: {  	v4 =	vadd.f32 v32, v4;
	v32 =	vld [tilespmem:$0x1FC40]  }
0x91b: {  	v2 =	vadd.f32 v60, v2;
	v60 =	vld [tilespmem:$0x6910]  }
0x91c: {  	v13 =	vadd.f32 v12, v6;
	v6 =	vld [tilespmem:$0x63E0]  }
0x91d: {  	v3 =	vadd.f32 v24, v3;
	v24 =	vld [tilespmem:$0x1FBF0]  }
0x91e: {  	v12 =	vld [tilespmem:$0x1FC20];
	v2 =	vadd.f32 v20, v2  }
0x91f: {  	v3 =	vadd.f32 v11, v3;
	v11 =	vld [tilespmem:$0x6410]  }
0x920: {  	v2 =	vadd.f32 v63, v2;
	v63 =	vld [tilespmem:$0x6920]  }
0x921: {  	v45 =	vadd.f32 v42, v3;
	v3 =	vld [tilespmem:$0x63F0]  }
0x922: {  	v42 =	vadd.f32 v57, v4;
	v4 =	vld [tilespmem:$0x6420]  }
0x923: {  	v8 =	vadd.f32 v24, v53;
	v53 =	vld [tilespmem:$0x1FC10];
	v2 =	vadd.f32 v62, v2  }
0x924: {  	v57 =	vld [tilespmem:$0x1FC70]  }
0x925: {  	v62 =	vld [tilespmem:$0x1FE80];
	v2 =	vadd.f32 v51, v2  }
0x926: {  	v51 =	vld [tilespmem:$0x1FED0]  }
0x927: {  	v2 =	vadd.f32 v50, v2;
	v50 =	vld [tilespmem:$0x6660]  }
0x928: {  	v10 =	vadd.f32 v53, v13;
	v13 =	vld [tilespmem:$0x1FC30]  }
0x929: {  	v53 =	vld [tilespmem:$0x1FC60]  }
0x92a: {  	v2 =	vadd.f32 v48, v2;
	v48 =	vld [tilespmem:$0x1FEC0]  }
0x92b: {  	v10 =	vadd.f32 v32, v10;
	v32 =	vadd.f32 v58, v42;
	v42 =	vld [tilespmem:$0x1FC90]  }
0x92c: {  	v58 =	vld [tilespmem:$0x1FCB0]  }
0x92d: {  	v2 =	vadd.f32 v49, v2;
	v49 =	vld [tilespmem:$0x6970]  }
0x92e: {  	v24 =	vadd.f32 v13, v45;
	v45 =	vld [tilespmem:$0x1FC50]  }
0x92f: {  	v8 =	vadd.f32 v12, v8;
	v13 =	vld [tilespmem:$0x1FC80]  }
0x930: {  	v2 =	vadd.f32 v46, v2;
	v12 =	vadd.f32 v53, v24;
	v53 =	vld [tilespmem:$0x1FCA0]  }
0x931: {  	v10 =	vadd.f32 v57, v10;
	v57 =	vld [tilespmem:$0x6760]  }
0x932: {  	v46 =	vld [tilespmem:$0x6650];
	v2 =	vadd.f32 v40, v2  }
0x933: {  	v24 =	vld [tilespmem:$0x6430];
	v8 =	vadd.f32 v45, v8  }
0x934: {  	v12 =	vadd.f32 v42, v12;
	v42 =	vld [tilespmem:$0x1FCD0];
	v2 =	vadd.f32 v41, v2  }
0x935: {  	v13 =	vadd.f32 v13, v8;
	v8 =	vadd.f32 v53, v10;
	v10 =	vld [tilespmem:$0x1FCC0]  }
0x936: {  	v32 =	vadd.f32 v58, v32;
	v58 =	vld [tilespmem:$0x6450]  }
0x937: {  	v40 =	vld [tilespmem:$0x66F0];
	v2 =	vadd.f32 v33, v2  }
0x938: {  	v9 =	vadd.f32 $0.0e+00, v57;
	v57 =	vld [tilespmem:$0x6470]  }
0x939: {  	v41 =	vld [tilespmem:$0x1FF60];
	v2 =	vadd.f32 v43, v2  }
0x93a: {  	v10 =	vadd.f32 v10, v12;
	v12 =	vadd.f32 $0.0e+00, v42;
	v42 =	vld [tilespmem:$0x1FCF0]  }
0x93b: {  	v45 =	vld [tilespmem:$0x6440]  }
0x93c: {  	v0 =	vadd.f32 v0, v9;
	v9 =	vld [tilespmem:$0x6480];
	v2 =	vadd.f32 v39, v2  }
0x93d: {  	v53 =	vld [tilespmem:$0x1FCE0]  }
0x93e: {  	v33 =	vld [tilespmem:$0x69E0];
	v2 =	vadd.f32 v30, v2  }
0x93f: {  	v12 =	vadd.f32 v42, v12;
	v42 =	vld [tilespmem:$0x1FD00]  }
0x940: {  	v0 =	vadd.f32 v1, v0;
	v1 =	vld [tilespmem:$0x6490];
	v2 =	vadd.f32 v29, v2  }
0x941: {  	v43 =	vld [tilespmem:$0x6700];
	v45 =	vadd.f32 $0.0e+00, v45  }
0x942: {  	v32 =	vadd.f32 v53, v32;
	v53 =	vld [tilespmem:$0x6460];
	v2 =	vadd.f32 v26, v2  }
0x943: {  	v45 =	vadd.f32 v58, v45;
	v58 =	vld [tilespmem:$0x6790]  }
0x944: {  	v2 =	vadd.f32 v25, v2;
	v12 =	vadd.f32 v42, v12;
	v42 =	vld [tilespmem:$0x1FD10]  }
0x945: {  	v39 =	vld [tilespmem:$0x6A00]  }
0x946: {  	v30 =	vld [tilespmem:$0x66C0];
	v2 =	vadd.f32 v17, v2  }
0x947: {  	v29 =	vld [tilespmem:$0x69D0]  }
0x948: {  	v0 =	vadd.f32 v58, v0;
	v58 =	vld [tilespmem:$0x1FD50];
	v2 =	vadd.f32 v21, v2  }
0x949: {  	v12 =	vadd.f32 v42, v12;
	v42 =	vadd.f32 v53, v45;
	v53 =	vld [tilespmem:$0x1FD20]  }
0x94a: {  	v45 =	vld [tilespmem:$0x67A0]  }
0x94b: {  	v2 =	vadd.f32 v47, v2;
	v47 =	vld [tilespmem:$0x1FF80];
	v57 =	vadd.f32 v57, v42  }
0x94c: {  	v42 =	vld [tilespmem:$0x1FD30]  }
0x94d: {  	v9 =	vadd.f32 v9, v57;
	v57 =	vld [tilespmem:$0x1FD40]  }
0x94e: {  	v12 =	vadd.f32 v53, v12;
	v53 =	vld [tilespmem:$0x67E0]  }
0x94f: {  	v0 =	vadd.f32 v45, v0;
	v45 =	vld [tilespmem:$0x64F0]  }
0x950: {  	v1 =	vadd.f32 v1, v9;
	v9 =	vld [tilespmem:$0x67D0]  }
0x951: {  	v0 =	vadd.f32 v16, v0;
	v16 =	vld [tilespmem:$0x64C0]  }
0x952: {  	v12 =	vadd.f32 v42, v12;
	v42 =	vld [tilespmem:$0x6830]  }
0x953: {  	v1 =	vadd.f32 v23, v1;
	v23 =	vld [tilespmem:$0x6510]  }
0x954: {  	v12 =	vadd.f32 v57, v12;
	v0 =	vadd.f32 v14, v0;
	v14 =	vld [tilespmem:$0x64D0]  }
0x955: {  	v57 =	vld [tilespmem:$0x1FD60]  }
0x956: {  	v1 =	vadd.f32 v28, v1;
	v12 =	vadd.f32 v58, v12;
	v58 =	vld [tilespmem:$0x67F0]  }
0x957: {  	v0 =	vadd.f32 v9, v0;
	v9 =	vld [tilespmem:$0x64E0]  }
0x958: {  	v28 =	vld [tilespmem:$0x1FDA0];
	v1 =	vadd.f32 v16, v1  }
0x959: {  	v0 =	vadd.f32 v53, v0;
	v53 =	vld [tilespmem:$0x1FD80]  }
0x95a: {  	v12 =	vadd.f32 v57, v12;
	v1 =	vadd.f32 v14, v1;
	v57 =	vld [tilespmem:$0x6500]  }
0x95b: {  	v0 =	vadd.f32 v58, v0;
	v58 =	vld [tilespmem:$0x1FD90]  }
0x95c: {  	v12 =	vadd.f32 v59, v12;
	v1 =	vadd.f32 v9, v1;
	v59 =	vld [tilespmem:$0x6820]  }
0x95d: {  	v0 =	vadd.f32 v44, v0;
	v44 =	vld [tilespmem:$0x6520]  }
0x95e: {  	v1 =	vadd.f32 v45, v1;
	v45 =	vld [tilespmem:$0x1FDB0]  }
0x95f: {  	v12 =	vadd.f32 v53, v12;
	v53 =	vld [tilespmem:$0x6840]  }
0x960: {  	v0 =	vadd.f32 v54, v0;
	v54 =	vld [tilespmem:$0x6530]  }
0x961: {  	v1 =	vadd.f32 v57, v1;
	v57 =	vld [tilespmem:$0x1FDC0]  }
0x962: {  	v12 =	vadd.f32 v58, v12;
	v58 =	vld [tilespmem:$0x6850]  }
0x963: {  	v0 =	vadd.f32 v59, v0;
	v59 =	vld [tilespmem:$0x6540]  }
0x964: {  	v1 =	vadd.f32 v23, v1;
	v23 =	vld [tilespmem:$0x1FDD0]  }
0x965: {  	v12 =	vadd.f32 v28, v12;
	v28 =	vld [tilespmem:$0x6860]  }
0x966: {  	v0 =	vadd.f32 v42, v0;
	v42 =	vld [tilespmem:$0x6560]  }
0x967: {  	v1 =	vadd.f32 v44, v1;
	v44 =	vld [tilespmem:$0x1FDF0]  }
0x968: {  	v12 =	vadd.f32 v45, v12;
	v45 =	vld [tilespmem:$0x6880]  }
0x969: {  	v0 =	vadd.f32 v53, v0;
	v53 =	vld [tilespmem:$0x1FE00]  }
0x96a: {  	v1 =	vadd.f32 v54, v1;
	v54 =	vld [tilespmem:$0x6890]  }
0x96b: {  	v12 =	vadd.f32 v57, v12;
	v57 =	vld [tilespmem:$0x1FE10]  }
0x96c: {  	v0 =	vadd.f32 v58, v0;
	v58 =	vld [tilespmem:$0x68A0]  }
0x96d: {  	v1 =	vadd.f32 v59, v1;
	v59 =	vld [tilespmem:$0x6590]  }
0x96e: {  	v12 =	vadd.f32 v23, v12;
	v23 =	vld [tilespmem:$0x1FE20]  }
0x96f: {  	v0 =	vadd.f32 v28, v0;
	v28 =	vld [tilespmem:$0x68B0]  }
0x970: {  	v1 =	vadd.f32 v35, v1;
	v35 =	vld [tilespmem:$0x65B0]  }
0x971: {  	v12 =	vadd.f32 v37, v12;
	v37 =	vld [tilespmem:$0x1FE30]  }
0x972: {  	v0 =	vadd.f32 v38, v0;
	v38 =	vld [tilespmem:$0x68D0]  }
0x973: {  	v1 =	vadd.f32 v42, v1;
	v42 =	vld [tilespmem:$0x65C0]  }
0x974: {  	v12 =	vadd.f32 v44, v12;
	v44 =	vld [tilespmem:$0x1FE40]  }
0x975: {  	v0 =	vadd.f32 v45, v0;
	v45 =	vld [tilespmem:$0x68E0]  }
0x976: {  	v1 =	vadd.f32 v52, v1;
	v52 =	vld [tilespmem:$0x65D0]  }
0x977: {  	v12 =	vadd.f32 v53, v12;
	v53 =	vld [tilespmem:$0x1FE50]  }
0x978: {  	v0 =	vadd.f32 v54, v0;
	v54 =	vld [tilespmem:$0x68F0]  }
0x979: {  	v1 =	vadd.f32 v56, v1;
	v56 =	vld [tilespmem:$0x1FE60];
	v12 =	vadd.f32 v57, v12  }
0x97a: {  	v57 =	vld [tilespmem:$0x6900];
	v0 =	vadd.f32 v58, v0  }
0x97b: {  	v1 =	vadd.f32 v59, v1;
	v58 =	vld [tilespmem:$0x65F0];
	v12 =	vadd.f32 v23, v12  }
0x97c: {  	v59 =	vld [tilespmem:$0x1FE70];
	v0 =	vadd.f32 v28, v0  }
0x97d: {  	v23 =	vld [tilespmem:$0x6610];
	v1 =	vadd.f32 v31, v1;
	v12 =	vadd.f32 v27, v12  }
0x97e: {  	v28 =	vld [tilespmem:$0x6930];
	v0 =	vadd.f32 v34, v0  }
0x97f: {  	v31 =	vld [tilespmem:$0x6620];
	v1 =	vadd.f32 v35, v1;
	v12 =	vadd.f32 v37, v12  }
0x980: {  	v27 =	vld [tilespmem:$0x1FE90];
	v0 =	vadd.f32 v38, v0  }
0x981: {  	v34 =	vld [tilespmem:$0x1FEA0];
	v1 =	vadd.f32 v42, v1;
	v12 =	vadd.f32 v44, v12  }
0x982: {  	v35 =	vld [tilespmem:$0x6940];
	v0 =	vadd.f32 v45, v0  }
0x983: {  	v37 =	vld [tilespmem:$0x6630];
	v1 =	vadd.f32 v52, v1;
	v12 =	vadd.f32 v53, v12  }
0x984: {  	v38 =	vld [tilespmem:$0x1FEB0];
	v0 =	vadd.f32 v54, v0  }
0x985: {  	v42 =	vld [tilespmem:$0x6950];
	v1 =	vadd.f32 v55, v1;
	v12 =	vadd.f32 v56, v12  }
0x986: {  	v44 =	vld [tilespmem:$0x6640];
	v0 =	vadd.f32 v57, v0  }
0x987: {  	v45 =	vld [tilespmem:$0x6960];
	v1 =	vadd.f32 v58, v1;
	v12 =	vadd.f32 v59, v12  }
0x988: {  	v52 =	vld [tilespmem:$0x6980];
	v0 =	vadd.f32 v60, v0  }
0x989: {  	v53 =	vld [tilespmem:$0x6670];
	v1 =	vadd.f32 v61, v1;
	v12 =	vadd.f32 v62, v12  }
0x98a: {  	v54 =	vld [tilespmem:$0x1FEE0];
	v0 =	vadd.f32 v63, v0  }
0x98b: {  	v55 =	vld [tilespmem:$0x6990];
	v1 =	vadd.f32 v23, v1;
	v12 =	vadd.f32 v27, v12  }
0x98c: {  	v56 =	vld [tilespmem:$0x6680];
	v0 =	vadd.f32 v28, v0  }
0x98d: {  	v57 =	vld [tilespmem:$0x1FEF0];
	v1 =	vadd.f32 v31, v1;
	v12 =	vadd.f32 v34, v12  }
0x98e: {  	v58 =	vld [tilespmem:$0x69A0];
	v0 =	vadd.f32 v35, v0  }
0x98f: {  	v59 =	vld [tilespmem:$0x6690];
	v1 =	vadd.f32 v37, v1;
	v12 =	vadd.f32 v38, v12  }
0x990: {  	v60 =	vld [tilespmem:$0x1FF00];
	v0 =	vadd.f32 v42, v0  }
0x991: {  	v61 =	vld [tilespmem:$0x69B0];
	v1 =	vadd.f32 v44, v1;
	v12 =	vadd.f32 v36, v12  }
0x992: {  	v62 =	vld [tilespmem:$0x66A0];
	v0 =	vadd.f32 v45, v0  }
0x993: {  	v63 =	vld [tilespmem:$0x1FF10];
	v1 =	vadd.f32 v46, v1;
	v12 =	vadd.f32 v48, v12  }
0x994: {  	v23 =	vld [tilespmem:$0x69C0];
	v0 =	vadd.f32 v49, v0  }
0x995: {  	v27 =	vld [tilespmem:$0x66B0];
	v1 =	vadd.f32 v50, v1;
	v12 =	vadd.f32 v51, v12  }
0x996: {  	v28 =	vld [tilespmem:$0x1FF20];
	v0 =	vadd.f32 v52, v0  }
0x997: {  	v31 =	vld [tilespmem:$0x1FF30];
	v1 =	vadd.f32 v53, v1;
	v12 =	vadd.f32 v54, v12  }
0x998: {  	v34 =	vld [tilespmem:$0x66D0];
	v0 =	vadd.f32 v55, v0  }
0x999: {  	v35 =	vld [tilespmem:$0x1FF40];
	v1 =	vadd.f32 v56, v1;
	v12 =	vadd.f32 v57, v12  }
0x99a: {  	v37 =	vld [tilespmem:$0x66E0];
	v0 =	vadd.f32 v58, v0  }
0x99b: {  	v38 =	vld [tilespmem:$0x1FF50];
	v1 =	vadd.f32 v59, v1;
	v12 =	vadd.f32 v60, v12  }
0x99c: {  	v42 =	vld [tilespmem:$0x6A10];
	v0 =	vadd.f32 v61, v0  }
0x99d: {  	v44 =	vld [tilespmem:$0x1FF70];
	v1 =	vadd.f32 v62, v1;
	v12 =	vadd.f32 v63, v12  }
0x99e: {  	v36 =	vld [tilespmem:$0x69F0];
	v0 =	vadd.f32 v23, v0  }
0x99f: {  	v45 =	vld [tilespmem:$0x6A20];
	v1 =	vadd.f32 v27, v1;
	v12 =	vadd.f32 v28, v12  }
0x9a0: {  	v46 =	vld [tilespmem:$0x6710];
	v0 =	vadd.f32 v29, v0  }
0x9a1: {  	v48 =	vld [tilespmem:$0x6A30];
	v1 =	vadd.f32 v30, v1;
	v12 =	vadd.f32 v31, v12  }
0x9a2: {  	v49 =	vld [tilespmem:$0x6720];
	v0 =	vadd.f32 v33, v0  }
0x9a3: {  	v50 =	vld [tilespmem:$0x1FF90];
	v1 =	vadd.f32 v34, v1;
	v12 =	vadd.f32 v35, v12  }
0x9a4: {  	v2 =	vadd.f32 v5, v2;
	v51 =	vld [tilespmem:$0x6A40];
	v0 =	vadd.f32 v36, v0  }
0x9a5: {  	v52 =	vld [tilespmem:$0x6730];
	v1 =	vadd.f32 v37, v1;
	v12 =	vadd.f32 v38, v12  }
0x9a6: {  	v2 =	vadd.f32 v6, v2;
	v53 =	vld [tilespmem:$0x1FFA0];
	v0 =	vadd.f32 v39, v0  }
0x9a7: {  	v54 =	vld [tilespmem:$0x6A50];
	v1 =	vadd.f32 v40, v1;
	v12 =	vadd.f32 v41, v12  }
0x9a8: {  	v2 =	vadd.f32 v3, v2;
	v55 =	vld [tilespmem:$0x6740];
	v0 =	vadd.f32 v42, v0  }
0x9a9: {  	v56 =	vld [tilespmem:$0x1FFB0];
	v1 =	vadd.f32 v43, v1;
	v12 =	vadd.f32 v44, v12  }
0x9aa: {  	v2 =	vadd.f32 v22, v2;
	v57 =	vld [tilespmem:$0x1FFC0];
	v0 =	vadd.f32 v45, v0  }
0x9ab: {  	v58 =	vld [tilespmem:$0x6A60];
	v1 =	vadd.f32 v46, v1;
	v9 =	vadd.f32 v47, v12  }
0x9ac: {  	v2 =	vadd.f32 v11, v2;
	v59 =	vld [tilespmem:$0x1FFD0];
	v0 =	vadd.f32 v48, v0  }
0x9ad: {  	v60 =	vld [tilespmem:$0x6750];
	v1 =	vadd.f32 v49, v1;
	v9 =	vadd.f32 v50, v9  }
0x9ae: {  	[tilespmem:$0x6C00] =	vst v13;
	v2 =	vadd.f32 v4, v2;
	v61 =	vld [tilespmem:$0x1FFE0];
	v0 =	vadd.f32 v51, v0  }
0x9af: {  	[tilespmem:$0x6C10] =	vst v8;
	v62 =	vld [tilespmem:$0x6A70];
	v1 =	vadd.f32 v52, v1;
	v7 =	vadd.f32 v53, v9  }
0x9b0: {  	[tilespmem:$0x6C20] =	vst v10;
	v2 =	vadd.f32 v24, v2;
	v63 =	vld [tilespmem:$0x1FFF0];
	v0 =	vadd.f32 v54, v0  }
0x9b1: {  	[tilespmem:$0x6C30] =	vst v32;
	v1 =	vadd.f32 v55, v1;
	v7 =	vadd.f32 v57, v7  }
0x9b2: {  	[tilespmem:$0x6C50] =	vst v2;
	v0 =	vadd.f32 v58, v0  }
0x9b3: {  	[tilespmem:$0x6BE0] =	vst v56;
	v1 =	vadd.f32 v60, v1;
	v7 =	vadd.f32 v61, v7  }
0x9b4: {  	[tilespmem:$0x6BF0] =	vst v59;
	v0 =	vadd.f32 v62, v0  }
0x9b5: {  	[tilespmem:$0x6C60] =	vst v1;
	v4 =	vadd.f32 v63, v7  }
0x9b6: {  	p0 =	sne.s32 s4, $0x1;
	[tilespmem:$0x6C70] =	vst v0  }
.Ltmp0:
0x9b7: {  	s9 =	rddreg [dreg:$0x4];
	[tilespmem:$0x6C40] =	vst v4;
	(pc) =	sbr.rel @p0 .LBB2_1-.Ltmp0, $4  }
0x9b8: {  	[hbm4b:s9+s2] =	stream.linear.scatter [tilespmem:s1], [sflag:$0x2], $0x200, $0x38;
	[tilespmem:$0x6C80] =	vst v63  }
0x9b9: {  	_ =	swait.ge [sflag:s5], $0x200  }
0x9ba: {  	[sflag:s5] =	ssyncset.done $0x0  }
0x9bb: {  	s4 =	sadd.s32 $0xFFFFFFFF, s4;
	[sflag:s5] =	ssyncadd.s32 $0xFFFFFE00  }
0x9bc: {  	_ =	sfence.sel $0x180000  }
0x9bd: {  	[bflag:$0x0] =	sbarrier.arrive $0xFFFF  }
0x9be: {  	_ =	strace $0x90000047  }
0x9bf: {  	s0 =	stileid.u32;
	[bflag:$0x2] =	sbarrier.arrive $0xFFFF  }
0x9c0: {  	p0 =	sne.s32 s0, $0x0;
	s0 =	rddreg [dreg:$0x2]  }
0x9c1: {  	s0 =	sadd.s32 @!p0 $0x100000, s0  }
0x9c2: {  	[sflag:s0] =	ssyncadd.tile.s32 @!p0 $0x1;
	_ =	shalt  }
.Lfunc_end2:
_tile_overlayer_lowered:
.L_overlay_start_2:
0x9c3: {  	(tag) =	ssettag $0x2  }
0x9c4: {  	s0 =	rddreg [dreg:$0x0];
	s2 =	stileid.u32  }
0x9c5: {  	s1 =	rddreg [dreg:$0x1];
	p0 =	sne.s32 s2, $0x0  }
0x9c6: {  	s3 =	rddreg [dreg:$0x2];
	[bflag:$0x3] =	sbarrier.arrive $0xFFFF;
	s2 =	simm.s32 @!p0 $0x1C02  }
0x9c7: {  	[timem:s3], [sflag:s2] =	dma.local @!p0 [hbm:s0], s1  }
0x9c8: {  	s0 =	simm.s32 @!p0 $0x2  }
0x9c9: {  	_ =	swait.ge @!p0 [sflag:s0], s1  }
0x9ca: {  	s1 =	ssub.s32 @!p0 $0x0, s1;
	[sflag:s0] =	ssyncset.done @!p0 $0x0  }
0x9cb: {  	[sflag:s0] =	ssyncadd.s32 @!p0 s1  }
0x9cc: {  	[bflag:$0x3] =	sbarrier.arrive $0xFFFF  }
0x9cd: {  	_ =	shalt  }

</sc_bundles>
